<compile_context>
chip_gen: v7x
topology: tpu7x:2x2x1
jax: 0.10.2.dev20260603
libtpu: 0.0.44.dev20260713+nightly
codegen_flags: <defaults>
</compile_context>

<pallas_src>
import functools

import jax
import jax.numpy as jnp
from jax import lax
from jax.experimental import pallas as pl
from jax.experimental.pallas import tpu as pltpu
from jax.experimental.pallas import tpu_sc as plsc

N = 10000
E = 320000
NC, NS = 2, 16
NW = NC * NS
CHUNK = 128
EPT = 10240
NCHUNKS = EPT // CHUNK
EPAD = NW * EPT
NPAD = 10240
RPT = NPAD // NS

_MESH = plsc.VectorSubcoreMesh(core_axis_name="c", subcore_axis_name="s")


def _make_edge_scatter(D, staged=False, tc_tiling=True, nbuf=2):
    scratch = [
        pltpu.VMEM((NCHUNKS, CHUNK), jnp.int32),
        [pltpu.VMEM((1, CHUNK), jnp.int32) for _ in range(nbuf)],
        [pltpu.VMEM((CHUNK,), jnp.int32) for _ in range(nbuf)],
        [pltpu.VMEM((CHUNK, D), jnp.float32) for _ in range(nbuf)],
        pltpu.VMEM_SHARED((NPAD, D), jnp.float32),
        pltpu.SemaphoreType.DMA((nbuf,)),
        pltpu.SemaphoreType.DMA((nbuf,)),
    ]
    if staged:
        scratch.append(pltpu.VMEM_SHARED((NPAD, D), jnp.float32))

    @functools.partial(
        pl.kernel,
        out_type=jax.ShapeDtypeStruct((NC, NPAD, D), jnp.float32),
        mesh=_MESH,
        scratch_types=scratch,
        compiler_params=pltpu.CompilerParams(use_tc_tiling_on_sc=tc_tiling),
    )
    def k(y_hbm, pk_hbm, zeros_hbm, out_hbm,
          pk, didx, sidx, rows, acc, sem_g, sem_s, *maybe_table):
        c = lax.axis_index("c")
        s = lax.axis_index("s")
        wid = c * NS + s
        pltpu.sync_copy(zeros_hbm.at[pl.ds(s * RPT, RPT)],
                        acc.at[pl.ds(s * RPT, RPT)])
        if staged:
            table = maybe_table[0]
            pltpu.sync_copy(y_hbm.at[pl.ds(s * RPT, RPT)],
                            table.at[pl.ds(s * RPT, RPT)])
        else:
            table = y_hbm
        pltpu.sync_copy(pk_hbm.at[wid], pk)
        plsc.subcore_barrier()

        def unpack(v, b):
            for c0 in range(0, CHUNK, 16):
                pw = pk[v, pl.ds(c0, 16)]
                sidx[b][pl.ds(c0, 16)] = jnp.bitwise_and(pw, 0xFFFF)
                didx[b][0, pl.ds(c0, 16)] = jnp.right_shift(pw, 16)

        def start_gather(b):
            pltpu.async_copy(table.at[sidx[b]], rows[b], sem_g.at[b])

        def wait_gather(b):
            pltpu.make_async_copy(table.at[sidx[b]], rows[b],
                                  sem_g.at[b]).wait()

        def start_scatter(b):
            pltpu.async_copy(rows[b], acc.at[didx[b].at[0]], sem_s.at[b],
                             add=True)

        def wait_scatter(b):
            pltpu.make_async_copy(rows[b], acc.at[didx[b].at[0]],
                                  sem_s.at[b]).wait()

        if nbuf == 2:
            unpack(0, 0)
            unpack(1, 1)
            start_gather(0)
            start_gather(1)

            @pl.loop(0, NCHUNKS, step=2)
            def _(kk):
                for b in range(2):
                    v = kk + b
                    wait_gather(b)
                    pltpu.sync_copy(rows[b], acc.at[didx[b].at[0]],
                                    add=True)

                    @pl.when(v + 2 < NCHUNKS)
                    def _():
                        unpack(v + 2, b)
                        start_gather(b)
        else:
            @pl.loop(0, NCHUNKS, step=4)
            def _(kk):
                for j in range(4):
                    v = kk + j
                    bs = (j + 2) % 4
                    if j < 2:
                        @pl.when(kk >= 4)
                        def _():
                            wait_gather(bs)
                            start_scatter(bs)
                    else:
                        wait_gather(bs)
                        start_scatter(bs)

                    @pl.when(kk >= 4)
                    def _():
                        wait_scatter(j)

                    unpack(v, j)
                    start_gather(j)

            wait_gather(2)
            start_scatter(2)
            wait_gather(3)
            start_scatter(3)
            for b in range(4):
                wait_scatter(b)

        plsc.subcore_barrier()
        pltpu.sync_copy(acc.at[pl.ds(s * RPT, RPT)],
                        out_hbm.at[c, pl.ds(s * RPT, RPT)])

    return k


@functools.partial(
    pl.kernel,
    out_type=jax.ShapeDtypeStruct((NC, NPAD, 16), jnp.float32),
    mesh=_MESH,
    scratch_types=[
        pltpu.VMEM((NCHUNKS, CHUNK), jnp.int32),
        [pltpu.VMEM((1, CHUNK), jnp.int32) for _ in range(8)],
        pltpu.VMEM((CHUNK, 16), jnp.float32),
        pltpu.VMEM_SHARED((NPAD, 16), jnp.float32),
        pltpu.SemaphoreType.DMA((1,)),
    ],
    compiler_params=pltpu.CompilerParams(use_tc_tiling_on_sc=False),
)
def _degree_kernel(pk_hbm, ones_hbm, zeros_hbm, out_hbm, pk, didx, ones_v,
                   acc, sem):
    c = lax.axis_index("c")
    s = lax.axis_index("s")
    wid = c * NS + s
    pltpu.sync_copy(zeros_hbm.at[pl.ds(s * RPT, RPT)],
                    acc.at[pl.ds(s * RPT, RPT)])
    pltpu.sync_copy(ones_hbm, ones_v)
    pltpu.sync_copy(pk_hbm.at[wid], pk)
    plsc.subcore_barrier()

    @pl.loop(0, NCHUNKS, step=8)
    def _(kk):
        for j in range(8):
            for c0 in range(0, CHUNK, 16):
                didx[j][0, pl.ds(c0, 16)] = jnp.right_shift(
                    pk[kk + j, pl.ds(c0, 16)], 16)
        for j in range(8):
            pltpu.async_copy(ones_v, acc.at[didx[j].at[0]], sem.at[0],
                             add=True)
        for j in range(8):
            pltpu.make_async_copy(ones_v, acc.at[didx[j].at[0]],
                                  sem.at[0]).wait()

    plsc.subcore_barrier()
    pltpu.sync_copy(acc.at[pl.ds(s * RPT, RPT)],
                    out_hbm.at[c, pl.ds(s * RPT, RPT)])


def _mm_body(x_ref, w_ref, o_ref):
    o_ref[...] = jnp.dot(x_ref[...], w_ref[...],
                         preferred_element_type=jnp.float32)


def _dinv_scale_body(degp_ref, xw_ref, dinv_ref, y_ref):
    d = degp_ref[...]
    deg = d[0, :, 0:1] + d[1, :, 0:1] + 1.0
    dinv = lax.rsqrt(deg)
    dinv_ref[...] = dinv
    y_ref[...] = xw_ref[...] * dinv


def _mid_body(s_ref, y1_ref, dinv_ref, b1_ref, w2_ref, y2_ref):
    sp = s_ref[...]
    dinv = dinv_ref[...]
    h = jnp.maximum((sp[0] + sp[1] + y1_ref[...]) * dinv + b1_ref[...], 0.0)
    y2_ref[...] = jnp.dot(h, w2_ref[...],
                          preferred_element_type=jnp.float32) * dinv


def _out_body(s_ref, y2_ref, dinv_ref, b2_ref, o_ref):
    sp = s_ref[...]
    o_ref[...] = (sp[0] + sp[1] + y2_ref[...]) * dinv_ref[...] + b2_ref[...]


_scatter128 = _make_edge_scatter(128, staged=False, tc_tiling=True)
_scatter64 = _make_edge_scatter(64, staged=True, tc_tiling=False, nbuf=4)


def kernel(x, edge_index, W1, b1, W2, b2):
    f32 = jnp.float32
    ei = edge_index.astype(jnp.int32)
    pk_e = jnp.bitwise_or(ei[0], jnp.left_shift(ei[1], 16))
    pad = N + jnp.broadcast_to(jnp.arange(NPAD - N, dtype=jnp.int32),
                               ((EPAD - E) // (NPAD - N), NPAD - N)).reshape(-1)
    pk_pad = jnp.bitwise_or(pad, jnp.left_shift(pad, 16))
    pk_p = jnp.concatenate([pk_e, pk_pad]).reshape(NW, NCHUNKS, CHUNK)

    x_pad = jnp.pad(x, ((0, NPAD - N), (0, 0)))
    zeros128 = jnp.zeros((NPAD, 128), f32)
    zeros64 = jnp.zeros((NPAD, 64), f32)
    zeros16 = jnp.zeros((NPAD, 16), f32)
    ones16 = jnp.ones((CHUNK, 16), f32)
    b1r = b1.reshape(1, -1)
    b2r = b2.reshape(1, -1)

    degp = _degree_kernel(pk_p, ones16, zeros16)
    xw1 = pl.pallas_call(
        _mm_body,
        out_shape=jax.ShapeDtypeStruct((NPAD, 128), f32),
    )(x_pad, W1)

    BLK = 1280
    NB = NPAD // BLK
    dinv, y1 = pl.pallas_call(
        _dinv_scale_body,
        grid=(NB,),
        in_specs=[pl.BlockSpec((NC, BLK, 16), lambda i: (0, i, 0)),
                  pl.BlockSpec((BLK, 128), lambda i: (i, 0))],
        out_specs=[pl.BlockSpec((BLK, 1), lambda i: (i, 0)),
                   pl.BlockSpec((BLK, 128), lambda i: (i, 0))],
        out_shape=[jax.ShapeDtypeStruct((NPAD, 1), f32),
                   jax.ShapeDtypeStruct((NPAD, 128), f32)],
    )(degp, xw1)

    s1 = _scatter128(y1, pk_p, zeros128)

    y2 = pl.pallas_call(
        _mid_body,
        grid=(NB,),
        in_specs=[pl.BlockSpec((NC, BLK, 128), lambda i: (0, i, 0)),
                  pl.BlockSpec((BLK, 128), lambda i: (i, 0)),
                  pl.BlockSpec((BLK, 1), lambda i: (i, 0)),
                  pl.BlockSpec((1, 128), lambda i: (0, 0)),
                  pl.BlockSpec((128, 64), lambda i: (0, 0))],
        out_specs=pl.BlockSpec((BLK, 64), lambda i: (i, 0)),
        out_shape=jax.ShapeDtypeStruct((NPAD, 64), f32),
    )(s1, y1, dinv, b1r, W2)

    s2 = _scatter64(y2, pk_p, zeros64)

    OBLK = 2000
    out = pl.pallas_call(
        _out_body,
        grid=(N // OBLK,),
        in_specs=[pl.BlockSpec((NC, OBLK, 64), lambda i: (0, i, 0)),
                  pl.BlockSpec((OBLK, 64), lambda i: (i, 0)),
                  pl.BlockSpec((OBLK, 1), lambda i: (i, 0)),
                  pl.BlockSpec((1, 64), lambda i: (0, 0))],
        out_specs=pl.BlockSpec((OBLK, 64), lambda i: (i, 0)),
        out_shape=jax.ShapeDtypeStruct((N, 64), f32),
    )(s2, y2, dinv, b2r)
    return out

# --- scband reference (transcript-rebuilt; emitter-appended) ---
"""Pipeline reference for scband-gcn-55284819034515 (READ-ONLY COPY).

The authoritative reference and input builder live on the scoring server;
editing this copy changes nothing except your own understanding.
"""

import jax, jax.numpy as jnp
import numpy as np

N_NODES = 10000
N_EDGES = 320000
D_IN = 128
D_HID = 128
D_OUT = 64


def _gcn_conv(x, edge_index, W, b, num_nodes):
    src = edge_index[0]
    dst = edge_index[1]
    loop = jnp.arange(num_nodes, dtype=edge_index.dtype)
    src = jnp.concatenate([src, loop])
    dst = jnp.concatenate([dst, loop])
    deg = jnp.zeros((num_nodes,), dtype=x.dtype).at[dst].add(1.0)
    dinv = jnp.where(deg > 0, jax.lax.rsqrt(deg), 0.0)
    norm = dinv[src] * dinv[dst]
    xw = x @ W
    msg = jnp.take(xw, src, axis=0) * norm[:, None]
    out = jax.ops.segment_sum(msg, dst, num_segments=num_nodes)
    return out + b


def setup_inputs(seed: int = 0) -> dict:
    key = jax.random.key(seed)
    k1, k2, k3, k4 = jax.random.split(key, 4)
    x = jax.random.normal(k1, (N_NODES, D_IN), dtype=jnp.float32)
    edge_index = jax.random.randint(k2, (2, N_EDGES), 0, N_NODES, dtype=jnp.int64 if jax.config.jax_enable_x64 else jnp.int32)
    s1 = 1.0 / np.sqrt(D_IN)
    s2 = 1.0 / np.sqrt(D_HID)
    W1 = jax.random.uniform(k3, (D_IN, D_HID), dtype=jnp.float32, minval=-s1, maxval=s1)
    b1 = jnp.zeros((D_HID,), dtype=jnp.float32)
    W2 = jax.random.uniform(k4, (D_HID, D_OUT), dtype=jnp.float32, minval=-s2, maxval=s2)
    b2 = jnp.zeros((D_OUT,), dtype=jnp.float32)
    return {"x": x, "edge_index": edge_index, "W1": W1, "b1": b1, "W2": W2, "b2": b2}


def reference(x, edge_index, W1, b1, W2, b2):
    # GCN.forward with training=False (dropout is identity in eval mode)
    h = _gcn_conv(x, edge_index, W1, b1, N_NODES)
    h = jax.nn.relu(h)
    out = _gcn_conv(h, edge_index, W2, b2, N_NODES)
    return out

if __name__ == "__main__":
    import jax
    _d = setup_inputs()
    print(jax.jit(kernel)(*tuple(_d.values())))

</pallas_src>

<mosaic_0001>
#map = affine_map<(d0, d1) -> (0, 0, 0)>
#map1 = affine_map<(d0, d1) -> (0, 0)>
module attributes {stable_mosaic.version = 14 : i64} {
  func.func @_degree_kernel(%arg0: i32, %arg1: i32, %arg2: memref<32x80x128xi32, #tpu.memory_space<hbm>>, %arg3: memref<128x16xf32, #tpu.memory_space<hbm>>, %arg4: memref<10240x16xf32, #tpu.memory_space<hbm>>, %arg5: memref<2x10240x16xf32, #tpu.memory_space<hbm>>, %arg6: memref<80x128xi32, #tpu.memory_space<vmem>>, %arg7: memref<1x128xi32, #tpu.memory_space<vmem>>, %arg8: memref<1x128xi32, #tpu.memory_space<vmem>>, %arg9: memref<1x128xi32, #tpu.memory_space<vmem>>, %arg10: memref<1x128xi32, #tpu.memory_space<vmem>>, %arg11: memref<1x128xi32, #tpu.memory_space<vmem>>, %arg12: memref<1x128xi32, #tpu.memory_space<vmem>>, %arg13: memref<1x128xi32, #tpu.memory_space<vmem>>, %arg14: memref<1x128xi32, #tpu.memory_space<vmem>>, %arg15: memref<128x16xf32, #tpu.memory_space<vmem>>, %arg16: memref<10240x16xf32, #tpu.memory_space<vmem_shared>>, %arg17: memref<1x!tpu.dma_semaphore, #tpu.memory_space<semaphore_mem>>) attributes {dimension_semantics = [#tpu.dimension_semantics<core_parallel>, #tpu.dimension_semantics<subcore_parallel>], iteration_bounds = array<i64: 2, 16>, scalar_prefetch = 0 : i64, scratch_operands = 12 : i64, tpu.core_type = #tpu.core_type<sc_vector_subcore>, window_params = [{transform_indices = #map}, {transform_indices = #map1}, {transform_indices = #map1}, {transform_indices = #map}]} {
    %mul3A = arith.constant 16 : i32
    %mul3A_0 = arith.muli %arg0, %mul3A : i32
    %add3A = arith.addi %mul3A_0, %arg1 : i32
    %mul3A_1 = arith.constant 640 : i32
    %mul3A_2 = arith.muli %arg1, %mul3A_1 : i32
    %mul3A_3 = arith.constant 640 : i32
    %mul3A_4 = arith.muli %arg1, %mul3A_3 : i32
    "tpu.region"() ({
      %run_scoped3A = tpu.sem_alloc : memref<!tpu.dma_semaphore, #tpu.memory_space<semaphore_mem>>
      %dma_start3A = arith.constant 0 : i32
      %dma_start3A_14 = tpu.memref_slice %arg16[%mul3A_4, %dma_start3A] : memref<10240x16xf32, #tpu.memory_space<vmem_shared>> -> memref<640x16xf32, #tpu.memory_space<vmem_shared>>
      %dma_start3A_15 = arith.constant 0 : i32
      %dma_start3A_16 = tpu.memref_slice %arg4[%mul3A_2, %dma_start3A_15] : memref<10240x16xf32, #tpu.memory_space<hbm>> -> memref<640x16xf32, #tpu.memory_space<hbm>>
      tpu.enqueue_dma source(%dma_start3A_16 : memref<640x16xf32, #tpu.memory_space<hbm>>) target(%dma_start3A_14 : memref<640x16xf32, #tpu.memory_space<vmem_shared>>) target_semaphore(%run_scoped3A : memref<!tpu.dma_semaphore, #tpu.memory_space<semaphore_mem>>)
      %dma_wait3A = arith.constant 0 : i32
      %dma_wait3A_17 = tpu.memref_slice %arg16[%mul3A_4, %dma_wait3A] : memref<10240x16xf32, #tpu.memory_space<vmem_shared>> -> memref<640x16xf32, #tpu.memory_space<vmem_shared>>
      %dma_wait3A_18 = arith.constant 0 : i32
      %dma_wait3A_19 = tpu.memref_slice %arg4[%mul3A_2, %dma_wait3A_18] : memref<10240x16xf32, #tpu.memory_space<hbm>> -> memref<640x16xf32, #tpu.memory_space<hbm>>
      tpu.wait_dma2 semaphore(%run_scoped3A : memref<!tpu.dma_semaphore, #tpu.memory_space<semaphore_mem>>) src(%dma_wait3A_19 : memref<640x16xf32, #tpu.memory_space<hbm>>) dst(%dma_wait3A_17 : memref<640x16xf32, #tpu.memory_space<vmem_shared>>)
      tpu.yield
    }) : () -> ()
    "tpu.region"() ({
      %run_scoped3A = tpu.sem_alloc : memref<!tpu.dma_semaphore, #tpu.memory_space<semaphore_mem>>
      tpu.enqueue_dma source(%arg3 : memref<128x16xf32, #tpu.memory_space<hbm>>) target(%arg15 : memref<128x16xf32, #tpu.memory_space<vmem>>) target_semaphore(%run_scoped3A : memref<!tpu.dma_semaphore, #tpu.memory_space<semaphore_mem>>)
      tpu.wait_dma2 semaphore(%run_scoped3A : memref<!tpu.dma_semaphore, #tpu.memory_space<semaphore_mem>>) src(%arg3 : memref<128x16xf32, #tpu.memory_space<hbm>>) dst(%arg15 : memref<128x16xf32, #tpu.memory_space<vmem>>)
      tpu.yield
    }) : () -> ()
    "tpu.region"() ({
      %run_scoped3A = tpu.sem_alloc : memref<!tpu.dma_semaphore, #tpu.memory_space<semaphore_mem>>
      %dma_start3A = arith.constant 0 : i32
      %dma_start3A_14 = arith.constant 0 : i32
      %dma_start3A_15 = tpu.memref_slice %arg2[%add3A, %dma_start3A, %dma_start3A_14] : memref<32x80x128xi32, #tpu.memory_space<hbm>> -> memref<1x80x128xi32, #tpu.memory_space<hbm>>
      %dma_start3A_16 = tpu.memref_squeeze %dma_start3A_15 : memref<1x80x128xi32, #tpu.memory_space<hbm>> -> memref<80x128xi32, #tpu.memory_space<hbm>>
      %dma_start3A_17 = arith.constant 0 : i32
      %dma_start3A_18 = arith.constant 0 : i32
      %dma_start3A_19 = tpu.memref_slice %arg2[%add3A, %dma_start3A_17, %dma_start3A_18] : memref<32x80x128xi32, #tpu.memory_space<hbm>> -> memref<1x80x128xi32, #tpu.memory_space<hbm>>
      %dma_start3A_20 = tpu.memref_squeeze %dma_start3A_19 : memref<1x80x128xi32, #tpu.memory_space<hbm>> -> memref<80x128xi32, #tpu.memory_space<hbm>>
      tpu.enqueue_dma source(%dma_start3A_20 : memref<80x128xi32, #tpu.memory_space<hbm>>) target(%arg6 : memref<80x128xi32, #tpu.memory_space<vmem>>) target_semaphore(%run_scoped3A : memref<!tpu.dma_semaphore, #tpu.memory_space<semaphore_mem>>)
      %dma_wait3A = arith.constant 0 : i32
      %dma_wait3A_21 = arith.constant 0 : i32
      %dma_wait3A_22 = tpu.memref_slice %arg2[%add3A, %dma_wait3A, %dma_wait3A_21] : memref<32x80x128xi32, #tpu.memory_space<hbm>> -> memref<1x80x128xi32, #tpu.memory_space<hbm>>
      %dma_wait3A_23 = tpu.memref_squeeze %dma_wait3A_22 : memref<1x80x128xi32, #tpu.memory_space<hbm>> -> memref<80x128xi32, #tpu.memory_space<hbm>>
      %dma_wait3A_24 = arith.constant 0 : i32
      %dma_wait3A_25 = arith.constant 0 : i32
      %dma_wait3A_26 = tpu.memref_slice %arg2[%add3A, %dma_wait3A_24, %dma_wait3A_25] : memref<32x80x128xi32, #tpu.memory_space<hbm>> -> memref<1x80x128xi32, #tpu.memory_space<hbm>>
      %dma_wait3A_27 = tpu.memref_squeeze %dma_wait3A_26 : memref<1x80x128xi32, #tpu.memory_space<hbm>> -> memref<80x128xi32, #tpu.memory_space<hbm>>
      tpu.wait_dma2 semaphore(%run_scoped3A : memref<!tpu.dma_semaphore, #tpu.memory_space<semaphore_mem>>) src(%dma_wait3A_27 : memref<80x128xi32, #tpu.memory_space<hbm>>) dst(%arg6 : memref<80x128xi32, #tpu.memory_space<vmem>>)
      tpu.yield
    }) : () -> ()
    %barrier3A = arith.constant 0 : index
    tpu.barrier barrier_id(%barrier3A)
    %scan3A = arith.constant 0 : i32
    %scan3A_5 = arith.constant 10 : i32
    %scan3A_6 = arith.addi %scan3A, %scan3A_5 : i32
    %scan3A_7 = arith.constant 1 : i32
    scf.for %scan3A_14 = %scan3A to %scan3A_6 step %scan3A_7  : i32 {
      %mul3A_15 = arith.constant 8 : i32
      %mul3A_16 = arith.muli %scan3A_14, %mul3A_15 : i32
      %add3A_17 = arith.constant 0 : i32
      %add3A_18 = arith.addi %add3A_17, %mul3A_16 : i32
      %add3A_19 = arith.constant 0 : i32
      %add3A_20 = arith.addi %add3A_18, %add3A_19 : i32
      %get3A = arith.index_cast %add3A_20 : i32 to index
      %get3A_21 = arith.constant 0 : index
      %get3A_22 = tpu.vector_load %arg6[%get3A, %get3A_21] {strides = array<i32>} : memref<80x128xi32, #tpu.memory_space<vmem>>, vector<1x16xi32>,
      %get3A_23 = vector.shape_cast %get3A_22 : vector<1x16xi32> to vector<16xi32>
      %shift_right_arithmetic3A = arith.constant 16 : i32
      %shift_right_arithmetic3A_24 = vector.broadcast %shift_right_arithmetic3A : i32 to vector<16xi32>
      %shift_right_arithmetic3A_25 = arith.shrsi %get3A_23, %shift_right_arithmetic3A_24 : vector<16xi32>
      %swap3A = arith.constant 0 : i32
      %swap3A_26 = arith.index_cast %swap3A : i32 to index
      %swap3A_27 = arith.constant 0 : index
      %swap3A_28 = tpu.vector_load %arg7[%swap3A_26, %swap3A_27] {strides = array<i32>} : memref<1x128xi32, #tpu.memory_space<vmem>>, vector<1x16xi32>,
      %swap3A_29 = vector.shape_cast %swap3A_28 : vector<1x16xi32> to vector<16xi32>
      %swap3A_30 = vector.shape_cast %shift_right_arithmetic3A_25 : vector<16xi32> to vector<1x16xi32>
      tpu.vector_store %arg7[%swap3A_26, %swap3A_27], %swap3A_30 {strides = array<i32>} : memref<1x128xi32, #tpu.memory_space<vmem>>, vector<1x16xi32>,
      %add3A_31 = arith.constant 0 : i32
      %add3A_32 = arith.addi %add3A_18, %add3A_31 : i32
      %get3A_33 = arith.index_cast %add3A_32 : i32 to index
      %get3A_34 = arith.constant 16 : index
      %get3A_35 = tpu.vector_load %arg6[%get3A_33, %get3A_34] {strides = array<i32>} : memref<80x128xi32, #tpu.memory_space<vmem>>, vector<1x16xi32>,
      %get3A_36 = vector.shape_cast %get3A_35 : vector<1x16xi32> to vector<16xi32>
      %shift_right_arithmetic3A_37 = arith.constant 16 : i32
      %shift_right_arithmetic3A_38 = vector.broadcast %shift_right_arithmetic3A_37 : i32 to vector<16xi32>
      %shift_right_arithmetic3A_39 = arith.shrsi %get3A_36, %shift_right_arithmetic3A_38 : vector<16xi32>
      %swap3A_40 = arith.constant 0 : i32
      %swap3A_41 = arith.index_cast %swap3A_40 : i32 to index
      %swap3A_42 = arith.constant 16 : index
      %swap3A_43 = tpu.vector_load %arg7[%swap3A_41, %swap3A_42] {strides = array<i32>} : memref<1x128xi32, #tpu.memory_space<vmem>>, vector<1x16xi32>,
      %swap3A_44 = vector.shape_cast %swap3A_43 : vector<1x16xi32> to vector<16xi32>
      %swap3A_45 = vector.shape_cast %shift_right_arithmetic3A_39 : vector<16xi32> to vector<1x16xi32>
      tpu.vector_store %arg7[%swap3A_41, %swap3A_42], %swap3A_45 {strides = array<i32>} : memref<1x128xi32, #tpu.memory_space<vmem>>, vector<1x16xi32>,
      %add3A_46 = arith.constant 0 : i32
      %add3A_47 = arith.addi %add3A_18, %add3A_46 : i32
      %get3A_48 = arith.index_cast %add3A_47 : i32 to index
      %get3A_49 = arith.constant 32 : index
      %get3A_50 = tpu.vector_load %arg6[%get3A_48, %get3A_49] {strides = array<i32>} : memref<80x128xi32, #tpu.memory_space<vmem>>, vector<1x16xi32>,
      %get3A_51 = vector.shape_cast %get3A_50 : vector<1x16xi32> to vector<16xi32>
      %shift_right_arithmetic3A_52 = arith.constant 16 : i32
      %shift_right_arithmetic3A_53 = vector.broadcast %shift_right_arithmetic3A_52 : i32 to vector<16xi32>
      %shift_right_arithmetic3A_54 = arith.shrsi %get3A_51, %shift_right_arithmetic3A_53 : vector<16xi32>
      %swap3A_55 = arith.constant 0 : i32
      %swap3A_56 = arith.index_cast %swap3A_55 : i32 to index
      %swap3A_57 = arith.constant 32 : index
      %swap3A_58 = tpu.vector_load %arg7[%swap3A_56, %swap3A_57] {strides = array<i32>} : memref<1x128xi32, #tpu.memory_space<vmem>>, vector<1x16xi32>,
      %swap3A_59 = vector.shape_cast %swap3A_58 : vector<1x16xi32> to vector<16xi32>
      %swap3A_60 = vector.shape_cast %shift_right_arithmetic3A_54 : vector<16xi32> to vector<1x16xi32>
      tpu.vector_store %arg7[%swap3A_56, %swap3A_57], %swap3A_60 {strides = array<i32>} : memref<1x128xi32, #tpu.memory_space<vmem>>, vector<1x16xi32>,
      %add3A_61 = arith.constant 0 : i32
      %add3A_62 = arith.addi %add3A_18, %add3A_61 : i32
      %get3A_63 = arith.index_cast %add3A_62 : i32 to index
      %get3A_64 = arith.constant 48 : index
      %get3A_65 = tpu.vector_load %arg6[%get3A_63, %get3A_64] {strides = array<i32>} : memref<80x128xi32, #tpu.memory_space<vmem>>, vector<1x16xi32>,
      %get3A_66 = vector.shape_cast %get3A_65 : vector<1x16xi32> to vector<16xi32>
      %shift_right_arithmetic3A_67 = arith.constant 16 : i32
      %shift_right_arithmetic3A_68 = vector.broadcast %shift_right_arithmetic3A_67 : i32 to vector<16xi32>
      %shift_right_arithmetic3A_69 = arith.shrsi %get3A_66, %shift_right_arithmetic3A_68 : vector<16xi32>
      %swap3A_70 = arith.constant 0 : i32
      %swap3A_71 = arith.index_cast %swap3A_70 : i32 to index
      %swap3A_72 = arith.constant 48 : index
      %swap3A_73 = tpu.vector_load %arg7[%swap3A_71, %swap3A_72] {strides = array<i32>} : memref<1x128xi32, #tpu.memory_space<vmem>>, vector<1x16xi32>,
      %swap3A_74 = vector.shape_cast %swap3A_73 : vector<1x16xi32> to vector<16xi32>
      %swap3A_75 = vector.shape_cast %shift_right_arithmetic3A_69 : vector<16xi32> to vector<1x16xi32>
      tpu.vector_store %arg7[%swap3A_71, %swap3A_72], %swap3A_75 {strides = array<i32>} : memref<1x128xi32, #tpu.memory_space<vmem>>, vector<1x16xi32>,
      %add3A_76 = arith.constant 0 : i32
      %add3A_77 = arith.addi %add3A_18, %add3A_76 : i32
      %get3A_78 = arith.index_cast %add3A_77 : i32 to index
      %get3A_79 = arith.constant 64 : index
      %get3A_80 = tpu.vector_load %arg6[%get3A_78, %get3A_79] {strides = array<i32>} : memref<80x128xi32, #tpu.memory_space<vmem>>, vector<1x16xi32>,
      %get3A_81 = vector.shape_cast %get3A_80 : vector<1x16xi32> to vector<16xi32>
      %shift_right_arithmetic3A_82 = arith.constant 16 : i32
      %shift_right_arithmetic3A_83 = vector.broadcast %shift_right_arithmetic3A_82 : i32 to vector<16xi32>
      %shift_right_arithmetic3A_84 = arith.shrsi %get3A_81, %shift_right_arithmetic3A_83 : vector<16xi32>
      %swap3A_85 = arith.constant 0 : i32
      %swap3A_86 = arith.index_cast %swap3A_85 : i32 to index
      %swap3A_87 = arith.constant 64 : index
      %swap3A_88 = tpu.vector_load %arg7[%swap3A_86, %swap3A_87] {strides = array<i32>} : memref<1x128xi32, #tpu.memory_space<vmem>>, vector<1x16xi32>,
      %swap3A_89 = vector.shape_cast %swap3A_88 : vector<1x16xi32> to vector<16xi32>
      %swap3A_90 = vector.shape_cast %shift_right_arithmetic3A_84 : vector<16xi32> to vector<1x16xi32>
      tpu.vector_store %arg7[%swap3A_86, %swap3A_87], %swap3A_90 {strides = array<i32>} : memref<1x128xi32, #tpu.memory_space<vmem>>, vector<1x16xi32>,
      %add3A_91 = arith.constant 0 : i32
      %add3A_92 = arith.addi %add3A_18, %add3A_91 : i32
      %get3A_93 = arith.index_cast %add3A_92 : i32 to index
      %get3A_94 = arith.constant 80 : index
      %get3A_95 = tpu.vector_load %arg6[%get3A_93, %get3A_94] {strides = array<i32>} : memref<80x128xi32, #tpu.memory_space<vmem>>, vector<1x16xi32>,
      %get3A_96 = vector.shape_cast %get3A_95 : vector<1x16xi32> to vector<16xi32>
      %shift_right_arithmetic3A_97 = arith.constant 16 : i32
      %shift_right_arithmetic3A_98 = vector.broadcast %shift_right_arithmetic3A_97 : i32 to vector<16xi32>
      %shift_right_arithmetic3A_99 = arith.shrsi %get3A_96, %shift_right_arithmetic3A_98 : vector<16xi32>
      %swap3A_100 = arith.constant 0 : i32
      %swap3A_101 = arith.index_cast %swap3A_100 : i32 to index
      %swap3A_102 = arith.constant 80 : index
      %swap3A_103 = tpu.vector_load %arg7[%swap3A_101, %swap3A_102] {strides = array<i32>} : memref<1x128xi32, #tpu.memory_space<vmem>>, vector<1x16xi32>,
      %swap3A_104 = vector.shape_cast %swap3A_103 : vector<1x16xi32> to vector<16xi32>
      %swap3A_105 = vector.shape_cast %shift_right_arithmetic3A_99 : vector<16xi32> to vector<1x16xi32>
      tpu.vector_store %arg7[%swap3A_101, %swap3A_102], %swap3A_105 {strides = array<i32>} : memref<1x128xi32, #tpu.memory_space<vmem>>, vector<1x16xi32>,
      %add3A_106 = arith.constant 0 : i32
      %add3A_107 = arith.addi %add3A_18, %add3A_106 : i32
      %get3A_108 = arith.index_cast %add3A_107 : i32 to index
      %get3A_109 = arith.constant 96 : index
      %get3A_110 = tpu.vector_load %arg6[%get3A_108, %get3A_109] {strides = array<i32>} : memref<80x128xi32, #tpu.memory_space<vmem>>, vector<1x16xi32>,
      %get3A_111 = vector.shape_cast %get3A_110 : vector<1x16xi32> to vector<16xi32>
      %shift_right_arithmetic3A_112 = arith.constant 16 : i32
      %shift_right_arithmetic3A_113 = vector.broadcast %shift_right_arithmetic3A_112 : i32 to vector<16xi32>
      %shift_right_arithmetic3A_114 = arith.shrsi %get3A_111, %shift_right_arithmetic3A_113 : vector<16xi32>
      %swap3A_115 = arith.constant 0 : i32
      %swap3A_116 = arith.index_cast %swap3A_115 : i32 to index
      %swap3A_117 = arith.constant 96 : index
      %swap3A_118 = tpu.vector_load %arg7[%swap3A_116, %swap3A_117] {strides = array<i32>} : memref<1x128xi32, #tpu.memory_space<vmem>>, vector<1x16xi32>,
      %swap3A_119 = vector.shape_cast %swap3A_118 : vector<1x16xi32> to vector<16xi32>
      %swap3A_120 = vector.shape_cast %shift_right_arithmetic3A_114 : vector<16xi32> to vector<1x16xi32>
      tpu.vector_store %arg7[%swap3A_116, %swap3A_117], %swap3A_120 {strides = array<i32>} : memref<1x128xi32, #tpu.memory_space<vmem>>, vector<1x16xi32>,
      %add3A_121 = arith.constant 0 : i32
      %add3A_122 = arith.addi %add3A_18, %add3A_121 : i32
      %get3A_123 = arith.index_cast %add3A_122 : i32 to index
      %get3A_124 = arith.constant 112 : index
      %get3A_125 = tpu.vector_load %arg6[%get3A_123, %get3A_124] {strides = array<i32>} : memref<80x128xi32, #tpu.memory_space<vmem>>, vector<1x16xi32>,
      %get3A_126 = vector.shape_cast %get3A_125 : vector<1x16xi32> to vector<16xi32>
      %shift_right_arithmetic3A_127 = arith.constant 16 : i32
      %shift_right_arithmetic3A_128 = vector.broadcast %shift_right_arithmetic3A_127 : i32 to vector<16xi32>
      %shift_right_arithmetic3A_129 = arith.shrsi %get3A_126, %shift_right_arithmetic3A_128 : vector<16xi32>
      %swap3A_130 = arith.constant 0 : i32
      %swap3A_131 = arith.index_cast %swap3A_130 : i32 to index
      %swap3A_132 = arith.constant 112 : index
      %swap3A_133 = tpu.vector_load %arg7[%swap3A_131, %swap3A_132] {strides = array<i32>} : memref<1x128xi32, #tpu.memory_space<vmem>>, vector<1x16xi32>,
      %swap3A_134 = vector.shape_cast %swap3A_133 : vector<1x16xi32> to vector<16xi32>
      %swap3A_135 = vector.shape_cast %shift_right_arithmetic3A_129 : vector<16xi32> to vector<1x16xi32>
      tpu.vector_store %arg7[%swap3A_131, %swap3A_132], %swap3A_135 {strides = array<i32>} : memref<1x128xi32, #tpu.memory_space<vmem>>, vector<1x16xi32>,
      %add3A_136 = arith.constant 1 : i32
      %add3A_137 = arith.addi %add3A_18, %add3A_136 : i32
      %get3A_138 = arith.index_cast %add3A_137 : i32 to index
      %get3A_139 = arith.constant 0 : index
      %get3A_140 = tpu.vector_load %arg6[%get3A_138, %get3A_139] {strides = array<i32>} : memref<80x128xi32, #tpu.memory_space<vmem>>, vector<1x16xi32>,
      %get3A_141 = vector.shape_cast %get3A_140 : vector<1x16xi32> to vector<16xi32>
      %shift_right_arithmetic3A_142 = arith.constant 16 : i32
      %shift_right_arithmetic3A_143 = vector.broadcast %shift_right_arithmetic3A_142 : i32 to vector<16xi32>
      %shift_right_arithmetic3A_144 = arith.shrsi %get3A_141, %shift_right_arithmetic3A_143 : vector<16xi32>
      %swap3A_145 = arith.constant 0 : i32
      %swap3A_146 = arith.index_cast %swap3A_145 : i32 to index
      %swap3A_147 = arith.constant 0 : index
      %swap3A_148 = tpu.vector_load %arg8[%swap3A_146, %swap3A_147] {strides = array<i32>} : memref<1x128xi32, #tpu.memory_space<vmem>>, vector<1x16xi32>,
      %swap3A_149 = vector.shape_cast %swap3A_148 : vector<1x16xi32> to vector<16xi32>
      %swap3A_150 = vector.shape_cast %shift_right_arithmetic3A_144 : vector<16xi32> to vector<1x16xi32>
      tpu.vector_store %arg8[%swap3A_146, %swap3A_147], %swap3A_150 {strides = array<i32>} : memref<1x128xi32, #tpu.memory_space<vmem>>, vector<1x16xi32>,
      %add3A_151 = arith.constant 1 : i32
      %add3A_152 = arith.addi %add3A_18, %add3A_151 : i32
      %get3A_153 = arith.index_cast %add3A_152 : i32 to index
      %get3A_154 = arith.constant 16 : index
      %get3A_155 = tpu.vector_load %arg6[%get3A_153, %get3A_154] {strides = array<i32>} : memref<80x128xi32, #tpu.memory_space<vmem>>, vector<1x16xi32>,
      %get3A_156 = vector.shape_cast %get3A_155 : vector<1x16xi32> to vector<16xi32>
      %shift_right_arithmetic3A_157 = arith.constant 16 : i32
      %shift_right_arithmetic3A_158 = vector.broadcast %shift_right_arithmetic3A_157 : i32 to vector<16xi32>
      %shift_right_arithmetic3A_159 = arith.shrsi %get3A_156, %shift_right_arithmetic3A_158 : vector<16xi32>
      %swap3A_160 = arith.constant 0 : i32
      %swap3A_161 = arith.index_cast %swap3A_160 : i32 to index
      %swap3A_162 = arith.constant 16 : index
      %swap3A_163 = tpu.vector_load %arg8[%swap3A_161, %swap3A_162] {strides = array<i32>} : memref<1x128xi32, #tpu.memory_space<vmem>>, vector<1x16xi32>,
      %swap3A_164 = vector.shape_cast %swap3A_163 : vector<1x16xi32> to vector<16xi32>
      %swap3A_165 = vector.shape_cast %shift_right_arithmetic3A_159 : vector<16xi32> to vector<1x16xi32>
      tpu.vector_store %arg8[%swap3A_161, %swap3A_162], %swap3A_165 {strides = array<i32>} : memref<1x128xi32, #tpu.memory_space<vmem>>, vector<1x16xi32>,
      %add3A_166 = arith.constant 1 : i32
      %add3A_167 = arith.addi %add3A_18, %add3A_166 : i32
      %get3A_168 = arith.index_cast %add3A_167 : i32 to index
      %get3A_169 = arith.constant 32 : index
      %get3A_170 = tpu.vector_load %arg6[%get3A_168, %get3A_169] {strides = array<i32>} : memref<80x128xi32, #tpu.memory_space<vmem>>, vector<1x16xi32>,
      %get3A_171 = vector.shape_cast %get3A_170 : vector<1x16xi32> to vector<16xi32>
      %shift_right_arithmetic3A_172 = arith.constant 16 : i32
      %shift_right_arithmetic3A_173 = vector.broadcast %shift_right_arithmetic3A_172 : i32 to vector<16xi32>
      %shift_right_arithmetic3A_174 = arith.shrsi %get3A_171, %shift_right_arithmetic3A_173 : vector<16xi32>
      %swap3A_175 = arith.constant 0 : i32
      %swap3A_176 = arith.index_cast %swap3A_175 : i32 to index
      %swap3A_177 = arith.constant 32 : index
      %swap3A_178 = tpu.vector_load %arg8[%swap3A_176, %swap3A_177] {strides = array<i32>} : memref<1x128xi32, #tpu.memory_space<vmem>>, vector<1x16xi32>,
      %swap3A_179 = vector.shape_cast %swap3A_178 : vector<1x16xi32> to vector<16xi32>
      %swap3A_180 = vector.shape_cast %shift_right_arithmetic3A_174 : vector<16xi32> to vector<1x16xi32>
      tpu.vector_store %arg8[%swap3A_176, %swap3A_177], %swap3A_180 {strides = array<i32>} : memref<1x128xi32, #tpu.memory_space<vmem>>, vector<1x16xi32>,
      %add3A_181 = arith.constant 1 : i32
      %add3A_182 = arith.addi %add3A_18, %add3A_181 : i32
      %get3A_183 = arith.index_cast %add3A_182 : i32 to index
      %get3A_184 = arith.constant 48 : index
      %get3A_185 = tpu.vector_load %arg6[%get3A_183, %get3A_184] {strides = array<i32>} : memref<80x128xi32, #tpu.memory_space<vmem>>, vector<1x16xi32>,
      %get3A_186 = vector.shape_cast %get3A_185 : vector<1x16xi32> to vector<16xi32>
      %shift_right_arithmetic3A_187 = arith.constant 16 : i32
      %shift_right_arithmetic3A_188 = vector.broadcast %shift_right_arithmetic3A_187 : i32 to vector<16xi32>
      %shift_right_arithmetic3A_189 = arith.shrsi %get3A_186, %shift_right_arithmetic3A_188 : vector<16xi32>
      %swap3A_190 = arith.constant 0 : i32
      %swap3A_191 = arith.index_cast %swap3A_190 : i32 to index
      %swap3A_192 = arith.constant 48 : index
      %swap3A_193 = tpu.vector_load %arg8[%swap3A_191, %swap3A_192] {strides = array<i32>} : memref<1x128xi32, #tpu.memory_space<vmem>>, vector<1x16xi32>,
      %swap3A_194 = vector.shape_cast %swap3A_193 : vector<1x16xi32> to vector<16xi32>
      %swap3A_195 = vector.shape_cast %shift_right_arithmetic3A_189 : vector<16xi32> to vector<1x16xi32>
      tpu.vector_store %arg8[%swap3A_191, %swap3A_192], %swap3A_195 {strides = array<i32>} : memref<1x128xi32, #tpu.memory_space<vmem>>, vector<1x16xi32>,
      %add3A_196 = arith.constant 1 : i32
      %add3A_197 = arith.addi %add3A_18, %add3A_196 : i32
      %get3A_198 = arith.index_cast %add3A_197 : i32 to index
      %get3A_199 = arith.constant 64 : index
      %get3A_200 = tpu.vector_load %arg6[%get3A_198, %get3A_199] {strides = array<i32>} : memref<80x128xi32, #tpu.memory_space<vmem>>, vector<1x16xi32>,
      %get3A_201 = vector.shape_cast %get3A_200 : vector<1x16xi32> to vector<16xi32>
      %shift_right_arithmetic3A_202 = arith.constant 16 : i32
      %shift_right_arithmetic3A_203 = vector.broadcast %shift_right_arithmetic3A_202 : i32 to vector<16xi32>
      %shift_right_arithmetic3A_204 = arith.shrsi %get3A_201, %shift_right_arithmetic3A_203 : vector<16xi32>
      %swap3A_205 = arith.constant 0 : i32
      %swap3A_206 = arith.index_cast %swap3A_205 : i32 to index
      %swap3A_207 = arith.constant 64 : index
      %swap3A_208 = tpu.vector_load %arg8[%swap3A_206, %swap3A_207] {strides = array<i32>} : memref<1x128xi32, #tpu.memory_space<vmem>>, vector<1x16xi32>,
      %swap3A_209 = vector.shape_cast %swap3A_208 : vector<1x16xi32> to vector<16xi32>
      %swap3A_210 = vector.shape_cast %shift_right_arithmetic3A_204 : vector<16xi32> to vector<1x16xi32>
      tpu.vector_store %arg8[%swap3A_206, %swap3A_207], %swap3A_210 {strides = array<i32>} : memref<1x128xi32, #tpu.memory_space<vmem>>, vector<1x16xi32>,
      %add3A_211 = arith.constant 1 : i32
      %add3A_212 = arith.addi %add3A_18, %add3A_211 : i32
      %get3A_213 = arith.index_cast %add3A_212 : i32 to index
      %get3A_214 = arith.constant 80 : index
      %get3A_215 = tpu.vector_load %arg6[%get3A_213, %get3A_214] {strides = array<i32>} : memref<80x128xi32, #tpu.memory_space<vmem>>, vector<1x16xi32>,
      %get3A_216 = vector.shape_cast %get3A_215 : vector<1x16xi32> to vector<16xi32>
      %shift_right_arithmetic3A_217 = arith.constant 16 : i32
      %shift_right_arithmetic3A_218 = vector.broadcast %shift_right_arithmetic3A_217 : i32 to vector<16xi32>
      %shift_right_arithmetic3A_219 = arith.shrsi %get3A_216, %shift_right_arithmetic3A_218 : vector<16xi32>
      %swap3A_220 = arith.constant 0 : i32
      %swap3A_221 = arith.index_cast %swap3A_220 : i32 to index
      %swap3A_222 = arith.constant 80 : index
      %swap3A_223 = tpu.vector_load %arg8[%swap3A_221, %swap3A_222] {strides = array<i32>} : memref<1x128xi32, #tpu.memory_space<vmem>>, vector<1x16xi32>,
      %swap3A_224 = vector.shape_cast %swap3A_223 : vector<1x16xi32> to vector<16xi32>
      %swap3A_225 = vector.shape_cast %shift_right_arithmetic3A_219 : vector<16xi32> to vector<1x16xi32>
      tpu.vector_store %arg8[%swap3A_221, %swap3A_222], %swap3A_225 {strides = array<i32>} : memref<1x128xi32, #tpu.memory_space<vmem>>, vector<1x16xi32>,
      %add3A_226 = arith.constant 1 : i32
      %add3A_227 = arith.addi %add3A_18, %add3A_226 : i32
      %get3A_228 = arith.index_cast %add3A_227 : i32 to index
      %get3A_229 = arith.constant 96 : index
      %get3A_230 = tpu.vector_load %arg6[%get3A_228, %get3A_229] {strides = array<i32>} : memref<80x128xi32, #tpu.memory_space<vmem>>, vector<1x16xi32>,
      %get3A_231 = vector.shape_cast %get3A_230 : vector<1x16xi32> to vector<16xi32>
      %shift_right_arithmetic3A_232 = arith.constant 16 : i32
      %shift_right_arithmetic3A_233 = vector.broadcast %shift_right_arithmetic3A_232 : i32 to vector<16xi32>
      %shift_right_arithmetic3A_234 = arith.shrsi %get3A_231, %shift_right_arithmetic3A_233 : vector<16xi32>
      %swap3A_235 = arith.constant 0 : i32
      %swap3A_236 = arith.index_cast %swap3A_235 : i32 to index
      %swap3A_237 = arith.constant 96 : index
      %swap3A_238 = tpu.vector_load %arg8[%swap3A_236, %swap3A_237] {strides = array<i32>} : memref<1x128xi32, #tpu.memory_space<vmem>>, vector<1x16xi32>,
      %swap3A_239 = vector.shape_cast %swap3A_238 : vector<1x16xi32> to vector<16xi32>
      %swap3A_240 = vector.shape_cast %shift_right_arithmetic3A_234 : vector<16xi32> to vector<1x16xi32>
      tpu.vector_store %arg8[%swap3A_236, %swap3A_237], %swap3A_240 {strides = array<i32>} : memref<1x128xi32, #tpu.memory_space<vmem>>, vector<1x16xi32>,
      %add3A_241 = arith.constant 1 : i32
      %add3A_242 = arith.addi %add3A_18, %add3A_241 : i32
      %get3A_243 = arith.index_cast %add3A_242 : i32 to index
      %get3A_244 = arith.constant 112 : index
      %get3A_245 = tpu.vector_load %arg6[%get3A_243, %get3A_244] {strides = array<i32>} : memref<80x128xi32, #tpu.memory_space<vmem>>, vector<1x16xi32>,
      %get3A_246 = vector.shape_cast %get3A_245 : vector<1x16xi32> to vector<16xi32>
      %shift_right_arithmetic3A_247 = arith.constant 16 : i32
      %shift_right_arithmetic3A_248 = vector.broadcast %shift_right_arithmetic3A_247 : i32 to vector<16xi32>
      %shift_right_arithmetic3A_249 = arith.shrsi %get3A_246, %shift_right_arithmetic3A_248 : vector<16xi32>
      %swap3A_250 = arith.constant 0 : i32
      %swap3A_251 = arith.index_cast %swap3A_250 : i32 to index
      %swap3A_252 = arith.constant 112 : index
      %swap3A_253 = tpu.vector_load %arg8[%swap3A_251, %swap3A_252] {strides = array<i32>} : memref<1x128xi32, #tpu.memory_space<vmem>>, vector<1x16xi32>,
      %swap3A_254 = vector.shape_cast %swap3A_253 : vector<1x16xi32> to vector<16xi32>
      %swap3A_255 = vector.shape_cast %shift_right_arithmetic3A_249 : vector<16xi32> to vector<1x16xi32>
      tpu.vector_store %arg8[%swap3A_251, %swap3A_252], %swap3A_255 {strides = array<i32>} : memref<1x128xi32, #tpu.memory_space<vmem>>, vector<1x16xi32>,
      %add3A_256 = arith.constant 2 : i32
      %add3A_257 = arith.addi %add3A_18, %add3A_256 : i32
      %get3A_258 = arith.index_cast %add3A_257 : i32 to index
      %get3A_259 = arith.constant 0 : index
      %get3A_260 = tpu.vector_load %arg6[%get3A_258, %get3A_259] {strides = array<i32>} : memref<80x128xi32, #tpu.memory_space<vmem>>, vector<1x16xi32>,
      %get3A_261 = vector.shape_cast %get3A_260 : vector<1x16xi32> to vector<16xi32>
      %shift_right_arithmetic3A_262 = arith.constant 16 : i32
      %shift_right_arithmetic3A_263 = vector.broadcast %shift_right_arithmetic3A_262 : i32 to vector<16xi32>
      %shift_right_arithmetic3A_264 = arith.shrsi %get3A_261, %shift_right_arithmetic3A_263 : vector<16xi32>
      %swap3A_265 = arith.constant 0 : i32
      %swap3A_266 = arith.index_cast %swap3A_265 : i32 to index
      %swap3A_267 = arith.constant 0 : index
      %swap3A_268 = tpu.vector_load %arg9[%swap3A_266, %swap3A_267] {strides = array<i32>} : memref<1x128xi32, #tpu.memory_space<vmem>>, vector<1x16xi32>,
      %swap3A_269 = vector.shape_cast %swap3A_268 : vector<1x16xi32> to vector<16xi32>
      %swap3A_270 = vector.shape_cast %shift_right_arithmetic3A_264 : vector<16xi32> to vector<1x16xi32>
      tpu.vector_store %arg9[%swap3A_266, %swap3A_267], %swap3A_270 {strides = array<i32>} : memref<1x128xi32, #tpu.memory_space<vmem>>, vector<1x16xi32>,
      %add3A_271 = arith.constant 2 : i32
      %add3A_272 = arith.addi %add3A_18, %add3A_271 : i32
      %get3A_273 = arith.index_cast %add3A_272 : i32 to index
      %get3A_274 = arith.constant 16 : index
      %get3A_275 = tpu.vector_load %arg6[%get3A_273, %get3A_274] {strides = array<i32>} : memref<80x128xi32, #tpu.memory_space<vmem>>, vector<1x16xi32>,
      %get3A_276 = vector.shape_cast %get3A_275 : vector<1x16xi32> to vector<16xi32>
      %shift_right_arithmetic3A_277 = arith.constant 16 : i32
      %shift_right_arithmetic3A_278 = vector.broadcast %shift_right_arithmetic3A_277 : i32 to vector<16xi32>
      %shift_right_arithmetic3A_279 = arith.shrsi %get3A_276, %shift_right_arithmetic3A_278 : vector<16xi32>
      %swap3A_280 = arith.constant 0 : i32
      %swap3A_281 = arith.index_cast %swap3A_280 : i32 to index
      %swap3A_282 = arith.constant 16 : index
      %swap3A_283 = tpu.vector_load %arg9[%swap3A_281, %swap3A_282] {strides = array<i32>} : memref<1x128xi32, #tpu.memory_space<vmem>>, vector<1x16xi32>,
      %swap3A_284 = vector.shape_cast %swap3A_283 : vector<1x16xi32> to vector<16xi32>
      %swap3A_285 = vector.shape_cast %shift_right_arithmetic3A_279 : vector<16xi32> to vector<1x16xi32>
      tpu.vector_store %arg9[%swap3A_281, %swap3A_282], %swap3A_285 {strides = array<i32>} : memref<1x128xi32, #tpu.memory_space<vmem>>, vector<1x16xi32>,
      %add3A_286 = arith.constant 2 : i32
      %add3A_287 = arith.addi %add3A_18, %add3A_286 : i32
      %get3A_288 = arith.index_cast %add3A_287 : i32 to index
      %get3A_289 = arith.constant 32 : index
      %get3A_290 = tpu.vector_load %arg6[%get3A_288, %get3A_289] {strides = array<i32>} : memref<80x128xi32, #tpu.memory_space<vmem>>, vector<1x16xi32>,
      %get3A_291 = vector.shape_cast %get3A_290 : vector<1x16xi32> to vector<16xi32>
      %shift_right_arithmetic3A_292 = arith.constant 16 : i32
      %shift_right_arithmetic3A_293 = vector.broadcast %shift_right_arithmetic3A_292 : i32 to vector<16xi32>
      %shift_right_arithmetic3A_294 = arith.shrsi %get3A_291, %shift_right_arithmetic3A_293 : vector<16xi32>
      %swap3A_295 = arith.constant 0 : i32
      %swap3A_296 = arith.index_cast %swap3A_295 : i32 to index
      %swap3A_297 = arith.constant 32 : index
      %swap3A_298 = tpu.vector_load %arg9[%swap3A_296, %swap3A_297] {strides = array<i32>} : memref<1x128xi32, #tpu.memory_space<vmem>>, vector<1x16xi32>,
      %swap3A_299 = vector.shape_cast %swap3A_298 : vector<1x16xi32> to vector<16xi32>
      %swap3A_300 = vector.shape_cast %shift_right_arithmetic3A_294 : vector<16xi32> to vector<1x16xi32>
      tpu.vector_store %arg9[%swap3A_296, %swap3A_297], %swap3A_300 {strides = array<i32>} : memref<1x128xi32, #tpu.memory_space<vmem>>, vector<1x16xi32>,
      %add3A_301 = arith.constant 2 : i32
      %add3A_302 = arith.addi %add3A_18, %add3A_301 : i32
      %get3A_303 = arith.index_cast %add3A_302 : i32 to index
      %get3A_304 = arith.constant 48 : index
      %get3A_305 = tpu.vector_load %arg6[%get3A_303, %get3A_304] {strides = array<i32>} : memref<80x128xi32, #tpu.memory_space<vmem>>, vector<1x16xi32>,
      %get3A_306 = vector.shape_cast %get3A_305 : vector<1x16xi32> to vector<16xi32>
      %shift_right_arithmetic3A_307 = arith.constant 16 : i32
      %shift_right_arithmetic3A_308 = vector.broadcast %shift_right_arithmetic3A_307 : i32 to vector<16xi32>
      %shift_right_arithmetic3A_309 = arith.shrsi %get3A_306, %shift_right_arithmetic3A_308 : vector<16xi32>
      %swap3A_310 = arith.constant 0 : i32
      %swap3A_311 = arith.index_cast %swap3A_310 : i32 to index
      %swap3A_312 = arith.constant 48 : index
      %swap3A_313 = tpu.vector_load %arg9[%swap3A_311, %swap3A_312] {strides = array<i32>} : memref<1x128xi32, #tpu.memory_space<vmem>>, vector<1x16xi32>,
      %swap3A_314 = vector.shape_cast %swap3A_313 : vector<1x16xi32> to vector<16xi32>
      %swap3A_315 = vector.shape_cast %shift_right_arithmetic3A_309 : vector<16xi32> to vector<1x16xi32>
      tpu.vector_store %arg9[%swap3A_311, %swap3A_312], %swap3A_315 {strides = array<i32>} : memref<1x128xi32, #tpu.memory_space<vmem>>, vector<1x16xi32>,
      %add3A_316 = arith.constant 2 : i32
      %add3A_317 = arith.addi %add3A_18, %add3A_316 : i32
      %get3A_318 = arith.index_cast %add3A_317 : i32 to index
      %get3A_319 = arith.constant 64 : index
      %get3A_320 = tpu.vector_load %arg6[%get3A_318, %get3A_319] {strides = array<i32>} : memref<80x128xi32, #tpu.memory_space<vmem>>, vector<1x16xi32>,
      %get3A_321 = vector.shape_cast %get3A_320 : vector<1x16xi32> to vector<16xi32>
      %shift_right_arithmetic3A_322 = arith.constant 16 : i32
      %shift_right_arithmetic3A_323 = vector.broadcast %shift_right_arithmetic3A_322 : i32 to vector<16xi32>
      %shift_right_arithmetic3A_324 = arith.shrsi %get3A_321, %shift_right_arithmetic3A_323 : vector<16xi32>
      %swap3A_325 = arith.constant 0 : i32
      %swap3A_326 = arith.index_cast %swap3A_325 : i32 to index
      %swap3A_327 = arith.constant 64 : index
      %swap3A_328 = tpu.vector_load %arg9[%swap3A_326, %swap3A_327] {strides = array<i32>} : memref<1x128xi32, #tpu.memory_space<vmem>>, vector<1x16xi32>,
      %swap3A_329 = vector.shape_cast %swap3A_328 : vector<1x16xi32> to vector<16xi32>
      %swap3A_330 = vector.shape_cast %shift_right_arithmetic3A_324 : vector<16xi32> to vector<1x16xi32>
      tpu.vector_store %arg9[%swap3A_326, %swap3A_327], %swap3A_330 {strides = array<i32>} : memref<1x128xi32, #tpu.memory_space<vmem>>, vector<1x16xi32>,
      %add3A_331 = arith.constant 2 : i32
      %add3A_332 = arith.addi %add3A_18, %add3A_331 : i32
      %get3A_333 = arith.index_cast %add3A_332 : i32 to index
      %get3A_334 = arith.constant 80 : index
      %get3A_335 = tpu.vector_load %arg6[%get3A_333, %get3A_334] {strides = array<i32>} : memref<80x128xi32, #tpu.memory_space<vmem>>, vector<1x16xi32>,
      %get3A_336 = vector.shape_cast %get3A_335 : vector<1x16xi32> to vector<16xi32>
      %shift_right_arithmetic3A_337 = arith.constant 16 : i32
      %shift_right_arithmetic3A_338 = vector.broadcast %shift_right_arithmetic3A_337 : i32 to vector<16xi32>
      %shift_right_arithmetic3A_339 = arith.shrsi %get3A_336, %shift_right_arithmetic3A_338 : vector<16xi32>
      %swap3A_340 = arith.constant 0 : i32
      %swap3A_341 = arith.index_cast %swap3A_340 : i32 to index
      %swap3A_342 = arith.constant 80 : index
      %swap3A_343 = tpu.vector_load %arg9[%swap3A_341, %swap3A_342] {strides = array<i32>} : memref<1x128xi32, #tpu.memory_space<vmem>>, vector<1x16xi32>,
      %swap3A_344 = vector.shape_cast %swap3A_343 : vector<1x16xi32> to vector<16xi32>
      %swap3A_345 = vector.shape_cast %shift_right_arithmetic3A_339 : vector<16xi32> to vector<1x16xi32>
      tpu.vector_store %arg9[%swap3A_341, %swap3A_342], %swap3A_345 {strides = array<i32>} : memref<1x128xi32, #tpu.memory_space<vmem>>, vector<1x16xi32>,
      %add3A_346 = arith.constant 2 : i32
      %add3A_347 = arith.addi %add3A_18, %add3A_346 : i32
      %get3A_348 = arith.index_cast %add3A_347 : i32 to index
      %get3A_349 = arith.constant 96 : index
      %get3A_350 = tpu.vector_load %arg6[%get3A_348, %get3A_349] {strides = array<i32>} : memref<80x128xi32, #tpu.memory_space<vmem>>, vector<1x16xi32>,
      %get3A_351 = vector.shape_cast %get3A_350 : vector<1x16xi32> to vector<16xi32>
      %shift_right_arithmetic3A_352 = arith.constant 16 : i32
      %shift_right_arithmetic3A_353 = vector.broadcast %shift_right_arithmetic3A_352 : i32 to vector<16xi32>
      %shift_right_arithmetic3A_354 = arith.shrsi %get3A_351, %shift_right_arithmetic3A_353 : vector<16xi32>
      %swap3A_355 = arith.constant 0 : i32
      %swap3A_356 = arith.index_cast %swap3A_355 : i32 to index
      %swap3A_357 = arith.constant 96 : index
      %swap3A_358 = tpu.vector_load %arg9[%swap3A_356, %swap3A_357] {strides = array<i32>} : memref<1x128xi32, #tpu.memory_space<vmem>>, vector<1x16xi32>,
      %swap3A_359 = vector.shape_cast %swap3A_358 : vector<1x16xi32> to vector<16xi32>
      %swap3A_360 = vector.shape_cast %shift_right_arithmetic3A_354 : vector<16xi32> to vector<1x16xi32>
      tpu.vector_store %arg9[%swap3A_356, %swap3A_357], %swap3A_360 {strides = array<i32>} : memref<1x128xi32, #tpu.memory_space<vmem>>, vector<1x16xi32>,
      %add3A_361 = arith.constant 2 : i32
      %add3A_362 = arith.addi %add3A_18, %add3A_361 : i32
      %get3A_363 = arith.index_cast %add3A_362 : i32 to index
      %get3A_364 = arith.constant 112 : index
      %get3A_365 = tpu.vector_load %arg6[%get3A_363, %get3A_364] {strides = array<i32>} : memref<80x128xi32, #tpu.memory_space<vmem>>, vector<1x16xi32>,
      %get3A_366 = vector.shape_cast %get3A_365 : vector<1x16xi32> to vector<16xi32>
      %shift_right_arithmetic3A_367 = arith.constant 16 : i32
      %shift_right_arithmetic3A_368 = vector.broadcast %shift_right_arithmetic3A_367 : i32 to vector<16xi32>
      %shift_right_arithmetic3A_369 = arith.shrsi %get3A_366, %shift_right_arithmetic3A_368 : vector<16xi32>
      %swap3A_370 = arith.constant 0 : i32
      %swap3A_371 = arith.index_cast %swap3A_370 : i32 to index
      %swap3A_372 = arith.constant 112 : index
      %swap3A_373 = tpu.vector_load %arg9[%swap3A_371, %swap3A_372] {strides = array<i32>} : memref<1x128xi32, #tpu.memory_space<vmem>>, vector<1x16xi32>,
      %swap3A_374 = vector.shape_cast %swap3A_373 : vector<1x16xi32> to vector<16xi32>
      %swap3A_375 = vector.shape_cast %shift_right_arithmetic3A_369 : vector<16xi32> to vector<1x16xi32>
      tpu.vector_store %arg9[%swap3A_371, %swap3A_372], %swap3A_375 {strides = array<i32>} : memref<1x128xi32, #tpu.memory_space<vmem>>, vector<1x16xi32>,
      %add3A_376 = arith.constant 3 : i32
      %add3A_377 = arith.addi %add3A_18, %add3A_376 : i32
      %get3A_378 = arith.index_cast %add3A_377 : i32 to index
      %get3A_379 = arith.constant 0 : index
      %get3A_380 = tpu.vector_load %arg6[%get3A_378, %get3A_379] {strides = array<i32>} : memref<80x128xi32, #tpu.memory_space<vmem>>, vector<1x16xi32>,
      %get3A_381 = vector.shape_cast %get3A_380 : vector<1x16xi32> to vector<16xi32>
      %shift_right_arithmetic3A_382 = arith.constant 16 : i32
      %shift_right_arithmetic3A_383 = vector.broadcast %shift_right_arithmetic3A_382 : i32 to vector<16xi32>
      %shift_right_arithmetic3A_384 = arith.shrsi %get3A_381, %shift_right_arithmetic3A_383 : vector<16xi32>
      %swap3A_385 = arith.constant 0 : i32
      %swap3A_386 = arith.index_cast %swap3A_385 : i32 to index
      %swap3A_387 = arith.constant 0 : index
      %swap3A_388 = tpu.vector_load %arg10[%swap3A_386, %swap3A_387] {strides = array<i32>} : memref<1x128xi32, #tpu.memory_space<vmem>>, vector<1x16xi32>,
      %swap3A_389 = vector.shape_cast %swap3A_388 : vector<1x16xi32> to vector<16xi32>
      %swap3A_390 = vector.shape_cast %shift_right_arithmetic3A_384 : vector<16xi32> to vector<1x16xi32>
      tpu.vector_store %arg10[%swap3A_386, %swap3A_387], %swap3A_390 {strides = array<i32>} : memref<1x128xi32, #tpu.memory_space<vmem>>, vector<1x16xi32>,
      %add3A_391 = arith.constant 3 : i32
      %add3A_392 = arith.addi %add3A_18, %add3A_391 : i32
      %get3A_393 = arith.index_cast %add3A_392 : i32 to index
      %get3A_394 = arith.constant 16 : index
      %get3A_395 = tpu.vector_load %arg6[%get3A_393, %get3A_394] {strides = array<i32>} : memref<80x128xi32, #tpu.memory_space<vmem>>, vector<1x16xi32>,
      %get3A_396 = vector.shape_cast %get3A_395 : vector<1x16xi32> to vector<16xi32>
      %shift_right_arithmetic3A_397 = arith.constant 16 : i32
      %shift_right_arithmetic3A_398 = vector.broadcast %shift_right_arithmetic3A_397 : i32 to vector<16xi32>
      %shift_right_arithmetic3A_399 = arith.shrsi %get3A_396, %shift_right_arithmetic3A_398 : vector<16xi32>
      %swap3A_400 = arith.constant 0 : i32
      %swap3A_401 = arith.index_cast %swap3A_400 : i32 to index
      %swap3A_402 = arith.constant 16 : index
      %swap3A_403 = tpu.vector_load %arg10[%swap3A_401, %swap3A_402] {strides = array<i32>} : memref<1x128xi32, #tpu.memory_space<vmem>>, vector<1x16xi32>,
      %swap3A_404 = vector.shape_cast %swap3A_403 : vector<1x16xi32> to vector<16xi32>
      %swap3A_405 = vector.shape_cast %shift_right_arithmetic3A_399 : vector<16xi32> to vector<1x16xi32>
      tpu.vector_store %arg10[%swap3A_401, %swap3A_402], %swap3A_405 {strides = array<i32>} : memref<1x128xi32, #tpu.memory_space<vmem>>, vector<1x16xi32>,
      %add3A_406 = arith.constant 3 : i32
      %add3A_407 = arith.addi %add3A_18, %add3A_406 : i32
      %get3A_408 = arith.index_cast %add3A_407 : i32 to index
      %get3A_409 = arith.constant 32 : index
      %get3A_410 = tpu.vector_load %arg6[%get3A_408, %get3A_409] {strides = array<i32>} : memref<80x128xi32, #tpu.memory_space<vmem>>, vector<1x16xi32>,
      %get3A_411 = vector.shape_cast %get3A_410 : vector<1x16xi32> to vector<16xi32>
      %shift_right_arithmetic3A_412 = arith.constant 16 : i32
      %shift_right_arithmetic3A_413 = vector.broadcast %shift_right_arithmetic3A_412 : i32 to vector<16xi32>
      %shift_right_arithmetic3A_414 = arith.shrsi %get3A_411, %shift_right_arithmetic3A_413 : vector<16xi32>
      %swap3A_415 = arith.constant 0 : i32
      %swap3A_416 = arith.index_cast %swap3A_415 : i32 to index
      %swap3A_417 = arith.constant 32 : index
      %swap3A_418 = tpu.vector_load %arg10[%swap3A_416, %swap3A_417] {strides = array<i32>} : memref<1x128xi32, #tpu.memory_space<vmem>>, vector<1x16xi32>,
      %swap3A_419 = vector.shape_cast %swap3A_418 : vector<1x16xi32> to vector<16xi32>
      %swap3A_420 = vector.shape_cast %shift_right_arithmetic3A_414 : vector<16xi32> to vector<1x16xi32>
      tpu.vector_store %arg10[%swap3A_416, %swap3A_417], %swap3A_420 {strides = array<i32>} : memref<1x128xi32, #tpu.memory_space<vmem>>, vector<1x16xi32>,
      %add3A_421 = arith.constant 3 : i32
      %add3A_422 = arith.addi %add3A_18, %add3A_421 : i32
      %get3A_423 = arith.index_cast %add3A_422 : i32 to index
      %get3A_424 = arith.constant 48 : index
      %get3A_425 = tpu.vector_load %arg6[%get3A_423, %get3A_424] {strides = array<i32>} : memref<80x128xi32, #tpu.memory_space<vmem>>, vector<1x16xi32>,
      %get3A_426 = vector.shape_cast %get3A_425 : vector<1x16xi32> to vector<16xi32>
      %shift_right_arithmetic3A_427 = arith.constant 16 : i32
      %shift_right_arithmetic3A_428 = vector.broadcast %shift_right_arithmetic3A_427 : i32 to vector<16xi32>
      %shift_right_arithmetic3A_429 = arith.shrsi %get3A_426, %shift_right_arithmetic3A_428 : vector<16xi32>
      %swap3A_430 = arith.constant 0 : i32
      %swap3A_431 = arith.index_cast %swap3A_430 : i32 to index
      %swap3A_432 = arith.constant 48 : index
      %swap3A_433 = tpu.vector_load %arg10[%swap3A_431, %swap3A_432] {strides = array<i32>} : memref<1x128xi32, #tpu.memory_space<vmem>>, vector<1x16xi32>,
      %swap3A_434 = vector.shape_cast %swap3A_433 : vector<1x16xi32> to vector<16xi32>
      %swap3A_435 = vector.shape_cast %shift_right_arithmetic3A_429 : vector<16xi32> to vector<1x16xi32>
      tpu.vector_store %arg10[%swap3A_431, %swap3A_432], %swap3A_435 {strides = array<i32>} : memref<1x128xi32, #tpu.memory_space<vmem>>, vector<1x16xi32>,
      %add3A_436 = arith.constant 3 : i32
      %add3A_437 = arith.addi %add3A_18, %add3A_436 : i32
      %get3A_438 = arith.index_cast %add3A_437 : i32 to index
      %get3A_439 = arith.constant 64 : index
      %get3A_440 = tpu.vector_load %arg6[%get3A_438, %get3A_439] {strides = array<i32>} : memref<80x128xi32, #tpu.memory_space<vmem>>, vector<1x16xi32>,
      %get3A_441 = vector.shape_cast %get3A_440 : vector<1x16xi32> to vector<16xi32>
      %shift_right_arithmetic3A_442 = arith.constant 16 : i32
      %shift_right_arithmetic3A_443 = vector.broadcast %shift_right_arithmetic3A_442 : i32 to vector<16xi32>
      %shift_right_arithmetic3A_444 = arith.shrsi %get3A_441, %shift_right_arithmetic3A_443 : vector<16xi32>
      %swap3A_445 = arith.constant 0 : i32
      %swap3A_446 = arith.index_cast %swap3A_445 : i32 to index
      %swap3A_447 = arith.constant 64 : index
      %swap3A_448 = tpu.vector_load %arg10[%swap3A_446, %swap3A_447] {strides = array<i32>} : memref<1x128xi32, #tpu.memory_space<vmem>>, vector<1x16xi32>,
      %swap3A_449 = vector.shape_cast %swap3A_448 : vector<1x16xi32> to vector<16xi32>
      %swap3A_450 = vector.shape_cast %shift_right_arithmetic3A_444 : vector<16xi32> to vector<1x16xi32>
      tpu.vector_store %arg10[%swap3A_446, %swap3A_447], %swap3A_450 {strides = array<i32>} : memref<1x128xi32, #tpu.memory_space<vmem>>, vector<1x16xi32>,
      %add3A_451 = arith.constant 3 : i32
      %add3A_452 = arith.addi %add3A_18, %add3A_451 : i32
      %get3A_453 = arith.index_cast %add3A_452 : i32 to index
      %get3A_454 = arith.constant 80 : index
      %get3A_455 = tpu.vector_load %arg6[%get3A_453, %get3A_454] {strides = array<i32>} : memref<80x128xi32, #tpu.memory_space<vmem>>, vector<1x16xi32>,
      %get3A_456 = vector.shape_cast %get3A_455 : vector<1x16xi32> to vector<16xi32>
      %shift_right_arithmetic3A_457 = arith.constant 16 : i32
      %shift_right_arithmetic3A_458 = vector.broadcast %shift_right_arithmetic3A_457 : i32 to vector<16xi32>
      %shift_right_arithmetic3A_459 = arith.shrsi %get3A_456, %shift_right_arithmetic3A_458 : vector<16xi32>
      %swap3A_460 = arith.constant 0 : i32
      %swap3A_461 = arith.index_cast %swap3A_460 : i32 to index
      %swap3A_462 = arith.constant 80 : index
      %swap3A_463 = tpu.vector_load %arg10[%swap3A_461, %swap3A_462] {strides = array<i32>} : memref<1x128xi32, #tpu.memory_space<vmem>>, vector<1x16xi32>,
      %swap3A_464 = vector.shape_cast %swap3A_463 : vector<1x16xi32> to vector<16xi32>
      %swap3A_465 = vector.shape_cast %shift_right_arithmetic3A_459 : vector<16xi32> to vector<1x16xi32>
      tpu.vector_store %arg10[%swap3A_461, %swap3A_462], %swap3A_465 {strides = array<i32>} : memref<1x128xi32, #tpu.memory_space<vmem>>, vector<1x16xi32>,
      %add3A_466 = arith.constant 3 : i32
      %add3A_467 = arith.addi %add3A_18, %add3A_466 : i32
      %get3A_468 = arith.index_cast %add3A_467 : i32 to index
      %get3A_469 = arith.constant 96 : index
      %get3A_470 = tpu.vector_load %arg6[%get3A_468, %get3A_469] {strides = array<i32>} : memref<80x128xi32, #tpu.memory_space<vmem>>, vector<1x16xi32>,
      %get3A_471 = vector.shape_cast %get3A_470 : vector<1x16xi32> to vector<16xi32>
      %shift_right_arithmetic3A_472 = arith.constant 16 : i32
      %shift_right_arithmetic3A_473 = vector.broadcast %shift_right_arithmetic3A_472 : i32 to vector<16xi32>
      %shift_right_arithmetic3A_474 = arith.shrsi %get3A_471, %shift_right_arithmetic3A_473 : vector<16xi32>
      %swap3A_475 = arith.constant 0 : i32
      %swap3A_476 = arith.index_cast %swap3A_475 : i32 to index
      %swap3A_477 = arith.constant 96 : index
      %swap3A_478 = tpu.vector_load %arg10[%swap3A_476, %swap3A_477] {strides = array<i32>} : memref<1x128xi32, #tpu.memory_space<vmem>>, vector<1x16xi32>,
      %swap3A_479 = vector.shape_cast %swap3A_478 : vector<1x16xi32> to vector<16xi32>
      %swap3A_480 = vector.shape_cast %shift_right_arithmetic3A_474 : vector<16xi32> to vector<1x16xi32>
      tpu.vector_store %arg10[%swap3A_476, %swap3A_477], %swap3A_480 {strides = array<i32>} : memref<1x128xi32, #tpu.memory_space<vmem>>, vector<1x16xi32>,
      %add3A_481 = arith.constant 3 : i32
      %add3A_482 = arith.addi %add3A_18, %add3A_481 : i32
      %get3A_483 = arith.index_cast %add3A_482 : i32 to index
      %get3A_484 = arith.constant 112 : index
      %get3A_485 = tpu.vector_load %arg6[%get3A_483, %get3A_484] {strides = array<i32>} : memref<80x128xi32, #tpu.memory_space<vmem>>, vector<1x16xi32>,
      %get3A_486 = vector.shape_cast %get3A_485 : vector<1x16xi32> to vector<16xi32>
      %shift_right_arithmetic3A_487 = arith.constant 16 : i32
      %shift_right_arithmetic3A_488 = vector.broadcast %shift_right_arithmetic3A_487 : i32 to vector<16xi32>
      %shift_right_arithmetic3A_489 = arith.shrsi %get3A_486, %shift_right_arithmetic3A_488 : vector<16xi32>
      %swap3A_490 = arith.constant 0 : i32
      %swap3A_491 = arith.index_cast %swap3A_490 : i32 to index
      %swap3A_492 = arith.constant 112 : index
      %swap3A_493 = tpu.vector_load %arg10[%swap3A_491, %swap3A_492] {strides = array<i32>} : memref<1x128xi32, #tpu.memory_space<vmem>>, vector<1x16xi32>,
      %swap3A_494 = vector.shape_cast %swap3A_493 : vector<1x16xi32> to vector<16xi32>
      %swap3A_495 = vector.shape_cast %shift_right_arithmetic3A_489 : vector<16xi32> to vector<1x16xi32>
      tpu.vector_store %arg10[%swap3A_491, %swap3A_492], %swap3A_495 {strides = array<i32>} : memref<1x128xi32, #tpu.memory_space<vmem>>, vector<1x16xi32>,
      %add3A_496 = arith.constant 4 : i32
      %add3A_497 = arith.addi %add3A_18, %add3A_496 : i32
      %get3A_498 = arith.index_cast %add3A_497 : i32 to index
      %get3A_499 = arith.constant 0 : index
      %get3A_500 = tpu.vector_load %arg6[%get3A_498, %get3A_499] {strides = array<i32>} : memref<80x128xi32, #tpu.memory_space<vmem>>, vector<1x16xi32>,
      %get3A_501 = vector.shape_cast %get3A_500 : vector<1x16xi32> to vector<16xi32>
      %shift_right_arithmetic3A_502 = arith.constant 16 : i32
      %shift_right_arithmetic3A_503 = vector.broadcast %shift_right_arithmetic3A_502 : i32 to vector<16xi32>
      %shift_right_arithmetic3A_504 = arith.shrsi %get3A_501, %shift_right_arithmetic3A_503 : vector<16xi32>
      %swap3A_505 = arith.constant 0 : i32
      %swap3A_506 = arith.index_cast %swap3A_505 : i32 to index
      %swap3A_507 = arith.constant 0 : index
      %swap3A_508 = tpu.vector_load %arg11[%swap3A_506, %swap3A_507] {strides = array<i32>} : memref<1x128xi32, #tpu.memory_space<vmem>>, vector<1x16xi32>,
      %swap3A_509 = vector.shape_cast %swap3A_508 : vector<1x16xi32> to vector<16xi32>
      %swap3A_510 = vector.shape_cast %shift_right_arithmetic3A_504 : vector<16xi32> to vector<1x16xi32>
      tpu.vector_store %arg11[%swap3A_506, %swap3A_507], %swap3A_510 {strides = array<i32>} : memref<1x128xi32, #tpu.memory_space<vmem>>, vector<1x16xi32>,
      %add3A_511 = arith.constant 4 : i32
      %add3A_512 = arith.addi %add3A_18, %add3A_511 : i32
      %get3A_513 = arith.index_cast %add3A_512 : i32 to index
      %get3A_514 = arith.constant 16 : index
      %get3A_515 = tpu.vector_load %arg6[%get3A_513, %get3A_514] {strides = array<i32>} : memref<80x128xi32, #tpu.memory_space<vmem>>, vector<1x16xi32>,
      %get3A_516 = vector.shape_cast %get3A_515 : vector<1x16xi32> to vector<16xi32>
      %shift_right_arithmetic3A_517 = arith.constant 16 : i32
      %shift_right_arithmetic3A_518 = vector.broadcast %shift_right_arithmetic3A_517 : i32 to vector<16xi32>
      %shift_right_arithmetic3A_519 = arith.shrsi %get3A_516, %shift_right_arithmetic3A_518 : vector<16xi32>
      %swap3A_520 = arith.constant 0 : i32
      %swap3A_521 = arith.index_cast %swap3A_520 : i32 to index
      %swap3A_522 = arith.constant 16 : index
      %swap3A_523 = tpu.vector_load %arg11[%swap3A_521, %swap3A_522] {strides = array<i32>} : memref<1x128xi32, #tpu.memory_space<vmem>>, vector<1x16xi32>,
      %swap3A_524 = vector.shape_cast %swap3A_523 : vector<1x16xi32> to vector<16xi32>
      %swap3A_525 = vector.shape_cast %shift_right_arithmetic3A_519 : vector<16xi32> to vector<1x16xi32>
      tpu.vector_store %arg11[%swap3A_521, %swap3A_522], %swap3A_525 {strides = array<i32>} : memref<1x128xi32, #tpu.memory_space<vmem>>, vector<1x16xi32>,
      %add3A_526 = arith.constant 4 : i32
      %add3A_527 = arith.addi %add3A_18, %add3A_526 : i32
      %get3A_528 = arith.index_cast %add3A_527 : i32 to index
      %get3A_529 = arith.constant 32 : index
      %get3A_530 = tpu.vector_load %arg6[%get3A_528, %get3A_529] {strides = array<i32>} : memref<80x128xi32, #tpu.memory_space<vmem>>, vector<1x16xi32>,
      %get3A_531 = vector.shape_cast %get3A_530 : vector<1x16xi32> to vector<16xi32>
      %shift_right_arithmetic3A_532 = arith.constant 16 : i32
      %shift_right_arithmetic3A_533 = vector.broadcast %shift_right_arithmetic3A_532 : i32 to vector<16xi32>
      %shift_right_arithmetic3A_534 = arith.shrsi %get3A_531, %shift_right_arithmetic3A_533 : vector<16xi32>
      %swap3A_535 = arith.constant 0 : i32
      %swap3A_536 = arith.index_cast %swap3A_535 : i32 to index
      %swap3A_537 = arith.constant 32 : index
      %swap3A_538 = tpu.vector_load %arg11[%swap3A_536, %swap3A_537] {strides = array<i32>} : memref<1x128xi32, #tpu.memory_space<vmem>>, vector<1x16xi32>,
      %swap3A_539 = vector.shape_cast %swap3A_538 : vector<1x16xi32> to vector<16xi32>
      %swap3A_540 = vector.shape_cast %shift_right_arithmetic3A_534 : vector<16xi32> to vector<1x16xi32>
      tpu.vector_store %arg11[%swap3A_536, %swap3A_537], %swap3A_540 {strides = array<i32>} : memref<1x128xi32, #tpu.memory_space<vmem>>, vector<1x16xi32>,
      %add3A_541 = arith.constant 4 : i32
      %add3A_542 = arith.addi %add3A_18, %add3A_541 : i32
      %get3A_543 = arith.index_cast %add3A_542 : i32 to index
      %get3A_544 = arith.constant 48 : index
      %get3A_545 = tpu.vector_load %arg6[%get3A_543, %get3A_544] {strides = array<i32>} : memref<80x128xi32, #tpu.memory_space<vmem>>, vector<1x16xi32>,
      %get3A_546 = vector.shape_cast %get3A_545 : vector<1x16xi32> to vector<16xi32>
      %shift_right_arithmetic3A_547 = arith.constant 16 : i32
      %shift_right_arithmetic3A_548 = vector.broadcast %shift_right_arithmetic3A_547 : i32 to vector<16xi32>
      %shift_right_arithmetic3A_549 = arith.shrsi %get3A_546, %shift_right_arithmetic3A_548 : vector<16xi32>
      %swap3A_550 = arith.constant 0 : i32
      %swap3A_551 = arith.index_cast %swap3A_550 : i32 to index
      %swap3A_552 = arith.constant 48 : index
      %swap3A_553 = tpu.vector_load %arg11[%swap3A_551, %swap3A_552] {strides = array<i32>} : memref<1x128xi32, #tpu.memory_space<vmem>>, vector<1x16xi32>,
      %swap3A_554 = vector.shape_cast %swap3A_553 : vector<1x16xi32> to vector<16xi32>
      %swap3A_555 = vector.shape_cast %shift_right_arithmetic3A_549 : vector<16xi32> to vector<1x16xi32>
      tpu.vector_store %arg11[%swap3A_551, %swap3A_552], %swap3A_555 {strides = array<i32>} : memref<1x128xi32, #tpu.memory_space<vmem>>, vector<1x16xi32>,
      %add3A_556 = arith.constant 4 : i32
      %add3A_557 = arith.addi %add3A_18, %add3A_556 : i32
      %get3A_558 = arith.index_cast %add3A_557 : i32 to index
      %get3A_559 = arith.constant 64 : index
      %get3A_560 = tpu.vector_load %arg6[%get3A_558, %get3A_559] {strides = array<i32>} : memref<80x128xi32, #tpu.memory_space<vmem>>, vector<1x16xi32>,
      %get3A_561 = vector.shape_cast %get3A_560 : vector<1x16xi32> to vector<16xi32>
      %shift_right_arithmetic3A_562 = arith.constant 16 : i32
      %shift_right_arithmetic3A_563 = vector.broadcast %shift_right_arithmetic3A_562 : i32 to vector<16xi32>
      %shift_right_arithmetic3A_564 = arith.shrsi %get3A_561, %shift_right_arithmetic3A_563 : vector<16xi32>
      %swap3A_565 = arith.constant 0 : i32
      %swap3A_566 = arith.index_cast %swap3A_565 : i32 to index
      %swap3A_567 = arith.constant 64 : index
      %swap3A_568 = tpu.vector_load %arg11[%swap3A_566, %swap3A_567] {strides = array<i32>} : memref<1x128xi32, #tpu.memory_space<vmem>>, vector<1x16xi32>,
      %swap3A_569 = vector.shape_cast %swap3A_568 : vector<1x16xi32> to vector<16xi32>
      %swap3A_570 = vector.shape_cast %shift_right_arithmetic3A_564 : vector<16xi32> to vector<1x16xi32>
      tpu.vector_store %arg11[%swap3A_566, %swap3A_567], %swap3A_570 {strides = array<i32>} : memref<1x128xi32, #tpu.memory_space<vmem>>, vector<1x16xi32>,
      %add3A_571 = arith.constant 4 : i32
      %add3A_572 = arith.addi %add3A_18, %add3A_571 : i32
      %get3A_573 = arith.index_cast %add3A_572 : i32 to index
      %get3A_574 = arith.constant 80 : index
      %get3A_575 = tpu.vector_load %arg6[%get3A_573, %get3A_574] {strides = array<i32>} : memref<80x128xi32, #tpu.memory_space<vmem>>, vector<1x16xi32>,
      %get3A_576 = vector.shape_cast %get3A_575 : vector<1x16xi32> to vector<16xi32>
      %shift_right_arithmetic3A_577 = arith.constant 16 : i32
      %shift_right_arithmetic3A_578 = vector.broadcast %shift_right_arithmetic3A_577 : i32 to vector<16xi32>
      %shift_right_arithmetic3A_579 = arith.shrsi %get3A_576, %shift_right_arithmetic3A_578 : vector<16xi32>
      %swap3A_580 = arith.constant 0 : i32
      %swap3A_581 = arith.index_cast %swap3A_580 : i32 to index
      %swap3A_582 = arith.constant 80 : index
      %swap3A_583 = tpu.vector_load %arg11[%swap3A_581, %swap3A_582] {strides = array<i32>} : memref<1x128xi32, #tpu.memory_space<vmem>>, vector<1x16xi32>,
      %swap3A_584 = vector.shape_cast %swap3A_583 : vector<1x16xi32> to vector<16xi32>
      %swap3A_585 = vector.shape_cast %shift_right_arithmetic3A_579 : vector<16xi32> to vector<1x16xi32>
      tpu.vector_store %arg11[%swap3A_581, %swap3A_582], %swap3A_585 {strides = array<i32>} : memref<1x128xi32, #tpu.memory_space<vmem>>, vector<1x16xi32>,
      %add3A_586 = arith.constant 4 : i32
      %add3A_587 = arith.addi %add3A_18, %add3A_586 : i32
      %get3A_588 = arith.index_cast %add3A_587 : i32 to index
      %get3A_589 = arith.constant 96 : index
      %get3A_590 = tpu.vector_load %arg6[%get3A_588, %get3A_589] {strides = array<i32>} : memref<80x128xi32, #tpu.memory_space<vmem>>, vector<1x16xi32>,
      %get3A_591 = vector.shape_cast %get3A_590 : vector<1x16xi32> to vector<16xi32>
      %shift_right_arithmetic3A_592 = arith.constant 16 : i32
      %shift_right_arithmetic3A_593 = vector.broadcast %shift_right_arithmetic3A_592 : i32 to vector<16xi32>
      %shift_right_arithmetic3A_594 = arith.shrsi %get3A_591, %shift_right_arithmetic3A_593 : vector<16xi32>
      %swap3A_595 = arith.constant 0 : i32
      %swap3A_596 = arith.index_cast %swap3A_595 : i32 to index
      %swap3A_597 = arith.constant 96 : index
      %swap3A_598 = tpu.vector_load %arg11[%swap3A_596, %swap3A_597] {strides = array<i32>} : memref<1x128xi32, #tpu.memory_space<vmem>>, vector<1x16xi32>,
      %swap3A_599 = vector.shape_cast %swap3A_598 : vector<1x16xi32> to vector<16xi32>
      %swap3A_600 = vector.shape_cast %shift_right_arithmetic3A_594 : vector<16xi32> to vector<1x16xi32>
      tpu.vector_store %arg11[%swap3A_596, %swap3A_597], %swap3A_600 {strides = array<i32>} : memref<1x128xi32, #tpu.memory_space<vmem>>, vector<1x16xi32>,
      %add3A_601 = arith.constant 4 : i32
      %add3A_602 = arith.addi %add3A_18, %add3A_601 : i32
      %get3A_603 = arith.index_cast %add3A_602 : i32 to index
      %get3A_604 = arith.constant 112 : index
      %get3A_605 = tpu.vector_load %arg6[%get3A_603, %get3A_604] {strides = array<i32>} : memref<80x128xi32, #tpu.memory_space<vmem>>, vector<1x16xi32>,
      %get3A_606 = vector.shape_cast %get3A_605 : vector<1x16xi32> to vector<16xi32>
      %shift_right_arithmetic3A_607 = arith.constant 16 : i32
      %shift_right_arithmetic3A_608 = vector.broadcast %shift_right_arithmetic3A_607 : i32 to vector<16xi32>
      %shift_right_arithmetic3A_609 = arith.shrsi %get3A_606, %shift_right_arithmetic3A_608 : vector<16xi32>
      %swap3A_610 = arith.constant 0 : i32
      %swap3A_611 = arith.index_cast %swap3A_610 : i32 to index
      %swap3A_612 = arith.constant 112 : index
      %swap3A_613 = tpu.vector_load %arg11[%swap3A_611, %swap3A_612] {strides = array<i32>} : memref<1x128xi32, #tpu.memory_space<vmem>>, vector<1x16xi32>,
      %swap3A_614 = vector.shape_cast %swap3A_613 : vector<1x16xi32> to vector<16xi32>
      %swap3A_615 = vector.shape_cast %shift_right_arithmetic3A_609 : vector<16xi32> to vector<1x16xi32>
      tpu.vector_store %arg11[%swap3A_611, %swap3A_612], %swap3A_615 {strides = array<i32>} : memref<1x128xi32, #tpu.memory_space<vmem>>, vector<1x16xi32>,
      %add3A_616 = arith.constant 5 : i32
      %add3A_617 = arith.addi %add3A_18, %add3A_616 : i32
      %get3A_618 = arith.index_cast %add3A_617 : i32 to index
      %get3A_619 = arith.constant 0 : index
      %get3A_620 = tpu.vector_load %arg6[%get3A_618, %get3A_619] {strides = array<i32>} : memref<80x128xi32, #tpu.memory_space<vmem>>, vector<1x16xi32>,
      %get3A_621 = vector.shape_cast %get3A_620 : vector<1x16xi32> to vector<16xi32>
      %shift_right_arithmetic3A_622 = arith.constant 16 : i32
      %shift_right_arithmetic3A_623 = vector.broadcast %shift_right_arithmetic3A_622 : i32 to vector<16xi32>
      %shift_right_arithmetic3A_624 = arith.shrsi %get3A_621, %shift_right_arithmetic3A_623 : vector<16xi32>
      %swap3A_625 = arith.constant 0 : i32
      %swap3A_626 = arith.index_cast %swap3A_625 : i32 to index
      %swap3A_627 = arith.constant 0 : index
      %swap3A_628 = tpu.vector_load %arg12[%swap3A_626, %swap3A_627] {strides = array<i32>} : memref<1x128xi32, #tpu.memory_space<vmem>>, vector<1x16xi32>,
      %swap3A_629 = vector.shape_cast %swap3A_628 : vector<1x16xi32> to vector<16xi32>
      %swap3A_630 = vector.shape_cast %shift_right_arithmetic3A_624 : vector<16xi32> to vector<1x16xi32>
      tpu.vector_store %arg12[%swap3A_626, %swap3A_627], %swap3A_630 {strides = array<i32>} : memref<1x128xi32, #tpu.memory_space<vmem>>, vector<1x16xi32>,
      %add3A_631 = arith.constant 5 : i32
      %add3A_632 = arith.addi %add3A_18, %add3A_631 : i32
      %get3A_633 = arith.index_cast %add3A_632 : i32 to index
      %get3A_634 = arith.constant 16 : index
      %get3A_635 = tpu.vector_load %arg6[%get3A_633, %get3A_634] {strides = array<i32>} : memref<80x128xi32, #tpu.memory_space<vmem>>, vector<1x16xi32>,
      %get3A_636 = vector.shape_cast %get3A_635 : vector<1x16xi32> to vector<16xi32>
      %shift_right_arithmetic3A_637 = arith.constant 16 : i32
      %shift_right_arithmetic3A_638 = vector.broadcast %shift_right_arithmetic3A_637 : i32 to vector<16xi32>
      %shift_right_arithmetic3A_639 = arith.shrsi %get3A_636, %shift_right_arithmetic3A_638 : vector<16xi32>
      %swap3A_640 = arith.constant 0 : i32
      %swap3A_641 = arith.index_cast %swap3A_640 : i32 to index
      %swap3A_642 = arith.constant 16 : index
      %swap3A_643 = tpu.vector_load %arg12[%swap3A_641, %swap3A_642] {strides = array<i32>} : memref<1x128xi32, #tpu.memory_space<vmem>>, vector<1x16xi32>,
      %swap3A_644 = vector.shape_cast %swap3A_643 : vector<1x16xi32> to vector<16xi32>
      %swap3A_645 = vector.shape_cast %shift_right_arithmetic3A_639 : vector<16xi32> to vector<1x16xi32>
      tpu.vector_store %arg12[%swap3A_641, %swap3A_642], %swap3A_645 {strides = array<i32>} : memref<1x128xi32, #tpu.memory_space<vmem>>, vector<1x16xi32>,
      %add3A_646 = arith.constant 5 : i32
      %add3A_647 = arith.addi %add3A_18, %add3A_646 : i32
      %get3A_648 = arith.index_cast %add3A_647 : i32 to index
      %get3A_649 = arith.constant 32 : index
      %get3A_650 = tpu.vector_load %arg6[%get3A_648, %get3A_649] {strides = array<i32>} : memref<80x128xi32, #tpu.memory_space<vmem>>, vector<1x16xi32>,
      %get3A_651 = vector.shape_cast %get3A_650 : vector<1x16xi32> to vector<16xi32>
      %shift_right_arithmetic3A_652 = arith.constant 16 : i32
      %shift_right_arithmetic3A_653 = vector.broadcast %shift_right_arithmetic3A_652 : i32 to vector<16xi32>
      %shift_right_arithmetic3A_654 = arith.shrsi %get3A_651, %shift_right_arithmetic3A_653 : vector<16xi32>
      %swap3A_655 = arith.constant 0 : i32
      %swap3A_656 = arith.index_cast %swap3A_655 : i32 to index
      %swap3A_657 = arith.constant 32 : index
      %swap3A_658 = tpu.vector_load %arg12[%swap3A_656, %swap3A_657] {strides = array<i32>} : memref<1x128xi32, #tpu.memory_space<vmem>>, vector<1x16xi32>,
      %swap3A_659 = vector.shape_cast %swap3A_658 : vector<1x16xi32> to vector<16xi32>
      %swap3A_660 = vector.shape_cast %shift_right_arithmetic3A_654 : vector<16xi32> to vector<1x16xi32>
      tpu.vector_store %arg12[%swap3A_656, %swap3A_657], %swap3A_660 {strides = array<i32>} : memref<1x128xi32, #tpu.memory_space<vmem>>, vector<1x16xi32>,
      %add3A_661 = arith.constant 5 : i32
      %add3A_662 = arith.addi %add3A_18, %add3A_661 : i32
      %get3A_663 = arith.index_cast %add3A_662 : i32 to index
      %get3A_664 = arith.constant 48 : index
      %get3A_665 = tpu.vector_load %arg6[%get3A_663, %get3A_664] {strides = array<i32>} : memref<80x128xi32, #tpu.memory_space<vmem>>, vector<1x16xi32>,
      %get3A_666 = vector.shape_cast %get3A_665 : vector<1x16xi32> to vector<16xi32>
      %shift_right_arithmetic3A_667 = arith.constant 16 : i32
      %shift_right_arithmetic3A_668 = vector.broadcast %shift_right_arithmetic3A_667 : i32 to vector<16xi32>
      %shift_right_arithmetic3A_669 = arith.shrsi %get3A_666, %shift_right_arithmetic3A_668 : vector<16xi32>
      %swap3A_670 = arith.constant 0 : i32
      %swap3A_671 = arith.index_cast %swap3A_670 : i32 to index
      %swap3A_672 = arith.constant 48 : index
      %swap3A_673 = tpu.vector_load %arg12[%swap3A_671, %swap3A_672] {strides = array<i32>} : memref<1x128xi32, #tpu.memory_space<vmem>>, vector<1x16xi32>,
      %swap3A_674 = vector.shape_cast %swap3A_673 : vector<1x16xi32> to vector<16xi32>
      %swap3A_675 = vector.shape_cast %shift_right_arithmetic3A_669 : vector<16xi32> to vector<1x16xi32>
      tpu.vector_store %arg12[%swap3A_671, %swap3A_672], %swap3A_675 {strides = array<i32>} : memref<1x128xi32, #tpu.memory_space<vmem>>, vector<1x16xi32>,
      %add3A_676 = arith.constant 5 : i32
      %add3A_677 = arith.addi %add3A_18, %add3A_676 : i32
      %get3A_678 = arith.index_cast %add3A_677 : i32 to index
      %get3A_679 = arith.constant 64 : index
      %get3A_680 = tpu.vector_load %arg6[%get3A_678, %get3A_679] {strides = array<i32>} : memref<80x128xi32, #tpu.memory_space<vmem>>, vector<1x16xi32>,
      %get3A_681 = vector.shape_cast %get3A_680 : vector<1x16xi32> to vector<16xi32>
      %shift_right_arithmetic3A_682 = arith.constant 16 : i32
      %shift_right_arithmetic3A_683 = vector.broadcast %shift_right_arithmetic3A_682 : i32 to vector<16xi32>
      %shift_right_arithmetic3A_684 = arith.shrsi %get3A_681, %shift_right_arithmetic3A_683 : vector<16xi32>
      %swap3A_685 = arith.constant 0 : i32
      %swap3A_686 = arith.index_cast %swap3A_685 : i32 to index
      %swap3A_687 = arith.constant 64 : index
      %swap3A_688 = tpu.vector_load %arg12[%swap3A_686, %swap3A_687] {strides = array<i32>} : memref<1x128xi32, #tpu.memory_space<vmem>>, vector<1x16xi32>,
      %swap3A_689 = vector.shape_cast %swap3A_688 : vector<1x16xi32> to vector<16xi32>
      %swap3A_690 = vector.shape_cast %shift_right_arithmetic3A_684 : vector<16xi32> to vector<1x16xi32>
      tpu.vector_store %arg12[%swap3A_686, %swap3A_687], %swap3A_690 {strides = array<i32>} : memref<1x128xi32, #tpu.memory_space<vmem>>, vector<1x16xi32>,
      %add3A_691 = arith.constant 5 : i32
      %add3A_692 = arith.addi %add3A_18, %add3A_691 : i32
      %get3A_693 = arith.index_cast %add3A_692 : i32 to index
      %get3A_694 = arith.constant 80 : index
      %get3A_695 = tpu.vector_load %arg6[%get3A_693, %get3A_694] {strides = array<i32>} : memref<80x128xi32, #tpu.memory_space<vmem>>, vector<1x16xi32>,
      %get3A_696 = vector.shape_cast %get3A_695 : vector<1x16xi32> to vector<16xi32>
      %shift_right_arithmetic3A_697 = arith.constant 16 : i32
      %shift_right_arithmetic3A_698 = vector.broadcast %shift_right_arithmetic3A_697 : i32 to vector<16xi32>
      %shift_right_arithmetic3A_699 = arith.shrsi %get3A_696, %shift_right_arithmetic3A_698 : vector<16xi32>
      %swap3A_700 = arith.constant 0 : i32
      %swap3A_701 = arith.index_cast %swap3A_700 : i32 to index
      %swap3A_702 = arith.constant 80 : index
      %swap3A_703 = tpu.vector_load %arg12[%swap3A_701, %swap3A_702] {strides = array<i32>} : memref<1x128xi32, #tpu.memory_space<vmem>>, vector<1x16xi32>,
      %swap3A_704 = vector.shape_cast %swap3A_703 : vector<1x16xi32> to vector<16xi32>
      %swap3A_705 = vector.shape_cast %shift_right_arithmetic3A_699 : vector<16xi32> to vector<1x16xi32>
      tpu.vector_store %arg12[%swap3A_701, %swap3A_702], %swap3A_705 {strides = array<i32>} : memref<1x128xi32, #tpu.memory_space<vmem>>, vector<1x16xi32>,
      %add3A_706 = arith.constant 5 : i32
      %add3A_707 = arith.addi %add3A_18, %add3A_706 : i32
      %get3A_708 = arith.index_cast %add3A_707 : i32 to index
      %get3A_709 = arith.constant 96 : index
      %get3A_710 = tpu.vector_load %arg6[%get3A_708, %get3A_709] {strides = array<i32>} : memref<80x128xi32, #tpu.memory_space<vmem>>, vector<1x16xi32>,
      %get3A_711 = vector.shape_cast %get3A_710 : vector<1x16xi32> to vector<16xi32>
      %shift_right_arithmetic3A_712 = arith.constant 16 : i32
      %shift_right_arithmetic3A_713 = vector.broadcast %shift_right_arithmetic3A_712 : i32 to vector<16xi32>
      %shift_right_arithmetic3A_714 = arith.shrsi %get3A_711, %shift_right_arithmetic3A_713 : vector<16xi32>
      %swap3A_715 = arith.constant 0 : i32
      %swap3A_716 = arith.index_cast %swap3A_715 : i32 to index
      %swap3A_717 = arith.constant 96 : index
      %swap3A_718 = tpu.vector_load %arg12[%swap3A_716, %swap3A_717] {strides = array<i32>} : memref<1x128xi32, #tpu.memory_space<vmem>>, vector<1x16xi32>,
      %swap3A_719 = vector.shape_cast %swap3A_718 : vector<1x16xi32> to vector<16xi32>
      %swap3A_720 = vector.shape_cast %shift_right_arithmetic3A_714 : vector<16xi32> to vector<1x16xi32>
      tpu.vector_store %arg12[%swap3A_716, %swap3A_717], %swap3A_720 {strides = array<i32>} : memref<1x128xi32, #tpu.memory_space<vmem>>, vector<1x16xi32>,
      %add3A_721 = arith.constant 5 : i32
      %add3A_722 = arith.addi %add3A_18, %add3A_721 : i32
      %get3A_723 = arith.index_cast %add3A_722 : i32 to index
      %get3A_724 = arith.constant 112 : index
      %get3A_725 = tpu.vector_load %arg6[%get3A_723, %get3A_724] {strides = array<i32>} : memref<80x128xi32, #tpu.memory_space<vmem>>, vector<1x16xi32>,
      %get3A_726 = vector.shape_cast %get3A_725 : vector<1x16xi32> to vector<16xi32>
      %shift_right_arithmetic3A_727 = arith.constant 16 : i32
      %shift_right_arithmetic3A_728 = vector.broadcast %shift_right_arithmetic3A_727 : i32 to vector<16xi32>
      %shift_right_arithmetic3A_729 = arith.shrsi %get3A_726, %shift_right_arithmetic3A_728 : vector<16xi32>
      %swap3A_730 = arith.constant 0 : i32
      %swap3A_731 = arith.index_cast %swap3A_730 : i32 to index
      %swap3A_732 = arith.constant 112 : index
      %swap3A_733 = tpu.vector_load %arg12[%swap3A_731, %swap3A_732] {strides = array<i32>} : memref<1x128xi32, #tpu.memory_space<vmem>>, vector<1x16xi32>,
      %swap3A_734 = vector.shape_cast %swap3A_733 : vector<1x16xi32> to vector<16xi32>
      %swap3A_735 = vector.shape_cast %shift_right_arithmetic3A_729 : vector<16xi32> to vector<1x16xi32>
      tpu.vector_store %arg12[%swap3A_731, %swap3A_732], %swap3A_735 {strides = array<i32>} : memref<1x128xi32, #tpu.memory_space<vmem>>, vector<1x16xi32>,
      %add3A_736 = arith.constant 6 : i32
      %add3A_737 = arith.addi %add3A_18, %add3A_736 : i32
      %get3A_738 = arith.index_cast %add3A_737 : i32 to index
      %get3A_739 = arith.constant 0 : index
      %get3A_740 = tpu.vector_load %arg6[%get3A_738, %get3A_739] {strides = array<i32>} : memref<80x128xi32, #tpu.memory_space<vmem>>, vector<1x16xi32>,
      %get3A_741 = vector.shape_cast %get3A_740 : vector<1x16xi32> to vector<16xi32>
      %shift_right_arithmetic3A_742 = arith.constant 16 : i32
      %shift_right_arithmetic3A_743 = vector.broadcast %shift_right_arithmetic3A_742 : i32 to vector<16xi32>
      %shift_right_arithmetic3A_744 = arith.shrsi %get3A_741, %shift_right_arithmetic3A_743 : vector<16xi32>
      %swap3A_745 = arith.constant 0 : i32
      %swap3A_746 = arith.index_cast %swap3A_745 : i32 to index
      %swap3A_747 = arith.constant 0 : index
      %swap3A_748 = tpu.vector_load %arg13[%swap3A_746, %swap3A_747] {strides = array<i32>} : memref<1x128xi32, #tpu.memory_space<vmem>>, vector<1x16xi32>,
      %swap3A_749 = vector.shape_cast %swap3A_748 : vector<1x16xi32> to vector<16xi32>
      %swap3A_750 = vector.shape_cast %shift_right_arithmetic3A_744 : vector<16xi32> to vector<1x16xi32>
      tpu.vector_store %arg13[%swap3A_746, %swap3A_747], %swap3A_750 {strides = array<i32>} : memref<1x128xi32, #tpu.memory_space<vmem>>, vector<1x16xi32>,
      %add3A_751 = arith.constant 6 : i32
      %add3A_752 = arith.addi %add3A_18, %add3A_751 : i32
      %get3A_753 = arith.index_cast %add3A_752 : i32 to index
      %get3A_754 = arith.constant 16 : index
      %get3A_755 = tpu.vector_load %arg6[%get3A_753, %get3A_754] {strides = array<i32>} : memref<80x128xi32, #tpu.memory_space<vmem>>, vector<1x16xi32>,
      %get3A_756 = vector.shape_cast %get3A_755 : vector<1x16xi32> to vector<16xi32>
      %shift_right_arithmetic3A_757 = arith.constant 16 : i32
      %shift_right_arithmetic3A_758 = vector.broadcast %shift_right_arithmetic3A_757 : i32 to vector<16xi32>
      %shift_right_arithmetic3A_759 = arith.shrsi %get3A_756, %shift_right_arithmetic3A_758 : vector<16xi32>
      %swap3A_760 = arith.constant 0 : i32
      %swap3A_761 = arith.index_cast %swap3A_760 : i32 to index
      %swap3A_762 = arith.constant 16 : index
      %swap3A_763 = tpu.vector_load %arg13[%swap3A_761, %swap3A_762] {strides = array<i32>} : memref<1x128xi32, #tpu.memory_space<vmem>>, vector<1x16xi32>,
      %swap3A_764 = vector.shape_cast %swap3A_763 : vector<1x16xi32> to vector<16xi32>
      %swap3A_765 = vector.shape_cast %shift_right_arithmetic3A_759 : vector<16xi32> to vector<1x16xi32>
      tpu.vector_store %arg13[%swap3A_761, %swap3A_762], %swap3A_765 {strides = array<i32>} : memref<1x128xi32, #tpu.memory_space<vmem>>, vector<1x16xi32>,
      %add3A_766 = arith.constant 6 : i32
      %add3A_767 = arith.addi %add3A_18, %add3A_766 : i32
      %get3A_768 = arith.index_cast %add3A_767 : i32 to index
      %get3A_769 = arith.constant 32 : index
      %get3A_770 = tpu.vector_load %arg6[%get3A_768, %get3A_769] {strides = array<i32>} : memref<80x128xi32, #tpu.memory_space<vmem>>, vector<1x16xi32>,
      %get3A_771 = vector.shape_cast %get3A_770 : vector<1x16xi32> to vector<16xi32>
      %shift_right_arithmetic3A_772 = arith.constant 16 : i32
      %shift_right_arithmetic3A_773 = vector.broadcast %shift_right_arithmetic3A_772 : i32 to vector<16xi32>
      %shift_right_arithmetic3A_774 = arith.shrsi %get3A_771, %shift_right_arithmetic3A_773 : vector<16xi32>
      %swap3A_775 = arith.constant 0 : i32
      %swap3A_776 = arith.index_cast %swap3A_775 : i32 to index
      %swap3A_777 = arith.constant 32 : index
      %swap3A_778 = tpu.vector_load %arg13[%swap3A_776, %swap3A_777] {strides = array<i32>} : memref<1x128xi32, #tpu.memory_space<vmem>>, vector<1x16xi32>,
      %swap3A_779 = vector.shape_cast %swap3A_778 : vector<1x16xi32> to vector<16xi32>
      %swap3A_780 = vector.shape_cast %shift_right_arithmetic3A_774 : vector<16xi32> to vector<1x16xi32>
      tpu.vector_store %arg13[%swap3A_776, %swap3A_777], %swap3A_780 {strides = array<i32>} : memref<1x128xi32, #tpu.memory_space<vmem>>, vector<1x16xi32>,
      %add3A_781 = arith.constant 6 : i32
      %add3A_782 = arith.addi %add3A_18, %add3A_781 : i32
      %get3A_783 = arith.index_cast %add3A_782 : i32 to index
      %get3A_784 = arith.constant 48 : index
      %get3A_785 = tpu.vector_load %arg6[%get3A_783, %get3A_784] {strides = array<i32>} : memref<80x128xi32, #tpu.memory_space<vmem>>, vector<1x16xi32>,
      %get3A_786 = vector.shape_cast %get3A_785 : vector<1x16xi32> to vector<16xi32>
      %shift_right_arithmetic3A_787 = arith.constant 16 : i32
      %shift_right_arithmetic3A_788 = vector.broadcast %shift_right_arithmetic3A_787 : i32 to vector<16xi32>
      %shift_right_arithmetic3A_789 = arith.shrsi %get3A_786, %shift_right_arithmetic3A_788 : vector<16xi32>
      %swap3A_790 = arith.constant 0 : i32
      %swap3A_791 = arith.index_cast %swap3A_790 : i32 to index
      %swap3A_792 = arith.constant 48 : index
      %swap3A_793 = tpu.vector_load %arg13[%swap3A_791, %swap3A_792] {strides = array<i32>} : memref<1x128xi32, #tpu.memory_space<vmem>>, vector<1x16xi32>,
      %swap3A_794 = vector.shape_cast %swap3A_793 : vector<1x16xi32> to vector<16xi32>
      %swap3A_795 = vector.shape_cast %shift_right_arithmetic3A_789 : vector<16xi32> to vector<1x16xi32>
      tpu.vector_store %arg13[%swap3A_791, %swap3A_792], %swap3A_795 {strides = array<i32>} : memref<1x128xi32, #tpu.memory_space<vmem>>, vector<1x16xi32>,
      %add3A_796 = arith.constant 6 : i32
      %add3A_797 = arith.addi %add3A_18, %add3A_796 : i32
      %get3A_798 = arith.index_cast %add3A_797 : i32 to index
      %get3A_799 = arith.constant 64 : index
      %get3A_800 = tpu.vector_load %arg6[%get3A_798, %get3A_799] {strides = array<i32>} : memref<80x128xi32, #tpu.memory_space<vmem>>, vector<1x16xi32>,
      %get3A_801 = vector.shape_cast %get3A_800 : vector<1x16xi32> to vector<16xi32>
      %shift_right_arithmetic3A_802 = arith.constant 16 : i32
      %shift_right_arithmetic3A_803 = vector.broadcast %shift_right_arithmetic3A_802 : i32 to vector<16xi32>
      %shift_right_arithmetic3A_804 = arith.shrsi %get3A_801, %shift_right_arithmetic3A_803 : vector<16xi32>
      %swap3A_805 = arith.constant 0 : i32
      %swap3A_806 = arith.index_cast %swap3A_805 : i32 to index
      %swap3A_807 = arith.constant 64 : index
      %swap3A_808 = tpu.vector_load %arg13[%swap3A_806, %swap3A_807] {strides = array<i32>} : memref<1x128xi32, #tpu.memory_space<vmem>>, vector<1x16xi32>,
      %swap3A_809 = vector.shape_cast %swap3A_808 : vector<1x16xi32> to vector<16xi32>
      %swap3A_810 = vector.shape_cast %shift_right_arithmetic3A_804 : vector<16xi32> to vector<1x16xi32>
      tpu.vector_store %arg13[%swap3A_806, %swap3A_807], %swap3A_810 {strides = array<i32>} : memref<1x128xi32, #tpu.memory_space<vmem>>, vector<1x16xi32>,
      %add3A_811 = arith.constant 6 : i32
      %add3A_812 = arith.addi %add3A_18, %add3A_811 : i32
      %get3A_813 = arith.index_cast %add3A_812 : i32 to index
      %get3A_814 = arith.constant 80 : index
      %get3A_815 = tpu.vector_load %arg6[%get3A_813, %get3A_814] {strides = array<i32>} : memref<80x128xi32, #tpu.memory_space<vmem>>, vector<1x16xi32>,
      %get3A_816 = vector.shape_cast %get3A_815 : vector<1x16xi32> to vector<16xi32>
      %shift_right_arithmetic3A_817 = arith.constant 16 : i32
      %shift_right_arithmetic3A_818 = vector.broadcast %shift_right_arithmetic3A_817 : i32 to vector<16xi32>
      %shift_right_arithmetic3A_819 = arith.shrsi %get3A_816, %shift_right_arithmetic3A_818 : vector<16xi32>
      %swap3A_820 = arith.constant 0 : i32
      %swap3A_821 = arith.index_cast %swap3A_820 : i32 to index
      %swap3A_822 = arith.constant 80 : index
      %swap3A_823 = tpu.vector_load %arg13[%swap3A_821, %swap3A_822] {strides = array<i32>} : memref<1x128xi32, #tpu.memory_space<vmem>>, vector<1x16xi32>,
      %swap3A_824 = vector.shape_cast %swap3A_823 : vector<1x16xi32> to vector<16xi32>
      %swap3A_825 = vector.shape_cast %shift_right_arithmetic3A_819 : vector<16xi32> to vector<1x16xi32>
      tpu.vector_store %arg13[%swap3A_821, %swap3A_822], %swap3A_825 {strides = array<i32>} : memref<1x128xi32, #tpu.memory_space<vmem>>, vector<1x16xi32>,
      %add3A_826 = arith.constant 6 : i32
      %add3A_827 = arith.addi %add3A_18, %add3A_826 : i32
      %get3A_828 = arith.index_cast %add3A_827 : i32 to index
      %get3A_829 = arith.constant 96 : index
      %get3A_830 = tpu.vector_load %arg6[%get3A_828, %get3A_829] {strides = array<i32>} : memref<80x128xi32, #tpu.memory_space<vmem>>, vector<1x16xi32>,
      %get3A_831 = vector.shape_cast %get3A_830 : vector<1x16xi32> to vector<16xi32>
      %shift_right_arithmetic3A_832 = arith.constant 16 : i32
      %shift_right_arithmetic3A_833 = vector.broadcast %shift_right_arithmetic3A_832 : i32 to vector<16xi32>
      %shift_right_arithmetic3A_834 = arith.shrsi %get3A_831, %shift_right_arithmetic3A_833 : vector<16xi32>
      %swap3A_835 = arith.constant 0 : i32
      %swap3A_836 = arith.index_cast %swap3A_835 : i32 to index
      %swap3A_837 = arith.constant 96 : index
      %swap3A_838 = tpu.vector_load %arg13[%swap3A_836, %swap3A_837] {strides = array<i32>} : memref<1x128xi32, #tpu.memory_space<vmem>>, vector<1x16xi32>,
      %swap3A_839 = vector.shape_cast %swap3A_838 : vector<1x16xi32> to vector<16xi32>
      %swap3A_840 = vector.shape_cast %shift_right_arithmetic3A_834 : vector<16xi32> to vector<1x16xi32>
      tpu.vector_store %arg13[%swap3A_836, %swap3A_837], %swap3A_840 {strides = array<i32>} : memref<1x128xi32, #tpu.memory_space<vmem>>, vector<1x16xi32>,
      %add3A_841 = arith.constant 6 : i32
      %add3A_842 = arith.addi %add3A_18, %add3A_841 : i32
      %get3A_843 = arith.index_cast %add3A_842 : i32 to index
      %get3A_844 = arith.constant 112 : index
      %get3A_845 = tpu.vector_load %arg6[%get3A_843, %get3A_844] {strides = array<i32>} : memref<80x128xi32, #tpu.memory_space<vmem>>, vector<1x16xi32>,
      %get3A_846 = vector.shape_cast %get3A_845 : vector<1x16xi32> to vector<16xi32>
      %shift_right_arithmetic3A_847 = arith.constant 16 : i32
      %shift_right_arithmetic3A_848 = vector.broadcast %shift_right_arithmetic3A_847 : i32 to vector<16xi32>
      %shift_right_arithmetic3A_849 = arith.shrsi %get3A_846, %shift_right_arithmetic3A_848 : vector<16xi32>
      %swap3A_850 = arith.constant 0 : i32
      %swap3A_851 = arith.index_cast %swap3A_850 : i32 to index
      %swap3A_852 = arith.constant 112 : index
      %swap3A_853 = tpu.vector_load %arg13[%swap3A_851, %swap3A_852] {strides = array<i32>} : memref<1x128xi32, #tpu.memory_space<vmem>>, vector<1x16xi32>,
      %swap3A_854 = vector.shape_cast %swap3A_853 : vector<1x16xi32> to vector<16xi32>
      %swap3A_855 = vector.shape_cast %shift_right_arithmetic3A_849 : vector<16xi32> to vector<1x16xi32>
      tpu.vector_store %arg13[%swap3A_851, %swap3A_852], %swap3A_855 {strides = array<i32>} : memref<1x128xi32, #tpu.memory_space<vmem>>, vector<1x16xi32>,
      %add3A_856 = arith.constant 7 : i32
      %add3A_857 = arith.addi %add3A_18, %add3A_856 : i32
      %get3A_858 = arith.index_cast %add3A_857 : i32 to index
      %get3A_859 = arith.constant 0 : index
      %get3A_860 = tpu.vector_load %arg6[%get3A_858, %get3A_859] {strides = array<i32>} : memref<80x128xi32, #tpu.memory_space<vmem>>, vector<1x16xi32>,
      %get3A_861 = vector.shape_cast %get3A_860 : vector<1x16xi32> to vector<16xi32>
      %shift_right_arithmetic3A_862 = arith.constant 16 : i32
      %shift_right_arithmetic3A_863 = vector.broadcast %shift_right_arithmetic3A_862 : i32 to vector<16xi32>
      %shift_right_arithmetic3A_864 = arith.shrsi %get3A_861, %shift_right_arithmetic3A_863 : vector<16xi32>
      %swap3A_865 = arith.constant 0 : i32
      %swap3A_866 = arith.index_cast %swap3A_865 : i32 to index
      %swap3A_867 = arith.constant 0 : index
      %swap3A_868 = tpu.vector_load %arg14[%swap3A_866, %swap3A_867] {strides = array<i32>} : memref<1x128xi32, #tpu.memory_space<vmem>>, vector<1x16xi32>,
      %swap3A_869 = vector.shape_cast %swap3A_868 : vector<1x16xi32> to vector<16xi32>
      %swap3A_870 = vector.shape_cast %shift_right_arithmetic3A_864 : vector<16xi32> to vector<1x16xi32>
      tpu.vector_store %arg14[%swap3A_866, %swap3A_867], %swap3A_870 {strides = array<i32>} : memref<1x128xi32, #tpu.memory_space<vmem>>, vector<1x16xi32>,
      %add3A_871 = arith.constant 7 : i32
      %add3A_872 = arith.addi %add3A_18, %add3A_871 : i32
      %get3A_873 = arith.index_cast %add3A_872 : i32 to index
      %get3A_874 = arith.constant 16 : index
      %get3A_875 = tpu.vector_load %arg6[%get3A_873, %get3A_874] {strides = array<i32>} : memref<80x128xi32, #tpu.memory_space<vmem>>, vector<1x16xi32>,
      %get3A_876 = vector.shape_cast %get3A_875 : vector<1x16xi32> to vector<16xi32>
      %shift_right_arithmetic3A_877 = arith.constant 16 : i32
      %shift_right_arithmetic3A_878 = vector.broadcast %shift_right_arithmetic3A_877 : i32 to vector<16xi32>
      %shift_right_arithmetic3A_879 = arith.shrsi %get3A_876, %shift_right_arithmetic3A_878 : vector<16xi32>
      %swap3A_880 = arith.constant 0 : i32
      %swap3A_881 = arith.index_cast %swap3A_880 : i32 to index
      %swap3A_882 = arith.constant 16 : index
      %swap3A_883 = tpu.vector_load %arg14[%swap3A_881, %swap3A_882] {strides = array<i32>} : memref<1x128xi32, #tpu.memory_space<vmem>>, vector<1x16xi32>,
      %swap3A_884 = vector.shape_cast %swap3A_883 : vector<1x16xi32> to vector<16xi32>
      %swap3A_885 = vector.shape_cast %shift_right_arithmetic3A_879 : vector<16xi32> to vector<1x16xi32>
      tpu.vector_store %arg14[%swap3A_881, %swap3A_882], %swap3A_885 {strides = array<i32>} : memref<1x128xi32, #tpu.memory_space<vmem>>, vector<1x16xi32>,
      %add3A_886 = arith.constant 7 : i32
      %add3A_887 = arith.addi %add3A_18, %add3A_886 : i32
      %get3A_888 = arith.index_cast %add3A_887 : i32 to index
      %get3A_889 = arith.constant 32 : index
      %get3A_890 = tpu.vector_load %arg6[%get3A_888, %get3A_889] {strides = array<i32>} : memref<80x128xi32, #tpu.memory_space<vmem>>, vector<1x16xi32>,
      %get3A_891 = vector.shape_cast %get3A_890 : vector<1x16xi32> to vector<16xi32>
      %shift_right_arithmetic3A_892 = arith.constant 16 : i32
      %shift_right_arithmetic3A_893 = vector.broadcast %shift_right_arithmetic3A_892 : i32 to vector<16xi32>
      %shift_right_arithmetic3A_894 = arith.shrsi %get3A_891, %shift_right_arithmetic3A_893 : vector<16xi32>
      %swap3A_895 = arith.constant 0 : i32
      %swap3A_896 = arith.index_cast %swap3A_895 : i32 to index
      %swap3A_897 = arith.constant 32 : index
      %swap3A_898 = tpu.vector_load %arg14[%swap3A_896, %swap3A_897] {strides = array<i32>} : memref<1x128xi32, #tpu.memory_space<vmem>>, vector<1x16xi32>,
      %swap3A_899 = vector.shape_cast %swap3A_898 : vector<1x16xi32> to vector<16xi32>
      %swap3A_900 = vector.shape_cast %shift_right_arithmetic3A_894 : vector<16xi32> to vector<1x16xi32>
      tpu.vector_store %arg14[%swap3A_896, %swap3A_897], %swap3A_900 {strides = array<i32>} : memref<1x128xi32, #tpu.memory_space<vmem>>, vector<1x16xi32>,
      %add3A_901 = arith.constant 7 : i32
      %add3A_902 = arith.addi %add3A_18, %add3A_901 : i32
      %get3A_903 = arith.index_cast %add3A_902 : i32 to index
      %get3A_904 = arith.constant 48 : index
      %get3A_905 = tpu.vector_load %arg6[%get3A_903, %get3A_904] {strides = array<i32>} : memref<80x128xi32, #tpu.memory_space<vmem>>, vector<1x16xi32>,
      %get3A_906 = vector.shape_cast %get3A_905 : vector<1x16xi32> to vector<16xi32>
      %shift_right_arithmetic3A_907 = arith.constant 16 : i32
      %shift_right_arithmetic3A_908 = vector.broadcast %shift_right_arithmetic3A_907 : i32 to vector<16xi32>
      %shift_right_arithmetic3A_909 = arith.shrsi %get3A_906, %shift_right_arithmetic3A_908 : vector<16xi32>
      %swap3A_910 = arith.constant 0 : i32
      %swap3A_911 = arith.index_cast %swap3A_910 : i32 to index
      %swap3A_912 = arith.constant 48 : index
      %swap3A_913 = tpu.vector_load %arg14[%swap3A_911, %swap3A_912] {strides = array<i32>} : memref<1x128xi32, #tpu.memory_space<vmem>>, vector<1x16xi32>,
      %swap3A_914 = vector.shape_cast %swap3A_913 : vector<1x16xi32> to vector<16xi32>
      %swap3A_915 = vector.shape_cast %shift_right_arithmetic3A_909 : vector<16xi32> to vector<1x16xi32>
      tpu.vector_store %arg14[%swap3A_911, %swap3A_912], %swap3A_915 {strides = array<i32>} : memref<1x128xi32, #tpu.memory_space<vmem>>, vector<1x16xi32>,
      %add3A_916 = arith.constant 7 : i32
      %add3A_917 = arith.addi %add3A_18, %add3A_916 : i32
      %get3A_918 = arith.index_cast %add3A_917 : i32 to index
      %get3A_919 = arith.constant 64 : index
      %get3A_920 = tpu.vector_load %arg6[%get3A_918, %get3A_919] {strides = array<i32>} : memref<80x128xi32, #tpu.memory_space<vmem>>, vector<1x16xi32>,
      %get3A_921 = vector.shape_cast %get3A_920 : vector<1x16xi32> to vector<16xi32>
      %shift_right_arithmetic3A_922 = arith.constant 16 : i32
      %shift_right_arithmetic3A_923 = vector.broadcast %shift_right_arithmetic3A_922 : i32 to vector<16xi32>
      %shift_right_arithmetic3A_924 = arith.shrsi %get3A_921, %shift_right_arithmetic3A_923 : vector<16xi32>
      %swap3A_925 = arith.constant 0 : i32
      %swap3A_926 = arith.index_cast %swap3A_925 : i32 to index
      %swap3A_927 = arith.constant 64 : index
      %swap3A_928 = tpu.vector_load %arg14[%swap3A_926, %swap3A_927] {strides = array<i32>} : memref<1x128xi32, #tpu.memory_space<vmem>>, vector<1x16xi32>,
      %swap3A_929 = vector.shape_cast %swap3A_928 : vector<1x16xi32> to vector<16xi32>
      %swap3A_930 = vector.shape_cast %shift_right_arithmetic3A_924 : vector<16xi32> to vector<1x16xi32>
      tpu.vector_store %arg14[%swap3A_926, %swap3A_927], %swap3A_930 {strides = array<i32>} : memref<1x128xi32, #tpu.memory_space<vmem>>, vector<1x16xi32>,
      %add3A_931 = arith.constant 7 : i32
      %add3A_932 = arith.addi %add3A_18, %add3A_931 : i32
      %get3A_933 = arith.index_cast %add3A_932 : i32 to index
      %get3A_934 = arith.constant 80 : index
      %get3A_935 = tpu.vector_load %arg6[%get3A_933, %get3A_934] {strides = array<i32>} : memref<80x128xi32, #tpu.memory_space<vmem>>, vector<1x16xi32>,
      %get3A_936 = vector.shape_cast %get3A_935 : vector<1x16xi32> to vector<16xi32>
      %shift_right_arithmetic3A_937 = arith.constant 16 : i32
      %shift_right_arithmetic3A_938 = vector.broadcast %shift_right_arithmetic3A_937 : i32 to vector<16xi32>
      %shift_right_arithmetic3A_939 = arith.shrsi %get3A_936, %shift_right_arithmetic3A_938 : vector<16xi32>
      %swap3A_940 = arith.constant 0 : i32
      %swap3A_941 = arith.index_cast %swap3A_940 : i32 to index
      %swap3A_942 = arith.constant 80 : index
      %swap3A_943 = tpu.vector_load %arg14[%swap3A_941, %swap3A_942] {strides = array<i32>} : memref<1x128xi32, #tpu.memory_space<vmem>>, vector<1x16xi32>,
      %swap3A_944 = vector.shape_cast %swap3A_943 : vector<1x16xi32> to vector<16xi32>
      %swap3A_945 = vector.shape_cast %shift_right_arithmetic3A_939 : vector<16xi32> to vector<1x16xi32>
      tpu.vector_store %arg14[%swap3A_941, %swap3A_942], %swap3A_945 {strides = array<i32>} : memref<1x128xi32, #tpu.memory_space<vmem>>, vector<1x16xi32>,
      %add3A_946 = arith.constant 7 : i32
      %add3A_947 = arith.addi %add3A_18, %add3A_946 : i32
      %get3A_948 = arith.index_cast %add3A_947 : i32 to index
      %get3A_949 = arith.constant 96 : index
      %get3A_950 = tpu.vector_load %arg6[%get3A_948, %get3A_949] {strides = array<i32>} : memref<80x128xi32, #tpu.memory_space<vmem>>, vector<1x16xi32>,
      %get3A_951 = vector.shape_cast %get3A_950 : vector<1x16xi32> to vector<16xi32>
      %shift_right_arithmetic3A_952 = arith.constant 16 : i32
      %shift_right_arithmetic3A_953 = vector.broadcast %shift_right_arithmetic3A_952 : i32 to vector<16xi32>
      %shift_right_arithmetic3A_954 = arith.shrsi %get3A_951, %shift_right_arithmetic3A_953 : vector<16xi32>
      %swap3A_955 = arith.constant 0 : i32
      %swap3A_956 = arith.index_cast %swap3A_955 : i32 to index
      %swap3A_957 = arith.constant 96 : index
      %swap3A_958 = tpu.vector_load %arg14[%swap3A_956, %swap3A_957] {strides = array<i32>} : memref<1x128xi32, #tpu.memory_space<vmem>>, vector<1x16xi32>,
      %swap3A_959 = vector.shape_cast %swap3A_958 : vector<1x16xi32> to vector<16xi32>
      %swap3A_960 = vector.shape_cast %shift_right_arithmetic3A_954 : vector<16xi32> to vector<1x16xi32>
      tpu.vector_store %arg14[%swap3A_956, %swap3A_957], %swap3A_960 {strides = array<i32>} : memref<1x128xi32, #tpu.memory_space<vmem>>, vector<1x16xi32>,
      %add3A_961 = arith.constant 7 : i32
      %add3A_962 = arith.addi %add3A_18, %add3A_961 : i32
      %get3A_963 = arith.index_cast %add3A_962 : i32 to index
      %get3A_964 = arith.constant 112 : index
      %get3A_965 = tpu.vector_load %arg6[%get3A_963, %get3A_964] {strides = array<i32>} : memref<80x128xi32, #tpu.memory_space<vmem>>, vector<1x16xi32>,
      %get3A_966 = vector.shape_cast %get3A_965 : vector<1x16xi32> to vector<16xi32>
      %shift_right_arithmetic3A_967 = arith.constant 16 : i32
      %shift_right_arithmetic3A_968 = vector.broadcast %shift_right_arithmetic3A_967 : i32 to vector<16xi32>
      %shift_right_arithmetic3A_969 = arith.shrsi %get3A_966, %shift_right_arithmetic3A_968 : vector<16xi32>
      %swap3A_970 = arith.constant 0 : i32
      %swap3A_971 = arith.index_cast %swap3A_970 : i32 to index
      %swap3A_972 = arith.constant 112 : index
      %swap3A_973 = tpu.vector_load %arg14[%swap3A_971, %swap3A_972] {strides = array<i32>} : memref<1x128xi32, #tpu.memory_space<vmem>>, vector<1x16xi32>,
      %swap3A_974 = vector.shape_cast %swap3A_973 : vector<1x16xi32> to vector<16xi32>
      %swap3A_975 = vector.shape_cast %shift_right_arithmetic3A_969 : vector<16xi32> to vector<1x16xi32>
      tpu.vector_store %arg14[%swap3A_971, %swap3A_972], %swap3A_975 {strides = array<i32>} : memref<1x128xi32, #tpu.memory_space<vmem>>, vector<1x16xi32>,
      %dma_start3A = arith.constant 0 : i32
      %dma_start3A_976 = arith.constant 0 : i32
      %dma_start3A_977 = arith.constant 0 : i32
      %dma_start3A_978 = tpu.memref_slice %arg7[%dma_start3A, %dma_start3A_977] : memref<1x128xi32, #tpu.memory_space<vmem>> -> memref<1x128xi32, #tpu.memory_space<vmem>>
      %dma_start3A_979 = tpu.memref_squeeze %dma_start3A_978 : memref<1x128xi32, #tpu.memory_space<vmem>> -> memref<128xi32, #tpu.memory_space<vmem>>
      %dma_start3A_980 = arith.constant 0 : i32
      %dma_start3A_981 = arith.constant 0 : i32
      %dma_start3A_982 = tpu.memref_slice %arg16[%dma_start3A_980, %dma_start3A_981] : memref<10240x16xf32, #tpu.memory_space<vmem_shared>> -> memref<10240x16xf32, #tpu.memory_space<vmem_shared>>
      %dma_start3A_983 = tpu.memref_slice %arg17[%dma_start3A_976] : memref<1x!tpu.dma_semaphore, #tpu.memory_space<semaphore_mem>> -> memref<1x!tpu.dma_semaphore, #tpu.memory_space<semaphore_mem>>
      %dma_start3A_984 = tpu.memref_squeeze %dma_start3A_983 : memref<1x!tpu.dma_semaphore, #tpu.memory_space<semaphore_mem>> -> memref<!tpu.dma_semaphore, #tpu.memory_space<semaphore_mem>>
      tpu.enqueue_indirect_dma source(%arg15 : memref<128x16xf32, #tpu.memory_space<vmem>>) target(%dma_start3A_982 : memref<10240x16xf32, #tpu.memory_space<vmem_shared>>) offsets(%dma_start3A_979 : memref<128xi32, #tpu.memory_space<vmem>>) semaphore(%dma_start3A_984 : memref<!tpu.dma_semaphore, #tpu.memory_space<semaphore_mem>>) {add = true}
      %dma_start3A_985 = arith.constant 0 : i32
      %dma_start3A_986 = arith.constant 0 : i32
      %dma_start3A_987 = arith.constant 0 : i32
      %dma_start3A_988 = tpu.memref_slice %arg8[%dma_start3A_985, %dma_start3A_987] : memref<1x128xi32, #tpu.memory_space<vmem>> -> memref<1x128xi32, #tpu.memory_space<vmem>>
      %dma_start3A_989 = tpu.memref_squeeze %dma_start3A_988 : memref<1x128xi32, #tpu.memory_space<vmem>> -> memref<128xi32, #tpu.memory_space<vmem>>
      %dma_start3A_990 = arith.constant 0 : i32
      %dma_start3A_991 = arith.constant 0 : i32
      %dma_start3A_992 = tpu.memref_slice %arg16[%dma_start3A_990, %dma_start3A_991] : memref<10240x16xf32, #tpu.memory_space<vmem_shared>> -> memref<10240x16xf32, #tpu.memory_space<vmem_shared>>
      %dma_start3A_993 = tpu.memref_slice %arg17[%dma_start3A_986] : memref<1x!tpu.dma_semaphore, #tpu.memory_space<semaphore_mem>> -> memref<1x!tpu.dma_semaphore, #tpu.memory_space<semaphore_mem>>
      %dma_start3A_994 = tpu.memref_squeeze %dma_start3A_993 : memref<1x!tpu.dma_semaphore, #tpu.memory_space<semaphore_mem>> -> memref<!tpu.dma_semaphore, #tpu.memory_space<semaphore_mem>>
      tpu.enqueue_indirect_dma source(%arg15 : memref<128x16xf32, #tpu.memory_space<vmem>>) target(%dma_start3A_992 : memref<10240x16xf32, #tpu.memory_space<vmem_shared>>) offsets(%dma_start3A_989 : memref<128xi32, #tpu.memory_space<vmem>>) semaphore(%dma_start3A_994 : memref<!tpu.dma_semaphore, #tpu.memory_space<semaphore_mem>>) {add = true}
      %dma_start3A_995 = arith.constant 0 : i32
      %dma_start3A_996 = arith.constant 0 : i32
      %dma_start3A_997 = arith.constant 0 : i32
      %dma_start3A_998 = tpu.memref_slice %arg9[%dma_start3A_995, %dma_start3A_997] : memref<1x128xi32, #tpu.memory_space<vmem>> -> memref<1x128xi32, #tpu.memory_space<vmem>>
      %dma_start3A_999 = tpu.memref_squeeze %dma_start3A_998 : memref<1x128xi32, #tpu.memory_space<vmem>> -> memref<128xi32, #tpu.memory_space<vmem>>
      %dma_start3A_1000 = arith.constant 0 : i32
      %dma_start3A_1001 = arith.constant 0 : i32
      %dma_start3A_1002 = tpu.memref_slice %arg16[%dma_start3A_1000, %dma_start3A_1001] : memref<10240x16xf32, #tpu.memory_space<vmem_shared>> -> memref<10240x16xf32, #tpu.memory_space<vmem_shared>>
      %dma_start3A_1003 = tpu.memref_slice %arg17[%dma_start3A_996] : memref<1x!tpu.dma_semaphore, #tpu.memory_space<semaphore_mem>> -> memref<1x!tpu.dma_semaphore, #tpu.memory_space<semaphore_mem>>
      %dma_start3A_1004 = tpu.memref_squeeze %dma_start3A_1003 : memref<1x!tpu.dma_semaphore, #tpu.memory_space<semaphore_mem>> -> memref<!tpu.dma_semaphore, #tpu.memory_space<semaphore_mem>>
      tpu.enqueue_indirect_dma source(%arg15 : memref<128x16xf32, #tpu.memory_space<vmem>>) target(%dma_start3A_1002 : memref<10240x16xf32, #tpu.memory_space<vmem_shared>>) offsets(%dma_start3A_999 : memref<128xi32, #tpu.memory_space<vmem>>) semaphore(%dma_start3A_1004 : memref<!tpu.dma_semaphore, #tpu.memory_space<semaphore_mem>>) {add = true}
      %dma_start3A_1005 = arith.constant 0 : i32
      %dma_start3A_1006 = arith.constant 0 : i32
      %dma_start3A_1007 = arith.constant 0 : i32
      %dma_start3A_1008 = tpu.memref_slice %arg10[%dma_start3A_1005, %dma_start3A_1007] : memref<1x128xi32, #tpu.memory_space<vmem>> -> memref<1x128xi32, #tpu.memory_space<vmem>>
      %dma_start3A_1009 = tpu.memref_squeeze %dma_start3A_1008 : memref<1x128xi32, #tpu.memory_space<vmem>> -> memref<128xi32, #tpu.memory_space<vmem>>
      %dma_start3A_1010 = arith.constant 0 : i32
      %dma_start3A_1011 = arith.constant 0 : i32
      %dma_start3A_1012 = tpu.memref_slice %arg16[%dma_start3A_1010, %dma_start3A_1011] : memref<10240x16xf32, #tpu.memory_space<vmem_shared>> -> memref<10240x16xf32, #tpu.memory_space<vmem_shared>>
      %dma_start3A_1013 = tpu.memref_slice %arg17[%dma_start3A_1006] : memref<1x!tpu.dma_semaphore, #tpu.memory_space<semaphore_mem>> -> memref<1x!tpu.dma_semaphore, #tpu.memory_space<semaphore_mem>>
      %dma_start3A_1014 = tpu.memref_squeeze %dma_start3A_1013 : memref<1x!tpu.dma_semaphore, #tpu.memory_space<semaphore_mem>> -> memref<!tpu.dma_semaphore, #tpu.memory_space<semaphore_mem>>
      tpu.enqueue_indirect_dma source(%arg15 : memref<128x16xf32, #tpu.memory_space<vmem>>) target(%dma_start3A_1012 : memref<10240x16xf32, #tpu.memory_space<vmem_shared>>) offsets(%dma_start3A_1009 : memref<128xi32, #tpu.memory_space<vmem>>) semaphore(%dma_start3A_1014 : memref<!tpu.dma_semaphore, #tpu.memory_space<semaphore_mem>>) {add = true}
      %dma_start3A_1015 = arith.constant 0 : i32
      %dma_start3A_1016 = arith.constant 0 : i32
      %dma_start3A_1017 = arith.constant 0 : i32
      %dma_start3A_1018 = tpu.memref_slice %arg11[%dma_start3A_1015, %dma_start3A_1017] : memref<1x128xi32, #tpu.memory_space<vmem>> -> memref<1x128xi32, #tpu.memory_space<vmem>>
      %dma_start3A_1019 = tpu.memref_squeeze %dma_start3A_1018 : memref<1x128xi32, #tpu.memory_space<vmem>> -> memref<128xi32, #tpu.memory_space<vmem>>
      %dma_start3A_1020 = arith.constant 0 : i32
      %dma_start3A_1021 = arith.constant 0 : i32
      %dma_start3A_1022 = tpu.memref_slice %arg16[%dma_start3A_1020, %dma_start3A_1021] : memref<10240x16xf32, #tpu.memory_space<vmem_shared>> -> memref<10240x16xf32, #tpu.memory_space<vmem_shared>>
      %dma_start3A_1023 = tpu.memref_slice %arg17[%dma_start3A_1016] : memref<1x!tpu.dma_semaphore, #tpu.memory_space<semaphore_mem>> -> memref<1x!tpu.dma_semaphore, #tpu.memory_space<semaphore_mem>>
      %dma_start3A_1024 = tpu.memref_squeeze %dma_start3A_1023 : memref<1x!tpu.dma_semaphore, #tpu.memory_space<semaphore_mem>> -> memref<!tpu.dma_semaphore, #tpu.memory_space<semaphore_mem>>
      tpu.enqueue_indirect_dma source(%arg15 : memref<128x16xf32, #tpu.memory_space<vmem>>) target(%dma_start3A_1022 : memref<10240x16xf32, #tpu.memory_space<vmem_shared>>) offsets(%dma_start3A_1019 : memref<128xi32, #tpu.memory_space<vmem>>) semaphore(%dma_start3A_1024 : memref<!tpu.dma_semaphore, #tpu.memory_space<semaphore_mem>>) {add = true}
      %dma_start3A_1025 = arith.constant 0 : i32
      %dma_start3A_1026 = arith.constant 0 : i32
      %dma_start3A_1027 = arith.constant 0 : i32
      %dma_start3A_1028 = tpu.memref_slice %arg12[%dma_start3A_1025, %dma_start3A_1027] : memref<1x128xi32, #tpu.memory_space<vmem>> -> memref<1x128xi32, #tpu.memory_space<vmem>>
      %dma_start3A_1029 = tpu.memref_squeeze %dma_start3A_1028 : memref<1x128xi32, #tpu.memory_space<vmem>> -> memref<128xi32, #tpu.memory_space<vmem>>
      %dma_start3A_1030 = arith.constant 0 : i32
      %dma_start3A_1031 = arith.constant 0 : i32
      %dma_start3A_1032 = tpu.memref_slice %arg16[%dma_start3A_1030, %dma_start3A_1031] : memref<10240x16xf32, #tpu.memory_space<vmem_shared>> -> memref<10240x16xf32, #tpu.memory_space<vmem_shared>>
      %dma_start3A_1033 = tpu.memref_slice %arg17[%dma_start3A_1026] : memref<1x!tpu.dma_semaphore, #tpu.memory_space<semaphore_mem>> -> memref<1x!tpu.dma_semaphore, #tpu.memory_space<semaphore_mem>>
      %dma_start3A_1034 = tpu.memref_squeeze %dma_start3A_1033 : memref<1x!tpu.dma_semaphore, #tpu.memory_space<semaphore_mem>> -> memref<!tpu.dma_semaphore, #tpu.memory_space<semaphore_mem>>
      tpu.enqueue_indirect_dma source(%arg15 : memref<128x16xf32, #tpu.memory_space<vmem>>) target(%dma_start3A_1032 : memref<10240x16xf32, #tpu.memory_space<vmem_shared>>) offsets(%dma_start3A_1029 : memref<128xi32, #tpu.memory_space<vmem>>) semaphore(%dma_start3A_1034 : memref<!tpu.dma_semaphore, #tpu.memory_space<semaphore_mem>>) {add = true}
      %dma_start3A_1035 = arith.constant 0 : i32
      %dma_start3A_1036 = arith.constant 0 : i32
      %dma_start3A_1037 = arith.constant 0 : i32
      %dma_start3A_1038 = tpu.memref_slice %arg13[%dma_start3A_1035, %dma_start3A_1037] : memref<1x128xi32, #tpu.memory_space<vmem>> -> memref<1x128xi32, #tpu.memory_space<vmem>>
      %dma_start3A_1039 = tpu.memref_squeeze %dma_start3A_1038 : memref<1x128xi32, #tpu.memory_space<vmem>> -> memref<128xi32, #tpu.memory_space<vmem>>
      %dma_start3A_1040 = arith.constant 0 : i32
      %dma_start3A_1041 = arith.constant 0 : i32
      %dma_start3A_1042 = tpu.memref_slice %arg16[%dma_start3A_1040, %dma_start3A_1041] : memref<10240x16xf32, #tpu.memory_space<vmem_shared>> -> memref<10240x16xf32, #tpu.memory_space<vmem_shared>>
      %dma_start3A_1043 = tpu.memref_slice %arg17[%dma_start3A_1036] : memref<1x!tpu.dma_semaphore, #tpu.memory_space<semaphore_mem>> -> memref<1x!tpu.dma_semaphore, #tpu.memory_space<semaphore_mem>>
      %dma_start3A_1044 = tpu.memref_squeeze %dma_start3A_1043 : memref<1x!tpu.dma_semaphore, #tpu.memory_space<semaphore_mem>> -> memref<!tpu.dma_semaphore, #tpu.memory_space<semaphore_mem>>
      tpu.enqueue_indirect_dma source(%arg15 : memref<128x16xf32, #tpu.memory_space<vmem>>) target(%dma_start3A_1042 : memref<10240x16xf32, #tpu.memory_space<vmem_shared>>) offsets(%dma_start3A_1039 : memref<128xi32, #tpu.memory_space<vmem>>) semaphore(%dma_start3A_1044 : memref<!tpu.dma_semaphore, #tpu.memory_space<semaphore_mem>>) {add = true}
      %dma_start3A_1045 = arith.constant 0 : i32
      %dma_start3A_1046 = arith.constant 0 : i32
      %dma_start3A_1047 = arith.constant 0 : i32
      %dma_start3A_1048 = tpu.memref_slice %arg14[%dma_start3A_1045, %dma_start3A_1047] : memref<1x128xi32, #tpu.memory_space<vmem>> -> memref<1x128xi32, #tpu.memory_space<vmem>>
      %dma_start3A_1049 = tpu.memref_squeeze %dma_start3A_1048 : memref<1x128xi32, #tpu.memory_space<vmem>> -> memref<128xi32, #tpu.memory_space<vmem>>
      %dma_start3A_1050 = arith.constant 0 : i32
      %dma_start3A_1051 = arith.constant 0 : i32
      %dma_start3A_1052 = tpu.memref_slice %arg16[%dma_start3A_1050, %dma_start3A_1051] : memref<10240x16xf32, #tpu.memory_space<vmem_shared>> -> memref<10240x16xf32, #tpu.memory_space<vmem_shared>>
      %dma_start3A_1053 = tpu.memref_slice %arg17[%dma_start3A_1046] : memref<1x!tpu.dma_semaphore, #tpu.memory_space<semaphore_mem>> -> memref<1x!tpu.dma_semaphore, #tpu.memory_space<semaphore_mem>>
      %dma_start3A_1054 = tpu.memref_squeeze %dma_start3A_1053 : memref<1x!tpu.dma_semaphore, #tpu.memory_space<semaphore_mem>> -> memref<!tpu.dma_semaphore, #tpu.memory_space<semaphore_mem>>
      tpu.enqueue_indirect_dma source(%arg15 : memref<128x16xf32, #tpu.memory_space<vmem>>) target(%dma_start3A_1052 : memref<10240x16xf32, #tpu.memory_space<vmem_shared>>) offsets(%dma_start3A_1049 : memref<128xi32, #tpu.memory_space<vmem>>) semaphore(%dma_start3A_1054 : memref<!tpu.dma_semaphore, #tpu.memory_space<semaphore_mem>>) {add = true}
      %dma_wait3A = arith.constant 0 : i32
      %dma_wait3A_1055 = arith.constant 0 : i32
      %dma_wait3A_1056 = arith.constant 0 : i32
      %dma_wait3A_1057 = tpu.memref_slice %arg7[%dma_wait3A, %dma_wait3A_1056] : memref<1x128xi32, #tpu.memory_space<vmem>> -> memref<1x128xi32, #tpu.memory_space<vmem>>
      %dma_wait3A_1058 = tpu.memref_squeeze %dma_wait3A_1057 : memref<1x128xi32, #tpu.memory_space<vmem>> -> memref<128xi32, #tpu.memory_space<vmem>>
      %dma_wait3A_1059 = arith.constant 0 : i32
      %dma_wait3A_1060 = arith.constant 0 : i32
      %dma_wait3A_1061 = tpu.memref_slice %arg16[%dma_wait3A_1059, %dma_wait3A_1060] : memref<10240x16xf32, #tpu.memory_space<vmem_shared>> -> memref<10240x16xf32, #tpu.memory_space<vmem_shared>>
      %dma_wait3A_1062 = tpu.memref_slice %arg17[%dma_wait3A_1055] : memref<1x!tpu.dma_semaphore, #tpu.memory_space<semaphore_mem>> -> memref<1x!tpu.dma_semaphore, #tpu.memory_space<semaphore_mem>>
      %dma_wait3A_1063 = tpu.memref_squeeze %dma_wait3A_1062 : memref<1x!tpu.dma_semaphore, #tpu.memory_space<semaphore_mem>> -> memref<!tpu.dma_semaphore, #tpu.memory_space<semaphore_mem>>
      tpu.wait_indirect_dma semaphore(%dma_wait3A_1063 : memref<!tpu.dma_semaphore, #tpu.memory_space<semaphore_mem>>) src(%arg15 : memref<128x16xf32, #tpu.memory_space<vmem>>) dst(%dma_wait3A_1061 : memref<10240x16xf32, #tpu.memory_space<vmem_shared>>)
      %dma_wait3A_1064 = arith.constant 0 : i32
      %dma_wait3A_1065 = arith.constant 0 : i32
      %dma_wait3A_1066 = arith.constant 0 : i32
      %dma_wait3A_1067 = tpu.memref_slice %arg8[%dma_wait3A_1064, %dma_wait3A_1066] : memref<1x128xi32, #tpu.memory_space<vmem>> -> memref<1x128xi32, #tpu.memory_space<vmem>>
      %dma_wait3A_1068 = tpu.memref_squeeze %dma_wait3A_1067 : memref<1x128xi32, #tpu.memory_space<vmem>> -> memref<128xi32, #tpu.memory_space<vmem>>
      %dma_wait3A_1069 = arith.constant 0 : i32
      %dma_wait3A_1070 = arith.constant 0 : i32
      %dma_wait3A_1071 = tpu.memref_slice %arg16[%dma_wait3A_1069, %dma_wait3A_1070] : memref<10240x16xf32, #tpu.memory_space<vmem_shared>> -> memref<10240x16xf32, #tpu.memory_space<vmem_shared>>
      %dma_wait3A_1072 = tpu.memref_slice %arg17[%dma_wait3A_1065] : memref<1x!tpu.dma_semaphore, #tpu.memory_space<semaphore_mem>> -> memref<1x!tpu.dma_semaphore, #tpu.memory_space<semaphore_mem>>
      %dma_wait3A_1073 = tpu.memref_squeeze %dma_wait3A_1072 : memref<1x!tpu.dma_semaphore, #tpu.memory_space<semaphore_mem>> -> memref<!tpu.dma_semaphore, #tpu.memory_space<semaphore_mem>>
      tpu.wait_indirect_dma semaphore(%dma_wait3A_1073 : memref<!tpu.dma_semaphore, #tpu.memory_space<semaphore_mem>>) src(%arg15 : memref<128x16xf32, #tpu.memory_space<vmem>>) dst(%dma_wait3A_1071 : memref<10240x16xf32, #tpu.memory_space<vmem_shared>>)
      %dma_wait3A_1074 = arith.constant 0 : i32
      %dma_wait3A_1075 = arith.constant 0 : i32
      %dma_wait3A_1076 = arith.constant 0 : i32
      %dma_wait3A_1077 = tpu.memref_slice %arg9[%dma_wait3A_1074, %dma_wait3A_1076] : memref<1x128xi32, #tpu.memory_space<vmem>> -> memref<1x128xi32, #tpu.memory_space<vmem>>
      %dma_wait3A_1078 = tpu.memref_squeeze %dma_wait3A_1077 : memref<1x128xi32, #tpu.memory_space<vmem>> -> memref<128xi32, #tpu.memory_space<vmem>>
      %dma_wait3A_1079 = arith.constant 0 : i32
      %dma_wait3A_1080 = arith.constant 0 : i32
      %dma_wait3A_1081 = tpu.memref_slice %arg16[%dma_wait3A_1079, %dma_wait3A_1080] : memref<10240x16xf32, #tpu.memory_space<vmem_shared>> -> memref<10240x16xf32, #tpu.memory_space<vmem_shared>>
      %dma_wait3A_1082 = tpu.memref_slice %arg17[%dma_wait3A_1075] : memref<1x!tpu.dma_semaphore, #tpu.memory_space<semaphore_mem>> -> memref<1x!tpu.dma_semaphore, #tpu.memory_space<semaphore_mem>>
      %dma_wait3A_1083 = tpu.memref_squeeze %dma_wait3A_1082 : memref<1x!tpu.dma_semaphore, #tpu.memory_space<semaphore_mem>> -> memref<!tpu.dma_semaphore, #tpu.memory_space<semaphore_mem>>
      tpu.wait_indirect_dma semaphore(%dma_wait3A_1083 : memref<!tpu.dma_semaphore, #tpu.memory_space<semaphore_mem>>) src(%arg15 : memref<128x16xf32, #tpu.memory_space<vmem>>) dst(%dma_wait3A_1081 : memref<10240x16xf32, #tpu.memory_space<vmem_shared>>)
      %dma_wait3A_1084 = arith.constant 0 : i32
      %dma_wait3A_1085 = arith.constant 0 : i32
      %dma_wait3A_1086 = arith.constant 0 : i32
      %dma_wait3A_1087 = tpu.memref_slice %arg10[%dma_wait3A_1084, %dma_wait3A_1086] : memref<1x128xi32, #tpu.memory_space<vmem>> -> memref<1x128xi32, #tpu.memory_space<vmem>>
      %dma_wait3A_1088 = tpu.memref_squeeze %dma_wait3A_1087 : memref<1x128xi32, #tpu.memory_space<vmem>> -> memref<128xi32, #tpu.memory_space<vmem>>
      %dma_wait3A_1089 = arith.constant 0 : i32
      %dma_wait3A_1090 = arith.constant 0 : i32
      %dma_wait3A_1091 = tpu.memref_slice %arg16[%dma_wait3A_1089, %dma_wait3A_1090] : memref<10240x16xf32, #tpu.memory_space<vmem_shared>> -> memref<10240x16xf32, #tpu.memory_space<vmem_shared>>
      %dma_wait3A_1092 = tpu.memref_slice %arg17[%dma_wait3A_1085] : memref<1x!tpu.dma_semaphore, #tpu.memory_space<semaphore_mem>> -> memref<1x!tpu.dma_semaphore, #tpu.memory_space<semaphore_mem>>
      %dma_wait3A_1093 = tpu.memref_squeeze %dma_wait3A_1092 : memref<1x!tpu.dma_semaphore, #tpu.memory_space<semaphore_mem>> -> memref<!tpu.dma_semaphore, #tpu.memory_space<semaphore_mem>>
      tpu.wait_indirect_dma semaphore(%dma_wait3A_1093 : memref<!tpu.dma_semaphore, #tpu.memory_space<semaphore_mem>>) src(%arg15 : memref<128x16xf32, #tpu.memory_space<vmem>>) dst(%dma_wait3A_1091 : memref<10240x16xf32, #tpu.memory_space<vmem_shared>>)
      %dma_wait3A_1094 = arith.constant 0 : i32
      %dma_wait3A_1095 = arith.constant 0 : i32
      %dma_wait3A_1096 = arith.constant 0 : i32
      %dma_wait3A_1097 = tpu.memref_slice %arg11[%dma_wait3A_1094, %dma_wait3A_1096] : memref<1x128xi32, #tpu.memory_space<vmem>> -> memref<1x128xi32, #tpu.memory_space<vmem>>
      %dma_wait3A_1098 = tpu.memref_squeeze %dma_wait3A_1097 : memref<1x128xi32, #tpu.memory_space<vmem>> -> memref<128xi32, #tpu.memory_space<vmem>>
      %dma_wait3A_1099 = arith.constant 0 : i32
      %dma_wait3A_1100 = arith.constant 0 : i32
      %dma_wait3A_1101 = tpu.memref_slice %arg16[%dma_wait3A_1099, %dma_wait3A_1100] : memref<10240x16xf32, #tpu.memory_space<vmem_shared>> -> memref<10240x16xf32, #tpu.memory_space<vmem_shared>>
      %dma_wait3A_1102 = tpu.memref_slice %arg17[%dma_wait3A_1095] : memref<1x!tpu.dma_semaphore, #tpu.memory_space<semaphore_mem>> -> memref<1x!tpu.dma_semaphore, #tpu.memory_space<semaphore_mem>>
      %dma_wait3A_1103 = tpu.memref_squeeze %dma_wait3A_1102 : memref<1x!tpu.dma_semaphore, #tpu.memory_space<semaphore_mem>> -> memref<!tpu.dma_semaphore, #tpu.memory_space<semaphore_mem>>
      tpu.wait_indirect_dma semaphore(%dma_wait3A_1103 : memref<!tpu.dma_semaphore, #tpu.memory_space<semaphore_mem>>) src(%arg15 : memref<128x16xf32, #tpu.memory_space<vmem>>) dst(%dma_wait3A_1101 : memref<10240x16xf32, #tpu.memory_space<vmem_shared>>)
      %dma_wait3A_1104 = arith.constant 0 : i32
      %dma_wait3A_1105 = arith.constant 0 : i32
      %dma_wait3A_1106 = arith.constant 0 : i32
      %dma_wait3A_1107 = tpu.memref_slice %arg12[%dma_wait3A_1104, %dma_wait3A_1106] : memref<1x128xi32, #tpu.memory_space<vmem>> -> memref<1x128xi32, #tpu.memory_space<vmem>>
      %dma_wait3A_1108 = tpu.memref_squeeze %dma_wait3A_1107 : memref<1x128xi32, #tpu.memory_space<vmem>> -> memref<128xi32, #tpu.memory_space<vmem>>
      %dma_wait3A_1109 = arith.constant 0 : i32
      %dma_wait3A_1110 = arith.constant 0 : i32
      %dma_wait3A_1111 = tpu.memref_slice %arg16[%dma_wait3A_1109, %dma_wait3A_1110] : memref<10240x16xf32, #tpu.memory_space<vmem_shared>> -> memref<10240x16xf32, #tpu.memory_space<vmem_shared>>
      %dma_wait3A_1112 = tpu.memref_slice %arg17[%dma_wait3A_1105] : memref<1x!tpu.dma_semaphore, #tpu.memory_space<semaphore_mem>> -> memref<1x!tpu.dma_semaphore, #tpu.memory_space<semaphore_mem>>
      %dma_wait3A_1113 = tpu.memref_squeeze %dma_wait3A_1112 : memref<1x!tpu.dma_semaphore, #tpu.memory_space<semaphore_mem>> -> memref<!tpu.dma_semaphore, #tpu.memory_space<semaphore_mem>>
      tpu.wait_indirect_dma semaphore(%dma_wait3A_1113 : memref<!tpu.dma_semaphore, #tpu.memory_space<semaphore_mem>>) src(%arg15 : memref<128x16xf32, #tpu.memory_space<vmem>>) dst(%dma_wait3A_1111 : memref<10240x16xf32, #tpu.memory_space<vmem_shared>>)
      %dma_wait3A_1114 = arith.constant 0 : i32
      %dma_wait3A_1115 = arith.constant 0 : i32
      %dma_wait3A_1116 = arith.constant 0 : i32
      %dma_wait3A_1117 = tpu.memref_slice %arg13[%dma_wait3A_1114, %dma_wait3A_1116] : memref<1x128xi32, #tpu.memory_space<vmem>> -> memref<1x128xi32, #tpu.memory_space<vmem>>
      %dma_wait3A_1118 = tpu.memref_squeeze %dma_wait3A_1117 : memref<1x128xi32, #tpu.memory_space<vmem>> -> memref<128xi32, #tpu.memory_space<vmem>>
      %dma_wait3A_1119 = arith.constant 0 : i32
      %dma_wait3A_1120 = arith.constant 0 : i32
      %dma_wait3A_1121 = tpu.memref_slice %arg16[%dma_wait3A_1119, %dma_wait3A_1120] : memref<10240x16xf32, #tpu.memory_space<vmem_shared>> -> memref<10240x16xf32, #tpu.memory_space<vmem_shared>>
      %dma_wait3A_1122 = tpu.memref_slice %arg17[%dma_wait3A_1115] : memref<1x!tpu.dma_semaphore, #tpu.memory_space<semaphore_mem>> -> memref<1x!tpu.dma_semaphore, #tpu.memory_space<semaphore_mem>>
      %dma_wait3A_1123 = tpu.memref_squeeze %dma_wait3A_1122 : memref<1x!tpu.dma_semaphore, #tpu.memory_space<semaphore_mem>> -> memref<!tpu.dma_semaphore, #tpu.memory_space<semaphore_mem>>
      tpu.wait_indirect_dma semaphore(%dma_wait3A_1123 : memref<!tpu.dma_semaphore, #tpu.memory_space<semaphore_mem>>) src(%arg15 : memref<128x16xf32, #tpu.memory_space<vmem>>) dst(%dma_wait3A_1121 : memref<10240x16xf32, #tpu.memory_space<vmem_shared>>)
      %dma_wait3A_1124 = arith.constant 0 : i32
      %dma_wait3A_1125 = arith.constant 0 : i32
      %dma_wait3A_1126 = arith.constant 0 : i32
      %dma_wait3A_1127 = tpu.memref_slice %arg14[%dma_wait3A_1124, %dma_wait3A_1126] : memref<1x128xi32, #tpu.memory_space<vmem>> -> memref<1x128xi32, #tpu.memory_space<vmem>>
      %dma_wait3A_1128 = tpu.memref_squeeze %dma_wait3A_1127 : memref<1x128xi32, #tpu.memory_space<vmem>> -> memref<128xi32, #tpu.memory_space<vmem>>
      %dma_wait3A_1129 = arith.constant 0 : i32
      %dma_wait3A_1130 = arith.constant 0 : i32
      %dma_wait3A_1131 = tpu.memref_slice %arg16[%dma_wait3A_1129, %dma_wait3A_1130] : memref<10240x16xf32, #tpu.memory_space<vmem_shared>> -> memref<10240x16xf32, #tpu.memory_space<vmem_shared>>
      %dma_wait3A_1132 = tpu.memref_slice %arg17[%dma_wait3A_1125] : memref<1x!tpu.dma_semaphore, #tpu.memory_space<semaphore_mem>> -> memref<1x!tpu.dma_semaphore, #tpu.memory_space<semaphore_mem>>
      %dma_wait3A_1133 = tpu.memref_squeeze %dma_wait3A_1132 : memref<1x!tpu.dma_semaphore, #tpu.memory_space<semaphore_mem>> -> memref<!tpu.dma_semaphore, #tpu.memory_space<semaphore_mem>>
      tpu.wait_indirect_dma semaphore(%dma_wait3A_1133 : memref<!tpu.dma_semaphore, #tpu.memory_space<semaphore_mem>>) src(%arg15 : memref<128x16xf32, #tpu.memory_space<vmem>>) dst(%dma_wait3A_1131 : memref<10240x16xf32, #tpu.memory_space<vmem_shared>>)
    }
    %scan3A_8 = arith.constant 10 : i32
    %barrier3A_9 = arith.constant 0 : index
    tpu.barrier barrier_id(%barrier3A_9)
    %mul3A_10 = arith.constant 640 : i32
    %mul3A_11 = arith.muli %arg1, %mul3A_10 : i32
    %mul3A_12 = arith.constant 640 : i32
    %mul3A_13 = arith.muli %arg1, %mul3A_12 : i32
    "tpu.region"() ({
      %run_scoped3A = tpu.sem_alloc : memref<!tpu.dma_semaphore, #tpu.memory_space<semaphore_mem>>
      %dma_start3A = arith.constant 0 : i32
      %dma_start3A_14 = tpu.memref_slice %arg5[%arg0, %mul3A_13, %dma_start3A] : memref<2x10240x16xf32, #tpu.memory_space<hbm>> -> memref<1x640x16xf32, #tpu.memory_space<hbm>>
      %dma_start3A_15 = tpu.memref_squeeze %dma_start3A_14 : memref<1x640x16xf32, #tpu.memory_space<hbm>> -> memref<640x16xf32, #tpu.memory_space<hbm>>
      %dma_start3A_16 = arith.constant 0 : i32
      %dma_start3A_17 = tpu.memref_slice %arg16[%mul3A_11, %dma_start3A_16] : memref<10240x16xf32, #tpu.memory_space<vmem_shared>> -> memref<640x16xf32, #tpu.memory_space<vmem_shared>>
      tpu.enqueue_dma source(%dma_start3A_17 : memref<640x16xf32, #tpu.memory_space<vmem_shared>>) target(%dma_start3A_15 : memref<640x16xf32, #tpu.memory_space<hbm>>) target_semaphore(%run_scoped3A : memref<!tpu.dma_semaphore, #tpu.memory_space<semaphore_mem>>)
      %dma_wait3A = arith.constant 0 : i32
      %dma_wait3A_18 = tpu.memref_slice %arg5[%arg0, %mul3A_13, %dma_wait3A] : memref<2x10240x16xf32, #tpu.memory_space<hbm>> -> memref<1x640x16xf32, #tpu.memory_space<hbm>>
      %dma_wait3A_19 = tpu.memref_squeeze %dma_wait3A_18 : memref<1x640x16xf32, #tpu.memory_space<hbm>> -> memref<640x16xf32, #tpu.memory_space<hbm>>
      %dma_wait3A_20 = arith.constant 0 : i32
      %dma_wait3A_21 = tpu.memref_slice %arg16[%mul3A_11, %dma_wait3A_20] : memref<10240x16xf32, #tpu.memory_space<vmem_shared>> -> memref<640x16xf32, #tpu.memory_space<vmem_shared>>
      tpu.wait_dma2 semaphore(%run_scoped3A : memref<!tpu.dma_semaphore, #tpu.memory_space<semaphore_mem>>) src(%dma_wait3A_21 : memref<640x16xf32, #tpu.memory_space<vmem_shared>>) dst(%dma_wait3A_19 : memref<640x16xf32, #tpu.memory_space<hbm>>)
      tpu.yield
    }) : () -> ()
    return
  }
}

#map = affine_map<(d0, d1) -> (0, 0)>
#map1 = affine_map<(d0, d1) -> (0, 0, 0)>
module attributes {stable_mosaic.version = 14 : i64} {
  func.func @k(%arg0: i32, %arg1: i32, %arg2: memref<10240x64xf32, #tpu.memory_space<hbm>>, %arg3: memref<32x80x128xi32, #tpu.memory_space<hbm>>, %arg4: memref<10240x64xf32, #tpu.memory_space<hbm>>, %arg5: memref<2x10240x64xf32, #tpu.memory_space<hbm>>, %arg6: memref<80x128xi32, #tpu.memory_space<vmem>>, %arg7: memref<1x128xi32, #tpu.memory_space<vmem>>, %arg8: memref<1x128xi32, #tpu.memory_space<vmem>>, %arg9: memref<1x128xi32, #tpu.memory_space<vmem>>, %arg10: memref<1x128xi32, #tpu.memory_space<vmem>>, %arg11: memref<128xi32, #tpu.memory_space<vmem>>, %arg12: memref<128xi32, #tpu.memory_space<vmem>>, %arg13: memref<128xi32, #tpu.memory_space<vmem>>, %arg14: memref<128xi32, #tpu.memory_space<vmem>>, %arg15: memref<128x64xf32, #tpu.memory_space<vmem>>, %arg16: memref<128x64xf32, #tpu.memory_space<vmem>>, %arg17: memref<128x64xf32, #tpu.memory_space<vmem>>, %arg18: memref<128x64xf32, #tpu.memory_space<vmem>>, %arg19: memref<10240x64xf32, #tpu.memory_space<vmem_shared>>, %arg20: memref<4x!tpu.dma_semaphore, #tpu.memory_space<semaphore_mem>>, %arg21: memref<4x!tpu.dma_semaphore, #tpu.memory_space<semaphore_mem>>, %arg22: memref<10240x64xf32, #tpu.memory_space<vmem_shared>>) attributes {dimension_semantics = [#tpu.dimension_semantics<core_parallel>, #tpu.dimension_semantics<subcore_parallel>], iteration_bounds = array<i64: 2, 16>, scalar_prefetch = 0 : i64, scratch_operands = 17 : i64, tpu.core_type = #tpu.core_type<sc_vector_subcore>, window_params = [{transform_indices = #map}, {transform_indices = #map1}, {transform_indices = #map}, {transform_indices = #map1}]} {
    %mul3A = arith.constant 16 : i32
    %mul3A_0 = arith.muli %arg0, %mul3A : i32
    %add3A = arith.addi %mul3A_0, %arg1 : i32
    %mul3A_1 = arith.constant 640 : i32
    %mul3A_2 = arith.muli %arg1, %mul3A_1 : i32
    %mul3A_3 = arith.constant 640 : i32
    %mul3A_4 = arith.muli %arg1, %mul3A_3 : i32
    "tpu.region"() ({
      %run_scoped3A = tpu.sem_alloc : memref<!tpu.dma_semaphore, #tpu.memory_space<semaphore_mem>>
      %dma_start3A_88 = arith.constant 0 : i32
      %dma_start3A_89 = tpu.memref_slice %arg19[%mul3A_4, %dma_start3A_88] : memref<10240x64xf32, #tpu.memory_space<vmem_shared>> -> memref<640x64xf32, #tpu.memory_space<vmem_shared>>
      %dma_start3A_90 = arith.constant 0 : i32
      %dma_start3A_91 = tpu.memref_slice %arg4[%mul3A_2, %dma_start3A_90] : memref<10240x64xf32, #tpu.memory_space<hbm>> -> memref<640x64xf32, #tpu.memory_space<hbm>>
      tpu.enqueue_dma source(%dma_start3A_91 : memref<640x64xf32, #tpu.memory_space<hbm>>) target(%dma_start3A_89 : memref<640x64xf32, #tpu.memory_space<vmem_shared>>) target_semaphore(%run_scoped3A : memref<!tpu.dma_semaphore, #tpu.memory_space<semaphore_mem>>)
      %dma_wait3A_92 = arith.constant 0 : i32
      %dma_wait3A_93 = tpu.memref_slice %arg19[%mul3A_4, %dma_wait3A_92] : memref<10240x64xf32, #tpu.memory_space<vmem_shared>> -> memref<640x64xf32, #tpu.memory_space<vmem_shared>>
      %dma_wait3A_94 = arith.constant 0 : i32
      %dma_wait3A_95 = tpu.memref_slice %arg4[%mul3A_2, %dma_wait3A_94] : memref<10240x64xf32, #tpu.memory_space<hbm>> -> memref<640x64xf32, #tpu.memory_space<hbm>>
      tpu.wait_dma2 semaphore(%run_scoped3A : memref<!tpu.dma_semaphore, #tpu.memory_space<semaphore_mem>>) src(%dma_wait3A_95 : memref<640x64xf32, #tpu.memory_space<hbm>>) dst(%dma_wait3A_93 : memref<640x64xf32, #tpu.memory_space<vmem_shared>>)
      tpu.yield
    }) : () -> ()
    %mul3A_5 = arith.constant 640 : i32
    %mul3A_6 = arith.muli %arg1, %mul3A_5 : i32
    %mul3A_7 = arith.constant 640 : i32
    %mul3A_8 = arith.muli %arg1, %mul3A_7 : i32
    "tpu.region"() ({
      %run_scoped3A = tpu.sem_alloc : memref<!tpu.dma_semaphore, #tpu.memory_space<semaphore_mem>>
      %dma_start3A_88 = arith.constant 0 : i32
      %dma_start3A_89 = tpu.memref_slice %arg22[%mul3A_8, %dma_start3A_88] : memref<10240x64xf32, #tpu.memory_space<vmem_shared>> -> memref<640x64xf32, #tpu.memory_space<vmem_shared>>
      %dma_start3A_90 = arith.constant 0 : i32
      %dma_start3A_91 = tpu.memref_slice %arg2[%mul3A_6, %dma_start3A_90] : memref<10240x64xf32, #tpu.memory_space<hbm>> -> memref<640x64xf32, #tpu.memory_space<hbm>>
      tpu.enqueue_dma source(%dma_start3A_91 : memref<640x64xf32, #tpu.memory_space<hbm>>) target(%dma_start3A_89 : memref<640x64xf32, #tpu.memory_space<vmem_shared>>) target_semaphore(%run_scoped3A : memref<!tpu.dma_semaphore, #tpu.memory_space<semaphore_mem>>)
      %dma_wait3A_92 = arith.constant 0 : i32
      %dma_wait3A_93 = tpu.memref_slice %arg22[%mul3A_8, %dma_wait3A_92] : memref<10240x64xf32, #tpu.memory_space<vmem_shared>> -> memref<640x64xf32, #tpu.memory_space<vmem_shared>>
      %dma_wait3A_94 = arith.constant 0 : i32
      %dma_wait3A_95 = tpu.memref_slice %arg2[%mul3A_6, %dma_wait3A_94] : memref<10240x64xf32, #tpu.memory_space<hbm>> -> memref<640x64xf32, #tpu.memory_space<hbm>>
      tpu.wait_dma2 semaphore(%run_scoped3A : memref<!tpu.dma_semaphore, #tpu.memory_space<semaphore_mem>>) src(%dma_wait3A_95 : memref<640x64xf32, #tpu.memory_space<hbm>>) dst(%dma_wait3A_93 : memref<640x64xf32, #tpu.memory_space<vmem_shared>>)
      tpu.yield
    }) : () -> ()
    "tpu.region"() ({
      %run_scoped3A = tpu.sem_alloc : memref<!tpu.dma_semaphore, #tpu.memory_space<semaphore_mem>>
      %dma_start3A_88 = arith.constant 0 : i32
      %dma_start3A_89 = arith.constant 0 : i32
      %dma_start3A_90 = tpu.memref_slice %arg3[%add3A, %dma_start3A_88, %dma_start3A_89] : memref<32x80x128xi32, #tpu.memory_space<hbm>> -> memref<1x80x128xi32, #tpu.memory_space<hbm>>
      %dma_start3A_91 = tpu.memref_squeeze %dma_start3A_90 : memref<1x80x128xi32, #tpu.memory_space<hbm>> -> memref<80x128xi32, #tpu.memory_space<hbm>>
      %dma_start3A_92 = arith.constant 0 : i32
      %dma_start3A_93 = arith.constant 0 : i32
      %dma_start3A_94 = tpu.memref_slice %arg3[%add3A, %dma_start3A_92, %dma_start3A_93] : memref<32x80x128xi32, #tpu.memory_space<hbm>> -> memref<1x80x128xi32, #tpu.memory_space<hbm>>
      %dma_start3A_95 = tpu.memref_squeeze %dma_start3A_94 : memref<1x80x128xi32, #tpu.memory_space<hbm>> -> memref<80x128xi32, #tpu.memory_space<hbm>>
      tpu.enqueue_dma source(%dma_start3A_95 : memref<80x128xi32, #tpu.memory_space<hbm>>) target(%arg6 : memref<80x128xi32, #tpu.memory_space<vmem>>) target_semaphore(%run_scoped3A : memref<!tpu.dma_semaphore, #tpu.memory_space<semaphore_mem>>)
      %dma_wait3A_96 = arith.constant 0 : i32
      %dma_wait3A_97 = arith.constant 0 : i32
      %dma_wait3A_98 = tpu.memref_slice %arg3[%add3A, %dma_wait3A_96, %dma_wait3A_97] : memref<32x80x128xi32, #tpu.memory_space<hbm>> -> memref<1x80x128xi32, #tpu.memory_space<hbm>>
      %dma_wait3A_99 = tpu.memref_squeeze %dma_wait3A_98 : memref<1x80x128xi32, #tpu.memory_space<hbm>> -> memref<80x128xi32, #tpu.memory_space<hbm>>
      %dma_wait3A_100 = arith.constant 0 : i32
      %dma_wait3A_101 = arith.constant 0 : i32
      %dma_wait3A_102 = tpu.memref_slice %arg3[%add3A, %dma_wait3A_100, %dma_wait3A_101] : memref<32x80x128xi32, #tpu.memory_space<hbm>> -> memref<1x80x128xi32, #tpu.memory_space<hbm>>
      %dma_wait3A_103 = tpu.memref_squeeze %dma_wait3A_102 : memref<1x80x128xi32, #tpu.memory_space<hbm>> -> memref<80x128xi32, #tpu.memory_space<hbm>>
      tpu.wait_dma2 semaphore(%run_scoped3A : memref<!tpu.dma_semaphore, #tpu.memory_space<semaphore_mem>>) src(%dma_wait3A_103 : memref<80x128xi32, #tpu.memory_space<hbm>>) dst(%arg6 : memref<80x128xi32, #tpu.memory_space<vmem>>)
      tpu.yield
    }) : () -> ()
    %barrier3A = arith.constant 0 : index
    tpu.barrier barrier_id(%barrier3A)
    %scan3A = arith.constant 0 : i32
    %scan3A_9 = arith.constant 20 : i32
    %scan3A_10 = arith.addi %scan3A, %scan3A_9 : i32
    %scan3A_11 = arith.constant 1 : i32
    scf.for %scan3A_88 = %scan3A to %scan3A_10 step %scan3A_11  : i32 {
      %mul3A_89 = arith.constant 4 : i32
      %mul3A_90 = arith.muli %scan3A_88, %mul3A_89 : i32
      %add3A_91 = arith.constant 0 : i32
      %add3A_92 = arith.addi %add3A_91, %mul3A_90 : i32
      %add3A_93 = arith.constant 0 : i32
      %add3A_94 = arith.addi %add3A_92, %add3A_93 : i32
      %ge3A = arith.constant 4 : i32
      %ge3A_95 = arith.cmpi sge, %add3A_92, %ge3A : i32
      %convert_element_type3A = arith.extui %ge3A_95 : i1 to i32
      %cond3A = arith.constant 0 : i32
      %cond3A_96 = arith.cmpi ne, %convert_element_type3A, %cond3A : i32
      scf.if %cond3A_96 {
        %dma_wait3A_820 = arith.constant 2 : i32
        %dma_wait3A_821 = arith.constant 0 : i32
        %dma_wait3A_822 = arith.constant 0 : i32
        %dma_wait3A_823 = tpu.memref_slice %arg22[%dma_wait3A_821, %dma_wait3A_822] : memref<10240x64xf32, #tpu.memory_space<vmem_shared>> -> memref<10240x64xf32, #tpu.memory_space<vmem_shared>>
        %dma_wait3A_824 = tpu.memref_slice %arg20[%dma_wait3A_820] : memref<4x!tpu.dma_semaphore, #tpu.memory_space<semaphore_mem>> -> memref<1x!tpu.dma_semaphore, #tpu.memory_space<semaphore_mem>>
        %dma_wait3A_825 = tpu.memref_squeeze %dma_wait3A_824 : memref<1x!tpu.dma_semaphore, #tpu.memory_space<semaphore_mem>> -> memref<!tpu.dma_semaphore, #tpu.memory_space<semaphore_mem>>
        tpu.wait_indirect_dma semaphore(%dma_wait3A_825 : memref<!tpu.dma_semaphore, #tpu.memory_space<semaphore_mem>>) src(%dma_wait3A_823 : memref<10240x64xf32, #tpu.memory_space<vmem_shared>>) dst(%arg17 : memref<128x64xf32, #tpu.memory_space<vmem>>)
        %dma_start3A_826 = arith.constant 0 : i32
        %dma_start3A_827 = arith.constant 2 : i32
        %dma_start3A_828 = arith.constant 0 : i32
        %dma_start3A_829 = tpu.memref_slice %arg9[%dma_start3A_826, %dma_start3A_828] : memref<1x128xi32, #tpu.memory_space<vmem>> -> memref<1x128xi32, #tpu.memory_space<vmem>>
        %dma_start3A_830 = tpu.memref_squeeze %dma_start3A_829 : memref<1x128xi32, #tpu.memory_space<vmem>> -> memref<128xi32, #tpu.memory_space<vmem>>
        %dma_start3A_831 = arith.constant 0 : i32
        %dma_start3A_832 = arith.constant 0 : i32
        %dma_start3A_833 = tpu.memref_slice %arg19[%dma_start3A_831, %dma_start3A_832] : memref<10240x64xf32, #tpu.memory_space<vmem_shared>> -> memref<10240x64xf32, #tpu.memory_space<vmem_shared>>
        %dma_start3A_834 = tpu.memref_slice %arg21[%dma_start3A_827] : memref<4x!tpu.dma_semaphore, #tpu.memory_space<semaphore_mem>> -> memref<1x!tpu.dma_semaphore, #tpu.memory_space<semaphore_mem>>
        %dma_start3A_835 = tpu.memref_squeeze %dma_start3A_834 : memref<1x!tpu.dma_semaphore, #tpu.memory_space<semaphore_mem>> -> memref<!tpu.dma_semaphore, #tpu.memory_space<semaphore_mem>>
        tpu.enqueue_indirect_dma source(%arg17 : memref<128x64xf32, #tpu.memory_space<vmem>>) target(%dma_start3A_833 : memref<10240x64xf32, #tpu.memory_space<vmem_shared>>) offsets(%dma_start3A_830 : memref<128xi32, #tpu.memory_space<vmem>>) semaphore(%dma_start3A_835 : memref<!tpu.dma_semaphore, #tpu.memory_space<semaphore_mem>>) {add = true}
      } else {
      }
      %ge3A_97 = arith.constant 4 : i32
      %ge3A_98 = arith.cmpi sge, %add3A_92, %ge3A_97 : i32
      %convert_element_type3A_99 = arith.extui %ge3A_98 : i1 to i32
      %cond3A_100 = arith.constant 0 : i32
      %cond3A_101 = arith.cmpi ne, %convert_element_type3A_99, %cond3A_100 : i32
      scf.if %cond3A_101 {
        %dma_wait3A_820 = arith.constant 0 : i32
        %dma_wait3A_821 = arith.constant 0 : i32
        %dma_wait3A_822 = arith.constant 0 : i32
        %dma_wait3A_823 = tpu.memref_slice %arg7[%dma_wait3A_820, %dma_wait3A_822] : memref<1x128xi32, #tpu.memory_space<vmem>> -> memref<1x128xi32, #tpu.memory_space<vmem>>
        %dma_wait3A_824 = tpu.memref_squeeze %dma_wait3A_823 : memref<1x128xi32, #tpu.memory_space<vmem>> -> memref<128xi32, #tpu.memory_space<vmem>>
        %dma_wait3A_825 = arith.constant 0 : i32
        %dma_wait3A_826 = arith.constant 0 : i32
        %dma_wait3A_827 = tpu.memref_slice %arg19[%dma_wait3A_825, %dma_wait3A_826] : memref<10240x64xf32, #tpu.memory_space<vmem_shared>> -> memref<10240x64xf32, #tpu.memory_space<vmem_shared>>
        %dma_wait3A_828 = tpu.memref_slice %arg21[%dma_wait3A_821] : memref<4x!tpu.dma_semaphore, #tpu.memory_space<semaphore_mem>> -> memref<1x!tpu.dma_semaphore, #tpu.memory_space<semaphore_mem>>
        %dma_wait3A_829 = tpu.memref_squeeze %dma_wait3A_828 : memref<1x!tpu.dma_semaphore, #tpu.memory_space<semaphore_mem>> -> memref<!tpu.dma_semaphore, #tpu.memory_space<semaphore_mem>>
        tpu.wait_indirect_dma semaphore(%dma_wait3A_829 : memref<!tpu.dma_semaphore, #tpu.memory_space<semaphore_mem>>) src(%arg15 : memref<128x64xf32, #tpu.memory_space<vmem>>) dst(%dma_wait3A_827 : memref<10240x64xf32, #tpu.memory_space<vmem_shared>>)
      } else {
      }
      %get3A = arith.index_cast %add3A_94 : i32 to index
      %get3A_102 = arith.constant 0 : index
      %get3A_103 = tpu.vector_load %arg6[%get3A, %get3A_102] {strides = array<i32>} : memref<80x128xi32, #tpu.memory_space<vmem>>, vector<1x16xi32>,
      %get3A_104 = vector.shape_cast %get3A_103 : vector<1x16xi32> to vector<16xi32>
      %and3A = arith.constant 65535 : i32
      %and3A_105 = vector.broadcast %and3A : i32 to vector<16xi32>
      %and3A_106 = arith.andi %get3A_104, %and3A_105 : vector<16xi32>
      %swap3A = arith.constant 0 : index
      %swap3A_107 = tpu.vector_load %arg11[%swap3A] {strides = array<i32>} : memref<128xi32, #tpu.memory_space<vmem>>, vector<16xi32>,
      %swap3A_108 = vector.shape_cast %swap3A_107 : vector<16xi32> to vector<16xi32>
      %swap3A_109 = vector.shape_cast %and3A_106 : vector<16xi32> to vector<16xi32>
      tpu.vector_store %arg11[%swap3A], %swap3A_109 {strides = array<i32>} : memref<128xi32, #tpu.memory_space<vmem>>, vector<16xi32>,
      %shift_right_arithmetic3A = arith.constant 16 : i32
      %shift_right_arithmetic3A_110 = vector.broadcast %shift_right_arithmetic3A : i32 to vector<16xi32>
      %shift_right_arithmetic3A_111 = arith.shrsi %get3A_104, %shift_right_arithmetic3A_110 : vector<16xi32>
      %swap3A_112 = arith.constant 0 : i32
      %swap3A_113 = arith.index_cast %swap3A_112 : i32 to index
      %swap3A_114 = arith.constant 0 : index
      %swap3A_115 = tpu.vector_load %arg7[%swap3A_113, %swap3A_114] {strides = array<i32>} : memref<1x128xi32, #tpu.memory_space<vmem>>, vector<1x16xi32>,
      %swap3A_116 = vector.shape_cast %swap3A_115 : vector<1x16xi32> to vector<16xi32>
      %swap3A_117 = vector.shape_cast %shift_right_arithmetic3A_111 : vector<16xi32> to vector<1x16xi32>
      tpu.vector_store %arg7[%swap3A_113, %swap3A_114], %swap3A_117 {strides = array<i32>} : memref<1x128xi32, #tpu.memory_space<vmem>>, vector<1x16xi32>,
      %get3A_118 = arith.index_cast %add3A_94 : i32 to index
      %get3A_119 = arith.constant 16 : index
      %get3A_120 = tpu.vector_load %arg6[%get3A_118, %get3A_119] {strides = array<i32>} : memref<80x128xi32, #tpu.memory_space<vmem>>, vector<1x16xi32>,
      %get3A_121 = vector.shape_cast %get3A_120 : vector<1x16xi32> to vector<16xi32>
      %and3A_122 = arith.constant 65535 : i32
      %and3A_123 = vector.broadcast %and3A_122 : i32 to vector<16xi32>
      %and3A_124 = arith.andi %get3A_121, %and3A_123 : vector<16xi32>
      %swap3A_125 = arith.constant 16 : index
      %swap3A_126 = tpu.vector_load %arg11[%swap3A_125] {strides = array<i32>} : memref<128xi32, #tpu.memory_space<vmem>>, vector<16xi32>,
      %swap3A_127 = vector.shape_cast %swap3A_126 : vector<16xi32> to vector<16xi32>
      %swap3A_128 = vector.shape_cast %and3A_124 : vector<16xi32> to vector<16xi32>
      tpu.vector_store %arg11[%swap3A_125], %swap3A_128 {strides = array<i32>} : memref<128xi32, #tpu.memory_space<vmem>>, vector<16xi32>,
      %shift_right_arithmetic3A_129 = arith.constant 16 : i32
      %shift_right_arithmetic3A_130 = vector.broadcast %shift_right_arithmetic3A_129 : i32 to vector<16xi32>
      %shift_right_arithmetic3A_131 = arith.shrsi %get3A_121, %shift_right_arithmetic3A_130 : vector<16xi32>
      %swap3A_132 = arith.constant 0 : i32
      %swap3A_133 = arith.index_cast %swap3A_132 : i32 to index
      %swap3A_134 = arith.constant 16 : index
      %swap3A_135 = tpu.vector_load %arg7[%swap3A_133, %swap3A_134] {strides = array<i32>} : memref<1x128xi32, #tpu.memory_space<vmem>>, vector<1x16xi32>,
      %swap3A_136 = vector.shape_cast %swap3A_135 : vector<1x16xi32> to vector<16xi32>
      %swap3A_137 = vector.shape_cast %shift_right_arithmetic3A_131 : vector<16xi32> to vector<1x16xi32>
      tpu.vector_store %arg7[%swap3A_133, %swap3A_134], %swap3A_137 {strides = array<i32>} : memref<1x128xi32, #tpu.memory_space<vmem>>, vector<1x16xi32>,
      %get3A_138 = arith.index_cast %add3A_94 : i32 to index
      %get3A_139 = arith.constant 32 : index
      %get3A_140 = tpu.vector_load %arg6[%get3A_138, %get3A_139] {strides = array<i32>} : memref<80x128xi32, #tpu.memory_space<vmem>>, vector<1x16xi32>,
      %get3A_141 = vector.shape_cast %get3A_140 : vector<1x16xi32> to vector<16xi32>
      %and3A_142 = arith.constant 65535 : i32
      %and3A_143 = vector.broadcast %and3A_142 : i32 to vector<16xi32>
      %and3A_144 = arith.andi %get3A_141, %and3A_143 : vector<16xi32>
      %swap3A_145 = arith.constant 32 : index
      %swap3A_146 = tpu.vector_load %arg11[%swap3A_145] {strides = array<i32>} : memref<128xi32, #tpu.memory_space<vmem>>, vector<16xi32>,
      %swap3A_147 = vector.shape_cast %swap3A_146 : vector<16xi32> to vector<16xi32>
      %swap3A_148 = vector.shape_cast %and3A_144 : vector<16xi32> to vector<16xi32>
      tpu.vector_store %arg11[%swap3A_145], %swap3A_148 {strides = array<i32>} : memref<128xi32, #tpu.memory_space<vmem>>, vector<16xi32>,
      %shift_right_arithmetic3A_149 = arith.constant 16 : i32
      %shift_right_arithmetic3A_150 = vector.broadcast %shift_right_arithmetic3A_149 : i32 to vector<16xi32>
      %shift_right_arithmetic3A_151 = arith.shrsi %get3A_141, %shift_right_arithmetic3A_150 : vector<16xi32>
      %swap3A_152 = arith.constant 0 : i32
      %swap3A_153 = arith.index_cast %swap3A_152 : i32 to index
      %swap3A_154 = arith.constant 32 : index
      %swap3A_155 = tpu.vector_load %arg7[%swap3A_153, %swap3A_154] {strides = array<i32>} : memref<1x128xi32, #tpu.memory_space<vmem>>, vector<1x16xi32>,
      %swap3A_156 = vector.shape_cast %swap3A_155 : vector<1x16xi32> to vector<16xi32>
      %swap3A_157 = vector.shape_cast %shift_right_arithmetic3A_151 : vector<16xi32> to vector<1x16xi32>
      tpu.vector_store %arg7[%swap3A_153, %swap3A_154], %swap3A_157 {strides = array<i32>} : memref<1x128xi32, #tpu.memory_space<vmem>>, vector<1x16xi32>,
      %get3A_158 = arith.index_cast %add3A_94 : i32 to index
      %get3A_159 = arith.constant 48 : index
      %get3A_160 = tpu.vector_load %arg6[%get3A_158, %get3A_159] {strides = array<i32>} : memref<80x128xi32, #tpu.memory_space<vmem>>, vector<1x16xi32>,
      %get3A_161 = vector.shape_cast %get3A_160 : vector<1x16xi32> to vector<16xi32>
      %and3A_162 = arith.constant 65535 : i32
      %and3A_163 = vector.broadcast %and3A_162 : i32 to vector<16xi32>
      %and3A_164 = arith.andi %get3A_161, %and3A_163 : vector<16xi32>
      %swap3A_165 = arith.constant 48 : index
      %swap3A_166 = tpu.vector_load %arg11[%swap3A_165] {strides = array<i32>} : memref<128xi32, #tpu.memory_space<vmem>>, vector<16xi32>,
      %swap3A_167 = vector.shape_cast %swap3A_166 : vector<16xi32> to vector<16xi32>
      %swap3A_168 = vector.shape_cast %and3A_164 : vector<16xi32> to vector<16xi32>
      tpu.vector_store %arg11[%swap3A_165], %swap3A_168 {strides = array<i32>} : memref<128xi32, #tpu.memory_space<vmem>>, vector<16xi32>,
      %shift_right_arithmetic3A_169 = arith.constant 16 : i32
      %shift_right_arithmetic3A_170 = vector.broadcast %shift_right_arithmetic3A_169 : i32 to vector<16xi32>
      %shift_right_arithmetic3A_171 = arith.shrsi %get3A_161, %shift_right_arithmetic3A_170 : vector<16xi32>
      %swap3A_172 = arith.constant 0 : i32
      %swap3A_173 = arith.index_cast %swap3A_172 : i32 to index
      %swap3A_174 = arith.constant 48 : index
      %swap3A_175 = tpu.vector_load %arg7[%swap3A_173, %swap3A_174] {strides = array<i32>} : memref<1x128xi32, #tpu.memory_space<vmem>>, vector<1x16xi32>,
      %swap3A_176 = vector.shape_cast %swap3A_175 : vector<1x16xi32> to vector<16xi32>
      %swap3A_177 = vector.shape_cast %shift_right_arithmetic3A_171 : vector<16xi32> to vector<1x16xi32>
      tpu.vector_store %arg7[%swap3A_173, %swap3A_174], %swap3A_177 {strides = array<i32>} : memref<1x128xi32, #tpu.memory_space<vmem>>, vector<1x16xi32>,
      %get3A_178 = arith.index_cast %add3A_94 : i32 to index
      %get3A_179 = arith.constant 64 : index
      %get3A_180 = tpu.vector_load %arg6[%get3A_178, %get3A_179] {strides = array<i32>} : memref<80x128xi32, #tpu.memory_space<vmem>>, vector<1x16xi32>,
      %get3A_181 = vector.shape_cast %get3A_180 : vector<1x16xi32> to vector<16xi32>
      %and3A_182 = arith.constant 65535 : i32
      %and3A_183 = vector.broadcast %and3A_182 : i32 to vector<16xi32>
      %and3A_184 = arith.andi %get3A_181, %and3A_183 : vector<16xi32>
      %swap3A_185 = arith.constant 64 : index
      %swap3A_186 = tpu.vector_load %arg11[%swap3A_185] {strides = array<i32>} : memref<128xi32, #tpu.memory_space<vmem>>, vector<16xi32>,
      %swap3A_187 = vector.shape_cast %swap3A_186 : vector<16xi32> to vector<16xi32>
      %swap3A_188 = vector.shape_cast %and3A_184 : vector<16xi32> to vector<16xi32>
      tpu.vector_store %arg11[%swap3A_185], %swap3A_188 {strides = array<i32>} : memref<128xi32, #tpu.memory_space<vmem>>, vector<16xi32>,
      %shift_right_arithmetic3A_189 = arith.constant 16 : i32
      %shift_right_arithmetic3A_190 = vector.broadcast %shift_right_arithmetic3A_189 : i32 to vector<16xi32>
      %shift_right_arithmetic3A_191 = arith.shrsi %get3A_181, %shift_right_arithmetic3A_190 : vector<16xi32>
      %swap3A_192 = arith.constant 0 : i32
      %swap3A_193 = arith.index_cast %swap3A_192 : i32 to index
      %swap3A_194 = arith.constant 64 : index
      %swap3A_195 = tpu.vector_load %arg7[%swap3A_193, %swap3A_194] {strides = array<i32>} : memref<1x128xi32, #tpu.memory_space<vmem>>, vector<1x16xi32>,
      %swap3A_196 = vector.shape_cast %swap3A_195 : vector<1x16xi32> to vector<16xi32>
      %swap3A_197 = vector.shape_cast %shift_right_arithmetic3A_191 : vector<16xi32> to vector<1x16xi32>
      tpu.vector_store %arg7[%swap3A_193, %swap3A_194], %swap3A_197 {strides = array<i32>} : memref<1x128xi32, #tpu.memory_space<vmem>>, vector<1x16xi32>,
      %get3A_198 = arith.index_cast %add3A_94 : i32 to index
      %get3A_199 = arith.constant 80 : index
      %get3A_200 = tpu.vector_load %arg6[%get3A_198, %get3A_199] {strides = array<i32>} : memref<80x128xi32, #tpu.memory_space<vmem>>, vector<1x16xi32>,
      %get3A_201 = vector.shape_cast %get3A_200 : vector<1x16xi32> to vector<16xi32>
      %and3A_202 = arith.constant 65535 : i32
      %and3A_203 = vector.broadcast %and3A_202 : i32 to vector<16xi32>
      %and3A_204 = arith.andi %get3A_201, %and3A_203 : vector<16xi32>
      %swap3A_205 = arith.constant 80 : index
      %swap3A_206 = tpu.vector_load %arg11[%swap3A_205] {strides = array<i32>} : memref<128xi32, #tpu.memory_space<vmem>>, vector<16xi32>,
      %swap3A_207 = vector.shape_cast %swap3A_206 : vector<16xi32> to vector<16xi32>
      %swap3A_208 = vector.shape_cast %and3A_204 : vector<16xi32> to vector<16xi32>
      tpu.vector_store %arg11[%swap3A_205], %swap3A_208 {strides = array<i32>} : memref<128xi32, #tpu.memory_space<vmem>>, vector<16xi32>,
      %shift_right_arithmetic3A_209 = arith.constant 16 : i32
      %shift_right_arithmetic3A_210 = vector.broadcast %shift_right_arithmetic3A_209 : i32 to vector<16xi32>
      %shift_right_arithmetic3A_211 = arith.shrsi %get3A_201, %shift_right_arithmetic3A_210 : vector<16xi32>
      %swap3A_212 = arith.constant 0 : i32
      %swap3A_213 = arith.index_cast %swap3A_212 : i32 to index
      %swap3A_214 = arith.constant 80 : index
      %swap3A_215 = tpu.vector_load %arg7[%swap3A_213, %swap3A_214] {strides = array<i32>} : memref<1x128xi32, #tpu.memory_space<vmem>>, vector<1x16xi32>,
      %swap3A_216 = vector.shape_cast %swap3A_215 : vector<1x16xi32> to vector<16xi32>
      %swap3A_217 = vector.shape_cast %shift_right_arithmetic3A_211 : vector<16xi32> to vector<1x16xi32>
      tpu.vector_store %arg7[%swap3A_213, %swap3A_214], %swap3A_217 {strides = array<i32>} : memref<1x128xi32, #tpu.memory_space<vmem>>, vector<1x16xi32>,
      %get3A_218 = arith.index_cast %add3A_94 : i32 to index
      %get3A_219 = arith.constant 96 : index
      %get3A_220 = tpu.vector_load %arg6[%get3A_218, %get3A_219] {strides = array<i32>} : memref<80x128xi32, #tpu.memory_space<vmem>>, vector<1x16xi32>,
      %get3A_221 = vector.shape_cast %get3A_220 : vector<1x16xi32> to vector<16xi32>
      %and3A_222 = arith.constant 65535 : i32
      %and3A_223 = vector.broadcast %and3A_222 : i32 to vector<16xi32>
      %and3A_224 = arith.andi %get3A_221, %and3A_223 : vector<16xi32>
      %swap3A_225 = arith.constant 96 : index
      %swap3A_226 = tpu.vector_load %arg11[%swap3A_225] {strides = array<i32>} : memref<128xi32, #tpu.memory_space<vmem>>, vector<16xi32>,
      %swap3A_227 = vector.shape_cast %swap3A_226 : vector<16xi32> to vector<16xi32>
      %swap3A_228 = vector.shape_cast %and3A_224 : vector<16xi32> to vector<16xi32>
      tpu.vector_store %arg11[%swap3A_225], %swap3A_228 {strides = array<i32>} : memref<128xi32, #tpu.memory_space<vmem>>, vector<16xi32>,
      %shift_right_arithmetic3A_229 = arith.constant 16 : i32
      %shift_right_arithmetic3A_230 = vector.broadcast %shift_right_arithmetic3A_229 : i32 to vector<16xi32>
      %shift_right_arithmetic3A_231 = arith.shrsi %get3A_221, %shift_right_arithmetic3A_230 : vector<16xi32>
      %swap3A_232 = arith.constant 0 : i32
      %swap3A_233 = arith.index_cast %swap3A_232 : i32 to index
      %swap3A_234 = arith.constant 96 : index
      %swap3A_235 = tpu.vector_load %arg7[%swap3A_233, %swap3A_234] {strides = array<i32>} : memref<1x128xi32, #tpu.memory_space<vmem>>, vector<1x16xi32>,
      %swap3A_236 = vector.shape_cast %swap3A_235 : vector<1x16xi32> to vector<16xi32>
      %swap3A_237 = vector.shape_cast %shift_right_arithmetic3A_231 : vector<16xi32> to vector<1x16xi32>
      tpu.vector_store %arg7[%swap3A_233, %swap3A_234], %swap3A_237 {strides = array<i32>} : memref<1x128xi32, #tpu.memory_space<vmem>>, vector<1x16xi32>,
      %get3A_238 = arith.index_cast %add3A_94 : i32 to index
      %get3A_239 = arith.constant 112 : index
      %get3A_240 = tpu.vector_load %arg6[%get3A_238, %get3A_239] {strides = array<i32>} : memref<80x128xi32, #tpu.memory_space<vmem>>, vector<1x16xi32>,
      %get3A_241 = vector.shape_cast %get3A_240 : vector<1x16xi32> to vector<16xi32>
      %and3A_242 = arith.constant 65535 : i32
      %and3A_243 = vector.broadcast %and3A_242 : i32 to vector<16xi32>
      %and3A_244 = arith.andi %get3A_241, %and3A_243 : vector<16xi32>
      %swap3A_245 = arith.constant 112 : index
      %swap3A_246 = tpu.vector_load %arg11[%swap3A_245] {strides = array<i32>} : memref<128xi32, #tpu.memory_space<vmem>>, vector<16xi32>,
      %swap3A_247 = vector.shape_cast %swap3A_246 : vector<16xi32> to vector<16xi32>
      %swap3A_248 = vector.shape_cast %and3A_244 : vector<16xi32> to vector<16xi32>
      tpu.vector_store %arg11[%swap3A_245], %swap3A_248 {strides = array<i32>} : memref<128xi32, #tpu.memory_space<vmem>>, vector<16xi32>,
      %shift_right_arithmetic3A_249 = arith.constant 16 : i32
      %shift_right_arithmetic3A_250 = vector.broadcast %shift_right_arithmetic3A_249 : i32 to vector<16xi32>
      %shift_right_arithmetic3A_251 = arith.shrsi %get3A_241, %shift_right_arithmetic3A_250 : vector<16xi32>
      %swap3A_252 = arith.constant 0 : i32
      %swap3A_253 = arith.index_cast %swap3A_252 : i32 to index
      %swap3A_254 = arith.constant 112 : index
      %swap3A_255 = tpu.vector_load %arg7[%swap3A_253, %swap3A_254] {strides = array<i32>} : memref<1x128xi32, #tpu.memory_space<vmem>>, vector<1x16xi32>,
      %swap3A_256 = vector.shape_cast %swap3A_255 : vector<1x16xi32> to vector<16xi32>
      %swap3A_257 = vector.shape_cast %shift_right_arithmetic3A_251 : vector<16xi32> to vector<1x16xi32>
      tpu.vector_store %arg7[%swap3A_253, %swap3A_254], %swap3A_257 {strides = array<i32>} : memref<1x128xi32, #tpu.memory_space<vmem>>, vector<1x16xi32>,
      %dma_start3A_258 = arith.constant 0 : i32
      %dma_start3A_259 = arith.constant 0 : i32
      %dma_start3A_260 = arith.constant 0 : i32
      %dma_start3A_261 = tpu.memref_slice %arg22[%dma_start3A_259, %dma_start3A_260] : memref<10240x64xf32, #tpu.memory_space<vmem_shared>> -> memref<10240x64xf32, #tpu.memory_space<vmem_shared>>
      %dma_start3A_262 = tpu.memref_slice %arg20[%dma_start3A_258] : memref<4x!tpu.dma_semaphore, #tpu.memory_space<semaphore_mem>> -> memref<1x!tpu.dma_semaphore, #tpu.memory_space<semaphore_mem>>
      %dma_start3A_263 = tpu.memref_squeeze %dma_start3A_262 : memref<1x!tpu.dma_semaphore, #tpu.memory_space<semaphore_mem>> -> memref<!tpu.dma_semaphore, #tpu.memory_space<semaphore_mem>>
      tpu.enqueue_indirect_dma source(%dma_start3A_261 : memref<10240x64xf32, #tpu.memory_space<vmem_shared>>) target(%arg15 : memref<128x64xf32, #tpu.memory_space<vmem>>) offsets(%arg11 : memref<128xi32, #tpu.memory_space<vmem>>) semaphore(%dma_start3A_263 : memref<!tpu.dma_semaphore, #tpu.memory_space<semaphore_mem>>)
      %add3A_264 = arith.constant 1 : i32
      %add3A_265 = arith.addi %add3A_92, %add3A_264 : i32
      %ge3A_266 = arith.constant 4 : i32
      %ge3A_267 = arith.cmpi sge, %add3A_92, %ge3A_266 : i32
      %convert_element_type3A_268 = arith.extui %ge3A_267 : i1 to i32
      %cond3A_269 = arith.constant 0 : i32
      %cond3A_270 = arith.cmpi ne, %convert_element_type3A_268, %cond3A_269 : i32
      scf.if %cond3A_270 {
        %dma_wait3A_820 = arith.constant 3 : i32
        %dma_wait3A_821 = arith.constant 0 : i32
        %dma_wait3A_822 = arith.constant 0 : i32
        %dma_wait3A_823 = tpu.memref_slice %arg22[%dma_wait3A_821, %dma_wait3A_822] : memref<10240x64xf32, #tpu.memory_space<vmem_shared>> -> memref<10240x64xf32, #tpu.memory_space<vmem_shared>>
        %dma_wait3A_824 = tpu.memref_slice %arg20[%dma_wait3A_820] : memref<4x!tpu.dma_semaphore, #tpu.memory_space<semaphore_mem>> -> memref<1x!tpu.dma_semaphore, #tpu.memory_space<semaphore_mem>>
        %dma_wait3A_825 = tpu.memref_squeeze %dma_wait3A_824 : memref<1x!tpu.dma_semaphore, #tpu.memory_space<semaphore_mem>> -> memref<!tpu.dma_semaphore, #tpu.memory_space<semaphore_mem>>
        tpu.wait_indirect_dma semaphore(%dma_wait3A_825 : memref<!tpu.dma_semaphore, #tpu.memory_space<semaphore_mem>>) src(%dma_wait3A_823 : memref<10240x64xf32, #tpu.memory_space<vmem_shared>>) dst(%arg18 : memref<128x64xf32, #tpu.memory_space<vmem>>)
        %dma_start3A_826 = arith.constant 0 : i32
        %dma_start3A_827 = arith.constant 3 : i32
        %dma_start3A_828 = arith.constant 0 : i32
        %dma_start3A_829 = tpu.memref_slice %arg10[%dma_start3A_826, %dma_start3A_828] : memref<1x128xi32, #tpu.memory_space<vmem>> -> memref<1x128xi32, #tpu.memory_space<vmem>>
        %dma_start3A_830 = tpu.memref_squeeze %dma_start3A_829 : memref<1x128xi32, #tpu.memory_space<vmem>> -> memref<128xi32, #tpu.memory_space<vmem>>
        %dma_start3A_831 = arith.constant 0 : i32
        %dma_start3A_832 = arith.constant 0 : i32
        %dma_start3A_833 = tpu.memref_slice %arg19[%dma_start3A_831, %dma_start3A_832] : memref<10240x64xf32, #tpu.memory_space<vmem_shared>> -> memref<10240x64xf32, #tpu.memory_space<vmem_shared>>
        %dma_start3A_834 = tpu.memref_slice %arg21[%dma_start3A_827] : memref<4x!tpu.dma_semaphore, #tpu.memory_space<semaphore_mem>> -> memref<1x!tpu.dma_semaphore, #tpu.memory_space<semaphore_mem>>
        %dma_start3A_835 = tpu.memref_squeeze %dma_start3A_834 : memref<1x!tpu.dma_semaphore, #tpu.memory_space<semaphore_mem>> -> memref<!tpu.dma_semaphore, #tpu.memory_space<semaphore_mem>>
        tpu.enqueue_indirect_dma source(%arg18 : memref<128x64xf32, #tpu.memory_space<vmem>>) target(%dma_start3A_833 : memref<10240x64xf32, #tpu.memory_space<vmem_shared>>) offsets(%dma_start3A_830 : memref<128xi32, #tpu.memory_space<vmem>>) semaphore(%dma_start3A_835 : memref<!tpu.dma_semaphore, #tpu.memory_space<semaphore_mem>>) {add = true}
      } else {
      }
      %ge3A_271 = arith.constant 4 : i32
      %ge3A_272 = arith.cmpi sge, %add3A_92, %ge3A_271 : i32
      %convert_element_type3A_273 = arith.extui %ge3A_272 : i1 to i32
      %cond3A_274 = arith.constant 0 : i32
      %cond3A_275 = arith.cmpi ne, %convert_element_type3A_273, %cond3A_274 : i32
      scf.if %cond3A_275 {
        %dma_wait3A_820 = arith.constant 0 : i32
        %dma_wait3A_821 = arith.constant 1 : i32
        %dma_wait3A_822 = arith.constant 0 : i32
        %dma_wait3A_823 = tpu.memref_slice %arg8[%dma_wait3A_820, %dma_wait3A_822] : memref<1x128xi32, #tpu.memory_space<vmem>> -> memref<1x128xi32, #tpu.memory_space<vmem>>
        %dma_wait3A_824 = tpu.memref_squeeze %dma_wait3A_823 : memref<1x128xi32, #tpu.memory_space<vmem>> -> memref<128xi32, #tpu.memory_space<vmem>>
        %dma_wait3A_825 = arith.constant 0 : i32
        %dma_wait3A_826 = arith.constant 0 : i32
        %dma_wait3A_827 = tpu.memref_slice %arg19[%dma_wait3A_825, %dma_wait3A_826] : memref<10240x64xf32, #tpu.memory_space<vmem_shared>> -> memref<10240x64xf32, #tpu.memory_space<vmem_shared>>
        %dma_wait3A_828 = tpu.memref_slice %arg21[%dma_wait3A_821] : memref<4x!tpu.dma_semaphore, #tpu.memory_space<semaphore_mem>> -> memref<1x!tpu.dma_semaphore, #tpu.memory_space<semaphore_mem>>
        %dma_wait3A_829 = tpu.memref_squeeze %dma_wait3A_828 : memref<1x!tpu.dma_semaphore, #tpu.memory_space<semaphore_mem>> -> memref<!tpu.dma_semaphore, #tpu.memory_space<semaphore_mem>>
        tpu.wait_indirect_dma semaphore(%dma_wait3A_829 : memref<!tpu.dma_semaphore, #tpu.memory_space<semaphore_mem>>) src(%arg16 : memref<128x64xf32, #tpu.memory_space<vmem>>) dst(%dma_wait3A_827 : memref<10240x64xf32, #tpu.memory_space<vmem_shared>>)
      } else {
      }
      %get3A_276 = arith.index_cast %add3A_265 : i32 to index
      %get3A_277 = arith.constant 0 : index
      %get3A_278 = tpu.vector_load %arg6[%get3A_276, %get3A_277] {strides = array<i32>} : memref<80x128xi32, #tpu.memory_space<vmem>>, vector<1x16xi32>,
      %get3A_279 = vector.shape_cast %get3A_278 : vector<1x16xi32> to vector<16xi32>
      %and3A_280 = arith.constant 65535 : i32
      %and3A_281 = vector.broadcast %and3A_280 : i32 to vector<16xi32>
      %and3A_282 = arith.andi %get3A_279, %and3A_281 : vector<16xi32>
      %swap3A_283 = arith.constant 0 : index
      %swap3A_284 = tpu.vector_load %arg12[%swap3A_283] {strides = array<i32>} : memref<128xi32, #tpu.memory_space<vmem>>, vector<16xi32>,
      %swap3A_285 = vector.shape_cast %swap3A_284 : vector<16xi32> to vector<16xi32>
      %swap3A_286 = vector.shape_cast %and3A_282 : vector<16xi32> to vector<16xi32>
      tpu.vector_store %arg12[%swap3A_283], %swap3A_286 {strides = array<i32>} : memref<128xi32, #tpu.memory_space<vmem>>, vector<16xi32>,
      %shift_right_arithmetic3A_287 = arith.constant 16 : i32
      %shift_right_arithmetic3A_288 = vector.broadcast %shift_right_arithmetic3A_287 : i32 to vector<16xi32>
      %shift_right_arithmetic3A_289 = arith.shrsi %get3A_279, %shift_right_arithmetic3A_288 : vector<16xi32>
      %swap3A_290 = arith.constant 0 : i32
      %swap3A_291 = arith.index_cast %swap3A_290 : i32 to index
      %swap3A_292 = arith.constant 0 : index
      %swap3A_293 = tpu.vector_load %arg8[%swap3A_291, %swap3A_292] {strides = array<i32>} : memref<1x128xi32, #tpu.memory_space<vmem>>, vector<1x16xi32>,
      %swap3A_294 = vector.shape_cast %swap3A_293 : vector<1x16xi32> to vector<16xi32>
      %swap3A_295 = vector.shape_cast %shift_right_arithmetic3A_289 : vector<16xi32> to vector<1x16xi32>
      tpu.vector_store %arg8[%swap3A_291, %swap3A_292], %swap3A_295 {strides = array<i32>} : memref<1x128xi32, #tpu.memory_space<vmem>>, vector<1x16xi32>,
      %get3A_296 = arith.index_cast %add3A_265 : i32 to index
      %get3A_297 = arith.constant 16 : index
      %get3A_298 = tpu.vector_load %arg6[%get3A_296, %get3A_297] {strides = array<i32>} : memref<80x128xi32, #tpu.memory_space<vmem>>, vector<1x16xi32>,
      %get3A_299 = vector.shape_cast %get3A_298 : vector<1x16xi32> to vector<16xi32>
      %and3A_300 = arith.constant 65535 : i32
      %and3A_301 = vector.broadcast %and3A_300 : i32 to vector<16xi32>
      %and3A_302 = arith.andi %get3A_299, %and3A_301 : vector<16xi32>
      %swap3A_303 = arith.constant 16 : index
      %swap3A_304 = tpu.vector_load %arg12[%swap3A_303] {strides = array<i32>} : memref<128xi32, #tpu.memory_space<vmem>>, vector<16xi32>,
      %swap3A_305 = vector.shape_cast %swap3A_304 : vector<16xi32> to vector<16xi32>
      %swap3A_306 = vector.shape_cast %and3A_302 : vector<16xi32> to vector<16xi32>
      tpu.vector_store %arg12[%swap3A_303], %swap3A_306 {strides = array<i32>} : memref<128xi32, #tpu.memory_space<vmem>>, vector<16xi32>,
      %shift_right_arithmetic3A_307 = arith.constant 16 : i32
      %shift_right_arithmetic3A_308 = vector.broadcast %shift_right_arithmetic3A_307 : i32 to vector<16xi32>
      %shift_right_arithmetic3A_309 = arith.shrsi %get3A_299, %shift_right_arithmetic3A_308 : vector<16xi32>
      %swap3A_310 = arith.constant 0 : i32
      %swap3A_311 = arith.index_cast %swap3A_310 : i32 to index
      %swap3A_312 = arith.constant 16 : index
      %swap3A_313 = tpu.vector_load %arg8[%swap3A_311, %swap3A_312] {strides = array<i32>} : memref<1x128xi32, #tpu.memory_space<vmem>>, vector<1x16xi32>,
      %swap3A_314 = vector.shape_cast %swap3A_313 : vector<1x16xi32> to vector<16xi32>
      %swap3A_315 = vector.shape_cast %shift_right_arithmetic3A_309 : vector<16xi32> to vector<1x16xi32>
      tpu.vector_store %arg8[%swap3A_311, %swap3A_312], %swap3A_315 {strides = array<i32>} : memref<1x128xi32, #tpu.memory_space<vmem>>, vector<1x16xi32>,
      %get3A_316 = arith.index_cast %add3A_265 : i32 to index
      %get3A_317 = arith.constant 32 : index
      %get3A_318 = tpu.vector_load %arg6[%get3A_316, %get3A_317] {strides = array<i32>} : memref<80x128xi32, #tpu.memory_space<vmem>>, vector<1x16xi32>,
      %get3A_319 = vector.shape_cast %get3A_318 : vector<1x16xi32> to vector<16xi32>
      %and3A_320 = arith.constant 65535 : i32
      %and3A_321 = vector.broadcast %and3A_320 : i32 to vector<16xi32>
      %and3A_322 = arith.andi %get3A_319, %and3A_321 : vector<16xi32>
      %swap3A_323 = arith.constant 32 : index
      %swap3A_324 = tpu.vector_load %arg12[%swap3A_323] {strides = array<i32>} : memref<128xi32, #tpu.memory_space<vmem>>, vector<16xi32>,
      %swap3A_325 = vector.shape_cast %swap3A_324 : vector<16xi32> to vector<16xi32>
      %swap3A_326 = vector.shape_cast %and3A_322 : vector<16xi32> to vector<16xi32>
      tpu.vector_store %arg12[%swap3A_323], %swap3A_326 {strides = array<i32>} : memref<128xi32, #tpu.memory_space<vmem>>, vector<16xi32>,
      %shift_right_arithmetic3A_327 = arith.constant 16 : i32
      %shift_right_arithmetic3A_328 = vector.broadcast %shift_right_arithmetic3A_327 : i32 to vector<16xi32>
      %shift_right_arithmetic3A_329 = arith.shrsi %get3A_319, %shift_right_arithmetic3A_328 : vector<16xi32>
      %swap3A_330 = arith.constant 0 : i32
      %swap3A_331 = arith.index_cast %swap3A_330 : i32 to index
      %swap3A_332 = arith.constant 32 : index
      %swap3A_333 = tpu.vector_load %arg8[%swap3A_331, %swap3A_332] {strides = array<i32>} : memref<1x128xi32, #tpu.memory_space<vmem>>, vector<1x16xi32>,
      %swap3A_334 = vector.shape_cast %swap3A_333 : vector<1x16xi32> to vector<16xi32>
      %swap3A_335 = vector.shape_cast %shift_right_arithmetic3A_329 : vector<16xi32> to vector<1x16xi32>
      tpu.vector_store %arg8[%swap3A_331, %swap3A_332], %swap3A_335 {strides = array<i32>} : memref<1x128xi32, #tpu.memory_space<vmem>>, vector<1x16xi32>,
      %get3A_336 = arith.index_cast %add3A_265 : i32 to index
      %get3A_337 = arith.constant 48 : index
      %get3A_338 = tpu.vector_load %arg6[%get3A_336, %get3A_337] {strides = array<i32>} : memref<80x128xi32, #tpu.memory_space<vmem>>, vector<1x16xi32>,
      %get3A_339 = vector.shape_cast %get3A_338 : vector<1x16xi32> to vector<16xi32>
      %and3A_340 = arith.constant 65535 : i32
      %and3A_341 = vector.broadcast %and3A_340 : i32 to vector<16xi32>
      %and3A_342 = arith.andi %get3A_339, %and3A_341 : vector<16xi32>
      %swap3A_343 = arith.constant 48 : index
      %swap3A_344 = tpu.vector_load %arg12[%swap3A_343] {strides = array<i32>} : memref<128xi32, #tpu.memory_space<vmem>>, vector<16xi32>,
      %swap3A_345 = vector.shape_cast %swap3A_344 : vector<16xi32> to vector<16xi32>
      %swap3A_346 = vector.shape_cast %and3A_342 : vector<16xi32> to vector<16xi32>
      tpu.vector_store %arg12[%swap3A_343], %swap3A_346 {strides = array<i32>} : memref<128xi32, #tpu.memory_space<vmem>>, vector<16xi32>,
      %shift_right_arithmetic3A_347 = arith.constant 16 : i32
      %shift_right_arithmetic3A_348 = vector.broadcast %shift_right_arithmetic3A_347 : i32 to vector<16xi32>
      %shift_right_arithmetic3A_349 = arith.shrsi %get3A_339, %shift_right_arithmetic3A_348 : vector<16xi32>
      %swap3A_350 = arith.constant 0 : i32
      %swap3A_351 = arith.index_cast %swap3A_350 : i32 to index
      %swap3A_352 = arith.constant 48 : index
      %swap3A_353 = tpu.vector_load %arg8[%swap3A_351, %swap3A_352] {strides = array<i32>} : memref<1x128xi32, #tpu.memory_space<vmem>>, vector<1x16xi32>,
      %swap3A_354 = vector.shape_cast %swap3A_353 : vector<1x16xi32> to vector<16xi32>
      %swap3A_355 = vector.shape_cast %shift_right_arithmetic3A_349 : vector<16xi32> to vector<1x16xi32>
      tpu.vector_store %arg8[%swap3A_351, %swap3A_352], %swap3A_355 {strides = array<i32>} : memref<1x128xi32, #tpu.memory_space<vmem>>, vector<1x16xi32>,
      %get3A_356 = arith.index_cast %add3A_265 : i32 to index
      %get3A_357 = arith.constant 64 : index
      %get3A_358 = tpu.vector_load %arg6[%get3A_356, %get3A_357] {strides = array<i32>} : memref<80x128xi32, #tpu.memory_space<vmem>>, vector<1x16xi32>,
      %get3A_359 = vector.shape_cast %get3A_358 : vector<1x16xi32> to vector<16xi32>
      %and3A_360 = arith.constant 65535 : i32
      %and3A_361 = vector.broadcast %and3A_360 : i32 to vector<16xi32>
      %and3A_362 = arith.andi %get3A_359, %and3A_361 : vector<16xi32>
      %swap3A_363 = arith.constant 64 : index
      %swap3A_364 = tpu.vector_load %arg12[%swap3A_363] {strides = array<i32>} : memref<128xi32, #tpu.memory_space<vmem>>, vector<16xi32>,
      %swap3A_365 = vector.shape_cast %swap3A_364 : vector<16xi32> to vector<16xi32>
      %swap3A_366 = vector.shape_cast %and3A_362 : vector<16xi32> to vector<16xi32>
      tpu.vector_store %arg12[%swap3A_363], %swap3A_366 {strides = array<i32>} : memref<128xi32, #tpu.memory_space<vmem>>, vector<16xi32>,
      %shift_right_arithmetic3A_367 = arith.constant 16 : i32
      %shift_right_arithmetic3A_368 = vector.broadcast %shift_right_arithmetic3A_367 : i32 to vector<16xi32>
      %shift_right_arithmetic3A_369 = arith.shrsi %get3A_359, %shift_right_arithmetic3A_368 : vector<16xi32>
      %swap3A_370 = arith.constant 0 : i32
      %swap3A_371 = arith.index_cast %swap3A_370 : i32 to index
      %swap3A_372 = arith.constant 64 : index
      %swap3A_373 = tpu.vector_load %arg8[%swap3A_371, %swap3A_372] {strides = array<i32>} : memref<1x128xi32, #tpu.memory_space<vmem>>, vector<1x16xi32>,
      %swap3A_374 = vector.shape_cast %swap3A_373 : vector<1x16xi32> to vector<16xi32>
      %swap3A_375 = vector.shape_cast %shift_right_arithmetic3A_369 : vector<16xi32> to vector<1x16xi32>
      tpu.vector_store %arg8[%swap3A_371, %swap3A_372], %swap3A_375 {strides = array<i32>} : memref<1x128xi32, #tpu.memory_space<vmem>>, vector<1x16xi32>,
      %get3A_376 = arith.index_cast %add3A_265 : i32 to index
      %get3A_377 = arith.constant 80 : index
      %get3A_378 = tpu.vector_load %arg6[%get3A_376, %get3A_377] {strides = array<i32>} : memref<80x128xi32, #tpu.memory_space<vmem>>, vector<1x16xi32>,
      %get3A_379 = vector.shape_cast %get3A_378 : vector<1x16xi32> to vector<16xi32>
      %and3A_380 = arith.constant 65535 : i32
      %and3A_381 = vector.broadcast %and3A_380 : i32 to vector<16xi32>
      %and3A_382 = arith.andi %get3A_379, %and3A_381 : vector<16xi32>
      %swap3A_383 = arith.constant 80 : index
      %swap3A_384 = tpu.vector_load %arg12[%swap3A_383] {strides = array<i32>} : memref<128xi32, #tpu.memory_space<vmem>>, vector<16xi32>,
      %swap3A_385 = vector.shape_cast %swap3A_384 : vector<16xi32> to vector<16xi32>
      %swap3A_386 = vector.shape_cast %and3A_382 : vector<16xi32> to vector<16xi32>
      tpu.vector_store %arg12[%swap3A_383], %swap3A_386 {strides = array<i32>} : memref<128xi32, #tpu.memory_space<vmem>>, vector<16xi32>,
      %shift_right_arithmetic3A_387 = arith.constant 16 : i32
      %shift_right_arithmetic3A_388 = vector.broadcast %shift_right_arithmetic3A_387 : i32 to vector<16xi32>
      %shift_right_arithmetic3A_389 = arith.shrsi %get3A_379, %shift_right_arithmetic3A_388 : vector<16xi32>
      %swap3A_390 = arith.constant 0 : i32
      %swap3A_391 = arith.index_cast %swap3A_390 : i32 to index
      %swap3A_392 = arith.constant 80 : index
      %swap3A_393 = tpu.vector_load %arg8[%swap3A_391, %swap3A_392] {strides = array<i32>} : memref<1x128xi32, #tpu.memory_space<vmem>>, vector<1x16xi32>,
      %swap3A_394 = vector.shape_cast %swap3A_393 : vector<1x16xi32> to vector<16xi32>
      %swap3A_395 = vector.shape_cast %shift_right_arithmetic3A_389 : vector<16xi32> to vector<1x16xi32>
      tpu.vector_store %arg8[%swap3A_391, %swap3A_392], %swap3A_395 {strides = array<i32>} : memref<1x128xi32, #tpu.memory_space<vmem>>, vector<1x16xi32>,
      %get3A_396 = arith.index_cast %add3A_265 : i32 to index
      %get3A_397 = arith.constant 96 : index
      %get3A_398 = tpu.vector_load %arg6[%get3A_396, %get3A_397] {strides = array<i32>} : memref<80x128xi32, #tpu.memory_space<vmem>>, vector<1x16xi32>,
      %get3A_399 = vector.shape_cast %get3A_398 : vector<1x16xi32> to vector<16xi32>
      %and3A_400 = arith.constant 65535 : i32
      %and3A_401 = vector.broadcast %and3A_400 : i32 to vector<16xi32>
      %and3A_402 = arith.andi %get3A_399, %and3A_401 : vector<16xi32>
      %swap3A_403 = arith.constant 96 : index
      %swap3A_404 = tpu.vector_load %arg12[%swap3A_403] {strides = array<i32>} : memref<128xi32, #tpu.memory_space<vmem>>, vector<16xi32>,
      %swap3A_405 = vector.shape_cast %swap3A_404 : vector<16xi32> to vector<16xi32>
      %swap3A_406 = vector.shape_cast %and3A_402 : vector<16xi32> to vector<16xi32>
      tpu.vector_store %arg12[%swap3A_403], %swap3A_406 {strides = array<i32>} : memref<128xi32, #tpu.memory_space<vmem>>, vector<16xi32>,
      %shift_right_arithmetic3A_407 = arith.constant 16 : i32
      %shift_right_arithmetic3A_408 = vector.broadcast %shift_right_arithmetic3A_407 : i32 to vector<16xi32>
      %shift_right_arithmetic3A_409 = arith.shrsi %get3A_399, %shift_right_arithmetic3A_408 : vector<16xi32>
      %swap3A_410 = arith.constant 0 : i32
      %swap3A_411 = arith.index_cast %swap3A_410 : i32 to index
      %swap3A_412 = arith.constant 96 : index
      %swap3A_413 = tpu.vector_load %arg8[%swap3A_411, %swap3A_412] {strides = array<i32>} : memref<1x128xi32, #tpu.memory_space<vmem>>, vector<1x16xi32>,
      %swap3A_414 = vector.shape_cast %swap3A_413 : vector<1x16xi32> to vector<16xi32>
      %swap3A_415 = vector.shape_cast %shift_right_arithmetic3A_409 : vector<16xi32> to vector<1x16xi32>
      tpu.vector_store %arg8[%swap3A_411, %swap3A_412], %swap3A_415 {strides = array<i32>} : memref<1x128xi32, #tpu.memory_space<vmem>>, vector<1x16xi32>,
      %get3A_416 = arith.index_cast %add3A_265 : i32 to index
      %get3A_417 = arith.constant 112 : index
      %get3A_418 = tpu.vector_load %arg6[%get3A_416, %get3A_417] {strides = array<i32>} : memref<80x128xi32, #tpu.memory_space<vmem>>, vector<1x16xi32>,
      %get3A_419 = vector.shape_cast %get3A_418 : vector<1x16xi32> to vector<16xi32>
      %and3A_420 = arith.constant 65535 : i32
      %and3A_421 = vector.broadcast %and3A_420 : i32 to vector<16xi32>
      %and3A_422 = arith.andi %get3A_419, %and3A_421 : vector<16xi32>
      %swap3A_423 = arith.constant 112 : index
      %swap3A_424 = tpu.vector_load %arg12[%swap3A_423] {strides = array<i32>} : memref<128xi32, #tpu.memory_space<vmem>>, vector<16xi32>,
      %swap3A_425 = vector.shape_cast %swap3A_424 : vector<16xi32> to vector<16xi32>
      %swap3A_426 = vector.shape_cast %and3A_422 : vector<16xi32> to vector<16xi32>
      tpu.vector_store %arg12[%swap3A_423], %swap3A_426 {strides = array<i32>} : memref<128xi32, #tpu.memory_space<vmem>>, vector<16xi32>,
      %shift_right_arithmetic3A_427 = arith.constant 16 : i32
      %shift_right_arithmetic3A_428 = vector.broadcast %shift_right_arithmetic3A_427 : i32 to vector<16xi32>
      %shift_right_arithmetic3A_429 = arith.shrsi %get3A_419, %shift_right_arithmetic3A_428 : vector<16xi32>
      %swap3A_430 = arith.constant 0 : i32
      %swap3A_431 = arith.index_cast %swap3A_430 : i32 to index
      %swap3A_432 = arith.constant 112 : index
      %swap3A_433 = tpu.vector_load %arg8[%swap3A_431, %swap3A_432] {strides = array<i32>} : memref<1x128xi32, #tpu.memory_space<vmem>>, vector<1x16xi32>,
      %swap3A_434 = vector.shape_cast %swap3A_433 : vector<1x16xi32> to vector<16xi32>
      %swap3A_435 = vector.shape_cast %shift_right_arithmetic3A_429 : vector<16xi32> to vector<1x16xi32>
      tpu.vector_store %arg8[%swap3A_431, %swap3A_432], %swap3A_435 {strides = array<i32>} : memref<1x128xi32, #tpu.memory_space<vmem>>, vector<1x16xi32>,
      %dma_start3A_436 = arith.constant 1 : i32
      %dma_start3A_437 = arith.constant 0 : i32
      %dma_start3A_438 = arith.constant 0 : i32
      %dma_start3A_439 = tpu.memref_slice %arg22[%dma_start3A_437, %dma_start3A_438] : memref<10240x64xf32, #tpu.memory_space<vmem_shared>> -> memref<10240x64xf32, #tpu.memory_space<vmem_shared>>
      %dma_start3A_440 = tpu.memref_slice %arg20[%dma_start3A_436] : memref<4x!tpu.dma_semaphore, #tpu.memory_space<semaphore_mem>> -> memref<1x!tpu.dma_semaphore, #tpu.memory_space<semaphore_mem>>
      %dma_start3A_441 = tpu.memref_squeeze %dma_start3A_440 : memref<1x!tpu.dma_semaphore, #tpu.memory_space<semaphore_mem>> -> memref<!tpu.dma_semaphore, #tpu.memory_space<semaphore_mem>>
      tpu.enqueue_indirect_dma source(%dma_start3A_439 : memref<10240x64xf32, #tpu.memory_space<vmem_shared>>) target(%arg16 : memref<128x64xf32, #tpu.memory_space<vmem>>) offsets(%arg12 : memref<128xi32, #tpu.memory_space<vmem>>) semaphore(%dma_start3A_441 : memref<!tpu.dma_semaphore, #tpu.memory_space<semaphore_mem>>)
      %add3A_442 = arith.constant 2 : i32
      %add3A_443 = arith.addi %add3A_92, %add3A_442 : i32
      %dma_wait3A_444 = arith.constant 0 : i32
      %dma_wait3A_445 = arith.constant 0 : i32
      %dma_wait3A_446 = arith.constant 0 : i32
      %dma_wait3A_447 = tpu.memref_slice %arg22[%dma_wait3A_445, %dma_wait3A_446] : memref<10240x64xf32, #tpu.memory_space<vmem_shared>> -> memref<10240x64xf32, #tpu.memory_space<vmem_shared>>
      %dma_wait3A_448 = tpu.memref_slice %arg20[%dma_wait3A_444] : memref<4x!tpu.dma_semaphore, #tpu.memory_space<semaphore_mem>> -> memref<1x!tpu.dma_semaphore, #tpu.memory_space<semaphore_mem>>
      %dma_wait3A_449 = tpu.memref_squeeze %dma_wait3A_448 : memref<1x!tpu.dma_semaphore, #tpu.memory_space<semaphore_mem>> -> memref<!tpu.dma_semaphore, #tpu.memory_space<semaphore_mem>>
      tpu.wait_indirect_dma semaphore(%dma_wait3A_449 : memref<!tpu.dma_semaphore, #tpu.memory_space<semaphore_mem>>) src(%dma_wait3A_447 : memref<10240x64xf32, #tpu.memory_space<vmem_shared>>) dst(%arg15 : memref<128x64xf32, #tpu.memory_space<vmem>>)
      %dma_start3A_450 = arith.constant 0 : i32
      %dma_start3A_451 = arith.constant 0 : i32
      %dma_start3A_452 = arith.constant 0 : i32
      %dma_start3A_453 = tpu.memref_slice %arg7[%dma_start3A_450, %dma_start3A_452] : memref<1x128xi32, #tpu.memory_space<vmem>> -> memref<1x128xi32, #tpu.memory_space<vmem>>
      %dma_start3A_454 = tpu.memref_squeeze %dma_start3A_453 : memref<1x128xi32, #tpu.memory_space<vmem>> -> memref<128xi32, #tpu.memory_space<vmem>>
      %dma_start3A_455 = arith.constant 0 : i32
      %dma_start3A_456 = arith.constant 0 : i32
      %dma_start3A_457 = tpu.memref_slice %arg19[%dma_start3A_455, %dma_start3A_456] : memref<10240x64xf32, #tpu.memory_space<vmem_shared>> -> memref<10240x64xf32, #tpu.memory_space<vmem_shared>>
      %dma_start3A_458 = tpu.memref_slice %arg21[%dma_start3A_451] : memref<4x!tpu.dma_semaphore, #tpu.memory_space<semaphore_mem>> -> memref<1x!tpu.dma_semaphore, #tpu.memory_space<semaphore_mem>>
      %dma_start3A_459 = tpu.memref_squeeze %dma_start3A_458 : memref<1x!tpu.dma_semaphore, #tpu.memory_space<semaphore_mem>> -> memref<!tpu.dma_semaphore, #tpu.memory_space<semaphore_mem>>
      tpu.enqueue_indirect_dma source(%arg15 : memref<128x64xf32, #tpu.memory_space<vmem>>) target(%dma_start3A_457 : memref<10240x64xf32, #tpu.memory_space<vmem_shared>>) offsets(%dma_start3A_454 : memref<128xi32, #tpu.memory_space<vmem>>) semaphore(%dma_start3A_459 : memref<!tpu.dma_semaphore, #tpu.memory_space<semaphore_mem>>) {add = true}
      %ge3A_460 = arith.constant 4 : i32
      %ge3A_461 = arith.cmpi sge, %add3A_92, %ge3A_460 : i32
      %convert_element_type3A_462 = arith.extui %ge3A_461 : i1 to i32
      %cond3A_463 = arith.constant 0 : i32
      %cond3A_464 = arith.cmpi ne, %convert_element_type3A_462, %cond3A_463 : i32
      scf.if %cond3A_464 {
        %dma_wait3A_820 = arith.constant 0 : i32
        %dma_wait3A_821 = arith.constant 2 : i32
        %dma_wait3A_822 = arith.constant 0 : i32
        %dma_wait3A_823 = tpu.memref_slice %arg9[%dma_wait3A_820, %dma_wait3A_822] : memref<1x128xi32, #tpu.memory_space<vmem>> -> memref<1x128xi32, #tpu.memory_space<vmem>>
        %dma_wait3A_824 = tpu.memref_squeeze %dma_wait3A_823 : memref<1x128xi32, #tpu.memory_space<vmem>> -> memref<128xi32, #tpu.memory_space<vmem>>
        %dma_wait3A_825 = arith.constant 0 : i32
        %dma_wait3A_826 = arith.constant 0 : i32
        %dma_wait3A_827 = tpu.memref_slice %arg19[%dma_wait3A_825, %dma_wait3A_826] : memref<10240x64xf32, #tpu.memory_space<vmem_shared>> -> memref<10240x64xf32, #tpu.memory_space<vmem_shared>>
        %dma_wait3A_828 = tpu.memref_slice %arg21[%dma_wait3A_821] : memref<4x!tpu.dma_semaphore, #tpu.memory_space<semaphore_mem>> -> memref<1x!tpu.dma_semaphore, #tpu.memory_space<semaphore_mem>>
        %dma_wait3A_829 = tpu.memref_squeeze %dma_wait3A_828 : memref<1x!tpu.dma_semaphore, #tpu.memory_space<semaphore_mem>> -> memref<!tpu.dma_semaphore, #tpu.memory_space<semaphore_mem>>
        tpu.wait_indirect_dma semaphore(%dma_wait3A_829 : memref<!tpu.dma_semaphore, #tpu.memory_space<semaphore_mem>>) src(%arg17 : memref<128x64xf32, #tpu.memory_space<vmem>>) dst(%dma_wait3A_827 : memref<10240x64xf32, #tpu.memory_space<vmem_shared>>)
      } else {
      }
      %get3A_465 = arith.index_cast %add3A_443 : i32 to index
      %get3A_466 = arith.constant 0 : index
      %get3A_467 = tpu.vector_load %arg6[%get3A_465, %get3A_466] {strides = array<i32>} : memref<80x128xi32, #tpu.memory_space<vmem>>, vector<1x16xi32>,
      %get3A_468 = vector.shape_cast %get3A_467 : vector<1x16xi32> to vector<16xi32>
      %and3A_469 = arith.constant 65535 : i32
      %and3A_470 = vector.broadcast %and3A_469 : i32 to vector<16xi32>
      %and3A_471 = arith.andi %get3A_468, %and3A_470 : vector<16xi32>
      %swap3A_472 = arith.constant 0 : index
      %swap3A_473 = tpu.vector_load %arg13[%swap3A_472] {strides = array<i32>} : memref<128xi32, #tpu.memory_space<vmem>>, vector<16xi32>,
      %swap3A_474 = vector.shape_cast %swap3A_473 : vector<16xi32> to vector<16xi32>
      %swap3A_475 = vector.shape_cast %and3A_471 : vector<16xi32> to vector<16xi32>
      tpu.vector_store %arg13[%swap3A_472], %swap3A_475 {strides = array<i32>} : memref<128xi32, #tpu.memory_space<vmem>>, vector<16xi32>,
      %shift_right_arithmetic3A_476 = arith.constant 16 : i32
      %shift_right_arithmetic3A_477 = vector.broadcast %shift_right_arithmetic3A_476 : i32 to vector<16xi32>
      %shift_right_arithmetic3A_478 = arith.shrsi %get3A_468, %shift_right_arithmetic3A_477 : vector<16xi32>
      %swap3A_479 = arith.constant 0 : i32
      %swap3A_480 = arith.index_cast %swap3A_479 : i32 to index
      %swap3A_481 = arith.constant 0 : index
      %swap3A_482 = tpu.vector_load %arg9[%swap3A_480, %swap3A_481] {strides = array<i32>} : memref<1x128xi32, #tpu.memory_space<vmem>>, vector<1x16xi32>,
      %swap3A_483 = vector.shape_cast %swap3A_482 : vector<1x16xi32> to vector<16xi32>
      %swap3A_484 = vector.shape_cast %shift_right_arithmetic3A_478 : vector<16xi32> to vector<1x16xi32>
      tpu.vector_store %arg9[%swap3A_480, %swap3A_481], %swap3A_484 {strides = array<i32>} : memref<1x128xi32, #tpu.memory_space<vmem>>, vector<1x16xi32>,
      %get3A_485 = arith.index_cast %add3A_443 : i32 to index
      %get3A_486 = arith.constant 16 : index
      %get3A_487 = tpu.vector_load %arg6[%get3A_485, %get3A_486] {strides = array<i32>} : memref<80x128xi32, #tpu.memory_space<vmem>>, vector<1x16xi32>,
      %get3A_488 = vector.shape_cast %get3A_487 : vector<1x16xi32> to vector<16xi32>
      %and3A_489 = arith.constant 65535 : i32
      %and3A_490 = vector.broadcast %and3A_489 : i32 to vector<16xi32>
      %and3A_491 = arith.andi %get3A_488, %and3A_490 : vector<16xi32>
      %swap3A_492 = arith.constant 16 : index
      %swap3A_493 = tpu.vector_load %arg13[%swap3A_492] {strides = array<i32>} : memref<128xi32, #tpu.memory_space<vmem>>, vector<16xi32>,
      %swap3A_494 = vector.shape_cast %swap3A_493 : vector<16xi32> to vector<16xi32>
      %swap3A_495 = vector.shape_cast %and3A_491 : vector<16xi32> to vector<16xi32>
      tpu.vector_store %arg13[%swap3A_492], %swap3A_495 {strides = array<i32>} : memref<128xi32, #tpu.memory_space<vmem>>, vector<16xi32>,
      %shift_right_arithmetic3A_496 = arith.constant 16 : i32
      %shift_right_arithmetic3A_497 = vector.broadcast %shift_right_arithmetic3A_496 : i32 to vector<16xi32>
      %shift_right_arithmetic3A_498 = arith.shrsi %get3A_488, %shift_right_arithmetic3A_497 : vector<16xi32>
      %swap3A_499 = arith.constant 0 : i32
      %swap3A_500 = arith.index_cast %swap3A_499 : i32 to index
      %swap3A_501 = arith.constant 16 : index
      %swap3A_502 = tpu.vector_load %arg9[%swap3A_500, %swap3A_501] {strides = array<i32>} : memref<1x128xi32, #tpu.memory_space<vmem>>, vector<1x16xi32>,
      %swap3A_503 = vector.shape_cast %swap3A_502 : vector<1x16xi32> to vector<16xi32>
      %swap3A_504 = vector.shape_cast %shift_right_arithmetic3A_498 : vector<16xi32> to vector<1x16xi32>
      tpu.vector_store %arg9[%swap3A_500, %swap3A_501], %swap3A_504 {strides = array<i32>} : memref<1x128xi32, #tpu.memory_space<vmem>>, vector<1x16xi32>,
      %get3A_505 = arith.index_cast %add3A_443 : i32 to index
      %get3A_506 = arith.constant 32 : index
      %get3A_507 = tpu.vector_load %arg6[%get3A_505, %get3A_506] {strides = array<i32>} : memref<80x128xi32, #tpu.memory_space<vmem>>, vector<1x16xi32>,
      %get3A_508 = vector.shape_cast %get3A_507 : vector<1x16xi32> to vector<16xi32>
      %and3A_509 = arith.constant 65535 : i32
      %and3A_510 = vector.broadcast %and3A_509 : i32 to vector<16xi32>
      %and3A_511 = arith.andi %get3A_508, %and3A_510 : vector<16xi32>
      %swap3A_512 = arith.constant 32 : index
      %swap3A_513 = tpu.vector_load %arg13[%swap3A_512] {strides = array<i32>} : memref<128xi32, #tpu.memory_space<vmem>>, vector<16xi32>,
      %swap3A_514 = vector.shape_cast %swap3A_513 : vector<16xi32> to vector<16xi32>
      %swap3A_515 = vector.shape_cast %and3A_511 : vector<16xi32> to vector<16xi32>
      tpu.vector_store %arg13[%swap3A_512], %swap3A_515 {strides = array<i32>} : memref<128xi32, #tpu.memory_space<vmem>>, vector<16xi32>,
      %shift_right_arithmetic3A_516 = arith.constant 16 : i32
      %shift_right_arithmetic3A_517 = vector.broadcast %shift_right_arithmetic3A_516 : i32 to vector<16xi32>
      %shift_right_arithmetic3A_518 = arith.shrsi %get3A_508, %shift_right_arithmetic3A_517 : vector<16xi32>
      %swap3A_519 = arith.constant 0 : i32
      %swap3A_520 = arith.index_cast %swap3A_519 : i32 to index
      %swap3A_521 = arith.constant 32 : index
      %swap3A_522 = tpu.vector_load %arg9[%swap3A_520, %swap3A_521] {strides = array<i32>} : memref<1x128xi32, #tpu.memory_space<vmem>>, vector<1x16xi32>,
      %swap3A_523 = vector.shape_cast %swap3A_522 : vector<1x16xi32> to vector<16xi32>
      %swap3A_524 = vector.shape_cast %shift_right_arithmetic3A_518 : vector<16xi32> to vector<1x16xi32>
      tpu.vector_store %arg9[%swap3A_520, %swap3A_521], %swap3A_524 {strides = array<i32>} : memref<1x128xi32, #tpu.memory_space<vmem>>, vector<1x16xi32>,
      %get3A_525 = arith.index_cast %add3A_443 : i32 to index
      %get3A_526 = arith.constant 48 : index
      %get3A_527 = tpu.vector_load %arg6[%get3A_525, %get3A_526] {strides = array<i32>} : memref<80x128xi32, #tpu.memory_space<vmem>>, vector<1x16xi32>,
      %get3A_528 = vector.shape_cast %get3A_527 : vector<1x16xi32> to vector<16xi32>
      %and3A_529 = arith.constant 65535 : i32
      %and3A_530 = vector.broadcast %and3A_529 : i32 to vector<16xi32>
      %and3A_531 = arith.andi %get3A_528, %and3A_530 : vector<16xi32>
      %swap3A_532 = arith.constant 48 : index
      %swap3A_533 = tpu.vector_load %arg13[%swap3A_532] {strides = array<i32>} : memref<128xi32, #tpu.memory_space<vmem>>, vector<16xi32>,
      %swap3A_534 = vector.shape_cast %swap3A_533 : vector<16xi32> to vector<16xi32>
      %swap3A_535 = vector.shape_cast %and3A_531 : vector<16xi32> to vector<16xi32>
      tpu.vector_store %arg13[%swap3A_532], %swap3A_535 {strides = array<i32>} : memref<128xi32, #tpu.memory_space<vmem>>, vector<16xi32>,
      %shift_right_arithmetic3A_536 = arith.constant 16 : i32
      %shift_right_arithmetic3A_537 = vector.broadcast %shift_right_arithmetic3A_536 : i32 to vector<16xi32>
      %shift_right_arithmetic3A_538 = arith.shrsi %get3A_528, %shift_right_arithmetic3A_537 : vector<16xi32>
      %swap3A_539 = arith.constant 0 : i32
      %swap3A_540 = arith.index_cast %swap3A_539 : i32 to index
      %swap3A_541 = arith.constant 48 : index
      %swap3A_542 = tpu.vector_load %arg9[%swap3A_540, %swap3A_541] {strides = array<i32>} : memref<1x128xi32, #tpu.memory_space<vmem>>, vector<1x16xi32>,
      %swap3A_543 = vector.shape_cast %swap3A_542 : vector<1x16xi32> to vector<16xi32>
      %swap3A_544 = vector.shape_cast %shift_right_arithmetic3A_538 : vector<16xi32> to vector<1x16xi32>
      tpu.vector_store %arg9[%swap3A_540, %swap3A_541], %swap3A_544 {strides = array<i32>} : memref<1x128xi32, #tpu.memory_space<vmem>>, vector<1x16xi32>,
      %get3A_545 = arith.index_cast %add3A_443 : i32 to index
      %get3A_546 = arith.constant 64 : index
      %get3A_547 = tpu.vector_load %arg6[%get3A_545, %get3A_546] {strides = array<i32>} : memref<80x128xi32, #tpu.memory_space<vmem>>, vector<1x16xi32>,
      %get3A_548 = vector.shape_cast %get3A_547 : vector<1x16xi32> to vector<16xi32>
      %and3A_549 = arith.constant 65535 : i32
      %and3A_550 = vector.broadcast %and3A_549 : i32 to vector<16xi32>
      %and3A_551 = arith.andi %get3A_548, %and3A_550 : vector<16xi32>
      %swap3A_552 = arith.constant 64 : index
      %swap3A_553 = tpu.vector_load %arg13[%swap3A_552] {strides = array<i32>} : memref<128xi32, #tpu.memory_space<vmem>>, vector<16xi32>,
      %swap3A_554 = vector.shape_cast %swap3A_553 : vector<16xi32> to vector<16xi32>
      %swap3A_555 = vector.shape_cast %and3A_551 : vector<16xi32> to vector<16xi32>
      tpu.vector_store %arg13[%swap3A_552], %swap3A_555 {strides = array<i32>} : memref<128xi32, #tpu.memory_space<vmem>>, vector<16xi32>,
      %shift_right_arithmetic3A_556 = arith.constant 16 : i32
      %shift_right_arithmetic3A_557 = vector.broadcast %shift_right_arithmetic3A_556 : i32 to vector<16xi32>
      %shift_right_arithmetic3A_558 = arith.shrsi %get3A_548, %shift_right_arithmetic3A_557 : vector<16xi32>
      %swap3A_559 = arith.constant 0 : i32
      %swap3A_560 = arith.index_cast %swap3A_559 : i32 to index
      %swap3A_561 = arith.constant 64 : index
      %swap3A_562 = tpu.vector_load %arg9[%swap3A_560, %swap3A_561] {strides = array<i32>} : memref<1x128xi32, #tpu.memory_space<vmem>>, vector<1x16xi32>,
      %swap3A_563 = vector.shape_cast %swap3A_562 : vector<1x16xi32> to vector<16xi32>
      %swap3A_564 = vector.shape_cast %shift_right_arithmetic3A_558 : vector<16xi32> to vector<1x16xi32>
      tpu.vector_store %arg9[%swap3A_560, %swap3A_561], %swap3A_564 {strides = array<i32>} : memref<1x128xi32, #tpu.memory_space<vmem>>, vector<1x16xi32>,
      %get3A_565 = arith.index_cast %add3A_443 : i32 to index
      %get3A_566 = arith.constant 80 : index
      %get3A_567 = tpu.vector_load %arg6[%get3A_565, %get3A_566] {strides = array<i32>} : memref<80x128xi32, #tpu.memory_space<vmem>>, vector<1x16xi32>,
      %get3A_568 = vector.shape_cast %get3A_567 : vector<1x16xi32> to vector<16xi32>
      %and3A_569 = arith.constant 65535 : i32
      %and3A_570 = vector.broadcast %and3A_569 : i32 to vector<16xi32>
      %and3A_571 = arith.andi %get3A_568, %and3A_570 : vector<16xi32>
      %swap3A_572 = arith.constant 80 : index
      %swap3A_573 = tpu.vector_load %arg13[%swap3A_572] {strides = array<i32>} : memref<128xi32, #tpu.memory_space<vmem>>, vector<16xi32>,
      %swap3A_574 = vector.shape_cast %swap3A_573 : vector<16xi32> to vector<16xi32>
      %swap3A_575 = vector.shape_cast %and3A_571 : vector<16xi32> to vector<16xi32>
      tpu.vector_store %arg13[%swap3A_572], %swap3A_575 {strides = array<i32>} : memref<128xi32, #tpu.memory_space<vmem>>, vector<16xi32>,
      %shift_right_arithmetic3A_576 = arith.constant 16 : i32
      %shift_right_arithmetic3A_577 = vector.broadcast %shift_right_arithmetic3A_576 : i32 to vector<16xi32>
      %shift_right_arithmetic3A_578 = arith.shrsi %get3A_568, %shift_right_arithmetic3A_577 : vector<16xi32>
      %swap3A_579 = arith.constant 0 : i32
      %swap3A_580 = arith.index_cast %swap3A_579 : i32 to index
      %swap3A_581 = arith.constant 80 : index
      %swap3A_582 = tpu.vector_load %arg9[%swap3A_580, %swap3A_581] {strides = array<i32>} : memref<1x128xi32, #tpu.memory_space<vmem>>, vector<1x16xi32>,
      %swap3A_583 = vector.shape_cast %swap3A_582 : vector<1x16xi32> to vector<16xi32>
      %swap3A_584 = vector.shape_cast %shift_right_arithmetic3A_578 : vector<16xi32> to vector<1x16xi32>
      tpu.vector_store %arg9[%swap3A_580, %swap3A_581], %swap3A_584 {strides = array<i32>} : memref<1x128xi32, #tpu.memory_space<vmem>>, vector<1x16xi32>,
      %get3A_585 = arith.index_cast %add3A_443 : i32 to index
      %get3A_586 = arith.constant 96 : index
      %get3A_587 = tpu.vector_load %arg6[%get3A_585, %get3A_586] {strides = array<i32>} : memref<80x128xi32, #tpu.memory_space<vmem>>, vector<1x16xi32>,
      %get3A_588 = vector.shape_cast %get3A_587 : vector<1x16xi32> to vector<16xi32>
      %and3A_589 = arith.constant 65535 : i32
      %and3A_590 = vector.broadcast %and3A_589 : i32 to vector<16xi32>
      %and3A_591 = arith.andi %get3A_588, %and3A_590 : vector<16xi32>
      %swap3A_592 = arith.constant 96 : index
      %swap3A_593 = tpu.vector_load %arg13[%swap3A_592] {strides = array<i32>} : memref<128xi32, #tpu.memory_space<vmem>>, vector<16xi32>,
      %swap3A_594 = vector.shape_cast %swap3A_593 : vector<16xi32> to vector<16xi32>
      %swap3A_595 = vector.shape_cast %and3A_591 : vector<16xi32> to vector<16xi32>
      tpu.vector_store %arg13[%swap3A_592], %swap3A_595 {strides = array<i32>} : memref<128xi32, #tpu.memory_space<vmem>>, vector<16xi32>,
      %shift_right_arithmetic3A_596 = arith.constant 16 : i32
      %shift_right_arithmetic3A_597 = vector.broadcast %shift_right_arithmetic3A_596 : i32 to vector<16xi32>
      %shift_right_arithmetic3A_598 = arith.shrsi %get3A_588, %shift_right_arithmetic3A_597 : vector<16xi32>
      %swap3A_599 = arith.constant 0 : i32
      %swap3A_600 = arith.index_cast %swap3A_599 : i32 to index
      %swap3A_601 = arith.constant 96 : index
      %swap3A_602 = tpu.vector_load %arg9[%swap3A_600, %swap3A_601] {strides = array<i32>} : memref<1x128xi32, #tpu.memory_space<vmem>>, vector<1x16xi32>,
      %swap3A_603 = vector.shape_cast %swap3A_602 : vector<1x16xi32> to vector<16xi32>
      %swap3A_604 = vector.shape_cast %shift_right_arithmetic3A_598 : vector<16xi32> to vector<1x16xi32>
      tpu.vector_store %arg9[%swap3A_600, %swap3A_601], %swap3A_604 {strides = array<i32>} : memref<1x128xi32, #tpu.memory_space<vmem>>, vector<1x16xi32>,
      %get3A_605 = arith.index_cast %add3A_443 : i32 to index
      %get3A_606 = arith.constant 112 : index
      %get3A_607 = tpu.vector_load %arg6[%get3A_605, %get3A_606] {strides = array<i32>} : memref<80x128xi32, #tpu.memory_space<vmem>>, vector<1x16xi32>,
      %get3A_608 = vector.shape_cast %get3A_607 : vector<1x16xi32> to vector<16xi32>
      %and3A_609 = arith.constant 65535 : i32
      %and3A_610 = vector.broadcast %and3A_609 : i32 to vector<16xi32>
      %and3A_611 = arith.andi %get3A_608, %and3A_610 : vector<16xi32>
      %swap3A_612 = arith.constant 112 : index
      %swap3A_613 = tpu.vector_load %arg13[%swap3A_612] {strides = array<i32>} : memref<128xi32, #tpu.memory_space<vmem>>, vector<16xi32>,
      %swap3A_614 = vector.shape_cast %swap3A_613 : vector<16xi32> to vector<16xi32>
      %swap3A_615 = vector.shape_cast %and3A_611 : vector<16xi32> to vector<16xi32>
      tpu.vector_store %arg13[%swap3A_612], %swap3A_615 {strides = array<i32>} : memref<128xi32, #tpu.memory_space<vmem>>, vector<16xi32>,
      %shift_right_arithmetic3A_616 = arith.constant 16 : i32
      %shift_right_arithmetic3A_617 = vector.broadcast %shift_right_arithmetic3A_616 : i32 to vector<16xi32>
      %shift_right_arithmetic3A_618 = arith.shrsi %get3A_608, %shift_right_arithmetic3A_617 : vector<16xi32>
      %swap3A_619 = arith.constant 0 : i32
      %swap3A_620 = arith.index_cast %swap3A_619 : i32 to index
      %swap3A_621 = arith.constant 112 : index
      %swap3A_622 = tpu.vector_load %arg9[%swap3A_620, %swap3A_621] {strides = array<i32>} : memref<1x128xi32, #tpu.memory_space<vmem>>, vector<1x16xi32>,
      %swap3A_623 = vector.shape_cast %swap3A_622 : vector<1x16xi32> to vector<16xi32>
      %swap3A_624 = vector.shape_cast %shift_right_arithmetic3A_618 : vector<16xi32> to vector<1x16xi32>
      tpu.vector_store %arg9[%swap3A_620, %swap3A_621], %swap3A_624 {strides = array<i32>} : memref<1x128xi32, #tpu.memory_space<vmem>>, vector<1x16xi32>,
      %dma_start3A_625 = arith.constant 2 : i32
      %dma_start3A_626 = arith.constant 0 : i32
      %dma_start3A_627 = arith.constant 0 : i32
      %dma_start3A_628 = tpu.memref_slice %arg22[%dma_start3A_626, %dma_start3A_627] : memref<10240x64xf32, #tpu.memory_space<vmem_shared>> -> memref<10240x64xf32, #tpu.memory_space<vmem_shared>>
      %dma_start3A_629 = tpu.memref_slice %arg20[%dma_start3A_625] : memref<4x!tpu.dma_semaphore, #tpu.memory_space<semaphore_mem>> -> memref<1x!tpu.dma_semaphore, #tpu.memory_space<semaphore_mem>>
      %dma_start3A_630 = tpu.memref_squeeze %dma_start3A_629 : memref<1x!tpu.dma_semaphore, #tpu.memory_space<semaphore_mem>> -> memref<!tpu.dma_semaphore, #tpu.memory_space<semaphore_mem>>
      tpu.enqueue_indirect_dma source(%dma_start3A_628 : memref<10240x64xf32, #tpu.memory_space<vmem_shared>>) target(%arg17 : memref<128x64xf32, #tpu.memory_space<vmem>>) offsets(%arg13 : memref<128xi32, #tpu.memory_space<vmem>>) semaphore(%dma_start3A_630 : memref<!tpu.dma_semaphore, #tpu.memory_space<semaphore_mem>>)
      %add3A_631 = arith.constant 3 : i32
      %add3A_632 = arith.addi %add3A_92, %add3A_631 : i32
      %dma_wait3A_633 = arith.constant 1 : i32
      %dma_wait3A_634 = arith.constant 0 : i32
      %dma_wait3A_635 = arith.constant 0 : i32
      %dma_wait3A_636 = tpu.memref_slice %arg22[%dma_wait3A_634, %dma_wait3A_635] : memref<10240x64xf32, #tpu.memory_space<vmem_shared>> -> memref<10240x64xf32, #tpu.memory_space<vmem_shared>>
      %dma_wait3A_637 = tpu.memref_slice %arg20[%dma_wait3A_633] : memref<4x!tpu.dma_semaphore, #tpu.memory_space<semaphore_mem>> -> memref<1x!tpu.dma_semaphore, #tpu.memory_space<semaphore_mem>>
      %dma_wait3A_638 = tpu.memref_squeeze %dma_wait3A_637 : memref<1x!tpu.dma_semaphore, #tpu.memory_space<semaphore_mem>> -> memref<!tpu.dma_semaphore, #tpu.memory_space<semaphore_mem>>
      tpu.wait_indirect_dma semaphore(%dma_wait3A_638 : memref<!tpu.dma_semaphore, #tpu.memory_space<semaphore_mem>>) src(%dma_wait3A_636 : memref<10240x64xf32, #tpu.memory_space<vmem_shared>>) dst(%arg16 : memref<128x64xf32, #tpu.memory_space<vmem>>)
      %dma_start3A_639 = arith.constant 0 : i32
      %dma_start3A_640 = arith.constant 1 : i32
      %dma_start3A_641 = arith.constant 0 : i32
      %dma_start3A_642 = tpu.memref_slice %arg8[%dma_start3A_639, %dma_start3A_641] : memref<1x128xi32, #tpu.memory_space<vmem>> -> memref<1x128xi32, #tpu.memory_space<vmem>>
      %dma_start3A_643 = tpu.memref_squeeze %dma_start3A_642 : memref<1x128xi32, #tpu.memory_space<vmem>> -> memref<128xi32, #tpu.memory_space<vmem>>
      %dma_start3A_644 = arith.constant 0 : i32
      %dma_start3A_645 = arith.constant 0 : i32
      %dma_start3A_646 = tpu.memref_slice %arg19[%dma_start3A_644, %dma_start3A_645] : memref<10240x64xf32, #tpu.memory_space<vmem_shared>> -> memref<10240x64xf32, #tpu.memory_space<vmem_shared>>
      %dma_start3A_647 = tpu.memref_slice %arg21[%dma_start3A_640] : memref<4x!tpu.dma_semaphore, #tpu.memory_space<semaphore_mem>> -> memref<1x!tpu.dma_semaphore, #tpu.memory_space<semaphore_mem>>
      %dma_start3A_648 = tpu.memref_squeeze %dma_start3A_647 : memref<1x!tpu.dma_semaphore, #tpu.memory_space<semaphore_mem>> -> memref<!tpu.dma_semaphore, #tpu.memory_space<semaphore_mem>>
      tpu.enqueue_indirect_dma source(%arg16 : memref<128x64xf32, #tpu.memory_space<vmem>>) target(%dma_start3A_646 : memref<10240x64xf32, #tpu.memory_space<vmem_shared>>) offsets(%dma_start3A_643 : memref<128xi32, #tpu.memory_space<vmem>>) semaphore(%dma_start3A_648 : memref<!tpu.dma_semaphore, #tpu.memory_space<semaphore_mem>>) {add = true}
      %ge3A_649 = arith.constant 4 : i32
      %ge3A_650 = arith.cmpi sge, %add3A_92, %ge3A_649 : i32
      %convert_element_type3A_651 = arith.extui %ge3A_650 : i1 to i32
      %cond3A_652 = arith.constant 0 : i32
      %cond3A_653 = arith.cmpi ne, %convert_element_type3A_651, %cond3A_652 : i32
      scf.if %cond3A_653 {
        %dma_wait3A_820 = arith.constant 0 : i32
        %dma_wait3A_821 = arith.constant 3 : i32
        %dma_wait3A_822 = arith.constant 0 : i32
        %dma_wait3A_823 = tpu.memref_slice %arg10[%dma_wait3A_820, %dma_wait3A_822] : memref<1x128xi32, #tpu.memory_space<vmem>> -> memref<1x128xi32, #tpu.memory_space<vmem>>
        %dma_wait3A_824 = tpu.memref_squeeze %dma_wait3A_823 : memref<1x128xi32, #tpu.memory_space<vmem>> -> memref<128xi32, #tpu.memory_space<vmem>>
        %dma_wait3A_825 = arith.constant 0 : i32
        %dma_wait3A_826 = arith.constant 0 : i32
        %dma_wait3A_827 = tpu.memref_slice %arg19[%dma_wait3A_825, %dma_wait3A_826] : memref<10240x64xf32, #tpu.memory_space<vmem_shared>> -> memref<10240x64xf32, #tpu.memory_space<vmem_shared>>
        %dma_wait3A_828 = tpu.memref_slice %arg21[%dma_wait3A_821] : memref<4x!tpu.dma_semaphore, #tpu.memory_space<semaphore_mem>> -> memref<1x!tpu.dma_semaphore, #tpu.memory_space<semaphore_mem>>
        %dma_wait3A_829 = tpu.memref_squeeze %dma_wait3A_828 : memref<1x!tpu.dma_semaphore, #tpu.memory_space<semaphore_mem>> -> memref<!tpu.dma_semaphore, #tpu.memory_space<semaphore_mem>>
        tpu.wait_indirect_dma semaphore(%dma_wait3A_829 : memref<!tpu.dma_semaphore, #tpu.memory_space<semaphore_mem>>) src(%arg18 : memref<128x64xf32, #tpu.memory_space<vmem>>) dst(%dma_wait3A_827 : memref<10240x64xf32, #tpu.memory_space<vmem_shared>>)
      } else {
      }
      %get3A_654 = arith.index_cast %add3A_632 : i32 to index
      %get3A_655 = arith.constant 0 : index
      %get3A_656 = tpu.vector_load %arg6[%get3A_654, %get3A_655] {strides = array<i32>} : memref<80x128xi32, #tpu.memory_space<vmem>>, vector<1x16xi32>,
      %get3A_657 = vector.shape_cast %get3A_656 : vector<1x16xi32> to vector<16xi32>
      %and3A_658 = arith.constant 65535 : i32
      %and3A_659 = vector.broadcast %and3A_658 : i32 to vector<16xi32>
      %and3A_660 = arith.andi %get3A_657, %and3A_659 : vector<16xi32>
      %swap3A_661 = arith.constant 0 : index
      %swap3A_662 = tpu.vector_load %arg14[%swap3A_661] {strides = array<i32>} : memref<128xi32, #tpu.memory_space<vmem>>, vector<16xi32>,
      %swap3A_663 = vector.shape_cast %swap3A_662 : vector<16xi32> to vector<16xi32>
      %swap3A_664 = vector.shape_cast %and3A_660 : vector<16xi32> to vector<16xi32>
      tpu.vector_store %arg14[%swap3A_661], %swap3A_664 {strides = array<i32>} : memref<128xi32, #tpu.memory_space<vmem>>, vector<16xi32>,
      %shift_right_arithmetic3A_665 = arith.constant 16 : i32
      %shift_right_arithmetic3A_666 = vector.broadcast %shift_right_arithmetic3A_665 : i32 to vector<16xi32>
      %shift_right_arithmetic3A_667 = arith.shrsi %get3A_657, %shift_right_arithmetic3A_666 : vector<16xi32>
      %swap3A_668 = arith.constant 0 : i32
      %swap3A_669 = arith.index_cast %swap3A_668 : i32 to index
      %swap3A_670 = arith.constant 0 : index
      %swap3A_671 = tpu.vector_load %arg10[%swap3A_669, %swap3A_670] {strides = array<i32>} : memref<1x128xi32, #tpu.memory_space<vmem>>, vector<1x16xi32>,
      %swap3A_672 = vector.shape_cast %swap3A_671 : vector<1x16xi32> to vector<16xi32>
      %swap3A_673 = vector.shape_cast %shift_right_arithmetic3A_667 : vector<16xi32> to vector<1x16xi32>
      tpu.vector_store %arg10[%swap3A_669, %swap3A_670], %swap3A_673 {strides = array<i32>} : memref<1x128xi32, #tpu.memory_space<vmem>>, vector<1x16xi32>,
      %get3A_674 = arith.index_cast %add3A_632 : i32 to index
      %get3A_675 = arith.constant 16 : index
      %get3A_676 = tpu.vector_load %arg6[%get3A_674, %get3A_675] {strides = array<i32>} : memref<80x128xi32, #tpu.memory_space<vmem>>, vector<1x16xi32>,
      %get3A_677 = vector.shape_cast %get3A_676 : vector<1x16xi32> to vector<16xi32>
      %and3A_678 = arith.constant 65535 : i32
      %and3A_679 = vector.broadcast %and3A_678 : i32 to vector<16xi32>
      %and3A_680 = arith.andi %get3A_677, %and3A_679 : vector<16xi32>
      %swap3A_681 = arith.constant 16 : index
      %swap3A_682 = tpu.vector_load %arg14[%swap3A_681] {strides = array<i32>} : memref<128xi32, #tpu.memory_space<vmem>>, vector<16xi32>,
      %swap3A_683 = vector.shape_cast %swap3A_682 : vector<16xi32> to vector<16xi32>
      %swap3A_684 = vector.shape_cast %and3A_680 : vector<16xi32> to vector<16xi32>
      tpu.vector_store %arg14[%swap3A_681], %swap3A_684 {strides = array<i32>} : memref<128xi32, #tpu.memory_space<vmem>>, vector<16xi32>,
      %shift_right_arithmetic3A_685 = arith.constant 16 : i32
      %shift_right_arithmetic3A_686 = vector.broadcast %shift_right_arithmetic3A_685 : i32 to vector<16xi32>
      %shift_right_arithmetic3A_687 = arith.shrsi %get3A_677, %shift_right_arithmetic3A_686 : vector<16xi32>
      %swap3A_688 = arith.constant 0 : i32
      %swap3A_689 = arith.index_cast %swap3A_688 : i32 to index
      %swap3A_690 = arith.constant 16 : index
      %swap3A_691 = tpu.vector_load %arg10[%swap3A_689, %swap3A_690] {strides = array<i32>} : memref<1x128xi32, #tpu.memory_space<vmem>>, vector<1x16xi32>,
      %swap3A_692 = vector.shape_cast %swap3A_691 : vector<1x16xi32> to vector<16xi32>
      %swap3A_693 = vector.shape_cast %shift_right_arithmetic3A_687 : vector<16xi32> to vector<1x16xi32>
      tpu.vector_store %arg10[%swap3A_689, %swap3A_690], %swap3A_693 {strides = array<i32>} : memref<1x128xi32, #tpu.memory_space<vmem>>, vector<1x16xi32>,
      %get3A_694 = arith.index_cast %add3A_632 : i32 to index
      %get3A_695 = arith.constant 32 : index
      %get3A_696 = tpu.vector_load %arg6[%get3A_694, %get3A_695] {strides = array<i32>} : memref<80x128xi32, #tpu.memory_space<vmem>>, vector<1x16xi32>,
      %get3A_697 = vector.shape_cast %get3A_696 : vector<1x16xi32> to vector<16xi32>
      %and3A_698 = arith.constant 65535 : i32
      %and3A_699 = vector.broadcast %and3A_698 : i32 to vector<16xi32>
      %and3A_700 = arith.andi %get3A_697, %and3A_699 : vector<16xi32>
      %swap3A_701 = arith.constant 32 : index
      %swap3A_702 = tpu.vector_load %arg14[%swap3A_701] {strides = array<i32>} : memref<128xi32, #tpu.memory_space<vmem>>, vector<16xi32>,
      %swap3A_703 = vector.shape_cast %swap3A_702 : vector<16xi32> to vector<16xi32>
      %swap3A_704 = vector.shape_cast %and3A_700 : vector<16xi32> to vector<16xi32>
      tpu.vector_store %arg14[%swap3A_701], %swap3A_704 {strides = array<i32>} : memref<128xi32, #tpu.memory_space<vmem>>, vector<16xi32>,
      %shift_right_arithmetic3A_705 = arith.constant 16 : i32
      %shift_right_arithmetic3A_706 = vector.broadcast %shift_right_arithmetic3A_705 : i32 to vector<16xi32>
      %shift_right_arithmetic3A_707 = arith.shrsi %get3A_697, %shift_right_arithmetic3A_706 : vector<16xi32>
      %swap3A_708 = arith.constant 0 : i32
      %swap3A_709 = arith.index_cast %swap3A_708 : i32 to index
      %swap3A_710 = arith.constant 32 : index
      %swap3A_711 = tpu.vector_load %arg10[%swap3A_709, %swap3A_710] {strides = array<i32>} : memref<1x128xi32, #tpu.memory_space<vmem>>, vector<1x16xi32>,
      %swap3A_712 = vector.shape_cast %swap3A_711 : vector<1x16xi32> to vector<16xi32>
      %swap3A_713 = vector.shape_cast %shift_right_arithmetic3A_707 : vector<16xi32> to vector<1x16xi32>
      tpu.vector_store %arg10[%swap3A_709, %swap3A_710], %swap3A_713 {strides = array<i32>} : memref<1x128xi32, #tpu.memory_space<vmem>>, vector<1x16xi32>,
      %get3A_714 = arith.index_cast %add3A_632 : i32 to index
      %get3A_715 = arith.constant 48 : index
      %get3A_716 = tpu.vector_load %arg6[%get3A_714, %get3A_715] {strides = array<i32>} : memref<80x128xi32, #tpu.memory_space<vmem>>, vector<1x16xi32>,
      %get3A_717 = vector.shape_cast %get3A_716 : vector<1x16xi32> to vector<16xi32>
      %and3A_718 = arith.constant 65535 : i32
      %and3A_719 = vector.broadcast %and3A_718 : i32 to vector<16xi32>
      %and3A_720 = arith.andi %get3A_717, %and3A_719 : vector<16xi32>
      %swap3A_721 = arith.constant 48 : index
      %swap3A_722 = tpu.vector_load %arg14[%swap3A_721] {strides = array<i32>} : memref<128xi32, #tpu.memory_space<vmem>>, vector<16xi32>,
      %swap3A_723 = vector.shape_cast %swap3A_722 : vector<16xi32> to vector<16xi32>
      %swap3A_724 = vector.shape_cast %and3A_720 : vector<16xi32> to vector<16xi32>
      tpu.vector_store %arg14[%swap3A_721], %swap3A_724 {strides = array<i32>} : memref<128xi32, #tpu.memory_space<vmem>>, vector<16xi32>,
      %shift_right_arithmetic3A_725 = arith.constant 16 : i32
      %shift_right_arithmetic3A_726 = vector.broadcast %shift_right_arithmetic3A_725 : i32 to vector<16xi32>
      %shift_right_arithmetic3A_727 = arith.shrsi %get3A_717, %shift_right_arithmetic3A_726 : vector<16xi32>
      %swap3A_728 = arith.constant 0 : i32
      %swap3A_729 = arith.index_cast %swap3A_728 : i32 to index
      %swap3A_730 = arith.constant 48 : index
      %swap3A_731 = tpu.vector_load %arg10[%swap3A_729, %swap3A_730] {strides = array<i32>} : memref<1x128xi32, #tpu.memory_space<vmem>>, vector<1x16xi32>,
      %swap3A_732 = vector.shape_cast %swap3A_731 : vector<1x16xi32> to vector<16xi32>
      %swap3A_733 = vector.shape_cast %shift_right_arithmetic3A_727 : vector<16xi32> to vector<1x16xi32>
      tpu.vector_store %arg10[%swap3A_729, %swap3A_730], %swap3A_733 {strides = array<i32>} : memref<1x128xi32, #tpu.memory_space<vmem>>, vector<1x16xi32>,
      %get3A_734 = arith.index_cast %add3A_632 : i32 to index
      %get3A_735 = arith.constant 64 : index
      %get3A_736 = tpu.vector_load %arg6[%get3A_734, %get3A_735] {strides = array<i32>} : memref<80x128xi32, #tpu.memory_space<vmem>>, vector<1x16xi32>,
      %get3A_737 = vector.shape_cast %get3A_736 : vector<1x16xi32> to vector<16xi32>
      %and3A_738 = arith.constant 65535 : i32
      %and3A_739 = vector.broadcast %and3A_738 : i32 to vector<16xi32>
      %and3A_740 = arith.andi %get3A_737, %and3A_739 : vector<16xi32>
      %swap3A_741 = arith.constant 64 : index
      %swap3A_742 = tpu.vector_load %arg14[%swap3A_741] {strides = array<i32>} : memref<128xi32, #tpu.memory_space<vmem>>, vector<16xi32>,
      %swap3A_743 = vector.shape_cast %swap3A_742 : vector<16xi32> to vector<16xi32>
      %swap3A_744 = vector.shape_cast %and3A_740 : vector<16xi32> to vector<16xi32>
      tpu.vector_store %arg14[%swap3A_741], %swap3A_744 {strides = array<i32>} : memref<128xi32, #tpu.memory_space<vmem>>, vector<16xi32>,
      %shift_right_arithmetic3A_745 = arith.constant 16 : i32
      %shift_right_arithmetic3A_746 = vector.broadcast %shift_right_arithmetic3A_745 : i32 to vector<16xi32>
      %shift_right_arithmetic3A_747 = arith.shrsi %get3A_737, %shift_right_arithmetic3A_746 : vector<16xi32>
      %swap3A_748 = arith.constant 0 : i32
      %swap3A_749 = arith.index_cast %swap3A_748 : i32 to index
      %swap3A_750 = arith.constant 64 : index
      %swap3A_751 = tpu.vector_load %arg10[%swap3A_749, %swap3A_750] {strides = array<i32>} : memref<1x128xi32, #tpu.memory_space<vmem>>, vector<1x16xi32>,
      %swap3A_752 = vector.shape_cast %swap3A_751 : vector<1x16xi32> to vector<16xi32>
      %swap3A_753 = vector.shape_cast %shift_right_arithmetic3A_747 : vector<16xi32> to vector<1x16xi32>
      tpu.vector_store %arg10[%swap3A_749, %swap3A_750], %swap3A_753 {strides = array<i32>} : memref<1x128xi32, #tpu.memory_space<vmem>>, vector<1x16xi32>,
      %get3A_754 = arith.index_cast %add3A_632 : i32 to index
      %get3A_755 = arith.constant 80 : index
      %get3A_756 = tpu.vector_load %arg6[%get3A_754, %get3A_755] {strides = array<i32>} : memref<80x128xi32, #tpu.memory_space<vmem>>, vector<1x16xi32>,
      %get3A_757 = vector.shape_cast %get3A_756 : vector<1x16xi32> to vector<16xi32>
      %and3A_758 = arith.constant 65535 : i32
      %and3A_759 = vector.broadcast %and3A_758 : i32 to vector<16xi32>
      %and3A_760 = arith.andi %get3A_757, %and3A_759 : vector<16xi32>
      %swap3A_761 = arith.constant 80 : index
      %swap3A_762 = tpu.vector_load %arg14[%swap3A_761] {strides = array<i32>} : memref<128xi32, #tpu.memory_space<vmem>>, vector<16xi32>,
      %swap3A_763 = vector.shape_cast %swap3A_762 : vector<16xi32> to vector<16xi32>
      %swap3A_764 = vector.shape_cast %and3A_760 : vector<16xi32> to vector<16xi32>
      tpu.vector_store %arg14[%swap3A_761], %swap3A_764 {strides = array<i32>} : memref<128xi32, #tpu.memory_space<vmem>>, vector<16xi32>,
      %shift_right_arithmetic3A_765 = arith.constant 16 : i32
      %shift_right_arithmetic3A_766 = vector.broadcast %shift_right_arithmetic3A_765 : i32 to vector<16xi32>
      %shift_right_arithmetic3A_767 = arith.shrsi %get3A_757, %shift_right_arithmetic3A_766 : vector<16xi32>
      %swap3A_768 = arith.constant 0 : i32
      %swap3A_769 = arith.index_cast %swap3A_768 : i32 to index
      %swap3A_770 = arith.constant 80 : index
      %swap3A_771 = tpu.vector_load %arg10[%swap3A_769, %swap3A_770] {strides = array<i32>} : memref<1x128xi32, #tpu.memory_space<vmem>>, vector<1x16xi32>,
      %swap3A_772 = vector.shape_cast %swap3A_771 : vector<1x16xi32> to vector<16xi32>
      %swap3A_773 = vector.shape_cast %shift_right_arithmetic3A_767 : vector<16xi32> to vector<1x16xi32>
      tpu.vector_store %arg10[%swap3A_769, %swap3A_770], %swap3A_773 {strides = array<i32>} : memref<1x128xi32, #tpu.memory_space<vmem>>, vector<1x16xi32>,
      %get3A_774 = arith.index_cast %add3A_632 : i32 to index
      %get3A_775 = arith.constant 96 : index
      %get3A_776 = tpu.vector_load %arg6[%get3A_774, %get3A_775] {strides = array<i32>} : memref<80x128xi32, #tpu.memory_space<vmem>>, vector<1x16xi32>,
      %get3A_777 = vector.shape_cast %get3A_776 : vector<1x16xi32> to vector<16xi32>
      %and3A_778 = arith.constant 65535 : i32
      %and3A_779 = vector.broadcast %and3A_778 : i32 to vector<16xi32>
      %and3A_780 = arith.andi %get3A_777, %and3A_779 : vector<16xi32>
      %swap3A_781 = arith.constant 96 : index
      %swap3A_782 = tpu.vector_load %arg14[%swap3A_781] {strides = array<i32>} : memref<128xi32, #tpu.memory_space<vmem>>, vector<16xi32>,
      %swap3A_783 = vector.shape_cast %swap3A_782 : vector<16xi32> to vector<16xi32>
      %swap3A_784 = vector.shape_cast %and3A_780 : vector<16xi32> to vector<16xi32>
      tpu.vector_store %arg14[%swap3A_781], %swap3A_784 {strides = array<i32>} : memref<128xi32, #tpu.memory_space<vmem>>, vector<16xi32>,
      %shift_right_arithmetic3A_785 = arith.constant 16 : i32
      %shift_right_arithmetic3A_786 = vector.broadcast %shift_right_arithmetic3A_785 : i32 to vector<16xi32>
      %shift_right_arithmetic3A_787 = arith.shrsi %get3A_777, %shift_right_arithmetic3A_786 : vector<16xi32>
      %swap3A_788 = arith.constant 0 : i32
      %swap3A_789 = arith.index_cast %swap3A_788 : i32 to index
      %swap3A_790 = arith.constant 96 : index
      %swap3A_791 = tpu.vector_load %arg10[%swap3A_789, %swap3A_790] {strides = array<i32>} : memref<1x128xi32, #tpu.memory_space<vmem>>, vector<1x16xi32>,
      %swap3A_792 = vector.shape_cast %swap3A_791 : vector<1x16xi32> to vector<16xi32>
      %swap3A_793 = vector.shape_cast %shift_right_arithmetic3A_787 : vector<16xi32> to vector<1x16xi32>
      tpu.vector_store %arg10[%swap3A_789, %swap3A_790], %swap3A_793 {strides = array<i32>} : memref<1x128xi32, #tpu.memory_space<vmem>>, vector<1x16xi32>,
      %get3A_794 = arith.index_cast %add3A_632 : i32 to index
      %get3A_795 = arith.constant 112 : index
      %get3A_796 = tpu.vector_load %arg6[%get3A_794, %get3A_795] {strides = array<i32>} : memref<80x128xi32, #tpu.memory_space<vmem>>, vector<1x16xi32>,
      %get3A_797 = vector.shape_cast %get3A_796 : vector<1x16xi32> to vector<16xi32>
      %and3A_798 = arith.constant 65535 : i32
      %and3A_799 = vector.broadcast %and3A_798 : i32 to vector<16xi32>
      %and3A_800 = arith.andi %get3A_797, %and3A_799 : vector<16xi32>
      %swap3A_801 = arith.constant 112 : index
      %swap3A_802 = tpu.vector_load %arg14[%swap3A_801] {strides = array<i32>} : memref<128xi32, #tpu.memory_space<vmem>>, vector<16xi32>,
      %swap3A_803 = vector.shape_cast %swap3A_802 : vector<16xi32> to vector<16xi32>
      %swap3A_804 = vector.shape_cast %and3A_800 : vector<16xi32> to vector<16xi32>
      tpu.vector_store %arg14[%swap3A_801], %swap3A_804 {strides = array<i32>} : memref<128xi32, #tpu.memory_space<vmem>>, vector<16xi32>,
      %shift_right_arithmetic3A_805 = arith.constant 16 : i32
      %shift_right_arithmetic3A_806 = vector.broadcast %shift_right_arithmetic3A_805 : i32 to vector<16xi32>
      %shift_right_arithmetic3A_807 = arith.shrsi %get3A_797, %shift_right_arithmetic3A_806 : vector<16xi32>
      %swap3A_808 = arith.constant 0 : i32
      %swap3A_809 = arith.index_cast %swap3A_808 : i32 to index
      %swap3A_810 = arith.constant 112 : index
      %swap3A_811 = tpu.vector_load %arg10[%swap3A_809, %swap3A_810] {strides = array<i32>} : memref<1x128xi32, #tpu.memory_space<vmem>>, vector<1x16xi32>,
      %swap3A_812 = vector.shape_cast %swap3A_811 : vector<1x16xi32> to vector<16xi32>
      %swap3A_813 = vector.shape_cast %shift_right_arithmetic3A_807 : vector<16xi32> to vector<1x16xi32>
      tpu.vector_store %arg10[%swap3A_809, %swap3A_810], %swap3A_813 {strides = array<i32>} : memref<1x128xi32, #tpu.memory_space<vmem>>, vector<1x16xi32>,
      %dma_start3A_814 = arith.constant 3 : i32
      %dma_start3A_815 = arith.constant 0 : i32
      %dma_start3A_816 = arith.constant 0 : i32
      %dma_start3A_817 = tpu.memref_slice %arg22[%dma_start3A_815, %dma_start3A_816] : memref<10240x64xf32, #tpu.memory_space<vmem_shared>> -> memref<10240x64xf32, #tpu.memory_space<vmem_shared>>
      %dma_start3A_818 = tpu.memref_slice %arg20[%dma_start3A_814] : memref<4x!tpu.dma_semaphore, #tpu.memory_space<semaphore_mem>> -> memref<1x!tpu.dma_semaphore, #tpu.memory_space<semaphore_mem>>
      %dma_start3A_819 = tpu.memref_squeeze %dma_start3A_818 : memref<1x!tpu.dma_semaphore, #tpu.memory_space<semaphore_mem>> -> memref<!tpu.dma_semaphore, #tpu.memory_space<semaphore_mem>>
      tpu.enqueue_indirect_dma source(%dma_start3A_817 : memref<10240x64xf32, #tpu.memory_space<vmem_shared>>) target(%arg18 : memref<128x64xf32, #tpu.memory_space<vmem>>) offsets(%arg14 : memref<128xi32, #tpu.memory_space<vmem>>) semaphore(%dma_start3A_819 : memref<!tpu.dma_semaphore, #tpu.memory_space<semaphore_mem>>)
    }
    %scan3A_12 = arith.constant 20 : i32
    %dma_wait3A = arith.constant 2 : i32
    %dma_wait3A_13 = arith.constant 0 : i32
    %dma_wait3A_14 = arith.constant 0 : i32
    %dma_wait3A_15 = tpu.memref_slice %arg22[%dma_wait3A_13, %dma_wait3A_14] : memref<10240x64xf32, #tpu.memory_space<vmem_shared>> -> memref<10240x64xf32, #tpu.memory_space<vmem_shared>>
    %dma_wait3A_16 = tpu.memref_slice %arg20[%dma_wait3A] : memref<4x!tpu.dma_semaphore, #tpu.memory_space<semaphore_mem>> -> memref<1x!tpu.dma_semaphore, #tpu.memory_space<semaphore_mem>>
    %dma_wait3A_17 = tpu.memref_squeeze %dma_wait3A_16 : memref<1x!tpu.dma_semaphore, #tpu.memory_space<semaphore_mem>> -> memref<!tpu.dma_semaphore, #tpu.memory_space<semaphore_mem>>
    tpu.wait_indirect_dma semaphore(%dma_wait3A_17 : memref<!tpu.dma_semaphore, #tpu.memory_space<semaphore_mem>>) src(%dma_wait3A_15 : memref<10240x64xf32, #tpu.memory_space<vmem_shared>>) dst(%arg17 : memref<128x64xf32, #tpu.memory_space<vmem>>)
    %dma_start3A = arith.constant 0 : i32
    %dma_start3A_18 = arith.constant 2 : i32
    %dma_start3A_19 = arith.constant 0 : i32
    %dma_start3A_20 = tpu.memref_slice %arg9[%dma_start3A, %dma_start3A_19] : memref<1x128xi32, #tpu.memory_space<vmem>> -> memref<1x128xi32, #tpu.memory_space<vmem>>
    %dma_start3A_21 = tpu.memref_squeeze %dma_start3A_20 : memref<1x128xi32, #tpu.memory_space<vmem>> -> memref<128xi32, #tpu.memory_space<vmem>>
    %dma_start3A_22 = arith.constant 0 : i32
    %dma_start3A_23 = arith.constant 0 : i32
    %dma_start3A_24 = tpu.memref_slice %arg19[%dma_start3A_22, %dma_start3A_23] : memref<10240x64xf32, #tpu.memory_space<vmem_shared>> -> memref<10240x64xf32, #tpu.memory_space<vmem_shared>>
    %dma_start3A_25 = tpu.memref_slice %arg21[%dma_start3A_18] : memref<4x!tpu.dma_semaphore, #tpu.memory_space<semaphore_mem>> -> memref<1x!tpu.dma_semaphore, #tpu.memory_space<semaphore_mem>>
    %dma_start3A_26 = tpu.memref_squeeze %dma_start3A_25 : memref<1x!tpu.dma_semaphore, #tpu.memory_space<semaphore_mem>> -> memref<!tpu.dma_semaphore, #tpu.memory_space<semaphore_mem>>
    tpu.enqueue_indirect_dma source(%arg17 : memref<128x64xf32, #tpu.memory_space<vmem>>) target(%dma_start3A_24 : memref<10240x64xf32, #tpu.memory_space<vmem_shared>>) offsets(%dma_start3A_21 : memref<128xi32, #tpu.memory_space<vmem>>) semaphore(%dma_start3A_26 : memref<!tpu.dma_semaphore, #tpu.memory_space<semaphore_mem>>) {add = true}
    %dma_wait3A_27 = arith.constant 3 : i32
    %dma_wait3A_28 = arith.constant 0 : i32
    %dma_wait3A_29 = arith.constant 0 : i32
    %dma_wait3A_30 = tpu.memref_slice %arg22[%dma_wait3A_28, %dma_wait3A_29] : memref<10240x64xf32, #tpu.memory_space<vmem_shared>> -> memref<10240x64xf32, #tpu.memory_space<vmem_shared>>
    %dma_wait3A_31 = tpu.memref_slice %arg20[%dma_wait3A_27] : memref<4x!tpu.dma_semaphore, #tpu.memory_space<semaphore_mem>> -> memref<1x!tpu.dma_semaphore, #tpu.memory_space<semaphore_mem>>
    %dma_wait3A_32 = tpu.memref_squeeze %dma_wait3A_31 : memref<1x!tpu.dma_semaphore, #tpu.memory_space<semaphore_mem>> -> memref<!tpu.dma_semaphore, #tpu.memory_space<semaphore_mem>>
    tpu.wait_indirect_dma semaphore(%dma_wait3A_32 : memref<!tpu.dma_semaphore, #tpu.memory_space<semaphore_mem>>) src(%dma_wait3A_30 : memref<10240x64xf32, #tpu.memory_space<vmem_shared>>) dst(%arg18 : memref<128x64xf32, #tpu.memory_space<vmem>>)
    %dma_start3A_33 = arith.constant 0 : i32
    %dma_start3A_34 = arith.constant 3 : i32
    %dma_start3A_35 = arith.constant 0 : i32
    %dma_start3A_36 = tpu.memref_slice %arg10[%dma_start3A_33, %dma_start3A_35] : memref<1x128xi32, #tpu.memory_space<vmem>> -> memref<1x128xi32, #tpu.memory_space<vmem>>
    %dma_start3A_37 = tpu.memref_squeeze %dma_start3A_36 : memref<1x128xi32, #tpu.memory_space<vmem>> -> memref<128xi32, #tpu.memory_space<vmem>>
    %dma_start3A_38 = arith.constant 0 : i32
    %dma_start3A_39 = arith.constant 0 : i32
    %dma_start3A_40 = tpu.memref_slice %arg19[%dma_start3A_38, %dma_start3A_39] : memref<10240x64xf32, #tpu.memory_space<vmem_shared>> -> memref<10240x64xf32, #tpu.memory_space<vmem_shared>>
    %dma_start3A_41 = tpu.memref_slice %arg21[%dma_start3A_34] : memref<4x!tpu.dma_semaphore, #tpu.memory_space<semaphore_mem>> -> memref<1x!tpu.dma_semaphore, #tpu.memory_space<semaphore_mem>>
    %dma_start3A_42 = tpu.memref_squeeze %dma_start3A_41 : memref<1x!tpu.dma_semaphore, #tpu.memory_space<semaphore_mem>> -> memref<!tpu.dma_semaphore, #tpu.memory_space<semaphore_mem>>
    tpu.enqueue_indirect_dma source(%arg18 : memref<128x64xf32, #tpu.memory_space<vmem>>) target(%dma_start3A_40 : memref<10240x64xf32, #tpu.memory_space<vmem_shared>>) offsets(%dma_start3A_37 : memref<128xi32, #tpu.memory_space<vmem>>) semaphore(%dma_start3A_42 : memref<!tpu.dma_semaphore, #tpu.memory_space<semaphore_mem>>) {add = true}
    %dma_wait3A_43 = arith.constant 0 : i32
    %dma_wait3A_44 = arith.constant 0 : i32
    %dma_wait3A_45 = arith.constant 0 : i32
    %dma_wait3A_46 = tpu.memref_slice %arg7[%dma_wait3A_43, %dma_wait3A_45] : memref<1x128xi32, #tpu.memory_space<vmem>> -> memref<1x128xi32, #tpu.memory_space<vmem>>
    %dma_wait3A_47 = tpu.memref_squeeze %dma_wait3A_46 : memref<1x128xi32, #tpu.memory_space<vmem>> -> memref<128xi32, #tpu.memory_space<vmem>>
    %dma_wait3A_48 = arith.constant 0 : i32
    %dma_wait3A_49 = arith.constant 0 : i32
    %dma_wait3A_50 = tpu.memref_slice %arg19[%dma_wait3A_48, %dma_wait3A_49] : memref<10240x64xf32, #tpu.memory_space<vmem_shared>> -> memref<10240x64xf32, #tpu.memory_space<vmem_shared>>
    %dma_wait3A_51 = tpu.memref_slice %arg21[%dma_wait3A_44] : memref<4x!tpu.dma_semaphore, #tpu.memory_space<semaphore_mem>> -> memref<1x!tpu.dma_semaphore, #tpu.memory_space<semaphore_mem>>
    %dma_wait3A_52 = tpu.memref_squeeze %dma_wait3A_51 : memref<1x!tpu.dma_semaphore, #tpu.memory_space<semaphore_mem>> -> memref<!tpu.dma_semaphore, #tpu.memory_space<semaphore_mem>>
    tpu.wait_indirect_dma semaphore(%dma_wait3A_52 : memref<!tpu.dma_semaphore, #tpu.memory_space<semaphore_mem>>) src(%arg15 : memref<128x64xf32, #tpu.memory_space<vmem>>) dst(%dma_wait3A_50 : memref<10240x64xf32, #tpu.memory_space<vmem_shared>>)
    %dma_wait3A_53 = arith.constant 0 : i32
    %dma_wait3A_54 = arith.constant 1 : i32
    %dma_wait3A_55 = arith.constant 0 : i32
    %dma_wait3A_56 = tpu.memref_slice %arg8[%dma_wait3A_53, %dma_wait3A_55] : memref<1x128xi32, #tpu.memory_space<vmem>> -> memref<1x128xi32, #tpu.memory_space<vmem>>
    %dma_wait3A_57 = tpu.memref_squeeze %dma_wait3A_56 : memref<1x128xi32, #tpu.memory_space<vmem>> -> memref<128xi32, #tpu.memory_space<vmem>>
    %dma_wait3A_58 = arith.constant 0 : i32
    %dma_wait3A_59 = arith.constant 0 : i32
    %dma_wait3A_60 = tpu.memref_slice %arg19[%dma_wait3A_58, %dma_wait3A_59] : memref<10240x64xf32, #tpu.memory_space<vmem_shared>> -> memref<10240x64xf32, #tpu.memory_space<vmem_shared>>
    %dma_wait3A_61 = tpu.memref_slice %arg21[%dma_wait3A_54] : memref<4x!tpu.dma_semaphore, #tpu.memory_space<semaphore_mem>> -> memref<1x!tpu.dma_semaphore, #tpu.memory_space<semaphore_mem>>
    %dma_wait3A_62 = tpu.memref_squeeze %dma_wait3A_61 : memref<1x!tpu.dma_semaphore, #tpu.memory_space<semaphore_mem>> -> memref<!tpu.dma_semaphore, #tpu.memory_space<semaphore_mem>>
    tpu.wait_indirect_dma semaphore(%dma_wait3A_62 : memref<!tpu.dma_semaphore, #tpu.memory_space<semaphore_mem>>) src(%arg16 : memref<128x64xf32, #tpu.memory_space<vmem>>) dst(%dma_wait3A_60 : memref<10240x64xf32, #tpu.memory_space<vmem_shared>>)
    %dma_wait3A_63 = arith.constant 0 : i32
    %dma_wait3A_64 = arith.constant 2 : i32
    %dma_wait3A_65 = arith.constant 0 : i32
    %dma_wait3A_66 = tpu.memref_slice %arg9[%dma_wait3A_63, %dma_wait3A_65] : memref<1x128xi32, #tpu.memory_space<vmem>> -> memref<1x128xi32, #tpu.memory_space<vmem>>
    %dma_wait3A_67 = tpu.memref_squeeze %dma_wait3A_66 : memref<1x128xi32, #tpu.memory_space<vmem>> -> memref<128xi32, #tpu.memory_space<vmem>>
    %dma_wait3A_68 = arith.constant 0 : i32
    %dma_wait3A_69 = arith.constant 0 : i32
    %dma_wait3A_70 = tpu.memref_slice %arg19[%dma_wait3A_68, %dma_wait3A_69] : memref<10240x64xf32, #tpu.memory_space<vmem_shared>> -> memref<10240x64xf32, #tpu.memory_space<vmem_shared>>
    %dma_wait3A_71 = tpu.memref_slice %arg21[%dma_wait3A_64] : memref<4x!tpu.dma_semaphore, #tpu.memory_space<semaphore_mem>> -> memref<1x!tpu.dma_semaphore, #tpu.memory_space<semaphore_mem>>
    %dma_wait3A_72 = tpu.memref_squeeze %dma_wait3A_71 : memref<1x!tpu.dma_semaphore, #tpu.memory_space<semaphore_mem>> -> memref<!tpu.dma_semaphore, #tpu.memory_space<semaphore_mem>>
    tpu.wait_indirect_dma semaphore(%dma_wait3A_72 : memref<!tpu.dma_semaphore, #tpu.memory_space<semaphore_mem>>) src(%arg17 : memref<128x64xf32, #tpu.memory_space<vmem>>) dst(%dma_wait3A_70 : memref<10240x64xf32, #tpu.memory_space<vmem_shared>>)
    %dma_wait3A_73 = arith.constant 0 : i32
    %dma_wait3A_74 = arith.constant 3 : i32
    %dma_wait3A_75 = arith.constant 0 : i32
    %dma_wait3A_76 = tpu.memref_slice %arg10[%dma_wait3A_73, %dma_wait3A_75] : memref<1x128xi32, #tpu.memory_space<vmem>> -> memref<1x128xi32, #tpu.memory_space<vmem>>
    %dma_wait3A_77 = tpu.memref_squeeze %dma_wait3A_76 : memref<1x128xi32, #tpu.memory_space<vmem>> -> memref<128xi32, #tpu.memory_space<vmem>>
    %dma_wait3A_78 = arith.constant 0 : i32
    %dma_wait3A_79 = arith.constant 0 : i32
    %dma_wait3A_80 = tpu.memref_slice %arg19[%dma_wait3A_78, %dma_wait3A_79] : memref<10240x64xf32, #tpu.memory_space<vmem_shared>> -> memref<10240x64xf32, #tpu.memory_space<vmem_shared>>
    %dma_wait3A_81 = tpu.memref_slice %arg21[%dma_wait3A_74] : memref<4x!tpu.dma_semaphore, #tpu.memory_space<semaphore_mem>> -> memref<1x!tpu.dma_semaphore, #tpu.memory_space<semaphore_mem>>
    %dma_wait3A_82 = tpu.memref_squeeze %dma_wait3A_81 : memref<1x!tpu.dma_semaphore, #tpu.memory_space<semaphore_mem>> -> memref<!tpu.dma_semaphore, #tpu.memory_space<semaphore_mem>>
    tpu.wait_indirect_dma semaphore(%dma_wait3A_82 : memref<!tpu.dma_semaphore, #tpu.memory_space<semaphore_mem>>) src(%arg18 : memref<128x64xf32, #tpu.memory_space<vmem>>) dst(%dma_wait3A_80 : memref<10240x64xf32, #tpu.memory_space<vmem_shared>>)
    %barrier3A_83 = arith.constant 0 : index
    tpu.barrier barrier_id(%barrier3A_83)
    %mul3A_84 = arith.constant 640 : i32
    %mul3A_85 = arith.muli %arg1, %mul3A_84 : i32
    %mul3A_86 = arith.constant 640 : i32
    %mul3A_87 = arith.muli %arg1, %mul3A_86 : i32
    "tpu.region"() ({
      %run_scoped3A = tpu.sem_alloc : memref<!tpu.dma_semaphore, #tpu.memory_space<semaphore_mem>>
      %dma_start3A_88 = arith.constant 0 : i32
      %dma_start3A_89 = tpu.memref_slice %arg5[%arg0, %mul3A_87, %dma_start3A_88] : memref<2x10240x64xf32, #tpu.memory_space<hbm>> -> memref<1x640x64xf32, #tpu.memory_space<hbm>>
      %dma_start3A_90 = tpu.memref_squeeze %dma_start3A_89 : memref<1x640x64xf32, #tpu.memory_space<hbm>> -> memref<640x64xf32, #tpu.memory_space<hbm>>
      %dma_start3A_91 = arith.constant 0 : i32
      %dma_start3A_92 = tpu.memref_slice %arg19[%mul3A_85, %dma_start3A_91] : memref<10240x64xf32, #tpu.memory_space<vmem_shared>> -> memref<640x64xf32, #tpu.memory_space<vmem_shared>>
      tpu.enqueue_dma source(%dma_start3A_92 : memref<640x64xf32, #tpu.memory_space<vmem_shared>>) target(%dma_start3A_90 : memref<640x64xf32, #tpu.memory_space<hbm>>) target_semaphore(%run_scoped3A : memref<!tpu.dma_semaphore, #tpu.memory_space<semaphore_mem>>)
      %dma_wait3A_93 = arith.constant 0 : i32
      %dma_wait3A_94 = tpu.memref_slice %arg5[%arg0, %mul3A_87, %dma_wait3A_93] : memref<2x10240x64xf32, #tpu.memory_space<hbm>> -> memref<1x640x64xf32, #tpu.memory_space<hbm>>
      %dma_wait3A_95 = tpu.memref_squeeze %dma_wait3A_94 : memref<1x640x64xf32, #tpu.memory_space<hbm>> -> memref<640x64xf32, #tpu.memory_space<hbm>>
      %dma_wait3A_96 = arith.constant 0 : i32
      %dma_wait3A_97 = tpu.memref_slice %arg19[%mul3A_85, %dma_wait3A_96] : memref<10240x64xf32, #tpu.memory_space<vmem_shared>> -> memref<640x64xf32, #tpu.memory_space<vmem_shared>>
      tpu.wait_dma2 semaphore(%run_scoped3A : memref<!tpu.dma_semaphore, #tpu.memory_space<semaphore_mem>>) src(%dma_wait3A_97 : memref<640x64xf32, #tpu.memory_space<vmem_shared>>) dst(%dma_wait3A_95 : memref<640x64xf32, #tpu.memory_space<hbm>>)
      tpu.yield
    }) : () -> ()
    return
  }
}

#map = affine_map<(d0, d1) -> (0, 0)>
#map1 = affine_map<(d0, d1) -> (0, 0, 0)>
module attributes {stable_mosaic.version = 14 : i64} {
  func.func @k(%arg0: i32, %arg1: i32, %arg2: memref<10240x128xf32, #tpu.memory_space<hbm>>, %arg3: memref<32x80x128xi32, #tpu.memory_space<hbm>>, %arg4: memref<10240x128xf32, #tpu.memory_space<hbm>>, %arg5: memref<2x10240x128xf32, #tpu.memory_space<hbm>>, %arg6: memref<80x128xi32, #tpu.memory_space<vmem>>, %arg7: memref<1x128xi32, #tpu.memory_space<vmem>>, %arg8: memref<1x128xi32, #tpu.memory_space<vmem>>, %arg9: memref<128xi32, #tpu.memory_space<vmem>>, %arg10: memref<128xi32, #tpu.memory_space<vmem>>, %arg11: memref<128x128xf32, #tpu.memory_space<vmem>>, %arg12: memref<128x128xf32, #tpu.memory_space<vmem>>, %arg13: memref<10240x128xf32, #tpu.memory_space<vmem_shared>>, %arg14: memref<2x!tpu.dma_semaphore, #tpu.memory_space<semaphore_mem>>, %arg15: memref<2x!tpu.dma_semaphore, #tpu.memory_space<semaphore_mem>>) attributes {dimension_semantics = [#tpu.dimension_semantics<core_parallel>, #tpu.dimension_semantics<subcore_parallel>], iteration_bounds = array<i64: 2, 16>, scalar_prefetch = 0 : i64, scratch_operands = 10 : i64, tpu.core_type = #tpu.core_type<sc_vector_subcore>, window_params = [{transform_indices = #map}, {transform_indices = #map1}, {transform_indices = #map}, {transform_indices = #map1}]} {
    %mul3A = arith.constant 16 : i32
    %mul3A_0 = arith.muli %arg0, %mul3A : i32
    %add3A = arith.addi %mul3A_0, %arg1 : i32
    %mul3A_1 = arith.constant 640 : i32
    %mul3A_2 = arith.muli %arg1, %mul3A_1 : i32
    %mul3A_3 = arith.constant 640 : i32
    %mul3A_4 = arith.muli %arg1, %mul3A_3 : i32
    "tpu.region"() ({
      %run_scoped3A = tpu.sem_alloc : memref<!tpu.dma_semaphore, #tpu.memory_space<semaphore_mem>>
      %dma_start3A_357 = arith.constant 0 : i32
      %dma_start3A_358 = tpu.memref_slice %arg13[%mul3A_4, %dma_start3A_357] : memref<10240x128xf32, #tpu.memory_space<vmem_shared>> -> memref<640x128xf32, #tpu.memory_space<vmem_shared>>
      %dma_start3A_359 = arith.constant 0 : i32
      %dma_start3A_360 = tpu.memref_slice %arg4[%mul3A_2, %dma_start3A_359] : memref<10240x128xf32, #tpu.memory_space<hbm>> -> memref<640x128xf32, #tpu.memory_space<hbm>>
      tpu.enqueue_dma source(%dma_start3A_360 : memref<640x128xf32, #tpu.memory_space<hbm>>) target(%dma_start3A_358 : memref<640x128xf32, #tpu.memory_space<vmem_shared>>) target_semaphore(%run_scoped3A : memref<!tpu.dma_semaphore, #tpu.memory_space<semaphore_mem>>)
      %dma_wait3A = arith.constant 0 : i32
      %dma_wait3A_361 = tpu.memref_slice %arg13[%mul3A_4, %dma_wait3A] : memref<10240x128xf32, #tpu.memory_space<vmem_shared>> -> memref<640x128xf32, #tpu.memory_space<vmem_shared>>
      %dma_wait3A_362 = arith.constant 0 : i32
      %dma_wait3A_363 = tpu.memref_slice %arg4[%mul3A_2, %dma_wait3A_362] : memref<10240x128xf32, #tpu.memory_space<hbm>> -> memref<640x128xf32, #tpu.memory_space<hbm>>
      tpu.wait_dma2 semaphore(%run_scoped3A : memref<!tpu.dma_semaphore, #tpu.memory_space<semaphore_mem>>) src(%dma_wait3A_363 : memref<640x128xf32, #tpu.memory_space<hbm>>) dst(%dma_wait3A_361 : memref<640x128xf32, #tpu.memory_space<vmem_shared>>)
      tpu.yield
    }) : () -> ()
    "tpu.region"() ({
      %run_scoped3A = tpu.sem_alloc : memref<!tpu.dma_semaphore, #tpu.memory_space<semaphore_mem>>
      %dma_start3A_357 = arith.constant 0 : i32
      %dma_start3A_358 = arith.constant 0 : i32
      %dma_start3A_359 = tpu.memref_slice %arg3[%add3A, %dma_start3A_357, %dma_start3A_358] : memref<32x80x128xi32, #tpu.memory_space<hbm>> -> memref<1x80x128xi32, #tpu.memory_space<hbm>>
      %dma_start3A_360 = tpu.memref_squeeze %dma_start3A_359 : memref<1x80x128xi32, #tpu.memory_space<hbm>> -> memref<80x128xi32, #tpu.memory_space<hbm>>
      %dma_start3A_361 = arith.constant 0 : i32
      %dma_start3A_362 = arith.constant 0 : i32
      %dma_start3A_363 = tpu.memref_slice %arg3[%add3A, %dma_start3A_361, %dma_start3A_362] : memref<32x80x128xi32, #tpu.memory_space<hbm>> -> memref<1x80x128xi32, #tpu.memory_space<hbm>>
      %dma_start3A_364 = tpu.memref_squeeze %dma_start3A_363 : memref<1x80x128xi32, #tpu.memory_space<hbm>> -> memref<80x128xi32, #tpu.memory_space<hbm>>
      tpu.enqueue_dma source(%dma_start3A_364 : memref<80x128xi32, #tpu.memory_space<hbm>>) target(%arg6 : memref<80x128xi32, #tpu.memory_space<vmem>>) target_semaphore(%run_scoped3A : memref<!tpu.dma_semaphore, #tpu.memory_space<semaphore_mem>>)
      %dma_wait3A = arith.constant 0 : i32
      %dma_wait3A_365 = arith.constant 0 : i32
      %dma_wait3A_366 = tpu.memref_slice %arg3[%add3A, %dma_wait3A, %dma_wait3A_365] : memref<32x80x128xi32, #tpu.memory_space<hbm>> -> memref<1x80x128xi32, #tpu.memory_space<hbm>>
      %dma_wait3A_367 = tpu.memref_squeeze %dma_wait3A_366 : memref<1x80x128xi32, #tpu.memory_space<hbm>> -> memref<80x128xi32, #tpu.memory_space<hbm>>
      %dma_wait3A_368 = arith.constant 0 : i32
      %dma_wait3A_369 = arith.constant 0 : i32
      %dma_wait3A_370 = tpu.memref_slice %arg3[%add3A, %dma_wait3A_368, %dma_wait3A_369] : memref<32x80x128xi32, #tpu.memory_space<hbm>> -> memref<1x80x128xi32, #tpu.memory_space<hbm>>
      %dma_wait3A_371 = tpu.memref_squeeze %dma_wait3A_370 : memref<1x80x128xi32, #tpu.memory_space<hbm>> -> memref<80x128xi32, #tpu.memory_space<hbm>>
      tpu.wait_dma2 semaphore(%run_scoped3A : memref<!tpu.dma_semaphore, #tpu.memory_space<semaphore_mem>>) src(%dma_wait3A_371 : memref<80x128xi32, #tpu.memory_space<hbm>>) dst(%arg6 : memref<80x128xi32, #tpu.memory_space<vmem>>)
      tpu.yield
    }) : () -> ()
    %barrier3A = arith.constant 0 : index
    tpu.barrier barrier_id(%barrier3A)
    %get3A = arith.constant 0 : i32
    %get3A_5 = arith.index_cast %get3A : i32 to index
    %get3A_6 = arith.constant 0 : index
    %get3A_7 = tpu.vector_load %arg6[%get3A_5, %get3A_6] {strides = array<i32>} : memref<80x128xi32, #tpu.memory_space<vmem>>, vector<1x16xi32>,
    %get3A_8 = vector.shape_cast %get3A_7 : vector<1x16xi32> to vector<16xi32>
    %and3A = arith.constant 65535 : i32
    %and3A_9 = vector.broadcast %and3A : i32 to vector<16xi32>
    %and3A_10 = arith.andi %get3A_8, %and3A_9 : vector<16xi32>
    %swap3A = arith.constant 0 : index
    %swap3A_11 = tpu.vector_load %arg9[%swap3A] {strides = array<i32>} : memref<128xi32, #tpu.memory_space<vmem>>, vector<16xi32>,
    %swap3A_12 = vector.shape_cast %swap3A_11 : vector<16xi32> to vector<16xi32>
    %swap3A_13 = vector.shape_cast %and3A_10 : vector<16xi32> to vector<16xi32>
    tpu.vector_store %arg9[%swap3A], %swap3A_13 {strides = array<i32>} : memref<128xi32, #tpu.memory_space<vmem>>, vector<16xi32>,
    %shift_right_arithmetic3A = arith.constant 16 : i32
    %shift_right_arithmetic3A_14 = vector.broadcast %shift_right_arithmetic3A : i32 to vector<16xi32>
    %shift_right_arithmetic3A_15 = arith.shrsi %get3A_8, %shift_right_arithmetic3A_14 : vector<16xi32>
    %swap3A_16 = arith.constant 0 : i32
    %swap3A_17 = arith.index_cast %swap3A_16 : i32 to index
    %swap3A_18 = arith.constant 0 : index
    %swap3A_19 = tpu.vector_load %arg7[%swap3A_17, %swap3A_18] {strides = array<i32>} : memref<1x128xi32, #tpu.memory_space<vmem>>, vector<1x16xi32>,
    %swap3A_20 = vector.shape_cast %swap3A_19 : vector<1x16xi32> to vector<16xi32>
    %swap3A_21 = vector.shape_cast %shift_right_arithmetic3A_15 : vector<16xi32> to vector<1x16xi32>
    tpu.vector_store %arg7[%swap3A_17, %swap3A_18], %swap3A_21 {strides = array<i32>} : memref<1x128xi32, #tpu.memory_space<vmem>>, vector<1x16xi32>,
    %get3A_22 = arith.constant 0 : i32
    %get3A_23 = arith.index_cast %get3A_22 : i32 to index
    %get3A_24 = arith.constant 16 : index
    %get3A_25 = tpu.vector_load %arg6[%get3A_23, %get3A_24] {strides = array<i32>} : memref<80x128xi32, #tpu.memory_space<vmem>>, vector<1x16xi32>,
    %get3A_26 = vector.shape_cast %get3A_25 : vector<1x16xi32> to vector<16xi32>
    %and3A_27 = arith.constant 65535 : i32
    %and3A_28 = vector.broadcast %and3A_27 : i32 to vector<16xi32>
    %and3A_29 = arith.andi %get3A_26, %and3A_28 : vector<16xi32>
    %swap3A_30 = arith.constant 16 : index
    %swap3A_31 = tpu.vector_load %arg9[%swap3A_30] {strides = array<i32>} : memref<128xi32, #tpu.memory_space<vmem>>, vector<16xi32>,
    %swap3A_32 = vector.shape_cast %swap3A_31 : vector<16xi32> to vector<16xi32>
    %swap3A_33 = vector.shape_cast %and3A_29 : vector<16xi32> to vector<16xi32>
    tpu.vector_store %arg9[%swap3A_30], %swap3A_33 {strides = array<i32>} : memref<128xi32, #tpu.memory_space<vmem>>, vector<16xi32>,
    %shift_right_arithmetic3A_34 = arith.constant 16 : i32
    %shift_right_arithmetic3A_35 = vector.broadcast %shift_right_arithmetic3A_34 : i32 to vector<16xi32>
    %shift_right_arithmetic3A_36 = arith.shrsi %get3A_26, %shift_right_arithmetic3A_35 : vector<16xi32>
    %swap3A_37 = arith.constant 0 : i32
    %swap3A_38 = arith.index_cast %swap3A_37 : i32 to index
    %swap3A_39 = arith.constant 16 : index
    %swap3A_40 = tpu.vector_load %arg7[%swap3A_38, %swap3A_39] {strides = array<i32>} : memref<1x128xi32, #tpu.memory_space<vmem>>, vector<1x16xi32>,
    %swap3A_41 = vector.shape_cast %swap3A_40 : vector<1x16xi32> to vector<16xi32>
    %swap3A_42 = vector.shape_cast %shift_right_arithmetic3A_36 : vector<16xi32> to vector<1x16xi32>
    tpu.vector_store %arg7[%swap3A_38, %swap3A_39], %swap3A_42 {strides = array<i32>} : memref<1x128xi32, #tpu.memory_space<vmem>>, vector<1x16xi32>,
    %get3A_43 = arith.constant 0 : i32
    %get3A_44 = arith.index_cast %get3A_43 : i32 to index
    %get3A_45 = arith.constant 32 : index
    %get3A_46 = tpu.vector_load %arg6[%get3A_44, %get3A_45] {strides = array<i32>} : memref<80x128xi32, #tpu.memory_space<vmem>>, vector<1x16xi32>,
    %get3A_47 = vector.shape_cast %get3A_46 : vector<1x16xi32> to vector<16xi32>
    %and3A_48 = arith.constant 65535 : i32
    %and3A_49 = vector.broadcast %and3A_48 : i32 to vector<16xi32>
    %and3A_50 = arith.andi %get3A_47, %and3A_49 : vector<16xi32>
    %swap3A_51 = arith.constant 32 : index
    %swap3A_52 = tpu.vector_load %arg9[%swap3A_51] {strides = array<i32>} : memref<128xi32, #tpu.memory_space<vmem>>, vector<16xi32>,
    %swap3A_53 = vector.shape_cast %swap3A_52 : vector<16xi32> to vector<16xi32>
    %swap3A_54 = vector.shape_cast %and3A_50 : vector<16xi32> to vector<16xi32>
    tpu.vector_store %arg9[%swap3A_51], %swap3A_54 {strides = array<i32>} : memref<128xi32, #tpu.memory_space<vmem>>, vector<16xi32>,
    %shift_right_arithmetic3A_55 = arith.constant 16 : i32
    %shift_right_arithmetic3A_56 = vector.broadcast %shift_right_arithmetic3A_55 : i32 to vector<16xi32>
    %shift_right_arithmetic3A_57 = arith.shrsi %get3A_47, %shift_right_arithmetic3A_56 : vector<16xi32>
    %swap3A_58 = arith.constant 0 : i32
    %swap3A_59 = arith.index_cast %swap3A_58 : i32 to index
    %swap3A_60 = arith.constant 32 : index
    %swap3A_61 = tpu.vector_load %arg7[%swap3A_59, %swap3A_60] {strides = array<i32>} : memref<1x128xi32, #tpu.memory_space<vmem>>, vector<1x16xi32>,
    %swap3A_62 = vector.shape_cast %swap3A_61 : vector<1x16xi32> to vector<16xi32>
    %swap3A_63 = vector.shape_cast %shift_right_arithmetic3A_57 : vector<16xi32> to vector<1x16xi32>
    tpu.vector_store %arg7[%swap3A_59, %swap3A_60], %swap3A_63 {strides = array<i32>} : memref<1x128xi32, #tpu.memory_space<vmem>>, vector<1x16xi32>,
    %get3A_64 = arith.constant 0 : i32
    %get3A_65 = arith.index_cast %get3A_64 : i32 to index
    %get3A_66 = arith.constant 48 : index
    %get3A_67 = tpu.vector_load %arg6[%get3A_65, %get3A_66] {strides = array<i32>} : memref<80x128xi32, #tpu.memory_space<vmem>>, vector<1x16xi32>,
    %get3A_68 = vector.shape_cast %get3A_67 : vector<1x16xi32> to vector<16xi32>
    %and3A_69 = arith.constant 65535 : i32
    %and3A_70 = vector.broadcast %and3A_69 : i32 to vector<16xi32>
    %and3A_71 = arith.andi %get3A_68, %and3A_70 : vector<16xi32>
    %swap3A_72 = arith.constant 48 : index
    %swap3A_73 = tpu.vector_load %arg9[%swap3A_72] {strides = array<i32>} : memref<128xi32, #tpu.memory_space<vmem>>, vector<16xi32>,
    %swap3A_74 = vector.shape_cast %swap3A_73 : vector<16xi32> to vector<16xi32>
    %swap3A_75 = vector.shape_cast %and3A_71 : vector<16xi32> to vector<16xi32>
    tpu.vector_store %arg9[%swap3A_72], %swap3A_75 {strides = array<i32>} : memref<128xi32, #tpu.memory_space<vmem>>, vector<16xi32>,
    %shift_right_arithmetic3A_76 = arith.constant 16 : i32
    %shift_right_arithmetic3A_77 = vector.broadcast %shift_right_arithmetic3A_76 : i32 to vector<16xi32>
    %shift_right_arithmetic3A_78 = arith.shrsi %get3A_68, %shift_right_arithmetic3A_77 : vector<16xi32>
    %swap3A_79 = arith.constant 0 : i32
    %swap3A_80 = arith.index_cast %swap3A_79 : i32 to index
    %swap3A_81 = arith.constant 48 : index
    %swap3A_82 = tpu.vector_load %arg7[%swap3A_80, %swap3A_81] {strides = array<i32>} : memref<1x128xi32, #tpu.memory_space<vmem>>, vector<1x16xi32>,
    %swap3A_83 = vector.shape_cast %swap3A_82 : vector<1x16xi32> to vector<16xi32>
    %swap3A_84 = vector.shape_cast %shift_right_arithmetic3A_78 : vector<16xi32> to vector<1x16xi32>
    tpu.vector_store %arg7[%swap3A_80, %swap3A_81], %swap3A_84 {strides = array<i32>} : memref<1x128xi32, #tpu.memory_space<vmem>>, vector<1x16xi32>,
    %get3A_85 = arith.constant 0 : i32
    %get3A_86 = arith.index_cast %get3A_85 : i32 to index
    %get3A_87 = arith.constant 64 : index
    %get3A_88 = tpu.vector_load %arg6[%get3A_86, %get3A_87] {strides = array<i32>} : memref<80x128xi32, #tpu.memory_space<vmem>>, vector<1x16xi32>,
    %get3A_89 = vector.shape_cast %get3A_88 : vector<1x16xi32> to vector<16xi32>
    %and3A_90 = arith.constant 65535 : i32
    %and3A_91 = vector.broadcast %and3A_90 : i32 to vector<16xi32>
    %and3A_92 = arith.andi %get3A_89, %and3A_91 : vector<16xi32>
    %swap3A_93 = arith.constant 64 : index
    %swap3A_94 = tpu.vector_load %arg9[%swap3A_93] {strides = array<i32>} : memref<128xi32, #tpu.memory_space<vmem>>, vector<16xi32>,
    %swap3A_95 = vector.shape_cast %swap3A_94 : vector<16xi32> to vector<16xi32>
    %swap3A_96 = vector.shape_cast %and3A_92 : vector<16xi32> to vector<16xi32>
    tpu.vector_store %arg9[%swap3A_93], %swap3A_96 {strides = array<i32>} : memref<128xi32, #tpu.memory_space<vmem>>, vector<16xi32>,
    %shift_right_arithmetic3A_97 = arith.constant 16 : i32
    %shift_right_arithmetic3A_98 = vector.broadcast %shift_right_arithmetic3A_97 : i32 to vector<16xi32>
    %shift_right_arithmetic3A_99 = arith.shrsi %get3A_89, %shift_right_arithmetic3A_98 : vector<16xi32>
    %swap3A_100 = arith.constant 0 : i32
    %swap3A_101 = arith.index_cast %swap3A_100 : i32 to index
    %swap3A_102 = arith.constant 64 : index
    %swap3A_103 = tpu.vector_load %arg7[%swap3A_101, %swap3A_102] {strides = array<i32>} : memref<1x128xi32, #tpu.memory_space<vmem>>, vector<1x16xi32>,
    %swap3A_104 = vector.shape_cast %swap3A_103 : vector<1x16xi32> to vector<16xi32>
    %swap3A_105 = vector.shape_cast %shift_right_arithmetic3A_99 : vector<16xi32> to vector<1x16xi32>
    tpu.vector_store %arg7[%swap3A_101, %swap3A_102], %swap3A_105 {strides = array<i32>} : memref<1x128xi32, #tpu.memory_space<vmem>>, vector<1x16xi32>,
    %get3A_106 = arith.constant 0 : i32
    %get3A_107 = arith.index_cast %get3A_106 : i32 to index
    %get3A_108 = arith.constant 80 : index
    %get3A_109 = tpu.vector_load %arg6[%get3A_107, %get3A_108] {strides = array<i32>} : memref<80x128xi32, #tpu.memory_space<vmem>>, vector<1x16xi32>,
    %get3A_110 = vector.shape_cast %get3A_109 : vector<1x16xi32> to vector<16xi32>
    %and3A_111 = arith.constant 65535 : i32
    %and3A_112 = vector.broadcast %and3A_111 : i32 to vector<16xi32>
    %and3A_113 = arith.andi %get3A_110, %and3A_112 : vector<16xi32>
    %swap3A_114 = arith.constant 80 : index
    %swap3A_115 = tpu.vector_load %arg9[%swap3A_114] {strides = array<i32>} : memref<128xi32, #tpu.memory_space<vmem>>, vector<16xi32>,
    %swap3A_116 = vector.shape_cast %swap3A_115 : vector<16xi32> to vector<16xi32>
    %swap3A_117 = vector.shape_cast %and3A_113 : vector<16xi32> to vector<16xi32>
    tpu.vector_store %arg9[%swap3A_114], %swap3A_117 {strides = array<i32>} : memref<128xi32, #tpu.memory_space<vmem>>, vector<16xi32>,
    %shift_right_arithmetic3A_118 = arith.constant 16 : i32
    %shift_right_arithmetic3A_119 = vector.broadcast %shift_right_arithmetic3A_118 : i32 to vector<16xi32>
    %shift_right_arithmetic3A_120 = arith.shrsi %get3A_110, %shift_right_arithmetic3A_119 : vector<16xi32>
    %swap3A_121 = arith.constant 0 : i32
    %swap3A_122 = arith.index_cast %swap3A_121 : i32 to index
    %swap3A_123 = arith.constant 80 : index
    %swap3A_124 = tpu.vector_load %arg7[%swap3A_122, %swap3A_123] {strides = array<i32>} : memref<1x128xi32, #tpu.memory_space<vmem>>, vector<1x16xi32>,
    %swap3A_125 = vector.shape_cast %swap3A_124 : vector<1x16xi32> to vector<16xi32>
    %swap3A_126 = vector.shape_cast %shift_right_arithmetic3A_120 : vector<16xi32> to vector<1x16xi32>
    tpu.vector_store %arg7[%swap3A_122, %swap3A_123], %swap3A_126 {strides = array<i32>} : memref<1x128xi32, #tpu.memory_space<vmem>>, vector<1x16xi32>,
    %get3A_127 = arith.constant 0 : i32
    %get3A_128 = arith.index_cast %get3A_127 : i32 to index
    %get3A_129 = arith.constant 96 : index
    %get3A_130 = tpu.vector_load %arg6[%get3A_128, %get3A_129] {strides = array<i32>} : memref<80x128xi32, #tpu.memory_space<vmem>>, vector<1x16xi32>,
    %get3A_131 = vector.shape_cast %get3A_130 : vector<1x16xi32> to vector<16xi32>
    %and3A_132 = arith.constant 65535 : i32
    %and3A_133 = vector.broadcast %and3A_132 : i32 to vector<16xi32>
    %and3A_134 = arith.andi %get3A_131, %and3A_133 : vector<16xi32>
    %swap3A_135 = arith.constant 96 : index
    %swap3A_136 = tpu.vector_load %arg9[%swap3A_135] {strides = array<i32>} : memref<128xi32, #tpu.memory_space<vmem>>, vector<16xi32>,
    %swap3A_137 = vector.shape_cast %swap3A_136 : vector<16xi32> to vector<16xi32>
    %swap3A_138 = vector.shape_cast %and3A_134 : vector<16xi32> to vector<16xi32>
    tpu.vector_store %arg9[%swap3A_135], %swap3A_138 {strides = array<i32>} : memref<128xi32, #tpu.memory_space<vmem>>, vector<16xi32>,
    %shift_right_arithmetic3A_139 = arith.constant 16 : i32
    %shift_right_arithmetic3A_140 = vector.broadcast %shift_right_arithmetic3A_139 : i32 to vector<16xi32>
    %shift_right_arithmetic3A_141 = arith.shrsi %get3A_131, %shift_right_arithmetic3A_140 : vector<16xi32>
    %swap3A_142 = arith.constant 0 : i32
    %swap3A_143 = arith.index_cast %swap3A_142 : i32 to index
    %swap3A_144 = arith.constant 96 : index
    %swap3A_145 = tpu.vector_load %arg7[%swap3A_143, %swap3A_144] {strides = array<i32>} : memref<1x128xi32, #tpu.memory_space<vmem>>, vector<1x16xi32>,
    %swap3A_146 = vector.shape_cast %swap3A_145 : vector<1x16xi32> to vector<16xi32>
    %swap3A_147 = vector.shape_cast %shift_right_arithmetic3A_141 : vector<16xi32> to vector<1x16xi32>
    tpu.vector_store %arg7[%swap3A_143, %swap3A_144], %swap3A_147 {strides = array<i32>} : memref<1x128xi32, #tpu.memory_space<vmem>>, vector<1x16xi32>,
    %get3A_148 = arith.constant 0 : i32
    %get3A_149 = arith.index_cast %get3A_148 : i32 to index
    %get3A_150 = arith.constant 112 : index
    %get3A_151 = tpu.vector_load %arg6[%get3A_149, %get3A_150] {strides = array<i32>} : memref<80x128xi32, #tpu.memory_space<vmem>>, vector<1x16xi32>,
    %get3A_152 = vector.shape_cast %get3A_151 : vector<1x16xi32> to vector<16xi32>
    %and3A_153 = arith.constant 65535 : i32
    %and3A_154 = vector.broadcast %and3A_153 : i32 to vector<16xi32>
    %and3A_155 = arith.andi %get3A_152, %and3A_154 : vector<16xi32>
    %swap3A_156 = arith.constant 112 : index
    %swap3A_157 = tpu.vector_load %arg9[%swap3A_156] {strides = array<i32>} : memref<128xi32, #tpu.memory_space<vmem>>, vector<16xi32>,
    %swap3A_158 = vector.shape_cast %swap3A_157 : vector<16xi32> to vector<16xi32>
    %swap3A_159 = vector.shape_cast %and3A_155 : vector<16xi32> to vector<16xi32>
    tpu.vector_store %arg9[%swap3A_156], %swap3A_159 {strides = array<i32>} : memref<128xi32, #tpu.memory_space<vmem>>, vector<16xi32>,
    %shift_right_arithmetic3A_160 = arith.constant 16 : i32
    %shift_right_arithmetic3A_161 = vector.broadcast %shift_right_arithmetic3A_160 : i32 to vector<16xi32>
    %shift_right_arithmetic3A_162 = arith.shrsi %get3A_152, %shift_right_arithmetic3A_161 : vector<16xi32>
    %swap3A_163 = arith.constant 0 : i32
    %swap3A_164 = arith.index_cast %swap3A_163 : i32 to index
    %swap3A_165 = arith.constant 112 : index
    %swap3A_166 = tpu.vector_load %arg7[%swap3A_164, %swap3A_165] {strides = array<i32>} : memref<1x128xi32, #tpu.memory_space<vmem>>, vector<1x16xi32>,
    %swap3A_167 = vector.shape_cast %swap3A_166 : vector<1x16xi32> to vector<16xi32>
    %swap3A_168 = vector.shape_cast %shift_right_arithmetic3A_162 : vector<16xi32> to vector<1x16xi32>
    tpu.vector_store %arg7[%swap3A_164, %swap3A_165], %swap3A_168 {strides = array<i32>} : memref<1x128xi32, #tpu.memory_space<vmem>>, vector<1x16xi32>,
    %get3A_169 = arith.constant 1 : i32
    %get3A_170 = arith.index_cast %get3A_169 : i32 to index
    %get3A_171 = arith.constant 0 : index
    %get3A_172 = tpu.vector_load %arg6[%get3A_170, %get3A_171] {strides = array<i32>} : memref<80x128xi32, #tpu.memory_space<vmem>>, vector<1x16xi32>,
    %get3A_173 = vector.shape_cast %get3A_172 : vector<1x16xi32> to vector<16xi32>
    %and3A_174 = arith.constant 65535 : i32
    %and3A_175 = vector.broadcast %and3A_174 : i32 to vector<16xi32>
    %and3A_176 = arith.andi %get3A_173, %and3A_175 : vector<16xi32>
    %swap3A_177 = arith.constant 0 : index
    %swap3A_178 = tpu.vector_load %arg10[%swap3A_177] {strides = array<i32>} : memref<128xi32, #tpu.memory_space<vmem>>, vector<16xi32>,
    %swap3A_179 = vector.shape_cast %swap3A_178 : vector<16xi32> to vector<16xi32>
    %swap3A_180 = vector.shape_cast %and3A_176 : vector<16xi32> to vector<16xi32>
    tpu.vector_store %arg10[%swap3A_177], %swap3A_180 {strides = array<i32>} : memref<128xi32, #tpu.memory_space<vmem>>, vector<16xi32>,
    %shift_right_arithmetic3A_181 = arith.constant 16 : i32
    %shift_right_arithmetic3A_182 = vector.broadcast %shift_right_arithmetic3A_181 : i32 to vector<16xi32>
    %shift_right_arithmetic3A_183 = arith.shrsi %get3A_173, %shift_right_arithmetic3A_182 : vector<16xi32>
    %swap3A_184 = arith.constant 0 : i32
    %swap3A_185 = arith.index_cast %swap3A_184 : i32 to index
    %swap3A_186 = arith.constant 0 : index
    %swap3A_187 = tpu.vector_load %arg8[%swap3A_185, %swap3A_186] {strides = array<i32>} : memref<1x128xi32, #tpu.memory_space<vmem>>, vector<1x16xi32>,
    %swap3A_188 = vector.shape_cast %swap3A_187 : vector<1x16xi32> to vector<16xi32>
    %swap3A_189 = vector.shape_cast %shift_right_arithmetic3A_183 : vector<16xi32> to vector<1x16xi32>
    tpu.vector_store %arg8[%swap3A_185, %swap3A_186], %swap3A_189 {strides = array<i32>} : memref<1x128xi32, #tpu.memory_space<vmem>>, vector<1x16xi32>,
    %get3A_190 = arith.constant 1 : i32
    %get3A_191 = arith.index_cast %get3A_190 : i32 to index
    %get3A_192 = arith.constant 16 : index
    %get3A_193 = tpu.vector_load %arg6[%get3A_191, %get3A_192] {strides = array<i32>} : memref<80x128xi32, #tpu.memory_space<vmem>>, vector<1x16xi32>,
    %get3A_194 = vector.shape_cast %get3A_193 : vector<1x16xi32> to vector<16xi32>
    %and3A_195 = arith.constant 65535 : i32
    %and3A_196 = vector.broadcast %and3A_195 : i32 to vector<16xi32>
    %and3A_197 = arith.andi %get3A_194, %and3A_196 : vector<16xi32>
    %swap3A_198 = arith.constant 16 : index
    %swap3A_199 = tpu.vector_load %arg10[%swap3A_198] {strides = array<i32>} : memref<128xi32, #tpu.memory_space<vmem>>, vector<16xi32>,
    %swap3A_200 = vector.shape_cast %swap3A_199 : vector<16xi32> to vector<16xi32>
    %swap3A_201 = vector.shape_cast %and3A_197 : vector<16xi32> to vector<16xi32>
    tpu.vector_store %arg10[%swap3A_198], %swap3A_201 {strides = array<i32>} : memref<128xi32, #tpu.memory_space<vmem>>, vector<16xi32>,
    %shift_right_arithmetic3A_202 = arith.constant 16 : i32
    %shift_right_arithmetic3A_203 = vector.broadcast %shift_right_arithmetic3A_202 : i32 to vector<16xi32>
    %shift_right_arithmetic3A_204 = arith.shrsi %get3A_194, %shift_right_arithmetic3A_203 : vector<16xi32>
    %swap3A_205 = arith.constant 0 : i32
    %swap3A_206 = arith.index_cast %swap3A_205 : i32 to index
    %swap3A_207 = arith.constant 16 : index
    %swap3A_208 = tpu.vector_load %arg8[%swap3A_206, %swap3A_207] {strides = array<i32>} : memref<1x128xi32, #tpu.memory_space<vmem>>, vector<1x16xi32>,
    %swap3A_209 = vector.shape_cast %swap3A_208 : vector<1x16xi32> to vector<16xi32>
    %swap3A_210 = vector.shape_cast %shift_right_arithmetic3A_204 : vector<16xi32> to vector<1x16xi32>
    tpu.vector_store %arg8[%swap3A_206, %swap3A_207], %swap3A_210 {strides = array<i32>} : memref<1x128xi32, #tpu.memory_space<vmem>>, vector<1x16xi32>,
    %get3A_211 = arith.constant 1 : i32
    %get3A_212 = arith.index_cast %get3A_211 : i32 to index
    %get3A_213 = arith.constant 32 : index
    %get3A_214 = tpu.vector_load %arg6[%get3A_212, %get3A_213] {strides = array<i32>} : memref<80x128xi32, #tpu.memory_space<vmem>>, vector<1x16xi32>,
    %get3A_215 = vector.shape_cast %get3A_214 : vector<1x16xi32> to vector<16xi32>
    %and3A_216 = arith.constant 65535 : i32
    %and3A_217 = vector.broadcast %and3A_216 : i32 to vector<16xi32>
    %and3A_218 = arith.andi %get3A_215, %and3A_217 : vector<16xi32>
    %swap3A_219 = arith.constant 32 : index
    %swap3A_220 = tpu.vector_load %arg10[%swap3A_219] {strides = array<i32>} : memref<128xi32, #tpu.memory_space<vmem>>, vector<16xi32>,
    %swap3A_221 = vector.shape_cast %swap3A_220 : vector<16xi32> to vector<16xi32>
    %swap3A_222 = vector.shape_cast %and3A_218 : vector<16xi32> to vector<16xi32>
    tpu.vector_store %arg10[%swap3A_219], %swap3A_222 {strides = array<i32>} : memref<128xi32, #tpu.memory_space<vmem>>, vector<16xi32>,
    %shift_right_arithmetic3A_223 = arith.constant 16 : i32
    %shift_right_arithmetic3A_224 = vector.broadcast %shift_right_arithmetic3A_223 : i32 to vector<16xi32>
    %shift_right_arithmetic3A_225 = arith.shrsi %get3A_215, %shift_right_arithmetic3A_224 : vector<16xi32>
    %swap3A_226 = arith.constant 0 : i32
    %swap3A_227 = arith.index_cast %swap3A_226 : i32 to index
    %swap3A_228 = arith.constant 32 : index
    %swap3A_229 = tpu.vector_load %arg8[%swap3A_227, %swap3A_228] {strides = array<i32>} : memref<1x128xi32, #tpu.memory_space<vmem>>, vector<1x16xi32>,
    %swap3A_230 = vector.shape_cast %swap3A_229 : vector<1x16xi32> to vector<16xi32>
    %swap3A_231 = vector.shape_cast %shift_right_arithmetic3A_225 : vector<16xi32> to vector<1x16xi32>
    tpu.vector_store %arg8[%swap3A_227, %swap3A_228], %swap3A_231 {strides = array<i32>} : memref<1x128xi32, #tpu.memory_space<vmem>>, vector<1x16xi32>,
    %get3A_232 = arith.constant 1 : i32
    %get3A_233 = arith.index_cast %get3A_232 : i32 to index
    %get3A_234 = arith.constant 48 : index
    %get3A_235 = tpu.vector_load %arg6[%get3A_233, %get3A_234] {strides = array<i32>} : memref<80x128xi32, #tpu.memory_space<vmem>>, vector<1x16xi32>,
    %get3A_236 = vector.shape_cast %get3A_235 : vector<1x16xi32> to vector<16xi32>
    %and3A_237 = arith.constant 65535 : i32
    %and3A_238 = vector.broadcast %and3A_237 : i32 to vector<16xi32>
    %and3A_239 = arith.andi %get3A_236, %and3A_238 : vector<16xi32>
    %swap3A_240 = arith.constant 48 : index
    %swap3A_241 = tpu.vector_load %arg10[%swap3A_240] {strides = array<i32>} : memref<128xi32, #tpu.memory_space<vmem>>, vector<16xi32>,
    %swap3A_242 = vector.shape_cast %swap3A_241 : vector<16xi32> to vector<16xi32>
    %swap3A_243 = vector.shape_cast %and3A_239 : vector<16xi32> to vector<16xi32>
    tpu.vector_store %arg10[%swap3A_240], %swap3A_243 {strides = array<i32>} : memref<128xi32, #tpu.memory_space<vmem>>, vector<16xi32>,
    %shift_right_arithmetic3A_244 = arith.constant 16 : i32
    %shift_right_arithmetic3A_245 = vector.broadcast %shift_right_arithmetic3A_244 : i32 to vector<16xi32>
    %shift_right_arithmetic3A_246 = arith.shrsi %get3A_236, %shift_right_arithmetic3A_245 : vector<16xi32>
    %swap3A_247 = arith.constant 0 : i32
    %swap3A_248 = arith.index_cast %swap3A_247 : i32 to index
    %swap3A_249 = arith.constant 48 : index
    %swap3A_250 = tpu.vector_load %arg8[%swap3A_248, %swap3A_249] {strides = array<i32>} : memref<1x128xi32, #tpu.memory_space<vmem>>, vector<1x16xi32>,
    %swap3A_251 = vector.shape_cast %swap3A_250 : vector<1x16xi32> to vector<16xi32>
    %swap3A_252 = vector.shape_cast %shift_right_arithmetic3A_246 : vector<16xi32> to vector<1x16xi32>
    tpu.vector_store %arg8[%swap3A_248, %swap3A_249], %swap3A_252 {strides = array<i32>} : memref<1x128xi32, #tpu.memory_space<vmem>>, vector<1x16xi32>,
    %get3A_253 = arith.constant 1 : i32
    %get3A_254 = arith.index_cast %get3A_253 : i32 to index
    %get3A_255 = arith.constant 64 : index
    %get3A_256 = tpu.vector_load %arg6[%get3A_254, %get3A_255] {strides = array<i32>} : memref<80x128xi32, #tpu.memory_space<vmem>>, vector<1x16xi32>,
    %get3A_257 = vector.shape_cast %get3A_256 : vector<1x16xi32> to vector<16xi32>
    %and3A_258 = arith.constant 65535 : i32
    %and3A_259 = vector.broadcast %and3A_258 : i32 to vector<16xi32>
    %and3A_260 = arith.andi %get3A_257, %and3A_259 : vector<16xi32>
    %swap3A_261 = arith.constant 64 : index
    %swap3A_262 = tpu.vector_load %arg10[%swap3A_261] {strides = array<i32>} : memref<128xi32, #tpu.memory_space<vmem>>, vector<16xi32>,
    %swap3A_263 = vector.shape_cast %swap3A_262 : vector<16xi32> to vector<16xi32>
    %swap3A_264 = vector.shape_cast %and3A_260 : vector<16xi32> to vector<16xi32>
    tpu.vector_store %arg10[%swap3A_261], %swap3A_264 {strides = array<i32>} : memref<128xi32, #tpu.memory_space<vmem>>, vector<16xi32>,
    %shift_right_arithmetic3A_265 = arith.constant 16 : i32
    %shift_right_arithmetic3A_266 = vector.broadcast %shift_right_arithmetic3A_265 : i32 to vector<16xi32>
    %shift_right_arithmetic3A_267 = arith.shrsi %get3A_257, %shift_right_arithmetic3A_266 : vector<16xi32>
    %swap3A_268 = arith.constant 0 : i32
    %swap3A_269 = arith.index_cast %swap3A_268 : i32 to index
    %swap3A_270 = arith.constant 64 : index
    %swap3A_271 = tpu.vector_load %arg8[%swap3A_269, %swap3A_270] {strides = array<i32>} : memref<1x128xi32, #tpu.memory_space<vmem>>, vector<1x16xi32>,
    %swap3A_272 = vector.shape_cast %swap3A_271 : vector<1x16xi32> to vector<16xi32>
    %swap3A_273 = vector.shape_cast %shift_right_arithmetic3A_267 : vector<16xi32> to vector<1x16xi32>
    tpu.vector_store %arg8[%swap3A_269, %swap3A_270], %swap3A_273 {strides = array<i32>} : memref<1x128xi32, #tpu.memory_space<vmem>>, vector<1x16xi32>,
    %get3A_274 = arith.constant 1 : i32
    %get3A_275 = arith.index_cast %get3A_274 : i32 to index
    %get3A_276 = arith.constant 80 : index
    %get3A_277 = tpu.vector_load %arg6[%get3A_275, %get3A_276] {strides = array<i32>} : memref<80x128xi32, #tpu.memory_space<vmem>>, vector<1x16xi32>,
    %get3A_278 = vector.shape_cast %get3A_277 : vector<1x16xi32> to vector<16xi32>
    %and3A_279 = arith.constant 65535 : i32
    %and3A_280 = vector.broadcast %and3A_279 : i32 to vector<16xi32>
    %and3A_281 = arith.andi %get3A_278, %and3A_280 : vector<16xi32>
    %swap3A_282 = arith.constant 80 : index
    %swap3A_283 = tpu.vector_load %arg10[%swap3A_282] {strides = array<i32>} : memref<128xi32, #tpu.memory_space<vmem>>, vector<16xi32>,
    %swap3A_284 = vector.shape_cast %swap3A_283 : vector<16xi32> to vector<16xi32>
    %swap3A_285 = vector.shape_cast %and3A_281 : vector<16xi32> to vector<16xi32>
    tpu.vector_store %arg10[%swap3A_282], %swap3A_285 {strides = array<i32>} : memref<128xi32, #tpu.memory_space<vmem>>, vector<16xi32>,
    %shift_right_arithmetic3A_286 = arith.constant 16 : i32
    %shift_right_arithmetic3A_287 = vector.broadcast %shift_right_arithmetic3A_286 : i32 to vector<16xi32>
    %shift_right_arithmetic3A_288 = arith.shrsi %get3A_278, %shift_right_arithmetic3A_287 : vector<16xi32>
    %swap3A_289 = arith.constant 0 : i32
    %swap3A_290 = arith.index_cast %swap3A_289 : i32 to index
    %swap3A_291 = arith.constant 80 : index
    %swap3A_292 = tpu.vector_load %arg8[%swap3A_290, %swap3A_291] {strides = array<i32>} : memref<1x128xi32, #tpu.memory_space<vmem>>, vector<1x16xi32>,
    %swap3A_293 = vector.shape_cast %swap3A_292 : vector<1x16xi32> to vector<16xi32>
    %swap3A_294 = vector.shape_cast %shift_right_arithmetic3A_288 : vector<16xi32> to vector<1x16xi32>
    tpu.vector_store %arg8[%swap3A_290, %swap3A_291], %swap3A_294 {strides = array<i32>} : memref<1x128xi32, #tpu.memory_space<vmem>>, vector<1x16xi32>,
    %get3A_295 = arith.constant 1 : i32
    %get3A_296 = arith.index_cast %get3A_295 : i32 to index
    %get3A_297 = arith.constant 96 : index
    %get3A_298 = tpu.vector_load %arg6[%get3A_296, %get3A_297] {strides = array<i32>} : memref<80x128xi32, #tpu.memory_space<vmem>>, vector<1x16xi32>,
    %get3A_299 = vector.shape_cast %get3A_298 : vector<1x16xi32> to vector<16xi32>
    %and3A_300 = arith.constant 65535 : i32
    %and3A_301 = vector.broadcast %and3A_300 : i32 to vector<16xi32>
    %and3A_302 = arith.andi %get3A_299, %and3A_301 : vector<16xi32>
    %swap3A_303 = arith.constant 96 : index
    %swap3A_304 = tpu.vector_load %arg10[%swap3A_303] {strides = array<i32>} : memref<128xi32, #tpu.memory_space<vmem>>, vector<16xi32>,
    %swap3A_305 = vector.shape_cast %swap3A_304 : vector<16xi32> to vector<16xi32>
    %swap3A_306 = vector.shape_cast %and3A_302 : vector<16xi32> to vector<16xi32>
    tpu.vector_store %arg10[%swap3A_303], %swap3A_306 {strides = array<i32>} : memref<128xi32, #tpu.memory_space<vmem>>, vector<16xi32>,
    %shift_right_arithmetic3A_307 = arith.constant 16 : i32
    %shift_right_arithmetic3A_308 = vector.broadcast %shift_right_arithmetic3A_307 : i32 to vector<16xi32>
    %shift_right_arithmetic3A_309 = arith.shrsi %get3A_299, %shift_right_arithmetic3A_308 : vector<16xi32>
    %swap3A_310 = arith.constant 0 : i32
    %swap3A_311 = arith.index_cast %swap3A_310 : i32 to index
    %swap3A_312 = arith.constant 96 : index
    %swap3A_313 = tpu.vector_load %arg8[%swap3A_311, %swap3A_312] {strides = array<i32>} : memref<1x128xi32, #tpu.memory_space<vmem>>, vector<1x16xi32>,
    %swap3A_314 = vector.shape_cast %swap3A_313 : vector<1x16xi32> to vector<16xi32>
    %swap3A_315 = vector.shape_cast %shift_right_arithmetic3A_309 : vector<16xi32> to vector<1x16xi32>
    tpu.vector_store %arg8[%swap3A_311, %swap3A_312], %swap3A_315 {strides = array<i32>} : memref<1x128xi32, #tpu.memory_space<vmem>>, vector<1x16xi32>,
    %get3A_316 = arith.constant 1 : i32
    %get3A_317 = arith.index_cast %get3A_316 : i32 to index
    %get3A_318 = arith.constant 112 : index
    %get3A_319 = tpu.vector_load %arg6[%get3A_317, %get3A_318] {strides = array<i32>} : memref<80x128xi32, #tpu.memory_space<vmem>>, vector<1x16xi32>,
    %get3A_320 = vector.shape_cast %get3A_319 : vector<1x16xi32> to vector<16xi32>
    %and3A_321 = arith.constant 65535 : i32
    %and3A_322 = vector.broadcast %and3A_321 : i32 to vector<16xi32>
    %and3A_323 = arith.andi %get3A_320, %and3A_322 : vector<16xi32>
    %swap3A_324 = arith.constant 112 : index
    %swap3A_325 = tpu.vector_load %arg10[%swap3A_324] {strides = array<i32>} : memref<128xi32, #tpu.memory_space<vmem>>, vector<16xi32>,
    %swap3A_326 = vector.shape_cast %swap3A_325 : vector<16xi32> to vector<16xi32>
    %swap3A_327 = vector.shape_cast %and3A_323 : vector<16xi32> to vector<16xi32>
    tpu.vector_store %arg10[%swap3A_324], %swap3A_327 {strides = array<i32>} : memref<128xi32, #tpu.memory_space<vmem>>, vector<16xi32>,
    %shift_right_arithmetic3A_328 = arith.constant 16 : i32
    %shift_right_arithmetic3A_329 = vector.broadcast %shift_right_arithmetic3A_328 : i32 to vector<16xi32>
    %shift_right_arithmetic3A_330 = arith.shrsi %get3A_320, %shift_right_arithmetic3A_329 : vector<16xi32>
    %swap3A_331 = arith.constant 0 : i32
    %swap3A_332 = arith.index_cast %swap3A_331 : i32 to index
    %swap3A_333 = arith.constant 112 : index
    %swap3A_334 = tpu.vector_load %arg8[%swap3A_332, %swap3A_333] {strides = array<i32>} : memref<1x128xi32, #tpu.memory_space<vmem>>, vector<1x16xi32>,
    %swap3A_335 = vector.shape_cast %swap3A_334 : vector<1x16xi32> to vector<16xi32>
    %swap3A_336 = vector.shape_cast %shift_right_arithmetic3A_330 : vector<16xi32> to vector<1x16xi32>
    tpu.vector_store %arg8[%swap3A_332, %swap3A_333], %swap3A_336 {strides = array<i32>} : memref<1x128xi32, #tpu.memory_space<vmem>>, vector<1x16xi32>,
    %dma_start3A = arith.constant 0 : i32
    %dma_start3A_337 = arith.constant 0 : i32
    %dma_start3A_338 = arith.constant 0 : i32
    %dma_start3A_339 = tpu.memref_slice %arg2[%dma_start3A_337, %dma_start3A_338] : memref<10240x128xf32, #tpu.memory_space<hbm>> -> memref<10240x128xf32, #tpu.memory_space<hbm>>
    %dma_start3A_340 = tpu.memref_slice %arg14[%dma_start3A] : memref<2x!tpu.dma_semaphore, #tpu.memory_space<semaphore_mem>> -> memref<1x!tpu.dma_semaphore, #tpu.memory_space<semaphore_mem>>
    %dma_start3A_341 = tpu.memref_squeeze %dma_start3A_340 : memref<1x!tpu.dma_semaphore, #tpu.memory_space<semaphore_mem>> -> memref<!tpu.dma_semaphore, #tpu.memory_space<semaphore_mem>>
    tpu.enqueue_indirect_dma source(%dma_start3A_339 : memref<10240x128xf32, #tpu.memory_space<hbm>>) target(%arg11 : memref<128x128xf32, #tpu.memory_space<vmem>>) offsets(%arg9 : memref<128xi32, #tpu.memory_space<vmem>>) semaphore(%dma_start3A_341 : memref<!tpu.dma_semaphore, #tpu.memory_space<semaphore_mem>>)
    %dma_start3A_342 = arith.constant 1 : i32
    %dma_start3A_343 = arith.constant 0 : i32
    %dma_start3A_344 = arith.constant 0 : i32
    %dma_start3A_345 = tpu.memref_slice %arg2[%dma_start3A_343, %dma_start3A_344] : memref<10240x128xf32, #tpu.memory_space<hbm>> -> memref<10240x128xf32, #tpu.memory_space<hbm>>
    %dma_start3A_346 = tpu.memref_slice %arg14[%dma_start3A_342] : memref<2x!tpu.dma_semaphore, #tpu.memory_space<semaphore_mem>> -> memref<1x!tpu.dma_semaphore, #tpu.memory_space<semaphore_mem>>
    %dma_start3A_347 = tpu.memref_squeeze %dma_start3A_346 : memref<1x!tpu.dma_semaphore, #tpu.memory_space<semaphore_mem>> -> memref<!tpu.dma_semaphore, #tpu.memory_space<semaphore_mem>>
    tpu.enqueue_indirect_dma source(%dma_start3A_345 : memref<10240x128xf32, #tpu.memory_space<hbm>>) target(%arg12 : memref<128x128xf32, #tpu.memory_space<vmem>>) offsets(%arg10 : memref<128xi32, #tpu.memory_space<vmem>>) semaphore(%dma_start3A_347 : memref<!tpu.dma_semaphore, #tpu.memory_space<semaphore_mem>>)
    %scan3A = arith.constant 0 : i32
    %scan3A_348 = arith.constant 40 : i32
    %scan3A_349 = arith.addi %scan3A, %scan3A_348 : i32
    %scan3A_350 = arith.constant 1 : i32
    scf.for %scan3A_357 = %scan3A to %scan3A_349 step %scan3A_350  : i32 {
      %mul3A_358 = arith.constant 2 : i32
      %mul3A_359 = arith.muli %scan3A_357, %mul3A_358 : i32
      %add3A_360 = arith.constant 0 : i32
      %add3A_361 = arith.addi %add3A_360, %mul3A_359 : i32
      %add3A_362 = arith.constant 0 : i32
      %add3A_363 = arith.addi %add3A_361, %add3A_362 : i32
      %dma_wait3A = arith.constant 0 : i32
      %dma_wait3A_364 = arith.constant 0 : i32
      %dma_wait3A_365 = arith.constant 0 : i32
      %dma_wait3A_366 = tpu.memref_slice %arg2[%dma_wait3A_364, %dma_wait3A_365] : memref<10240x128xf32, #tpu.memory_space<hbm>> -> memref<10240x128xf32, #tpu.memory_space<hbm>>
      %dma_wait3A_367 = tpu.memref_slice %arg14[%dma_wait3A] : memref<2x!tpu.dma_semaphore, #tpu.memory_space<semaphore_mem>> -> memref<1x!tpu.dma_semaphore, #tpu.memory_space<semaphore_mem>>
      %dma_wait3A_368 = tpu.memref_squeeze %dma_wait3A_367 : memref<1x!tpu.dma_semaphore, #tpu.memory_space<semaphore_mem>> -> memref<!tpu.dma_semaphore, #tpu.memory_space<semaphore_mem>>
      tpu.wait_indirect_dma semaphore(%dma_wait3A_368 : memref<!tpu.dma_semaphore, #tpu.memory_space<semaphore_mem>>) src(%dma_wait3A_366 : memref<10240x128xf32, #tpu.memory_space<hbm>>) dst(%arg11 : memref<128x128xf32, #tpu.memory_space<vmem>>)
      %run_scoped3A = arith.constant 0 : i32
      "tpu.region"() ({
        %run_scoped3A_389 = tpu.sem_alloc : memref<!tpu.dma_semaphore, #tpu.memory_space<semaphore_mem>>
        %dma_start3A_390 = arith.constant 0 : i32
        %dma_start3A_391 = tpu.memref_slice %arg7[%run_scoped3A, %dma_start3A_390] : memref<1x128xi32, #tpu.memory_space<vmem>> -> memref<1x128xi32, #tpu.memory_space<vmem>>
        %dma_start3A_392 = tpu.memref_squeeze %dma_start3A_391 : memref<1x128xi32, #tpu.memory_space<vmem>> -> memref<128xi32, #tpu.memory_space<vmem>>
        %dma_start3A_393 = arith.constant 0 : i32
        %dma_start3A_394 = arith.constant 0 : i32
        %dma_start3A_395 = tpu.memref_slice %arg13[%dma_start3A_393, %dma_start3A_394] : memref<10240x128xf32, #tpu.memory_space<vmem_shared>> -> memref<10240x128xf32, #tpu.memory_space<vmem_shared>>
        tpu.enqueue_indirect_dma source(%arg11 : memref<128x128xf32, #tpu.memory_space<vmem>>) target(%dma_start3A_395 : memref<10240x128xf32, #tpu.memory_space<vmem_shared>>) offsets(%dma_start3A_392 : memref<128xi32, #tpu.memory_space<vmem>>) semaphore(%run_scoped3A_389 : memref<!tpu.dma_semaphore, #tpu.memory_space<semaphore_mem>>) {add = true}
        %dma_wait3A_396 = arith.constant 0 : i32
        %dma_wait3A_397 = tpu.memref_slice %arg7[%run_scoped3A, %dma_wait3A_396] : memref<1x128xi32, #tpu.memory_space<vmem>> -> memref<1x128xi32, #tpu.memory_space<vmem>>
        %dma_wait3A_398 = tpu.memref_squeeze %dma_wait3A_397 : memref<1x128xi32, #tpu.memory_space<vmem>> -> memref<128xi32, #tpu.memory_space<vmem>>
        %dma_wait3A_399 = arith.constant 0 : i32
        %dma_wait3A_400 = arith.constant 0 : i32
        %dma_wait3A_401 = tpu.memref_slice %arg13[%dma_wait3A_399, %dma_wait3A_400] : memref<10240x128xf32, #tpu.memory_space<vmem_shared>> -> memref<10240x128xf32, #tpu.memory_space<vmem_shared>>
        tpu.wait_indirect_dma semaphore(%run_scoped3A_389 : memref<!tpu.dma_semaphore, #tpu.memory_space<semaphore_mem>>) src(%arg11 : memref<128x128xf32, #tpu.memory_space<vmem>>) dst(%dma_wait3A_401 : memref<10240x128xf32, #tpu.memory_space<vmem_shared>>)
        tpu.yield
      }) : () -> ()
      %add3A_369 = arith.constant 2 : i32
      %add3A_370 = arith.addi %add3A_363, %add3A_369 : i32
      %lt3A = arith.constant 80 : i32
      %lt3A_371 = arith.cmpi slt, %add3A_370, %lt3A : i32
      %convert_element_type3A = arith.extui %lt3A_371 : i1 to i32
      %cond3A = arith.constant 0 : i32
      %cond3A_372 = arith.cmpi ne, %convert_element_type3A, %cond3A : i32
      scf.if %cond3A_372 {
        %add3A_389 = arith.constant 2 : i32
        %add3A_390 = arith.addi %add3A_363, %add3A_389 : i32
        %get3A_391 = arith.index_cast %add3A_390 : i32 to index
        %get3A_392 = arith.constant 0 : index
        %get3A_393 = tpu.vector_load %arg6[%get3A_391, %get3A_392] {strides = array<i32>} : memref<80x128xi32, #tpu.memory_space<vmem>>, vector<1x16xi32>,
        %get3A_394 = vector.shape_cast %get3A_393 : vector<1x16xi32> to vector<16xi32>
        %and3A_395 = arith.constant 65535 : i32
        %and3A_396 = vector.broadcast %and3A_395 : i32 to vector<16xi32>
        %and3A_397 = arith.andi %get3A_394, %and3A_396 : vector<16xi32>
        %swap3A_398 = arith.constant 0 : index
        %swap3A_399 = tpu.vector_load %arg9[%swap3A_398] {strides = array<i32>} : memref<128xi32, #tpu.memory_space<vmem>>, vector<16xi32>,
        %swap3A_400 = vector.shape_cast %swap3A_399 : vector<16xi32> to vector<16xi32>
        %swap3A_401 = vector.shape_cast %and3A_397 : vector<16xi32> to vector<16xi32>
        tpu.vector_store %arg9[%swap3A_398], %swap3A_401 {strides = array<i32>} : memref<128xi32, #tpu.memory_space<vmem>>, vector<16xi32>,
        %shift_right_arithmetic3A_402 = arith.constant 16 : i32
        %shift_right_arithmetic3A_403 = vector.broadcast %shift_right_arithmetic3A_402 : i32 to vector<16xi32>
        %shift_right_arithmetic3A_404 = arith.shrsi %get3A_394, %shift_right_arithmetic3A_403 : vector<16xi32>
        %swap3A_405 = arith.constant 0 : i32
        %swap3A_406 = arith.index_cast %swap3A_405 : i32 to index
        %swap3A_407 = arith.constant 0 : index
        %swap3A_408 = tpu.vector_load %arg7[%swap3A_406, %swap3A_407] {strides = array<i32>} : memref<1x128xi32, #tpu.memory_space<vmem>>, vector<1x16xi32>,
        %swap3A_409 = vector.shape_cast %swap3A_408 : vector<1x16xi32> to vector<16xi32>
        %swap3A_410 = vector.shape_cast %shift_right_arithmetic3A_404 : vector<16xi32> to vector<1x16xi32>
        tpu.vector_store %arg7[%swap3A_406, %swap3A_407], %swap3A_410 {strides = array<i32>} : memref<1x128xi32, #tpu.memory_space<vmem>>, vector<1x16xi32>,
        %get3A_411 = arith.index_cast %add3A_390 : i32 to index
        %get3A_412 = arith.constant 16 : index
        %get3A_413 = tpu.vector_load %arg6[%get3A_411, %get3A_412] {strides = array<i32>} : memref<80x128xi32, #tpu.memory_space<vmem>>, vector<1x16xi32>,
        %get3A_414 = vector.shape_cast %get3A_413 : vector<1x16xi32> to vector<16xi32>
        %and3A_415 = arith.constant 65535 : i32
        %and3A_416 = vector.broadcast %and3A_415 : i32 to vector<16xi32>
        %and3A_417 = arith.andi %get3A_414, %and3A_416 : vector<16xi32>
        %swap3A_418 = arith.constant 16 : index
        %swap3A_419 = tpu.vector_load %arg9[%swap3A_418] {strides = array<i32>} : memref<128xi32, #tpu.memory_space<vmem>>, vector<16xi32>,
        %swap3A_420 = vector.shape_cast %swap3A_419 : vector<16xi32> to vector<16xi32>
        %swap3A_421 = vector.shape_cast %and3A_417 : vector<16xi32> to vector<16xi32>
        tpu.vector_store %arg9[%swap3A_418], %swap3A_421 {strides = array<i32>} : memref<128xi32, #tpu.memory_space<vmem>>, vector<16xi32>,
        %shift_right_arithmetic3A_422 = arith.constant 16 : i32
        %shift_right_arithmetic3A_423 = vector.broadcast %shift_right_arithmetic3A_422 : i32 to vector<16xi32>
        %shift_right_arithmetic3A_424 = arith.shrsi %get3A_414, %shift_right_arithmetic3A_423 : vector<16xi32>
        %swap3A_425 = arith.constant 0 : i32
        %swap3A_426 = arith.index_cast %swap3A_425 : i32 to index
        %swap3A_427 = arith.constant 16 : index
        %swap3A_428 = tpu.vector_load %arg7[%swap3A_426, %swap3A_427] {strides = array<i32>} : memref<1x128xi32, #tpu.memory_space<vmem>>, vector<1x16xi32>,
        %swap3A_429 = vector.shape_cast %swap3A_428 : vector<1x16xi32> to vector<16xi32>
        %swap3A_430 = vector.shape_cast %shift_right_arithmetic3A_424 : vector<16xi32> to vector<1x16xi32>
        tpu.vector_store %arg7[%swap3A_426, %swap3A_427], %swap3A_430 {strides = array<i32>} : memref<1x128xi32, #tpu.memory_space<vmem>>, vector<1x16xi32>,
        %get3A_431 = arith.index_cast %add3A_390 : i32 to index
        %get3A_432 = arith.constant 32 : index
        %get3A_433 = tpu.vector_load %arg6[%get3A_431, %get3A_432] {strides = array<i32>} : memref<80x128xi32, #tpu.memory_space<vmem>>, vector<1x16xi32>,
        %get3A_434 = vector.shape_cast %get3A_433 : vector<1x16xi32> to vector<16xi32>
        %and3A_435 = arith.constant 65535 : i32
        %and3A_436 = vector.broadcast %and3A_435 : i32 to vector<16xi32>
        %and3A_437 = arith.andi %get3A_434, %and3A_436 : vector<16xi32>
        %swap3A_438 = arith.constant 32 : index
        %swap3A_439 = tpu.vector_load %arg9[%swap3A_438] {strides = array<i32>} : memref<128xi32, #tpu.memory_space<vmem>>, vector<16xi32>,
        %swap3A_440 = vector.shape_cast %swap3A_439 : vector<16xi32> to vector<16xi32>
        %swap3A_441 = vector.shape_cast %and3A_437 : vector<16xi32> to vector<16xi32>
        tpu.vector_store %arg9[%swap3A_438], %swap3A_441 {strides = array<i32>} : memref<128xi32, #tpu.memory_space<vmem>>, vector<16xi32>,
        %shift_right_arithmetic3A_442 = arith.constant 16 : i32
        %shift_right_arithmetic3A_443 = vector.broadcast %shift_right_arithmetic3A_442 : i32 to vector<16xi32>
        %shift_right_arithmetic3A_444 = arith.shrsi %get3A_434, %shift_right_arithmetic3A_443 : vector<16xi32>
        %swap3A_445 = arith.constant 0 : i32
        %swap3A_446 = arith.index_cast %swap3A_445 : i32 to index
        %swap3A_447 = arith.constant 32 : index
        %swap3A_448 = tpu.vector_load %arg7[%swap3A_446, %swap3A_447] {strides = array<i32>} : memref<1x128xi32, #tpu.memory_space<vmem>>, vector<1x16xi32>,
        %swap3A_449 = vector.shape_cast %swap3A_448 : vector<1x16xi32> to vector<16xi32>
        %swap3A_450 = vector.shape_cast %shift_right_arithmetic3A_444 : vector<16xi32> to vector<1x16xi32>
        tpu.vector_store %arg7[%swap3A_446, %swap3A_447], %swap3A_450 {strides = array<i32>} : memref<1x128xi32, #tpu.memory_space<vmem>>, vector<1x16xi32>,
        %get3A_451 = arith.index_cast %add3A_390 : i32 to index
        %get3A_452 = arith.constant 48 : index
        %get3A_453 = tpu.vector_load %arg6[%get3A_451, %get3A_452] {strides = array<i32>} : memref<80x128xi32, #tpu.memory_space<vmem>>, vector<1x16xi32>,
        %get3A_454 = vector.shape_cast %get3A_453 : vector<1x16xi32> to vector<16xi32>
        %and3A_455 = arith.constant 65535 : i32
        %and3A_456 = vector.broadcast %and3A_455 : i32 to vector<16xi32>
        %and3A_457 = arith.andi %get3A_454, %and3A_456 : vector<16xi32>
        %swap3A_458 = arith.constant 48 : index
        %swap3A_459 = tpu.vector_load %arg9[%swap3A_458] {strides = array<i32>} : memref<128xi32, #tpu.memory_space<vmem>>, vector<16xi32>,
        %swap3A_460 = vector.shape_cast %swap3A_459 : vector<16xi32> to vector<16xi32>
        %swap3A_461 = vector.shape_cast %and3A_457 : vector<16xi32> to vector<16xi32>
        tpu.vector_store %arg9[%swap3A_458], %swap3A_461 {strides = array<i32>} : memref<128xi32, #tpu.memory_space<vmem>>, vector<16xi32>,
        %shift_right_arithmetic3A_462 = arith.constant 16 : i32
        %shift_right_arithmetic3A_463 = vector.broadcast %shift_right_arithmetic3A_462 : i32 to vector<16xi32>
        %shift_right_arithmetic3A_464 = arith.shrsi %get3A_454, %shift_right_arithmetic3A_463 : vector<16xi32>
        %swap3A_465 = arith.constant 0 : i32
        %swap3A_466 = arith.index_cast %swap3A_465 : i32 to index
        %swap3A_467 = arith.constant 48 : index
        %swap3A_468 = tpu.vector_load %arg7[%swap3A_466, %swap3A_467] {strides = array<i32>} : memref<1x128xi32, #tpu.memory_space<vmem>>, vector<1x16xi32>,
        %swap3A_469 = vector.shape_cast %swap3A_468 : vector<1x16xi32> to vector<16xi32>
        %swap3A_470 = vector.shape_cast %shift_right_arithmetic3A_464 : vector<16xi32> to vector<1x16xi32>
        tpu.vector_store %arg7[%swap3A_466, %swap3A_467], %swap3A_470 {strides = array<i32>} : memref<1x128xi32, #tpu.memory_space<vmem>>, vector<1x16xi32>,
        %get3A_471 = arith.index_cast %add3A_390 : i32 to index
        %get3A_472 = arith.constant 64 : index
        %get3A_473 = tpu.vector_load %arg6[%get3A_471, %get3A_472] {strides = array<i32>} : memref<80x128xi32, #tpu.memory_space<vmem>>, vector<1x16xi32>,
        %get3A_474 = vector.shape_cast %get3A_473 : vector<1x16xi32> to vector<16xi32>
        %and3A_475 = arith.constant 65535 : i32
        %and3A_476 = vector.broadcast %and3A_475 : i32 to vector<16xi32>
        %and3A_477 = arith.andi %get3A_474, %and3A_476 : vector<16xi32>
        %swap3A_478 = arith.constant 64 : index
        %swap3A_479 = tpu.vector_load %arg9[%swap3A_478] {strides = array<i32>} : memref<128xi32, #tpu.memory_space<vmem>>, vector<16xi32>,
        %swap3A_480 = vector.shape_cast %swap3A_479 : vector<16xi32> to vector<16xi32>
        %swap3A_481 = vector.shape_cast %and3A_477 : vector<16xi32> to vector<16xi32>
        tpu.vector_store %arg9[%swap3A_478], %swap3A_481 {strides = array<i32>} : memref<128xi32, #tpu.memory_space<vmem>>, vector<16xi32>,
        %shift_right_arithmetic3A_482 = arith.constant 16 : i32
        %shift_right_arithmetic3A_483 = vector.broadcast %shift_right_arithmetic3A_482 : i32 to vector<16xi32>
        %shift_right_arithmetic3A_484 = arith.shrsi %get3A_474, %shift_right_arithmetic3A_483 : vector<16xi32>
        %swap3A_485 = arith.constant 0 : i32
        %swap3A_486 = arith.index_cast %swap3A_485 : i32 to index
        %swap3A_487 = arith.constant 64 : index
        %swap3A_488 = tpu.vector_load %arg7[%swap3A_486, %swap3A_487] {strides = array<i32>} : memref<1x128xi32, #tpu.memory_space<vmem>>, vector<1x16xi32>,
        %swap3A_489 = vector.shape_cast %swap3A_488 : vector<1x16xi32> to vector<16xi32>
        %swap3A_490 = vector.shape_cast %shift_right_arithmetic3A_484 : vector<16xi32> to vector<1x16xi32>
        tpu.vector_store %arg7[%swap3A_486, %swap3A_487], %swap3A_490 {strides = array<i32>} : memref<1x128xi32, #tpu.memory_space<vmem>>, vector<1x16xi32>,
        %get3A_491 = arith.index_cast %add3A_390 : i32 to index
        %get3A_492 = arith.constant 80 : index
        %get3A_493 = tpu.vector_load %arg6[%get3A_491, %get3A_492] {strides = array<i32>} : memref<80x128xi32, #tpu.memory_space<vmem>>, vector<1x16xi32>,
        %get3A_494 = vector.shape_cast %get3A_493 : vector<1x16xi32> to vector<16xi32>
        %and3A_495 = arith.constant 65535 : i32
        %and3A_496 = vector.broadcast %and3A_495 : i32 to vector<16xi32>
        %and3A_497 = arith.andi %get3A_494, %and3A_496 : vector<16xi32>
        %swap3A_498 = arith.constant 80 : index
        %swap3A_499 = tpu.vector_load %arg9[%swap3A_498] {strides = array<i32>} : memref<128xi32, #tpu.memory_space<vmem>>, vector<16xi32>,
        %swap3A_500 = vector.shape_cast %swap3A_499 : vector<16xi32> to vector<16xi32>
        %swap3A_501 = vector.shape_cast %and3A_497 : vector<16xi32> to vector<16xi32>
        tpu.vector_store %arg9[%swap3A_498], %swap3A_501 {strides = array<i32>} : memref<128xi32, #tpu.memory_space<vmem>>, vector<16xi32>,
        %shift_right_arithmetic3A_502 = arith.constant 16 : i32
        %shift_right_arithmetic3A_503 = vector.broadcast %shift_right_arithmetic3A_502 : i32 to vector<16xi32>
        %shift_right_arithmetic3A_504 = arith.shrsi %get3A_494, %shift_right_arithmetic3A_503 : vector<16xi32>
        %swap3A_505 = arith.constant 0 : i32
        %swap3A_506 = arith.index_cast %swap3A_505 : i32 to index
        %swap3A_507 = arith.constant 80 : index
        %swap3A_508 = tpu.vector_load %arg7[%swap3A_506, %swap3A_507] {strides = array<i32>} : memref<1x128xi32, #tpu.memory_space<vmem>>, vector<1x16xi32>,
        %swap3A_509 = vector.shape_cast %swap3A_508 : vector<1x16xi32> to vector<16xi32>
        %swap3A_510 = vector.shape_cast %shift_right_arithmetic3A_504 : vector<16xi32> to vector<1x16xi32>
        tpu.vector_store %arg7[%swap3A_506, %swap3A_507], %swap3A_510 {strides = array<i32>} : memref<1x128xi32, #tpu.memory_space<vmem>>, vector<1x16xi32>,
        %get3A_511 = arith.index_cast %add3A_390 : i32 to index
        %get3A_512 = arith.constant 96 : index
        %get3A_513 = tpu.vector_load %arg6[%get3A_511, %get3A_512] {strides = array<i32>} : memref<80x128xi32, #tpu.memory_space<vmem>>, vector<1x16xi32>,
        %get3A_514 = vector.shape_cast %get3A_513 : vector<1x16xi32> to vector<16xi32>
        %and3A_515 = arith.constant 65535 : i32
        %and3A_516 = vector.broadcast %and3A_515 : i32 to vector<16xi32>
        %and3A_517 = arith.andi %get3A_514, %and3A_516 : vector<16xi32>
        %swap3A_518 = arith.constant 96 : index
        %swap3A_519 = tpu.vector_load %arg9[%swap3A_518] {strides = array<i32>} : memref<128xi32, #tpu.memory_space<vmem>>, vector<16xi32>,
        %swap3A_520 = vector.shape_cast %swap3A_519 : vector<16xi32> to vector<16xi32>
        %swap3A_521 = vector.shape_cast %and3A_517 : vector<16xi32> to vector<16xi32>
        tpu.vector_store %arg9[%swap3A_518], %swap3A_521 {strides = array<i32>} : memref<128xi32, #tpu.memory_space<vmem>>, vector<16xi32>,
        %shift_right_arithmetic3A_522 = arith.constant 16 : i32
        %shift_right_arithmetic3A_523 = vector.broadcast %shift_right_arithmetic3A_522 : i32 to vector<16xi32>
        %shift_right_arithmetic3A_524 = arith.shrsi %get3A_514, %shift_right_arithmetic3A_523 : vector<16xi32>
        %swap3A_525 = arith.constant 0 : i32
        %swap3A_526 = arith.index_cast %swap3A_525 : i32 to index
        %swap3A_527 = arith.constant 96 : index
        %swap3A_528 = tpu.vector_load %arg7[%swap3A_526, %swap3A_527] {strides = array<i32>} : memref<1x128xi32, #tpu.memory_space<vmem>>, vector<1x16xi32>,
        %swap3A_529 = vector.shape_cast %swap3A_528 : vector<1x16xi32> to vector<16xi32>
        %swap3A_530 = vector.shape_cast %shift_right_arithmetic3A_524 : vector<16xi32> to vector<1x16xi32>
        tpu.vector_store %arg7[%swap3A_526, %swap3A_527], %swap3A_530 {strides = array<i32>} : memref<1x128xi32, #tpu.memory_space<vmem>>, vector<1x16xi32>,
        %get3A_531 = arith.index_cast %add3A_390 : i32 to index
        %get3A_532 = arith.constant 112 : index
        %get3A_533 = tpu.vector_load %arg6[%get3A_531, %get3A_532] {strides = array<i32>} : memref<80x128xi32, #tpu.memory_space<vmem>>, vector<1x16xi32>,
        %get3A_534 = vector.shape_cast %get3A_533 : vector<1x16xi32> to vector<16xi32>
        %and3A_535 = arith.constant 65535 : i32
        %and3A_536 = vector.broadcast %and3A_535 : i32 to vector<16xi32>
        %and3A_537 = arith.andi %get3A_534, %and3A_536 : vector<16xi32>
        %swap3A_538 = arith.constant 112 : index
        %swap3A_539 = tpu.vector_load %arg9[%swap3A_538] {strides = array<i32>} : memref<128xi32, #tpu.memory_space<vmem>>, vector<16xi32>,
        %swap3A_540 = vector.shape_cast %swap3A_539 : vector<16xi32> to vector<16xi32>
        %swap3A_541 = vector.shape_cast %and3A_537 : vector<16xi32> to vector<16xi32>
        tpu.vector_store %arg9[%swap3A_538], %swap3A_541 {strides = array<i32>} : memref<128xi32, #tpu.memory_space<vmem>>, vector<16xi32>,
        %shift_right_arithmetic3A_542 = arith.constant 16 : i32
        %shift_right_arithmetic3A_543 = vector.broadcast %shift_right_arithmetic3A_542 : i32 to vector<16xi32>
        %shift_right_arithmetic3A_544 = arith.shrsi %get3A_534, %shift_right_arithmetic3A_543 : vector<16xi32>
        %swap3A_545 = arith.constant 0 : i32
        %swap3A_546 = arith.index_cast %swap3A_545 : i32 to index
        %swap3A_547 = arith.constant 112 : index
        %swap3A_548 = tpu.vector_load %arg7[%swap3A_546, %swap3A_547] {strides = array<i32>} : memref<1x128xi32, #tpu.memory_space<vmem>>, vector<1x16xi32>,
        %swap3A_549 = vector.shape_cast %swap3A_548 : vector<1x16xi32> to vector<16xi32>
        %swap3A_550 = vector.shape_cast %shift_right_arithmetic3A_544 : vector<16xi32> to vector<1x16xi32>
        tpu.vector_store %arg7[%swap3A_546, %swap3A_547], %swap3A_550 {strides = array<i32>} : memref<1x128xi32, #tpu.memory_space<vmem>>, vector<1x16xi32>,
        %dma_start3A_551 = arith.constant 0 : i32
        %dma_start3A_552 = arith.constant 0 : i32
        %dma_start3A_553 = arith.constant 0 : i32
        %dma_start3A_554 = tpu.memref_slice %arg2[%dma_start3A_552, %dma_start3A_553] : memref<10240x128xf32, #tpu.memory_space<hbm>> -> memref<10240x128xf32, #tpu.memory_space<hbm>>
        %dma_start3A_555 = tpu.memref_slice %arg14[%dma_start3A_551] : memref<2x!tpu.dma_semaphore, #tpu.memory_space<semaphore_mem>> -> memref<1x!tpu.dma_semaphore, #tpu.memory_space<semaphore_mem>>
        %dma_start3A_556 = tpu.memref_squeeze %dma_start3A_555 : memref<1x!tpu.dma_semaphore, #tpu.memory_space<semaphore_mem>> -> memref<!tpu.dma_semaphore, #tpu.memory_space<semaphore_mem>>
        tpu.enqueue_indirect_dma source(%dma_start3A_554 : memref<10240x128xf32, #tpu.memory_space<hbm>>) target(%arg11 : memref<128x128xf32, #tpu.memory_space<vmem>>) offsets(%arg9 : memref<128xi32, #tpu.memory_space<vmem>>) semaphore(%dma_start3A_556 : memref<!tpu.dma_semaphore, #tpu.memory_space<semaphore_mem>>)
      } else {
      }
      %add3A_373 = arith.constant 1 : i32
      %add3A_374 = arith.addi %add3A_361, %add3A_373 : i32
      %dma_wait3A_375 = arith.constant 1 : i32
      %dma_wait3A_376 = arith.constant 0 : i32
      %dma_wait3A_377 = arith.constant 0 : i32
      %dma_wait3A_378 = tpu.memref_slice %arg2[%dma_wait3A_376, %dma_wait3A_377] : memref<10240x128xf32, #tpu.memory_space<hbm>> -> memref<10240x128xf32, #tpu.memory_space<hbm>>
      %dma_wait3A_379 = tpu.memref_slice %arg14[%dma_wait3A_375] : memref<2x!tpu.dma_semaphore, #tpu.memory_space<semaphore_mem>> -> memref<1x!tpu.dma_semaphore, #tpu.memory_space<semaphore_mem>>
      %dma_wait3A_380 = tpu.memref_squeeze %dma_wait3A_379 : memref<1x!tpu.dma_semaphore, #tpu.memory_space<semaphore_mem>> -> memref<!tpu.dma_semaphore, #tpu.memory_space<semaphore_mem>>
      tpu.wait_indirect_dma semaphore(%dma_wait3A_380 : memref<!tpu.dma_semaphore, #tpu.memory_space<semaphore_mem>>) src(%dma_wait3A_378 : memref<10240x128xf32, #tpu.memory_space<hbm>>) dst(%arg12 : memref<128x128xf32, #tpu.memory_space<vmem>>)
      %run_scoped3A_381 = arith.constant 0 : i32
      "tpu.region"() ({
        %run_scoped3A_389 = tpu.sem_alloc : memref<!tpu.dma_semaphore, #tpu.memory_space<semaphore_mem>>
        %dma_start3A_390 = arith.constant 0 : i32
        %dma_start3A_391 = tpu.memref_slice %arg8[%run_scoped3A_381, %dma_start3A_390] : memref<1x128xi32, #tpu.memory_space<vmem>> -> memref<1x128xi32, #tpu.memory_space<vmem>>
        %dma_start3A_392 = tpu.memref_squeeze %dma_start3A_391 : memref<1x128xi32, #tpu.memory_space<vmem>> -> memref<128xi32, #tpu.memory_space<vmem>>
        %dma_start3A_393 = arith.constant 0 : i32
        %dma_start3A_394 = arith.constant 0 : i32
        %dma_start3A_395 = tpu.memref_slice %arg13[%dma_start3A_393, %dma_start3A_394] : memref<10240x128xf32, #tpu.memory_space<vmem_shared>> -> memref<10240x128xf32, #tpu.memory_space<vmem_shared>>
        tpu.enqueue_indirect_dma source(%arg12 : memref<128x128xf32, #tpu.memory_space<vmem>>) target(%dma_start3A_395 : memref<10240x128xf32, #tpu.memory_space<vmem_shared>>) offsets(%dma_start3A_392 : memref<128xi32, #tpu.memory_space<vmem>>) semaphore(%run_scoped3A_389 : memref<!tpu.dma_semaphore, #tpu.memory_space<semaphore_mem>>) {add = true}
        %dma_wait3A_396 = arith.constant 0 : i32
        %dma_wait3A_397 = tpu.memref_slice %arg8[%run_scoped3A_381, %dma_wait3A_396] : memref<1x128xi32, #tpu.memory_space<vmem>> -> memref<1x128xi32, #tpu.memory_space<vmem>>
        %dma_wait3A_398 = tpu.memref_squeeze %dma_wait3A_397 : memref<1x128xi32, #tpu.memory_space<vmem>> -> memref<128xi32, #tpu.memory_space<vmem>>
        %dma_wait3A_399 = arith.constant 0 : i32
        %dma_wait3A_400 = arith.constant 0 : i32
        %dma_wait3A_401 = tpu.memref_slice %arg13[%dma_wait3A_399, %dma_wait3A_400] : memref<10240x128xf32, #tpu.memory_space<vmem_shared>> -> memref<10240x128xf32, #tpu.memory_space<vmem_shared>>
        tpu.wait_indirect_dma semaphore(%run_scoped3A_389 : memref<!tpu.dma_semaphore, #tpu.memory_space<semaphore_mem>>) src(%arg12 : memref<128x128xf32, #tpu.memory_space<vmem>>) dst(%dma_wait3A_401 : memref<10240x128xf32, #tpu.memory_space<vmem_shared>>)
        tpu.yield
      }) : () -> ()
      %add3A_382 = arith.constant 2 : i32
      %add3A_383 = arith.addi %add3A_374, %add3A_382 : i32
      %lt3A_384 = arith.constant 80 : i32
      %lt3A_385 = arith.cmpi slt, %add3A_383, %lt3A_384 : i32
      %convert_element_type3A_386 = arith.extui %lt3A_385 : i1 to i32
      %cond3A_387 = arith.constant 0 : i32
      %cond3A_388 = arith.cmpi ne, %convert_element_type3A_386, %cond3A_387 : i32
      scf.if %cond3A_388 {
        %add3A_389 = arith.constant 2 : i32
        %add3A_390 = arith.addi %add3A_374, %add3A_389 : i32
        %get3A_391 = arith.index_cast %add3A_390 : i32 to index
        %get3A_392 = arith.constant 0 : index
        %get3A_393 = tpu.vector_load %arg6[%get3A_391, %get3A_392] {strides = array<i32>} : memref<80x128xi32, #tpu.memory_space<vmem>>, vector<1x16xi32>,
        %get3A_394 = vector.shape_cast %get3A_393 : vector<1x16xi32> to vector<16xi32>
        %and3A_395 = arith.constant 65535 : i32
        %and3A_396 = vector.broadcast %and3A_395 : i32 to vector<16xi32>
        %and3A_397 = arith.andi %get3A_394, %and3A_396 : vector<16xi32>
        %swap3A_398 = arith.constant 0 : index
        %swap3A_399 = tpu.vector_load %arg10[%swap3A_398] {strides = array<i32>} : memref<128xi32, #tpu.memory_space<vmem>>, vector<16xi32>,
        %swap3A_400 = vector.shape_cast %swap3A_399 : vector<16xi32> to vector<16xi32>
        %swap3A_401 = vector.shape_cast %and3A_397 : vector<16xi32> to vector<16xi32>
        tpu.vector_store %arg10[%swap3A_398], %swap3A_401 {strides = array<i32>} : memref<128xi32, #tpu.memory_space<vmem>>, vector<16xi32>,
        %shift_right_arithmetic3A_402 = arith.constant 16 : i32
        %shift_right_arithmetic3A_403 = vector.broadcast %shift_right_arithmetic3A_402 : i32 to vector<16xi32>
        %shift_right_arithmetic3A_404 = arith.shrsi %get3A_394, %shift_right_arithmetic3A_403 : vector<16xi32>
        %swap3A_405 = arith.constant 0 : i32
        %swap3A_406 = arith.index_cast %swap3A_405 : i32 to index
        %swap3A_407 = arith.constant 0 : index
        %swap3A_408 = tpu.vector_load %arg8[%swap3A_406, %swap3A_407] {strides = array<i32>} : memref<1x128xi32, #tpu.memory_space<vmem>>, vector<1x16xi32>,
        %swap3A_409 = vector.shape_cast %swap3A_408 : vector<1x16xi32> to vector<16xi32>
        %swap3A_410 = vector.shape_cast %shift_right_arithmetic3A_404 : vector<16xi32> to vector<1x16xi32>
        tpu.vector_store %arg8[%swap3A_406, %swap3A_407], %swap3A_410 {strides = array<i32>} : memref<1x128xi32, #tpu.memory_space<vmem>>, vector<1x16xi32>,
        %get3A_411 = arith.index_cast %add3A_390 : i32 to index
        %get3A_412 = arith.constant 16 : index
        %get3A_413 = tpu.vector_load %arg6[%get3A_411, %get3A_412] {strides = array<i32>} : memref<80x128xi32, #tpu.memory_space<vmem>>, vector<1x16xi32>,
        %get3A_414 = vector.shape_cast %get3A_413 : vector<1x16xi32> to vector<16xi32>
        %and3A_415 = arith.constant 65535 : i32
        %and3A_416 = vector.broadcast %and3A_415 : i32 to vector<16xi32>
        %and3A_417 = arith.andi %get3A_414, %and3A_416 : vector<16xi32>
        %swap3A_418 = arith.constant 16 : index
        %swap3A_419 = tpu.vector_load %arg10[%swap3A_418] {strides = array<i32>} : memref<128xi32, #tpu.memory_space<vmem>>, vector<16xi32>,
        %swap3A_420 = vector.shape_cast %swap3A_419 : vector<16xi32> to vector<16xi32>
        %swap3A_421 = vector.shape_cast %and3A_417 : vector<16xi32> to vector<16xi32>
        tpu.vector_store %arg10[%swap3A_418], %swap3A_421 {strides = array<i32>} : memref<128xi32, #tpu.memory_space<vmem>>, vector<16xi32>,
        %shift_right_arithmetic3A_422 = arith.constant 16 : i32
        %shift_right_arithmetic3A_423 = vector.broadcast %shift_right_arithmetic3A_422 : i32 to vector<16xi32>
        %shift_right_arithmetic3A_424 = arith.shrsi %get3A_414, %shift_right_arithmetic3A_423 : vector<16xi32>
        %swap3A_425 = arith.constant 0 : i32
        %swap3A_426 = arith.index_cast %swap3A_425 : i32 to index
        %swap3A_427 = arith.constant 16 : index
        %swap3A_428 = tpu.vector_load %arg8[%swap3A_426, %swap3A_427] {strides = array<i32>} : memref<1x128xi32, #tpu.memory_space<vmem>>, vector<1x16xi32>,
        %swap3A_429 = vector.shape_cast %swap3A_428 : vector<1x16xi32> to vector<16xi32>
        %swap3A_430 = vector.shape_cast %shift_right_arithmetic3A_424 : vector<16xi32> to vector<1x16xi32>
        tpu.vector_store %arg8[%swap3A_426, %swap3A_427], %swap3A_430 {strides = array<i32>} : memref<1x128xi32, #tpu.memory_space<vmem>>, vector<1x16xi32>,
        %get3A_431 = arith.index_cast %add3A_390 : i32 to index
        %get3A_432 = arith.constant 32 : index
        %get3A_433 = tpu.vector_load %arg6[%get3A_431, %get3A_432] {strides = array<i32>} : memref<80x128xi32, #tpu.memory_space<vmem>>, vector<1x16xi32>,
        %get3A_434 = vector.shape_cast %get3A_433 : vector<1x16xi32> to vector<16xi32>
        %and3A_435 = arith.constant 65535 : i32
        %and3A_436 = vector.broadcast %and3A_435 : i32 to vector<16xi32>
        %and3A_437 = arith.andi %get3A_434, %and3A_436 : vector<16xi32>
        %swap3A_438 = arith.constant 32 : index
        %swap3A_439 = tpu.vector_load %arg10[%swap3A_438] {strides = array<i32>} : memref<128xi32, #tpu.memory_space<vmem>>, vector<16xi32>,
        %swap3A_440 = vector.shape_cast %swap3A_439 : vector<16xi32> to vector<16xi32>
        %swap3A_441 = vector.shape_cast %and3A_437 : vector<16xi32> to vector<16xi32>
        tpu.vector_store %arg10[%swap3A_438], %swap3A_441 {strides = array<i32>} : memref<128xi32, #tpu.memory_space<vmem>>, vector<16xi32>,
        %shift_right_arithmetic3A_442 = arith.constant 16 : i32
        %shift_right_arithmetic3A_443 = vector.broadcast %shift_right_arithmetic3A_442 : i32 to vector<16xi32>
        %shift_right_arithmetic3A_444 = arith.shrsi %get3A_434, %shift_right_arithmetic3A_443 : vector<16xi32>
        %swap3A_445 = arith.constant 0 : i32
        %swap3A_446 = arith.index_cast %swap3A_445 : i32 to index
        %swap3A_447 = arith.constant 32 : index
        %swap3A_448 = tpu.vector_load %arg8[%swap3A_446, %swap3A_447] {strides = array<i32>} : memref<1x128xi32, #tpu.memory_space<vmem>>, vector<1x16xi32>,
        %swap3A_449 = vector.shape_cast %swap3A_448 : vector<1x16xi32> to vector<16xi32>
        %swap3A_450 = vector.shape_cast %shift_right_arithmetic3A_444 : vector<16xi32> to vector<1x16xi32>
        tpu.vector_store %arg8[%swap3A_446, %swap3A_447], %swap3A_450 {strides = array<i32>} : memref<1x128xi32, #tpu.memory_space<vmem>>, vector<1x16xi32>,
        %get3A_451 = arith.index_cast %add3A_390 : i32 to index
        %get3A_452 = arith.constant 48 : index
        %get3A_453 = tpu.vector_load %arg6[%get3A_451, %get3A_452] {strides = array<i32>} : memref<80x128xi32, #tpu.memory_space<vmem>>, vector<1x16xi32>,
        %get3A_454 = vector.shape_cast %get3A_453 : vector<1x16xi32> to vector<16xi32>
        %and3A_455 = arith.constant 65535 : i32
        %and3A_456 = vector.broadcast %and3A_455 : i32 to vector<16xi32>
        %and3A_457 = arith.andi %get3A_454, %and3A_456 : vector<16xi32>
        %swap3A_458 = arith.constant 48 : index
        %swap3A_459 = tpu.vector_load %arg10[%swap3A_458] {strides = array<i32>} : memref<128xi32, #tpu.memory_space<vmem>>, vector<16xi32>,
        %swap3A_460 = vector.shape_cast %swap3A_459 : vector<16xi32> to vector<16xi32>
        %swap3A_461 = vector.shape_cast %and3A_457 : vector<16xi32> to vector<16xi32>
        tpu.vector_store %arg10[%swap3A_458], %swap3A_461 {strides = array<i32>} : memref<128xi32, #tpu.memory_space<vmem>>, vector<16xi32>,
        %shift_right_arithmetic3A_462 = arith.constant 16 : i32
        %shift_right_arithmetic3A_463 = vector.broadcast %shift_right_arithmetic3A_462 : i32 to vector<16xi32>
        %shift_right_arithmetic3A_464 = arith.shrsi %get3A_454, %shift_right_arithmetic3A_463 : vector<16xi32>
        %swap3A_465 = arith.constant 0 : i32
        %swap3A_466 = arith.index_cast %swap3A_465 : i32 to index
        %swap3A_467 = arith.constant 48 : index
        %swap3A_468 = tpu.vector_load %arg8[%swap3A_466, %swap3A_467] {strides = array<i32>} : memref<1x128xi32, #tpu.memory_space<vmem>>, vector<1x16xi32>,
        %swap3A_469 = vector.shape_cast %swap3A_468 : vector<1x16xi32> to vector<16xi32>
        %swap3A_470 = vector.shape_cast %shift_right_arithmetic3A_464 : vector<16xi32> to vector<1x16xi32>
        tpu.vector_store %arg8[%swap3A_466, %swap3A_467], %swap3A_470 {strides = array<i32>} : memref<1x128xi32, #tpu.memory_space<vmem>>, vector<1x16xi32>,
        %get3A_471 = arith.index_cast %add3A_390 : i32 to index
        %get3A_472 = arith.constant 64 : index
        %get3A_473 = tpu.vector_load %arg6[%get3A_471, %get3A_472] {strides = array<i32>} : memref<80x128xi32, #tpu.memory_space<vmem>>, vector<1x16xi32>,
        %get3A_474 = vector.shape_cast %get3A_473 : vector<1x16xi32> to vector<16xi32>
        %and3A_475 = arith.constant 65535 : i32
        %and3A_476 = vector.broadcast %and3A_475 : i32 to vector<16xi32>
        %and3A_477 = arith.andi %get3A_474, %and3A_476 : vector<16xi32>
        %swap3A_478 = arith.constant 64 : index
        %swap3A_479 = tpu.vector_load %arg10[%swap3A_478] {strides = array<i32>} : memref<128xi32, #tpu.memory_space<vmem>>, vector<16xi32>,
        %swap3A_480 = vector.shape_cast %swap3A_479 : vector<16xi32> to vector<16xi32>
        %swap3A_481 = vector.shape_cast %and3A_477 : vector<16xi32> to vector<16xi32>
        tpu.vector_store %arg10[%swap3A_478], %swap3A_481 {strides = array<i32>} : memref<128xi32, #tpu.memory_space<vmem>>, vector<16xi32>,
        %shift_right_arithmetic3A_482 = arith.constant 16 : i32
        %shift_right_arithmetic3A_483 = vector.broadcast %shift_right_arithmetic3A_482 : i32 to vector<16xi32>
        %shift_right_arithmetic3A_484 = arith.shrsi %get3A_474, %shift_right_arithmetic3A_483 : vector<16xi32>
        %swap3A_485 = arith.constant 0 : i32
        %swap3A_486 = arith.index_cast %swap3A_485 : i32 to index
        %swap3A_487 = arith.constant 64 : index
        %swap3A_488 = tpu.vector_load %arg8[%swap3A_486, %swap3A_487] {strides = array<i32>} : memref<1x128xi32, #tpu.memory_space<vmem>>, vector<1x16xi32>,
        %swap3A_489 = vector.shape_cast %swap3A_488 : vector<1x16xi32> to vector<16xi32>
        %swap3A_490 = vector.shape_cast %shift_right_arithmetic3A_484 : vector<16xi32> to vector<1x16xi32>
        tpu.vector_store %arg8[%swap3A_486, %swap3A_487], %swap3A_490 {strides = array<i32>} : memref<1x128xi32, #tpu.memory_space<vmem>>, vector<1x16xi32>,
        %get3A_491 = arith.index_cast %add3A_390 : i32 to index
        %get3A_492 = arith.constant 80 : index
        %get3A_493 = tpu.vector_load %arg6[%get3A_491, %get3A_492] {strides = array<i32>} : memref<80x128xi32, #tpu.memory_space<vmem>>, vector<1x16xi32>,
        %get3A_494 = vector.shape_cast %get3A_493 : vector<1x16xi32> to vector<16xi32>
        %and3A_495 = arith.constant 65535 : i32
        %and3A_496 = vector.broadcast %and3A_495 : i32 to vector<16xi32>
        %and3A_497 = arith.andi %get3A_494, %and3A_496 : vector<16xi32>
        %swap3A_498 = arith.constant 80 : index
        %swap3A_499 = tpu.vector_load %arg10[%swap3A_498] {strides = array<i32>} : memref<128xi32, #tpu.memory_space<vmem>>, vector<16xi32>,
        %swap3A_500 = vector.shape_cast %swap3A_499 : vector<16xi32> to vector<16xi32>
        %swap3A_501 = vector.shape_cast %and3A_497 : vector<16xi32> to vector<16xi32>
        tpu.vector_store %arg10[%swap3A_498], %swap3A_501 {strides = array<i32>} : memref<128xi32, #tpu.memory_space<vmem>>, vector<16xi32>,
        %shift_right_arithmetic3A_502 = arith.constant 16 : i32
        %shift_right_arithmetic3A_503 = vector.broadcast %shift_right_arithmetic3A_502 : i32 to vector<16xi32>
        %shift_right_arithmetic3A_504 = arith.shrsi %get3A_494, %shift_right_arithmetic3A_503 : vector<16xi32>
        %swap3A_505 = arith.constant 0 : i32
        %swap3A_506 = arith.index_cast %swap3A_505 : i32 to index
        %swap3A_507 = arith.constant 80 : index
        %swap3A_508 = tpu.vector_load %arg8[%swap3A_506, %swap3A_507] {strides = array<i32>} : memref<1x128xi32, #tpu.memory_space<vmem>>, vector<1x16xi32>,
        %swap3A_509 = vector.shape_cast %swap3A_508 : vector<1x16xi32> to vector<16xi32>
        %swap3A_510 = vector.shape_cast %shift_right_arithmetic3A_504 : vector<16xi32> to vector<1x16xi32>
        tpu.vector_store %arg8[%swap3A_506, %swap3A_507], %swap3A_510 {strides = array<i32>} : memref<1x128xi32, #tpu.memory_space<vmem>>, vector<1x16xi32>,
        %get3A_511 = arith.index_cast %add3A_390 : i32 to index
        %get3A_512 = arith.constant 96 : index
        %get3A_513 = tpu.vector_load %arg6[%get3A_511, %get3A_512] {strides = array<i32>} : memref<80x128xi32, #tpu.memory_space<vmem>>, vector<1x16xi32>,
        %get3A_514 = vector.shape_cast %get3A_513 : vector<1x16xi32> to vector<16xi32>
        %and3A_515 = arith.constant 65535 : i32
        %and3A_516 = vector.broadcast %and3A_515 : i32 to vector<16xi32>
        %and3A_517 = arith.andi %get3A_514, %and3A_516 : vector<16xi32>
        %swap3A_518 = arith.constant 96 : index
        %swap3A_519 = tpu.vector_load %arg10[%swap3A_518] {strides = array<i32>} : memref<128xi32, #tpu.memory_space<vmem>>, vector<16xi32>,
        %swap3A_520 = vector.shape_cast %swap3A_519 : vector<16xi32> to vector<16xi32>
        %swap3A_521 = vector.shape_cast %and3A_517 : vector<16xi32> to vector<16xi32>
        tpu.vector_store %arg10[%swap3A_518], %swap3A_521 {strides = array<i32>} : memref<128xi32, #tpu.memory_space<vmem>>, vector<16xi32>,
        %shift_right_arithmetic3A_522 = arith.constant 16 : i32
        %shift_right_arithmetic3A_523 = vector.broadcast %shift_right_arithmetic3A_522 : i32 to vector<16xi32>
        %shift_right_arithmetic3A_524 = arith.shrsi %get3A_514, %shift_right_arithmetic3A_523 : vector<16xi32>
        %swap3A_525 = arith.constant 0 : i32
        %swap3A_526 = arith.index_cast %swap3A_525 : i32 to index
        %swap3A_527 = arith.constant 96 : index
        %swap3A_528 = tpu.vector_load %arg8[%swap3A_526, %swap3A_527] {strides = array<i32>} : memref<1x128xi32, #tpu.memory_space<vmem>>, vector<1x16xi32>,
        %swap3A_529 = vector.shape_cast %swap3A_528 : vector<1x16xi32> to vector<16xi32>
        %swap3A_530 = vector.shape_cast %shift_right_arithmetic3A_524 : vector<16xi32> to vector<1x16xi32>
        tpu.vector_store %arg8[%swap3A_526, %swap3A_527], %swap3A_530 {strides = array<i32>} : memref<1x128xi32, #tpu.memory_space<vmem>>, vector<1x16xi32>,
        %get3A_531 = arith.index_cast %add3A_390 : i32 to index
        %get3A_532 = arith.constant 112 : index
        %get3A_533 = tpu.vector_load %arg6[%get3A_531, %get3A_532] {strides = array<i32>} : memref<80x128xi32, #tpu.memory_space<vmem>>, vector<1x16xi32>,
        %get3A_534 = vector.shape_cast %get3A_533 : vector<1x16xi32> to vector<16xi32>
        %and3A_535 = arith.constant 65535 : i32
        %and3A_536 = vector.broadcast %and3A_535 : i32 to vector<16xi32>
        %and3A_537 = arith.andi %get3A_534, %and3A_536 : vector<16xi32>
        %swap3A_538 = arith.constant 112 : index
        %swap3A_539 = tpu.vector_load %arg10[%swap3A_538] {strides = array<i32>} : memref<128xi32, #tpu.memory_space<vmem>>, vector<16xi32>,
        %swap3A_540 = vector.shape_cast %swap3A_539 : vector<16xi32> to vector<16xi32>
        %swap3A_541 = vector.shape_cast %and3A_537 : vector<16xi32> to vector<16xi32>
        tpu.vector_store %arg10[%swap3A_538], %swap3A_541 {strides = array<i32>} : memref<128xi32, #tpu.memory_space<vmem>>, vector<16xi32>,
        %shift_right_arithmetic3A_542 = arith.constant 16 : i32
        %shift_right_arithmetic3A_543 = vector.broadcast %shift_right_arithmetic3A_542 : i32 to vector<16xi32>
        %shift_right_arithmetic3A_544 = arith.shrsi %get3A_534, %shift_right_arithmetic3A_543 : vector<16xi32>
        %swap3A_545 = arith.constant 0 : i32
        %swap3A_546 = arith.index_cast %swap3A_545 : i32 to index
        %swap3A_547 = arith.constant 112 : index
        %swap3A_548 = tpu.vector_load %arg8[%swap3A_546, %swap3A_547] {strides = array<i32>} : memref<1x128xi32, #tpu.memory_space<vmem>>, vector<1x16xi32>,
        %swap3A_549 = vector.shape_cast %swap3A_548 : vector<1x16xi32> to vector<16xi32>
        %swap3A_550 = vector.shape_cast %shift_right_arithmetic3A_544 : vector<16xi32> to vector<1x16xi32>
        tpu.vector_store %arg8[%swap3A_546, %swap3A_547], %swap3A_550 {strides = array<i32>} : memref<1x128xi32, #tpu.memory_space<vmem>>, vector<1x16xi32>,
        %dma_start3A_551 = arith.constant 1 : i32
        %dma_start3A_552 = arith.constant 0 : i32
        %dma_start3A_553 = arith.constant 0 : i32
        %dma_start3A_554 = tpu.memref_slice %arg2[%dma_start3A_552, %dma_start3A_553] : memref<10240x128xf32, #tpu.memory_space<hbm>> -> memref<10240x128xf32, #tpu.memory_space<hbm>>
        %dma_start3A_555 = tpu.memref_slice %arg14[%dma_start3A_551] : memref<2x!tpu.dma_semaphore, #tpu.memory_space<semaphore_mem>> -> memref<1x!tpu.dma_semaphore, #tpu.memory_space<semaphore_mem>>
        %dma_start3A_556 = tpu.memref_squeeze %dma_start3A_555 : memref<1x!tpu.dma_semaphore, #tpu.memory_space<semaphore_mem>> -> memref<!tpu.dma_semaphore, #tpu.memory_space<semaphore_mem>>
        tpu.enqueue_indirect_dma source(%dma_start3A_554 : memref<10240x128xf32, #tpu.memory_space<hbm>>) target(%arg12 : memref<128x128xf32, #tpu.memory_space<vmem>>) offsets(%arg10 : memref<128xi32, #tpu.memory_space<vmem>>) semaphore(%dma_start3A_556 : memref<!tpu.dma_semaphore, #tpu.memory_space<semaphore_mem>>)
      } else {
      }
    }
    %scan3A_351 = arith.constant 40 : i32
    %barrier3A_352 = arith.constant 0 : index
    tpu.barrier barrier_id(%barrier3A_352)
    %mul3A_353 = arith.constant 640 : i32
    %mul3A_354 = arith.muli %arg1, %mul3A_353 : i32
    %mul3A_355 = arith.constant 640 : i32
    %mul3A_356 = arith.muli %arg1, %mul3A_355 : i32
    "tpu.region"() ({
      %run_scoped3A = tpu.sem_alloc : memref<!tpu.dma_semaphore, #tpu.memory_space<semaphore_mem>>
      %dma_start3A_357 = arith.constant 0 : i32
      %dma_start3A_358 = tpu.memref_slice %arg5[%arg0, %mul3A_356, %dma_start3A_357] : memref<2x10240x128xf32, #tpu.memory_space<hbm>> -> memref<1x640x128xf32, #tpu.memory_space<hbm>>
      %dma_start3A_359 = tpu.memref_squeeze %dma_start3A_358 : memref<1x640x128xf32, #tpu.memory_space<hbm>> -> memref<640x128xf32, #tpu.memory_space<hbm>>
      %dma_start3A_360 = arith.constant 0 : i32
      %dma_start3A_361 = tpu.memref_slice %arg13[%mul3A_354, %dma_start3A_360] : memref<10240x128xf32, #tpu.memory_space<vmem_shared>> -> memref<640x128xf32, #tpu.memory_space<vmem_shared>>
      tpu.enqueue_dma source(%dma_start3A_361 : memref<640x128xf32, #tpu.memory_space<vmem_shared>>) target(%dma_start3A_359 : memref<640x128xf32, #tpu.memory_space<hbm>>) target_semaphore(%run_scoped3A : memref<!tpu.dma_semaphore, #tpu.memory_space<semaphore_mem>>)
      %dma_wait3A = arith.constant 0 : i32
      %dma_wait3A_362 = tpu.memref_slice %arg5[%arg0, %mul3A_356, %dma_wait3A] : memref<2x10240x128xf32, #tpu.memory_space<hbm>> -> memref<1x640x128xf32, #tpu.memory_space<hbm>>
      %dma_wait3A_363 = tpu.memref_squeeze %dma_wait3A_362 : memref<1x640x128xf32, #tpu.memory_space<hbm>> -> memref<640x128xf32, #tpu.memory_space<hbm>>
      %dma_wait3A_364 = arith.constant 0 : i32
      %dma_wait3A_365 = tpu.memref_slice %arg13[%mul3A_354, %dma_wait3A_364] : memref<10240x128xf32, #tpu.memory_space<vmem_shared>> -> memref<640x128xf32, #tpu.memory_space<vmem_shared>>
      tpu.wait_dma2 semaphore(%run_scoped3A : memref<!tpu.dma_semaphore, #tpu.memory_space<semaphore_mem>>) src(%dma_wait3A_365 : memref<640x128xf32, #tpu.memory_space<vmem_shared>>) dst(%dma_wait3A_363 : memref<640x128xf32, #tpu.memory_space<hbm>>)
      tpu.yield
    }) : () -> ()
    return
  }
}

module attributes {stable_mosaic.version = 14 : i64} {
  func.func @_mm_body(%arg0: memref<10240x128xf32, #tpu.memory_space<vmem>>, %arg1: memref<128x128xf32, #tpu.memory_space<vmem>>, %arg2: memref<10240x128xf32, #tpu.memory_space<vmem>>) attributes {dimension_semantics = [], scalar_prefetch = 0 : i64, scratch_operands = 0 : i64, tpu.core_type = #tpu.core_type<tc>} {
    %get3A = arith.constant 0 : index
    %get3A_0 = arith.constant 0 : index
    %get3A_1 = vector.load %arg0[%get3A, %get3A_0] : memref<10240x128xf32, #tpu.memory_space<vmem>>, vector<10240x128xf32>
    %get3A_2 = arith.constant 0 : index
    %get3A_3 = arith.constant 0 : index
    %get3A_4 = vector.load %arg1[%get3A_2, %get3A_3] : memref<128x128xf32, #tpu.memory_space<vmem>>, vector<128x128xf32>
    %dot_general3A = arith.constant dense<0.000000e+00> : vector<10240x128xf32>
    %dot_general3A_5 = tpu.matmul %get3A_1, %get3A_4, %dot_general3A {dimension_numbers = #tpu.dot_dimension_numbers<[1], [0], [0], [1], [0, 0, 1, 1], [], []>, transpose_lhs_hint = false} : vector<10240x128xf32>, vector<128x128xf32>, vector<10240x128xf32> -> vector<10240x128xf32>
    %swap3A = arith.constant 0 : index
    %swap3A_6 = arith.constant 0 : index
    %swap3A_7 = vector.load %arg2[%swap3A, %swap3A_6] : memref<10240x128xf32, #tpu.memory_space<vmem>>, vector<10240x128xf32>
    tpu.vector_store %arg2[%swap3A, %swap3A_6], %dot_general3A_5 {strides = array<i32>} : memref<10240x128xf32, #tpu.memory_space<vmem>>, vector<10240x128xf32>,
    return
  }
}

module attributes {stable_mosaic.version = 14 : i64} {
  func.func @_dinv_scale_body(%arg0: i32, %arg1: memref<2x1280x16xf32, #tpu.memory_space<vmem>>, %arg2: memref<1280x128xf32, #tpu.memory_space<vmem>>, %arg3: memref<1280x1xf32, #tpu.memory_space<vmem>>, %arg4: memref<1280x128xf32, #tpu.memory_space<vmem>>) attributes {dimension_semantics = [#tpu.dimension_semantics<arbitrary>], iteration_bounds = array<i64: 8>, scalar_prefetch = 0 : i64, scratch_operands = 0 : i64, tpu.core_type = #tpu.core_type<tc>, window_params = [{transform_indices = @transform_0, window_bounds = array<i64: 2, 1280, 16>}, {transform_indices = @transform_1, window_bounds = array<i64: 1280, 128>}, {transform_indices = @transform_2, window_bounds = array<i64: 1280, 1>}, {transform_indices = @transform_3, window_bounds = array<i64: 1280, 128>}]} {
    %get3A = arith.constant 0 : index
    %get3A_0 = arith.constant 0 : index
    %get3A_1 = arith.constant 0 : index
    %get3A_2 = vector.load %arg1[%get3A, %get3A_0, %get3A_1] : memref<2x1280x16xf32, #tpu.memory_space<vmem>>, vector<2x1280x16xf32>
    %slice3A = vector.extract_strided_slice %get3A_2 {offsets = [0, 0, 0], sizes = [1, 1280, 1], strides = [1, 1, 1]} : vector<2x1280x16xf32> to vector<1x1280x1xf32>
    %squeeze3A = vector.shape_cast %slice3A : vector<1x1280x1xf32> to vector<1280x1xf32>
    %slice3A_3 = vector.extract_strided_slice %get3A_2 {offsets = [1, 0, 0], sizes = [1, 1280, 1], strides = [1, 1, 1]} : vector<2x1280x16xf32> to vector<1x1280x1xf32>
    %squeeze3A_4 = vector.shape_cast %slice3A_3 : vector<1x1280x1xf32> to vector<1280x1xf32>
    %add3A = arith.addf %squeeze3A, %squeeze3A_4 : vector<1280x1xf32>
    %add3A_5 = arith.constant 1.000000e+00 : f32
    %add3A_6 = vector.broadcast %add3A_5 : f32 to vector<1280x1xf32>
    %add3A_7 = arith.addf %add3A, %add3A_6 : vector<1280x1xf32>
    %rsqrt3A = math.rsqrt %add3A_7 : vector<1280x1xf32>
    %swap3A = arith.constant 0 : index
    %swap3A_8 = arith.constant 0 : index
    %swap3A_9 = vector.load %arg3[%swap3A, %swap3A_8] : memref<1280x1xf32, #tpu.memory_space<vmem>>, vector<1280x1xf32>
    tpu.vector_store %arg3[%swap3A, %swap3A_8], %rsqrt3A {strides = array<i32>} : memref<1280x1xf32, #tpu.memory_space<vmem>>, vector<1280x1xf32>,
    %get3A_10 = arith.constant 0 : index
    %get3A_11 = arith.constant 0 : index
    %get3A_12 = vector.load %arg2[%get3A_10, %get3A_11] : memref<1280x128xf32, #tpu.memory_space<vmem>>, vector<1280x128xf32>
    %mul3A = vector.broadcast %rsqrt3A : vector<1280x1xf32> to vector<1280x128xf32>
    %mul3A_13 = arith.mulf %get3A_12, %mul3A : vector<1280x128xf32>
    %swap3A_14 = arith.constant 0 : index
    %swap3A_15 = arith.constant 0 : index
    %swap3A_16 = vector.load %arg4[%swap3A_14, %swap3A_15] : memref<1280x128xf32, #tpu.memory_space<vmem>>, vector<1280x128xf32>
    tpu.vector_store %arg4[%swap3A_14, %swap3A_15], %mul3A_13 {strides = array<i32>} : memref<1280x128xf32, #tpu.memory_space<vmem>>, vector<1280x128xf32>,
    return
  }
  func.func @transform_0(%arg0: i32) -> (i32, i32, i32) {
    %c0_i32 = arith.constant 0 : i32
    %c0_i32_0 = arith.constant 0 : i32
    %c0_i32_1 = arith.constant 0 : i32
    return %c0_i32, %arg0, %c0_i32_0 : i32, i32, i32
  }
  func.func @transform_1(%arg0: i32) -> (i32, i32) {
    %c0_i32 = arith.constant 0 : i32
    %c0_i32_0 = arith.constant 0 : i32
    return %arg0, %c0_i32 : i32, i32
  }
  func.func @transform_2(%arg0: i32) -> (i32, i32) {
    %c0_i32 = arith.constant 0 : i32
    %c0_i32_0 = arith.constant 0 : i32
    return %arg0, %c0_i32 : i32, i32
  }
  func.func @transform_3(%arg0: i32) -> (i32, i32) {
    %c0_i32 = arith.constant 0 : i32
    %c0_i32_0 = arith.constant 0 : i32
    return %arg0, %c0_i32 : i32, i32
  }
}

module attributes {stable_mosaic.version = 14 : i64} {
  func.func @_mid_body(%arg0: i32, %arg1: memref<2x1280x128xf32, #tpu.memory_space<vmem>>, %arg2: memref<1280x128xf32, #tpu.memory_space<vmem>>, %arg3: memref<1280x1xf32, #tpu.memory_space<vmem>>, %arg4: memref<1x128xf32, #tpu.memory_space<vmem>>, %arg5: memref<128x64xf32, #tpu.memory_space<vmem>>, %arg6: memref<1280x64xf32, #tpu.memory_space<vmem>>) attributes {dimension_semantics = [#tpu.dimension_semantics<arbitrary>], iteration_bounds = array<i64: 8>, scalar_prefetch = 0 : i64, scratch_operands = 0 : i64, tpu.core_type = #tpu.core_type<tc>, window_params = [{transform_indices = @transform_0, window_bounds = array<i64: 2, 1280, 128>}, {transform_indices = @transform_1, window_bounds = array<i64: 1280, 128>}, {transform_indices = @transform_2, window_bounds = array<i64: 1280, 1>}, {pipeline_mode = #tpu.pipeline_mode<synchronous>, transform_indices = @transform_3, window_bounds = array<i64: 1, 128>}, {pipeline_mode = #tpu.pipeline_mode<synchronous>, transform_indices = @transform_4, window_bounds = array<i64: 128, 64>}, {transform_indices = @transform_5, window_bounds = array<i64: 1280, 64>}]} {
    %get3A = arith.constant 0 : index
    %get3A_0 = arith.constant 0 : index
    %get3A_1 = arith.constant 0 : index
    %get3A_2 = vector.load %arg1[%get3A, %get3A_0, %get3A_1] : memref<2x1280x128xf32, #tpu.memory_space<vmem>>, vector<2x1280x128xf32>
    %get3A_3 = arith.constant 0 : index
    %get3A_4 = arith.constant 0 : index
    %get3A_5 = vector.load %arg3[%get3A_3, %get3A_4] : memref<1280x1xf32, #tpu.memory_space<vmem>>, vector<1280x1xf32>
    %slice3A = vector.extract_strided_slice %get3A_2 {offsets = [0, 0, 0], sizes = [1, 1280, 128], strides = [1, 1, 1]} : vector<2x1280x128xf32> to vector<1x1280x128xf32>
    %squeeze3A = vector.shape_cast %slice3A : vector<1x1280x128xf32> to vector<1280x128xf32>
    %slice3A_6 = vector.extract_strided_slice %get3A_2 {offsets = [1, 0, 0], sizes = [1, 1280, 128], strides = [1, 1, 1]} : vector<2x1280x128xf32> to vector<1x1280x128xf32>
    %squeeze3A_7 = vector.shape_cast %slice3A_6 : vector<1x1280x128xf32> to vector<1280x128xf32>
    %add3A = arith.addf %squeeze3A, %squeeze3A_7 : vector<1280x128xf32>
    %get3A_8 = arith.constant 0 : index
    %get3A_9 = arith.constant 0 : index
    %get3A_10 = vector.load %arg2[%get3A_8, %get3A_9] : memref<1280x128xf32, #tpu.memory_space<vmem>>, vector<1280x128xf32>
    %add3A_11 = arith.addf %add3A, %get3A_10 : vector<1280x128xf32>
    %mul3A = vector.broadcast %get3A_5 : vector<1280x1xf32> to vector<1280x128xf32>
    %mul3A_12 = arith.mulf %add3A_11, %mul3A : vector<1280x128xf32>
    %get3A_13 = arith.constant 0 : index
    %get3A_14 = arith.constant 0 : index
    %get3A_15 = vector.load %arg4[%get3A_13, %get3A_14] : memref<1x128xf32, #tpu.memory_space<vmem>>, vector<1x128xf32>
    %add3A_16 = vector.broadcast %get3A_15 : vector<1x128xf32> to vector<1280x128xf32>
    %add3A_17 = arith.addf %mul3A_12, %add3A_16 : vector<1280x128xf32>
    %max3A = arith.constant 0.000000e+00 : f32
    %max3A_18 = vector.broadcast %max3A : f32 to vector<1280x128xf32>
    %max3A_19 = arith.maximumf %add3A_17, %max3A_18 : vector<1280x128xf32>
    %get3A_20 = arith.constant 0 : index
    %get3A_21 = arith.constant 0 : index
    %get3A_22 = vector.load %arg5[%get3A_20, %get3A_21] : memref<128x64xf32, #tpu.memory_space<vmem>>, vector<128x64xf32>
    %dot_general3A = arith.constant dense<0.000000e+00> : vector<1280x64xf32>
    %dot_general3A_23 = tpu.matmul %max3A_19, %get3A_22, %dot_general3A {dimension_numbers = #tpu.dot_dimension_numbers<[1], [0], [0], [1], [0, 0, 1, 1], [], []>, transpose_lhs_hint = false} : vector<1280x128xf32>, vector<128x64xf32>, vector<1280x64xf32> -> vector<1280x64xf32>
    %mul3A_24 = vector.broadcast %get3A_5 : vector<1280x1xf32> to vector<1280x64xf32>
    %mul3A_25 = arith.mulf %dot_general3A_23, %mul3A_24 : vector<1280x64xf32>
    %swap3A = arith.constant 0 : index
    %swap3A_26 = arith.constant 0 : index
    %swap3A_27 = vector.load %arg6[%swap3A, %swap3A_26] : memref<1280x64xf32, #tpu.memory_space<vmem>>, vector<1280x64xf32>
    tpu.vector_store %arg6[%swap3A, %swap3A_26], %mul3A_25 {strides = array<i32>} : memref<1280x64xf32, #tpu.memory_space<vmem>>, vector<1280x64xf32>,
    return
  }
  func.func @transform_0(%arg0: i32) -> (i32, i32, i32) {
    %c0_i32 = arith.constant 0 : i32
    %c0_i32_0 = arith.constant 0 : i32
    %c0_i32_1 = arith.constant 0 : i32
    return %c0_i32, %arg0, %c0_i32_0 : i32, i32, i32
  }
  func.func @transform_1(%arg0: i32) -> (i32, i32) {
    %c0_i32 = arith.constant 0 : i32
    %c0_i32_0 = arith.constant 0 : i32
    return %arg0, %c0_i32 : i32, i32
  }
  func.func @transform_2(%arg0: i32) -> (i32, i32) {
    %c0_i32 = arith.constant 0 : i32
    %c0_i32_0 = arith.constant 0 : i32
    return %arg0, %c0_i32 : i32, i32
  }
  func.func @transform_3(%arg0: i32) -> (i32, i32) {
    %c0_i32 = arith.constant 0 : i32
    %c0_i32_0 = arith.constant 0 : i32
    %c0_i32_1 = arith.constant 0 : i32
    return %c0_i32, %c0_i32_0 : i32, i32
  }
  func.func @transform_4(%arg0: i32) -> (i32, i32) {
    %c0_i32 = arith.constant 0 : i32
    %c0_i32_0 = arith.constant 0 : i32
    %c0_i32_1 = arith.constant 0 : i32
    return %c0_i32, %c0_i32_0 : i32, i32
  }
  func.func @transform_5(%arg0: i32) -> (i32, i32) {
    %c0_i32 = arith.constant 0 : i32
    %c0_i32_0 = arith.constant 0 : i32
    return %arg0, %c0_i32 : i32, i32
  }
}

module attributes {stable_mosaic.version = 14 : i64} {
  func.func @_out_body(%arg0: i32, %arg1: memref<2x2000x64xf32, #tpu.memory_space<vmem>>, %arg2: memref<2000x64xf32, #tpu.memory_space<vmem>>, %arg3: memref<2000x1xf32, #tpu.memory_space<vmem>>, %arg4: memref<1x64xf32, #tpu.memory_space<vmem>>, %arg5: memref<2000x64xf32, #tpu.memory_space<vmem>>) attributes {dimension_semantics = [#tpu.dimension_semantics<arbitrary>], iteration_bounds = array<i64: 5>, scalar_prefetch = 0 : i64, scratch_operands = 0 : i64, tpu.core_type = #tpu.core_type<tc>, window_params = [{transform_indices = @transform_0, window_bounds = array<i64: 2, 2000, 64>}, {transform_indices = @transform_1, window_bounds = array<i64: 2000, 64>}, {transform_indices = @transform_2, window_bounds = array<i64: 2000, 1>}, {pipeline_mode = #tpu.pipeline_mode<synchronous>, transform_indices = @transform_3, window_bounds = array<i64: 1, 64>}, {transform_indices = @transform_4, window_bounds = array<i64: 2000, 64>}]} {
    %get3A = arith.constant 0 : index
    %get3A_0 = arith.constant 0 : index
    %get3A_1 = arith.constant 0 : index
    %get3A_2 = vector.load %arg1[%get3A, %get3A_0, %get3A_1] : memref<2x2000x64xf32, #tpu.memory_space<vmem>>, vector<2x2000x64xf32>
    %slice3A = vector.extract_strided_slice %get3A_2 {offsets = [0, 0, 0], sizes = [1, 2000, 64], strides = [1, 1, 1]} : vector<2x2000x64xf32> to vector<1x2000x64xf32>
    %squeeze3A = vector.shape_cast %slice3A : vector<1x2000x64xf32> to vector<2000x64xf32>
    %slice3A_3 = vector.extract_strided_slice %get3A_2 {offsets = [1, 0, 0], sizes = [1, 2000, 64], strides = [1, 1, 1]} : vector<2x2000x64xf32> to vector<1x2000x64xf32>
    %squeeze3A_4 = vector.shape_cast %slice3A_3 : vector<1x2000x64xf32> to vector<2000x64xf32>
    %add3A = arith.addf %squeeze3A, %squeeze3A_4 : vector<2000x64xf32>
    %get3A_5 = arith.constant 0 : index
    %get3A_6 = arith.constant 0 : index
    %get3A_7 = vector.load %arg2[%get3A_5, %get3A_6] : memref<2000x64xf32, #tpu.memory_space<vmem>>, vector<2000x64xf32>
    %add3A_8 = arith.addf %add3A, %get3A_7 : vector<2000x64xf32>
    %get3A_9 = arith.constant 0 : index
    %get3A_10 = arith.constant 0 : index
    %get3A_11 = vector.load %arg3[%get3A_9, %get3A_10] : memref<2000x1xf32, #tpu.memory_space<vmem>>, vector<2000x1xf32>
    %mul3A = vector.broadcast %get3A_11 : vector<2000x1xf32> to vector<2000x64xf32>
    %mul3A_12 = arith.mulf %add3A_8, %mul3A : vector<2000x64xf32>
    %get3A_13 = arith.constant 0 : index
    %get3A_14 = arith.constant 0 : index
    %get3A_15 = vector.load %arg4[%get3A_13, %get3A_14] : memref<1x64xf32, #tpu.memory_space<vmem>>, vector<1x64xf32>
    %add3A_16 = vector.broadcast %get3A_15 : vector<1x64xf32> to vector<2000x64xf32>
    %add3A_17 = arith.addf %mul3A_12, %add3A_16 : vector<2000x64xf32>
    %swap3A = arith.constant 0 : index
    %swap3A_18 = arith.constant 0 : index
    %swap3A_19 = vector.load %arg5[%swap3A, %swap3A_18] : memref<2000x64xf32, #tpu.memory_space<vmem>>, vector<2000x64xf32>
    tpu.vector_store %arg5[%swap3A, %swap3A_18], %add3A_17 {strides = array<i32>} : memref<2000x64xf32, #tpu.memory_space<vmem>>, vector<2000x64xf32>,
    return
  }
  func.func @transform_0(%arg0: i32) -> (i32, i32, i32) {
    %c0_i32 = arith.constant 0 : i32
    %c0_i32_0 = arith.constant 0 : i32
    %c0_i32_1 = arith.constant 0 : i32
    return %c0_i32, %arg0, %c0_i32_0 : i32, i32, i32
  }
  func.func @transform_1(%arg0: i32) -> (i32, i32) {
    %c0_i32 = arith.constant 0 : i32
    %c0_i32_0 = arith.constant 0 : i32
    return %arg0, %c0_i32 : i32, i32
  }
  func.func @transform_2(%arg0: i32) -> (i32, i32) {
    %c0_i32 = arith.constant 0 : i32
    %c0_i32_0 = arith.constant 0 : i32
    return %arg0, %c0_i32 : i32, i32
  }
  func.func @transform_3(%arg0: i32) -> (i32, i32) {
    %c0_i32 = arith.constant 0 : i32
    %c0_i32_0 = arith.constant 0 : i32
    %c0_i32_1 = arith.constant 0 : i32
    return %c0_i32, %c0_i32_0 : i32, i32
  }
  func.func @transform_4(%arg0: i32) -> (i32, i32) {
    %c0_i32 = arith.constant 0 : i32
    %c0_i32_0 = arith.constant 0 : i32
    return %arg0, %c0_i32 : i32, i32
  }
}

</mosaic_0001>

<sc_bundles>
// kernel: kernel.12.cloned.1.call-start
scs
__scs_entry_jumppad:
0x0: {  	(pc) =	sbr.rel $0x88, $3  }
0x1: {  	(tag) =	ssettag $0x0;
	lr =	simm.s32 $0x1  }
0x2: {  	[smem:$0x3F9B] =	sst lr;
	_ =	strace $0xD0000000  }
0x3: {  	_ = 	snop  }
0x4: {  	_ = 	snop  }
0x5: {  	_ = 	snop  }
0x6: {  	_ = 	snop  }
0x7: {  	_ = 	snop  }
__scs_overlays_trampoline_lowered:
0x8: {  	[smem:$0x3FAA] =	sst s0  }
0x9: {  	[smem:$0x3FAB] =	sst s1  }
0xa: {  	[smem:$0x3FAC] =	sst s2  }
0xb: {  	[smem:$0x3FAD] =	sst s3  }
0xc: {  	[smem:$0x3FAE] =	sst s4  }
0xd: {  	[smem:$0x3FAF] =	sst s5  }
0xe: {  	[smem:$0x3FB0] =	sst s6  }
0xf: {  	[smem:$0x3FB1] =	sst s7  }
0x10: {  	[smem:$0x3FB2] =	sst s8  }
0x11: {  	[smem:$0x3FB3] =	sst s9;
	s0 =	simm.s32 @!p0 $0x0  }
0x12: {  	s1 =	sld [smem:$0x3F99];
	s0 =	simm.s32 @p0 $0x1  }
0x13: {  	[smem:$0x3FB4] =	sst s0;
	s0 =	simm.s32 @!p1 $0x0  }
0x14: {  	s2 =	sld [smem:$0x3F98];
	s0 =	simm.s32 @p1 $0x1  }
0x15: {  	[smem:$0x3FB5] =	sst s0;
	s0 =	simm.s32 @!p2 $0x0  }
0x16: {  	s3 =	sld [smem:$0x3FDB];
	s0 =	simm.s32 @p2 $0x1  }
0x17: {  	s4 =	simm.s32 $0x1BF5;
	[smem:$0x3FB7] =	sst s0  }
0x18: {  	s0 =	sld [smem:$0x3F9A];
	_ =	swait.ge [sflag:s4], $0x0  }
0x19: {  	s7 =	sld [smem:$0x3F9B]  }
0x1a: {  	s8 =	sadd.s32 $0xFFFFE003, lr  }
0x1b: {  	s9 =	sadd.s32 $0xFFFFFEF7, lr;
	s5 =	simm.s32 $0xFFFFFFFF;
	p2 =	slt.u32 s8, $0xFFFFF086  }
0x1c: {  	p1 =	slt.u32 s9, $0xF7A;
	s5 =	simm.s32 @!p2 $0x0  }
0x1d: {  	s5 =	simm.s32 @p1 $0x1;
	p0 =	seq.s32 s7, s2  }
0x1e: {  	s7 =	smul.u32 @!p0 $0xF7A, s2;
	p2 =	seq.s32 @!p0 s5, $0x0  }
0x1f: {  	s9 =	smul.u32 $0xF7A, s1;
	s8 =	simm.s32 @!p0 $0x1BF5;
	p2 =	por !p2, p0  }
0x20: {  	[sflag:s8] =	ssyncset.s32 @!p0 $0xFFFFF086;
	s6 =	sadd.s32 @!p0 s3, s7;
	s7 =	simm.s32 @!p0 $0x108  }
0x21: {  	s3 =	sadd.s32 s3, s9;
	s6 =	sadd.s32 @!p0 $0x88, s6;
	s7 =	simm.s32 @p2 $0x1082  }
0x22: {  	[simem:s7], [sflag:s8] =	dma.local @!p0 [hbm:s6], $0xF7A  }
0x23: {  	s9 =	sor.u32 $0xD0000000, s2;
	s6 =	simm.s32 $0x108;
	_ =	swait.ge @!p0 [sflag:s8], $0x0  }
0x24: {  	s3 =	sadd.s32 $0x88, s3;
	s6 =	simm.s32 @!p1 $0x1082;
	[sflag:s4] =	ssyncset.s32 $0xFFFFF086  }
0x25: {  	[simem:s6], [sflag:s4] =	dma.local [hbm:s3], $0xF7A  }
0x26: {  	[smem:$0x3F9B] =	sst s1;
	(tag) =	ssettag s2;
	_ =	strace s9  }
0x27: {  	s1 =	sld [smem:$0x3FAB]  }
0x28: {  	s2 =	sld [smem:$0x3FAC]  }
0x29: {  	s4 =	sld [smem:$0x3FAE]  }
0x2a: {  	p0 =	seq.s32 s5, $0x0;
	s5 =	sld [smem:$0x3FAF]  }
0x2b: {  	s6 =	sld [smem:$0x3FB0]  }
0x2c: {  	s7 =	sld [smem:$0x3FB1]  }
0x2d: {  	s3 =	simm.s32 $0x108;
	s8 =	sld [smem:$0x3FB2]  }
0x2e: {  	s3 =	simm.s32 @!p0 $0x1082;
	s9 =	sld [smem:$0x3FB3]  }
0x2f: {  	lr =	sadd.s32 s0, s3;
	s0 =	sld [smem:$0x3FAA]  }
0x30: {  	s3 =	sld [smem:$0x3FAD]  }
0x31: {  	[smem:$0x3FB6] =	sst s10  }
0x32: {  	s10 =	sld [smem:$0x3FB4];
	_ =	sdelay $0x3  }
0x33: {  	p0 =	seq.s32 s10, $0x1;
	s10 =	sld [smem:$0x3FB6];
	_ =	sdelay $0x3  }
0x34: {  	[smem:$0x3FB6] =	sst s10  }
0x35: {  	s10 =	sld [smem:$0x3FB5];
	_ =	sdelay $0x3  }
0x36: {  	p1 =	seq.s32 s10, $0x1;
	s10 =	sld [smem:$0x3FB6];
	_ =	sdelay $0x3  }
0x37: {  	[smem:$0x3FB6] =	sst s10  }
0x38: {  	s10 =	sld [smem:$0x3FB7]  }
0x39: {  	_ = 	snop;
	(pc) =	sbr.ind lr, $3  }
0x3a: {  	_ = 	snop  }
0x3b: {  	_ = 	snop  }
0x3c: {  	p2 =	seq.s32 s10, $0x1;
	s10 =	sld [smem:$0x3FB6]  }
0x3d: {  	_ =	shalt  }
0x3e: {  	_ =	shalt  }
0x3f: {  	_ =	shalt  }
0x40: {  	_ =	shalt  }
0x41: {  	_ =	shalt  }
0x42: {  	_ =	shalt  }
0x43: {  	_ =	shalt  }
0x44: {  	_ =	shalt  }
0x45: {  	_ =	shalt  }
0x46: {  	_ =	shalt  }
0x47: {  	_ =	shalt  }
0x48: {  	_ =	shalt  }
0x49: {  	_ =	shalt  }
0x4a: {  	_ =	shalt  }
0x4b: {  	_ =	shalt  }
0x4c: {  	_ =	shalt  }
0x4d: {  	_ =	shalt  }
0x4e: {  	_ =	shalt  }
0x4f: {  	_ =	shalt  }
0x50: {  	_ =	shalt  }
0x51: {  	_ =	shalt  }
0x52: {  	_ =	shalt  }
0x53: {  	_ =	shalt  }
0x54: {  	_ =	shalt  }
0x55: {  	_ =	shalt  }
0x56: {  	_ =	shalt  }
0x57: {  	_ =	shalt  }
0x58: {  	_ =	shalt  }
0x59: {  	_ =	shalt  }
0x5a: {  	_ =	shalt  }
0x5b: {  	_ =	shalt  }
0x5c: {  	_ =	shalt  }
0x5d: {  	_ =	shalt  }
0x5e: {  	_ =	shalt  }
0x5f: {  	_ =	shalt  }
0x60: {  	_ =	shalt  }
0x61: {  	_ =	shalt  }
0x62: {  	_ =	shalt  }
0x63: {  	_ =	shalt  }
0x64: {  	_ =	shalt  }
0x65: {  	_ =	shalt  }
0x66: {  	_ =	shalt  }
0x67: {  	_ =	shalt  }
0x68: {  	_ =	shalt  }
0x69: {  	_ =	shalt  }
0x6a: {  	_ =	shalt  }
0x6b: {  	_ =	shalt  }
0x6c: {  	_ =	shalt  }
0x6d: {  	_ =	shalt  }
0x6e: {  	_ =	shalt  }
0x6f: {  	_ =	shalt  }
0x70: {  	_ =	shalt  }
0x71: {  	_ =	shalt  }
0x72: {  	_ =	shalt  }
0x73: {  	_ =	shalt  }
0x74: {  	_ =	shalt  }
0x75: {  	_ =	shalt  }
0x76: {  	_ =	shalt  }
0x77: {  	_ =	shalt  }
0x78: {  	_ =	shalt  }
0x79: {  	_ =	shalt  }
0x7a: {  	_ =	shalt  }
0x7b: {  	_ =	shalt  }
0x7c: {  	_ =	shalt  }
0x7d: {  	_ =	shalt  }
0x7e: {  	_ =	shalt  }
0x7f: {  	_ =	shalt  }
0x80: {  	_ =	shalt  }
0x81: {  	_ =	shalt  }
0x82: {  	_ =	shalt  }
0x83: {  	_ =	shalt  }
0x84: {  	_ =	shalt  }
0x85: {  	_ =	shalt  }
0x86: {  	_ =	shalt  }
0x87: {  	_ =	shalt  }
.Lfunc_end0:
.L_simem_size_0:
called_computation.1_lowered:
.L_overlay_start_0:
0x88: {  	s2 =	sld [smem:$0x3FD9]  }
0x89: {  	s3 =	sld [smem:$0x3FFE];
	_ =	sdelay $0x1  }
0x8a: {  	s1 =	srdreg.scid  }
0x8b: {  	s0 =	sand.u32 $0x1, s1  }
0x8c: {  	s17 =	sshll.u32 s0, $0xA;
	s2 =	sadd.s32 s3, s2  }
0x8d: {  	s2 =	sadd.s32 s2, s17  }
0x8e: {  	[smem:$0x3FC2] =	sst s2  }
0x8f: {  	_ = 	snop  }
0x90: {  	s2 =	sld [smem:$0x3FD0];
	(tm) =	ssettm $0x1  }
0x91: {  	s18 =	sld [smem:$0x3FFB];
	_ =	sdelay $0x3  }
0x92: {  	_ =	strace s18  }
0x93: {  	s3 =	sld [smem:$0x3FFC];
	_ =	sdelay $0x3  }
0x94: {  	_ =	strace s3  }
0x95: {  	s3 =	sld [smem:$0x3FFD];
	_ =	sdelay $0x3  }
0x96: {  	_ =	strace s3  }
0x97: {  	_ =	strace $0x8FFFFFFF  }
0x98: {  	s19 =	sld [smem:$0x3FDB];
	_ =	sdelay $0x1  }
0x99: {  	s4 =	simm.s32 $_scs_section_size  }
0x9a: {  	s5 =	simm.s32 $_size__tile_overlayer_lowered;
	s6 =	simm.s32 $_tile_overlayer_lowered  }
0x9b: {  	s22 =	simm.s32 $0x1BFF;
	s21 =	sshll.u32 s6, $0x1;
	s3 =	sadd.s32 s4, s19  }
0x9c: {  	s7 =	simm.s32 $0x0;
	s20 =	sshll.u32 s5, $0x1;
	s5 =	sadd.s32 s21, s3  }
0x9d: {  	[timem:s7], [sflag:s22] =	dma.local [hbm:s5], s20  }
0x9e: {  	_ =	swait.ge [sflag:s22], s20  }
0x9f: {  	s4 =	ssub.s32 $0x0, s20;
	[sflag:s22] =	ssyncset.done $0x0  }
0xa0: {  	[sflag:s22] =	ssyncadd.s32 s4;
	_ =	sdelay $0x1  }
0xa1: {  	s23 =	simm.s32 $0x1B8B  }
0xa2: {  	_ =	swait.ge [sflag:s23], $0x1  }
0xa3: {  	[sflag:s23] =	ssyncset.done $0x0  }
0xa4: {  	s25 =	simm.s32 $0x1B8E;
	s24 =	sld [smem:$0x3FFE];
	[sflag:s23] =	ssyncadd.s32 $0xFFFFFFFF  }
0xa5: {  	s26 =	simm.s32 $execute0_lowered;
	[smem:$0x3FD2] =	sst s25  }
0xa6: {  	s5 =	sshll.u32 s26, $0x1;
	_ =	strace $0x80000049;
	[dreg:$0x1] =	wrdreg $0xFFFFFFFF  }
0xa7: {  	s28 =	simm.s32 $_size_execute0_lowered;
	s3 =	sadd.s32 s3, s5;
	[dreg:$0x0] =	wrdreg $0x0  }
0xa8: {  	s5 =	sshll.u32 s28, $0x1;
	[dreg:$0x2] =	wrdreg s3  }
0xa9: {  	[dreg:$0x3] =	wrdreg s5  }
0xaa: {  	[dreg:$0x4] =	wrdreg $0xC0  }
0xab: {  	_ =	task [dreg:s7], $0x5FFFF  }
0xac: {  	[dreg:$0x1] =	wrdreg $0xFFFFFFFF  }
0xad: {  	[dreg:$0x0] =	wrdreg $0x60  }
0xae: {  	[dreg:$0x2] =	wrdreg s24  }
0xaf: {  	[dreg:$0x3] =	wrdreg s2  }
0xb0: {  	[dreg:$0x4] =	wrdreg $0xAA000  }
0xb1: {  	[dreg:$0x5] =	wrdreg $0x9  }
0xb2: {  	_ =	task.clear_ibuf [dreg:s7], $0x6FFFF;
	_ =	strace $0x90000049  }
0xb3: {  	s29 =	simm.s32 $0x9;
	_ =	strace $0x8000004B  }
0xb4: {  	_ =	swait.ge [sflag:s29], $0x1  }
0xb5: {  	[sflag:s29] =	ssyncadd.s32 $0xFFFFFFFF  }
0xb6: {  	_ =	strace $0x9000004B  }
0xb7: {  	_ =	sfence  }
0xb8: {  	s30 =	sld [smem:$0x0];
	_ =	sdelay $0x2  }
0xb9: {  	s31 =	sshll.u32 s1, $0xD;
	s1 =	sshrl.u32 s1, $0x2  }
0xba: {  	s3 =	sand.u32 $0x4000, s31;
	s1 =	sadd.s32 s1, s30  }
0xbb: {  	s0 =	sor.u32 s3, s0;
	s1 =	sshll.u32 s1, $0x11  }
0xbc: {  	s0 =	sor.u32 s1, s0  }
0xbd: {  	s0 =	sadd.s32 $0x8F2B, s0  }
0xbe: {  	[sflag:s0] =	ssyncadd.remote.s32 $0x1  }
0xbf: {  	_ =	sfence.sel $0xFFFF  }
0xc0: {  	[dreg:$0x0] =	wrdreg $0xFFFFFFFF;
	(pc) =	sbr.abs _section_cstart, $3  }
0xc1: {  	[dreg:$0x1] =	wrdreg $0xFFFFFFFF  }
0xc2: {  	_ =	task.clear_ibuf [dreg:s7], $0x2FFFF;
	_ =	strace $0x9FFFFFFF  }
0xc3: {  	(tm) =	ssettm $0x7FFFFFFF  }
tec
execute0_lowered:
.L_overlay_start_1:
0x0: {  	(tag) =	ssettag $0x1  }
0x1: {  	s5 =	rddreg [dreg:$0x0]  }
0x2: {  	s7 =	rddreg [dreg:$0x1]  }
0x3: {  	s2 =	rddreg [dreg:$0x2]  }
0x4: {  	s0 =	rddreg [dreg:$0x3]  }
0x5: {  	s1 =	stileid.u32;
	s4 =	srdreg.scid  }
0x6: {  	s3 =	simm.s32 $0x0;
	s14 =	simm.s32 $0x2A00;
	s15 =	simm.s32 $0x2980  }
0x7: {  	s16 =	simm.s32 $0x6A00;
	s17 =	simm.s32 $0x1;
	s18 =	simm.s32 $0x2800  }
0x8: {  	s19 =	simm.s32 $0x2;
	s20 =	simm.s32 $0x2880;
	s21 =	simm.s32 $0x0  }
0x9: {  	s6 =	smul.u32 $0x14000, s1;
	s8 =	sand.u32 $0x1, s4;
	[smem:$0x7FF] =	sst s3  }
0xa: {  	s4 =	sadd.s32 $0x1E00, s5;
	s12 =	smul.u32 $0x50000, s1;
	s30 =	sshll.u32 s1, $0x6  }
0xb: {  	s9 =	smul.u32 $0x140000, s8;
	_ =	strace $0x8000004A;
	s26 =	ssub.s32 $0x2, s8  }
0xc: {  	s8 =	sshll.u32 s8, $0x4;
	s10 =	sshrl.u32 s6, $0x3;
	s11 =	sshrl.u32 s26, $0x1  }
0xd: {  	s28 =	sor.u32 s1, s8;
	s29 =	sshrl.u32 s12, $0x2;
	s6 =	sadd.s32 s6, s9  }
0xe: {  	s25 =	sadd.s32 s10, s5;
	s10 =	ssub.s32 s26, s11;
	s31 =	smul.u32 $0x500, s28  }
0xf: {  	s12 =	sadd.s32 s29, s2;
	s11 =	simm.s32 $0x3;
	s6 =	sshrl.u32 s6, $0x3  }
0x10: {  	s9 =	smax.u32 s10, $0x1;
	s10 =	sshrl.u32 s12, $0x3;
	s12 =	simm.s32 $0x80  }
0x11: {  	s13 =	sadd.s32 s6, s5;
	s5 =	sadd.s32 $0x29E00, s25;
	s6 =	sor.u32 $0x1C03, s30  }
0x12: {  	s7 =	sadd.s32 s7, s31;
	s8 =	sadd.s32 $0x51E00, s13;
	s13 =	simm.s32 $0x2900  }
.LBB2_1:
0x13: {  	[spmem:s10], [sflag:s6] =	dma.local [hbm:s5], $0x2800  }
0x14: {  	_ =	swait.ge [sflag:s11], $0x2800  }
0x15: {  	[sflag:s11] =	ssyncset.done $0x0  }
0x16: {  	[sflag:s11] =	ssyncadd.s32 $0xFFFFD800  }
0x17: {  	[tilespmem:s3], [sflag:$0x3] =	stream.linear.gather [hbm4b:s7+s3], $0x2800, $0x38;
	[tilespmem:$0x1EA00] =	vst v63  }
0x18: {  	_ =	swait.ge [sflag:s11], $0x2800  }
0x19: {  	[sflag:s11] =	ssyncset.done $0x0  }
0x1a: {  	[sflag:s11] =	ssyncadd.s32 $0xFFFFD800  }
0x1b: {  	[bflag:$0x0] =	sbarrier.arrive $0xFFFF  }
0x1c: {  	v0 =	vld [tilespmem:$0x0];
	_ =	sdelay $0x1  }
0x1d: {  	v1 =	vld [tilespmem:$0x10];
	_ =	sdelay $0x1  }
0x1e: {  	v2 =	vld [tilespmem:$0x20]  }
0x1f: {  	v3 =	vand.u32 $0xFFFF, v0  }
0x20: {  	v0 =	vshra.s32 v0, $0x10;
	[tilespmem:$0x2900] =	vst v3;
	v3 =	vld [tilespmem:$0x30]  }
0x21: {  	[tilespmem:$0x2800] =	vst v0;
	v0 =	vand.u32 $0xFFFF, v1  }
0x22: {  	[tilespmem:$0x2910] =	vst v0;
	v0 =	vshra.s32 v1, $0x10;
	v1 =	vld [tilespmem:$0x40]  }
0x23: {  	[tilespmem:$0x2810] =	vst v0;
	v0 =	vand.u32 $0xFFFF, v2  }
0x24: {  	[tilespmem:$0x2920] =	vst v0;
	v0 =	vshra.s32 v2, $0x10;
	v2 =	vld [tilespmem:$0x50]  }
0x25: {  	[tilespmem:$0x2820] =	vst v0;
	v0 =	vand.u32 $0xFFFF, v3  }
0x26: {  	[tilespmem:$0x2930] =	vst v0;
	v0 =	vshra.s32 v3, $0x10;
	v3 =	vld [tilespmem:$0x60]  }
0x27: {  	[tilespmem:$0x2830] =	vst v0;
	v0 =	vand.u32 $0xFFFF, v1  }
0x28: {  	[tilespmem:$0x2940] =	vst v0;
	v0 =	vshra.s32 v1, $0x10;
	v1 =	vld [tilespmem:$0x70]  }
0x29: {  	[tilespmem:$0x2840] =	vst v0;
	v0 =	vand.u32 $0xFFFF, v2  }
0x2a: {  	[tilespmem:$0x2950] =	vst v0;
	v0 =	vshra.s32 v2, $0x10;
	v2 =	vld [tilespmem:$0x80]  }
0x2b: {  	[tilespmem:$0x2850] =	vst v0;
	v0 =	vand.u32 $0xFFFF, v3  }
0x2c: {  	[tilespmem:$0x2960] =	vst v0;
	v0 =	vshra.s32 v3, $0x10;
	v3 =	vld [tilespmem:$0x90]  }
0x2d: {  	[tilespmem:$0x2860] =	vst v0;
	v0 =	vand.u32 $0xFFFF, v1  }
0x2e: {  	[tilespmem:$0x2970] =	vst v0;
	v0 =	vshra.s32 v1, $0x10;
	v1 =	vld [tilespmem:$0xA0]  }
0x2f: {  	[tilespmem:$0x2870] =	vst v0;
	v0 =	vand.u32 $0xFFFF, v2  }
0x30: {  	[tilespmem:$0x2980] =	vst v0;
	v0 =	vshra.s32 v2, $0x10;
	v2 =	vld [tilespmem:$0xB0]  }
0x31: {  	[tilespmem:$0x2880] =	vst v0;
	v0 =	vand.u32 $0xFFFF, v3  }
0x32: {  	[tilespmem:$0x2990] =	vst v0;
	v0 =	vshra.s32 v3, $0x10;
	v3 =	vld [tilespmem:$0xC0]  }
0x33: {  	[tilespmem:$0x2890] =	vst v0;
	v0 =	vand.u32 $0xFFFF, v1  }
0x34: {  	[tilespmem:$0x29A0] =	vst v0;
	v0 =	vshra.s32 v1, $0x10;
	v1 =	vld [tilespmem:$0xD0]  }
0x35: {  	[tilespmem:$0x28A0] =	vst v0;
	v0 =	vand.u32 $0xFFFF, v2  }
0x36: {  	[tilespmem:$0x29B0] =	vst v0;
	v0 =	vshra.s32 v2, $0x10;
	v2 =	vld [tilespmem:$0xE0]  }
0x37: {  	[tilespmem:$0x28B0] =	vst v0;
	v0 =	vand.u32 $0xFFFF, v3  }
0x38: {  	[tilespmem:$0x29C0] =	vst v0;
	v0 =	vshra.s32 v3, $0x10;
	v3 =	vld [tilespmem:$0xF0]  }
0x39: {  	[tilespmem:$0x28C0] =	vst v0;
	v0 =	vand.u32 $0xFFFF, v1  }
0x3a: {  	[tilespmem:$0x29D0] =	vst v0;
	v0 =	vshra.s32 v1, $0x10  }
0x3b: {  	[tilespmem:$0x28D0] =	vst v0;
	v0 =	vand.u32 $0xFFFF, v2  }
0x3c: {  	[tilespmem:$0x29E0] =	vst v0;
	v0 =	vshra.s32 v2, $0x10  }
0x3d: {  	[tilespmem:$0x28E0] =	vst v0;
	v0 =	vand.u32 $0xFFFF, v3  }
0x3e: {  	[tilespmem:$0x29F0] =	vst v0;
	v0 =	vshra.s32 v3, $0x10  }
0x3f: {  	[tilespmem:$0x28F0] =	vst v0  }
0x40: {  	[tilespmem:s14], [sflag:$0x1] =	stream.indirect.gather [hbm4b:s4+s12], $0x80, s13, s12, $0xb8;
	[tilespmem:$0x1EA00] =	vst v63  }
0x41: {  	_ = 	snop  }
0x42: {  	[tilespmem:s16], [sflag:$0x2] =	stream.indirect.gather [hbm4b:s4+s12], $0x80, s15, s12, $0xb8;
	[tilespmem:$0x1EA00] =	vst v63  }
0x43: {  	_ =	swait.ge [sflag:s17], $0x4000  }
0x44: {  	[sflag:s17] =	ssyncset.done $0x0  }
0x45: {  	[sflag:s17] =	ssyncadd.s32 $0xFFFFC000  }
0x46: {  	[spmem:s2] =	stream.indirect.scatter.add.f32 [tilespmem:s14], [sflag:$0x3], $0x80, s18, s12, $0xb8;
	[tilespmem:$0x1EA00] =	vst v63  }
0x47: {  	_ =	swait.ge [sflag:s11], $0x4000  }
0x48: {  	[sflag:s11] =	ssyncset.done $0x0  }
0x49: {  	s22 =	simm.s32 $0x1F0;
	[sflag:s11] =	ssyncadd.s32 $0xFFFFC000  }
0x4a: {  	v0 =	vld [tilespmem:s22+$0xFFFFFF10];
	_ =	sdelay $0x4  }
0x4b: {  	v1 =	vand.u32 $0xFFFF, v0  }
0x4c: {  	v0 =	vshra.s32 v0, $0x10;
	[tilespmem:$0x2900] =	vst v1  }
0x4d: {  	[tilespmem:$0x2800] =	vst v0  }
0x4e: {  	v0 =	vld [tilespmem:s22+$0xFFFFFF20];
	_ =	sdelay $0x4  }
0x4f: {  	v1 =	vand.u32 $0xFFFF, v0  }
0x50: {  	v0 =	vshra.s32 v0, $0x10;
	[tilespmem:$0x2910] =	vst v1  }
0x51: {  	[tilespmem:$0x2810] =	vst v0  }
0x52: {  	v0 =	vld [tilespmem:s22+$0xFFFFFF30];
	_ =	sdelay $0x4  }
0x53: {  	v1 =	vand.u32 $0xFFFF, v0  }
0x54: {  	v0 =	vshra.s32 v0, $0x10;
	[tilespmem:$0x2920] =	vst v1  }
0x55: {  	[tilespmem:$0x2820] =	vst v0  }
0x56: {  	v0 =	vld [tilespmem:s22+$0xFFFFFF40];
	_ =	sdelay $0x4  }
0x57: {  	v1 =	vand.u32 $0xFFFF, v0  }
0x58: {  	v0 =	vshra.s32 v0, $0x10;
	[tilespmem:$0x2930] =	vst v1  }
0x59: {  	[tilespmem:$0x2830] =	vst v0  }
0x5a: {  	v0 =	vld [tilespmem:s22+$0xFFFFFF50];
	_ =	sdelay $0x4  }
0x5b: {  	v1 =	vand.u32 $0xFFFF, v0  }
0x5c: {  	v0 =	vshra.s32 v0, $0x10;
	[tilespmem:$0x2940] =	vst v1  }
0x5d: {  	[tilespmem:$0x2840] =	vst v0  }
0x5e: {  	v0 =	vld [tilespmem:s22+$0xFFFFFF60];
	_ =	sdelay $0x4  }
0x5f: {  	v1 =	vand.u32 $0xFFFF, v0  }
0x60: {  	v0 =	vshra.s32 v0, $0x10;
	[tilespmem:$0x2950] =	vst v1  }
0x61: {  	[tilespmem:$0x2850] =	vst v0  }
0x62: {  	v0 =	vld [tilespmem:s22+$0xFFFFFF70];
	_ =	sdelay $0x4  }
0x63: {  	v1 =	vand.u32 $0xFFFF, v0  }
0x64: {  	v0 =	vshra.s32 v0, $0x10;
	[tilespmem:$0x2960] =	vst v1  }
0x65: {  	[tilespmem:$0x2860] =	vst v0  }
0x66: {  	v0 =	vld [tilespmem:s22+$0xFFFFFF80];
	_ =	sdelay $0x4  }
0x67: {  	v1 =	vand.u32 $0xFFFF, v0  }
0x68: {  	v0 =	vshra.s32 v0, $0x10;
	[tilespmem:$0x2970] =	vst v1  }
0x69: {  	[tilespmem:$0x2870] =	vst v0  }
0x6a: {  	[tilespmem:s14], [sflag:$0x1] =	stream.indirect.gather [hbm4b:s4+s12], $0x80, s13, s12, $0xb8;
	[tilespmem:$0x1EA00] =	vst v63  }
0x6b: {  	_ =	swait.ge [sflag:s19], $0x4000  }
0x6c: {  	[sflag:s19] =	ssyncset.done $0x0  }
0x6d: {  	[sflag:s19] =	ssyncadd.s32 $0xFFFFC000  }
0x6e: {  	[spmem:s2] =	stream.indirect.scatter.add.f32 [tilespmem:s16], [sflag:$0x3], $0x80, s20, s12, $0xb8;
	[tilespmem:$0x1EA00] =	vst v63  }
0x6f: {  	_ =	swait.ge [sflag:s11], $0x4000  }
0x70: {  	[sflag:s11] =	ssyncset.done $0x0  }
0x71: {  	[sflag:s11] =	ssyncadd.s32 $0xFFFFC000  }
0x72: {  	v0 =	vld [tilespmem:s22+$0xFFFFFF90];
	_ =	sdelay $0x4  }
0x73: {  	v1 =	vand.u32 $0xFFFF, v0  }
0x74: {  	v0 =	vshra.s32 v0, $0x10;
	[tilespmem:$0x2980] =	vst v1  }
0x75: {  	[tilespmem:$0x2880] =	vst v0  }
0x76: {  	v0 =	vld [tilespmem:s22+$0xFFFFFFA0];
	_ =	sdelay $0x4  }
0x77: {  	v1 =	vand.u32 $0xFFFF, v0  }
0x78: {  	v0 =	vshra.s32 v0, $0x10;
	[tilespmem:$0x2990] =	vst v1  }
0x79: {  	[tilespmem:$0x2890] =	vst v0  }
0x7a: {  	v0 =	vld [tilespmem:s22+$0xFFFFFFB0];
	_ =	sdelay $0x4  }
0x7b: {  	v1 =	vand.u32 $0xFFFF, v0  }
0x7c: {  	v0 =	vshra.s32 v0, $0x10;
	[tilespmem:$0x29A0] =	vst v1  }
0x7d: {  	[tilespmem:$0x28A0] =	vst v0  }
0x7e: {  	v0 =	vld [tilespmem:s22+$0xFFFFFFC0];
	_ =	sdelay $0x4  }
0x7f: {  	v1 =	vand.u32 $0xFFFF, v0  }
0x80: {  	v0 =	vshra.s32 v0, $0x10;
	[tilespmem:$0x29B0] =	vst v1  }
0x81: {  	[tilespmem:$0x28B0] =	vst v0  }
0x82: {  	v0 =	vld [tilespmem:s22+$0xFFFFFFD0];
	_ =	sdelay $0x4  }
0x83: {  	v1 =	vand.u32 $0xFFFF, v0  }
0x84: {  	v0 =	vshra.s32 v0, $0x10;
	[tilespmem:$0x29C0] =	vst v1  }
0x85: {  	[tilespmem:$0x28C0] =	vst v0  }
0x86: {  	v0 =	vld [tilespmem:s22+$0xFFFFFFE0];
	_ =	sdelay $0x4  }
0x87: {  	v1 =	vand.u32 $0xFFFF, v0  }
0x88: {  	v0 =	vshra.s32 v0, $0x10;
	[tilespmem:$0x29D0] =	vst v1  }
0x89: {  	[tilespmem:$0x28D0] =	vst v0  }
0x8a: {  	v0 =	vld [tilespmem:s22+$0xFFFFFFF0];
	_ =	sdelay $0x4  }
0x8b: {  	v1 =	vand.u32 $0xFFFF, v0  }
0x8c: {  	s23 =	simm.s32 $0xBC0;
	v0 =	vshra.s32 v0, $0x10;
	[tilespmem:$0x29E0] =	vst v1  }
.LBB2_2:
0x8d: {  	p0 =	sne.s32 s23, $0x9FC0;
	[tilespmem:$0x28E0] =	vst v0;
	s24 =	smov.u32 s23;
	s23 =	sadd.s32 $0x400, s23  }
0x8e: {  	v0 =	vld [tilespmem:s22+$0x0];
	_ =	sdelay $0x4  }
0x8f: {  	v1 =	vand.u32 $0xFFFF, v0;
	v0 =	vshra.s32 v0, $0x10  }
0x90: {  	[tilespmem:$0x29F0] =	vst v1  }
0x91: {  	[tilespmem:$0x28F0] =	vst v0  }
0x92: {  	[tilespmem:s16], [sflag:$0x2] =	stream.indirect.gather [hbm4b:s4+s12], $0x80, s15, s12, $0xb8;
	[tilespmem:$0x1EA00] =	vst v63  }
0x93: {  	_ =	swait.ge [sflag:s17], $0x4000  }
0x94: {  	[sflag:s17] =	ssyncset.done $0x0  }
0x95: {  	[sflag:s17] =	ssyncadd.s32 $0xFFFFC000  }
0x96: {  	[spmem:s2] =	stream.indirect.scatter.add.f32 [tilespmem:s14], [sflag:$0x3], $0x80, s18, s12, $0xb8;
	[tilespmem:$0x1EA00] =	vst v63  }
0x97: {  	_ =	swait.ge [sflag:s11], $0x4000  }
0x98: {  	[sflag:s11] =	ssyncset.done $0x0  }
0x99: {  	s22 =	sshra.s32 s24, $0x2;
	[sflag:s11] =	ssyncadd.s32 $0xFFFFC000  }
0x9a: {  	v0 =	vld [tilespmem:s22+$0xFFFFFF10];
	_ =	sdelay $0x4  }
0x9b: {  	v1 =	vand.u32 $0xFFFF, v0;
	v0 =	vshra.s32 v0, $0x10  }
0x9c: {  	[tilespmem:$0x2900] =	vst v1  }
0x9d: {  	[tilespmem:$0x2800] =	vst v0  }
0x9e: {  	v0 =	vld [tilespmem:s22+$0xFFFFFF20];
	_ =	sdelay $0x4  }
0x9f: {  	v1 =	vand.u32 $0xFFFF, v0;
	v0 =	vshra.s32 v0, $0x10  }
0xa0: {  	[tilespmem:$0x2910] =	vst v1  }
0xa1: {  	[tilespmem:$0x2810] =	vst v0  }
0xa2: {  	v0 =	vld [tilespmem:s22+$0xFFFFFF30];
	_ =	sdelay $0x4  }
0xa3: {  	v1 =	vand.u32 $0xFFFF, v0;
	v0 =	vshra.s32 v0, $0x10  }
0xa4: {  	[tilespmem:$0x2920] =	vst v1  }
0xa5: {  	[tilespmem:$0x2820] =	vst v0  }
0xa6: {  	v0 =	vld [tilespmem:s22+$0xFFFFFF40];
	_ =	sdelay $0x4  }
0xa7: {  	v1 =	vand.u32 $0xFFFF, v0;
	v0 =	vshra.s32 v0, $0x10  }
0xa8: {  	[tilespmem:$0x2930] =	vst v1  }
0xa9: {  	[tilespmem:$0x2830] =	vst v0  }
0xaa: {  	v0 =	vld [tilespmem:s22+$0xFFFFFF50];
	_ =	sdelay $0x4  }
0xab: {  	v1 =	vand.u32 $0xFFFF, v0;
	v0 =	vshra.s32 v0, $0x10  }
0xac: {  	[tilespmem:$0x2940] =	vst v1  }
0xad: {  	[tilespmem:$0x2840] =	vst v0  }
0xae: {  	v0 =	vld [tilespmem:s22+$0xFFFFFF60];
	_ =	sdelay $0x4  }
0xaf: {  	v1 =	vand.u32 $0xFFFF, v0;
	v0 =	vshra.s32 v0, $0x10  }
0xb0: {  	[tilespmem:$0x2950] =	vst v1  }
0xb1: {  	[tilespmem:$0x2850] =	vst v0  }
0xb2: {  	v0 =	vld [tilespmem:s22+$0xFFFFFF70];
	_ =	sdelay $0x4  }
0xb3: {  	v1 =	vand.u32 $0xFFFF, v0;
	v0 =	vshra.s32 v0, $0x10  }
0xb4: {  	[tilespmem:$0x2960] =	vst v1  }
0xb5: {  	[tilespmem:$0x2860] =	vst v0  }
0xb6: {  	v0 =	vld [tilespmem:s22+$0xFFFFFF80];
	_ =	sdelay $0x4  }
0xb7: {  	v1 =	vand.u32 $0xFFFF, v0;
	v0 =	vshra.s32 v0, $0x10  }
0xb8: {  	[tilespmem:$0x2970] =	vst v1  }
0xb9: {  	[tilespmem:$0x2870] =	vst v0  }
0xba: {  	[tilespmem:s14], [sflag:$0x1] =	stream.indirect.gather [hbm4b:s4+s12], $0x80, s13, s12, $0xb8;
	[tilespmem:$0x1EA00] =	vst v63  }
0xbb: {  	_ =	swait.ge [sflag:s19], $0x4000  }
0xbc: {  	[sflag:s19] =	ssyncset.done $0x0  }
0xbd: {  	[sflag:s19] =	ssyncadd.s32 $0xFFFFC000  }
0xbe: {  	[spmem:s2] =	stream.indirect.scatter.add.f32 [tilespmem:s16], [sflag:$0x3], $0x80, s20, s12, $0xb8;
	[tilespmem:$0x1EA00] =	vst v63  }
0xbf: {  	_ =	swait.ge [sflag:s11], $0x4000  }
0xc0: {  	[sflag:s11] =	ssyncset.done $0x0  }
0xc1: {  	[sflag:s11] =	ssyncadd.s32 $0xFFFFC000  }
0xc2: {  	v0 =	vld [tilespmem:s22+$0xFFFFFF90];
	_ =	sdelay $0x4  }
0xc3: {  	v1 =	vand.u32 $0xFFFF, v0;
	v0 =	vshra.s32 v0, $0x10  }
0xc4: {  	[tilespmem:$0x2980] =	vst v1  }
0xc5: {  	[tilespmem:$0x2880] =	vst v0  }
0xc6: {  	v0 =	vld [tilespmem:s22+$0xFFFFFFA0];
	_ =	sdelay $0x4  }
0xc7: {  	v1 =	vand.u32 $0xFFFF, v0;
	v0 =	vshra.s32 v0, $0x10  }
0xc8: {  	[tilespmem:$0x2990] =	vst v1  }
0xc9: {  	[tilespmem:$0x2890] =	vst v0  }
0xca: {  	v0 =	vld [tilespmem:s22+$0xFFFFFFB0];
	_ =	sdelay $0x4  }
0xcb: {  	v1 =	vand.u32 $0xFFFF, v0;
	v0 =	vshra.s32 v0, $0x10  }
0xcc: {  	[tilespmem:$0x29A0] =	vst v1  }
0xcd: {  	[tilespmem:$0x28A0] =	vst v0  }
0xce: {  	v0 =	vld [tilespmem:s22+$0xFFFFFFC0];
	_ =	sdelay $0x4  }
0xcf: {  	v1 =	vand.u32 $0xFFFF, v0;
	v0 =	vshra.s32 v0, $0x10  }
0xd0: {  	[tilespmem:$0x29B0] =	vst v1  }
0xd1: {  	[tilespmem:$0x28B0] =	vst v0  }
0xd2: {  	v0 =	vld [tilespmem:s22+$0xFFFFFFD0];
	_ =	sdelay $0x4  }
0xd3: {  	v1 =	vand.u32 $0xFFFF, v0;
	v0 =	vshra.s32 v0, $0x10  }
0xd4: {  	[tilespmem:$0x29C0] =	vst v1  }
0xd5: {  	[tilespmem:$0x28C0] =	vst v0  }
0xd6: {  	v0 =	vld [tilespmem:s22+$0xFFFFFFE0];
	_ =	sdelay $0x4  }
0xd7: {  	v1 =	vand.u32 $0xFFFF, v0;
	v0 =	vshra.s32 v0, $0x10  }
0xd8: {  	[tilespmem:$0x29D0] =	vst v1  }
0xd9: {  	[tilespmem:$0x28D0] =	vst v0  }
0xda: {  	v0 =	vld [tilespmem:s22+$0xFFFFFFF0];
	_ =	sdelay $0x1  }
.Ltmp0:
0xdb: {  	(pc) =	sbr.rel @p0 .LBB2_2-.Ltmp0, $3  }
0xdc: {  	_ =	sdelay $0x1  }
0xdd: {  	v1 =	vand.u32 $0xFFFF, v0;
	v0 =	vshra.s32 v0, $0x10  }
0xde: {  	[tilespmem:$0x29E0] =	vst v1  }
0xdf: {  	[tilespmem:$0x28E0] =	vst v0  }
0xe0: {  	v0 =	vld [tilespmem:s22+$0x0];
	_ =	sdelay $0x4  }
0xe1: {  	v1 =	vand.u32 $0xFFFF, v0  }
0xe2: {  	v0 =	vshra.s32 v0, $0x10;
	[tilespmem:$0x29F0] =	vst v1  }
0xe3: {  	[tilespmem:$0x28F0] =	vst v0  }
0xe4: {  	[tilespmem:s16], [sflag:$0x2] =	stream.indirect.gather [hbm4b:s4+s12], $0x80, s15, s12, $0xb8;
	[tilespmem:$0x1EA00] =	vst v63  }
0xe5: {  	_ =	swait.ge [sflag:s17], $0x4000  }
0xe6: {  	[sflag:s17] =	ssyncset.done $0x0  }
0xe7: {  	[sflag:s17] =	ssyncadd.s32 $0xFFFFC000  }
0xe8: {  	[spmem:s2] =	stream.indirect.scatter.add.f32 [tilespmem:s14], [sflag:$0x3], $0x80, s18, s12, $0xb8;
	[tilespmem:$0x1EA00] =	vst v63  }
0xe9: {  	_ =	swait.ge [sflag:s11], $0x4000  }
0xea: {  	[sflag:s11] =	ssyncset.done $0x0  }
0xeb: {  	[sflag:s11] =	ssyncadd.s32 $0xFFFFC000  }
0xec: {  	_ =	swait.ge [sflag:s19], $0x4000  }
0xed: {  	[sflag:s19] =	ssyncset.done $0x0  }
0xee: {  	[sflag:s19] =	ssyncadd.s32 $0xFFFFC000  }
0xef: {  	[spmem:s2] =	stream.indirect.scatter.add.f32 [tilespmem:s16], [sflag:$0x3], $0x80, s20, s12, $0xb8;
	[tilespmem:$0x1EA00] =	vst v63  }
0xf0: {  	_ =	swait.ge [sflag:s11], $0x4000  }
0xf1: {  	s21 =	sadd.s32 $0x1, s21;
	[sflag:s11] =	ssyncset.done $0x0  }
0xf2: {  	p0 =	sne.s32 s21, s9;
	[sflag:s11] =	ssyncadd.s32 $0xFFFFC000  }
.Ltmp1:
0xf3: {  	[bflag:$0x0] =	sbarrier.arrive $0xFFFF;
	(pc) =	sbr.rel @p0 .LBB2_1-.Ltmp1, $4  }
0xf4: {  	[hbm:s8], [sflag:s6] =	dma.local [spmem:s10], $0x2800  }
0xf5: {  	_ =	swait.ge [sflag:s11], $0x2800  }
0xf6: {  	[sflag:s11] =	ssyncset.done $0x0  }
0xf7: {  	[sflag:s11] =	ssyncadd.s32 $0xFFFFD800  }
0xf8: {  	_ =	sfence.sel $0x180000  }
0xf9: {  	[bflag:$0x0] =	sbarrier.arrive $0xFFFF  }
0xfa: {  	p0 =	sne.s32 s1, $0x0;
	_ =	strace $0x9000004A  }
0xfb: {  	s0 =	sadd.s32 @!p0 $0x100000, s0;
	[bflag:$0x2] =	sbarrier.arrive $0xFFFF  }
0xfc: {  	[sflag:s0] =	ssyncadd.tile.s32 @!p0 $0x1;
	_ =	shalt  }
.Lfunc_end2:
_tile_overlayer_lowered:
.L_overlay_start_2:
0xfd: {  	(tag) =	ssettag $0x2  }
0xfe: {  	s0 =	rddreg [dreg:$0x0];
	s2 =	stileid.u32  }
0xff: {  	s1 =	rddreg [dreg:$0x1];
	p0 =	sne.s32 s2, $0x0  }
0x100: {  	s3 =	rddreg [dreg:$0x2];
	[bflag:$0x3] =	sbarrier.arrive $0xFFFF;
	s2 =	simm.s32 @!p0 $0x1C03  }
0x101: {  	[timem:s3], [sflag:s2] =	dma.local @!p0 [hbm:s0], s1  }
0x102: {  	s0 =	simm.s32 @!p0 $0x3  }
0x103: {  	_ =	swait.ge @!p0 [sflag:s0], s1  }
0x104: {  	s1 =	ssub.s32 @!p0 $0x0, s1;
	[sflag:s0] =	ssyncset.done @!p0 $0x0  }
0x105: {  	[sflag:s0] =	ssyncadd.s32 @!p0 s1  }
0x106: {  	[bflag:$0x3] =	sbarrier.arrive $0xFFFF  }
0x107: {  	_ =	shalt  }

// kernel: kernel.15.cloned.1.call-start
scs
__scs_entry_jumppad:
0x0: {  	(pc) =	sbr.rel $0x88, $3  }
0x1: {  	(tag) =	ssettag $0x0;
	lr =	simm.s32 $0x1  }
0x2: {  	[smem:$0x3F9B] =	sst lr;
	_ =	strace $0xD0000000  }
0x3: {  	_ = 	snop  }
0x4: {  	_ = 	snop  }
0x5: {  	_ = 	snop  }
0x6: {  	_ = 	snop  }
0x7: {  	_ = 	snop  }
__scs_overlays_trampoline_lowered:
0x8: {  	[smem:$0x3FAA] =	sst s0  }
0x9: {  	[smem:$0x3FAB] =	sst s1  }
0xa: {  	[smem:$0x3FAC] =	sst s2  }
0xb: {  	[smem:$0x3FAD] =	sst s3  }
0xc: {  	[smem:$0x3FAE] =	sst s4  }
0xd: {  	[smem:$0x3FAF] =	sst s5  }
0xe: {  	[smem:$0x3FB0] =	sst s6  }
0xf: {  	[smem:$0x3FB1] =	sst s7  }
0x10: {  	[smem:$0x3FB2] =	sst s8  }
0x11: {  	[smem:$0x3FB3] =	sst s9;
	s0 =	simm.s32 @!p0 $0x0  }
0x12: {  	s1 =	sld [smem:$0x3F99];
	s0 =	simm.s32 @p0 $0x1  }
0x13: {  	[smem:$0x3FB4] =	sst s0;
	s0 =	simm.s32 @!p1 $0x0  }
0x14: {  	s2 =	sld [smem:$0x3F98];
	s0 =	simm.s32 @p1 $0x1  }
0x15: {  	[smem:$0x3FB5] =	sst s0;
	s0 =	simm.s32 @!p2 $0x0  }
0x16: {  	s3 =	sld [smem:$0x3FDB];
	s0 =	simm.s32 @p2 $0x1  }
0x17: {  	s4 =	simm.s32 $0x1BF5;
	[smem:$0x3FB7] =	sst s0  }
0x18: {  	s0 =	sld [smem:$0x3F9A];
	_ =	swait.ge [sflag:s4], $0x0  }
0x19: {  	s7 =	sld [smem:$0x3F9B]  }
0x1a: {  	s8 =	sadd.s32 $0xFFFFE003, lr  }
0x1b: {  	s9 =	sadd.s32 $0xFFFFFEF7, lr;
	s5 =	simm.s32 $0xFFFFFFFF;
	p2 =	slt.u32 s8, $0xFFFFF086  }
0x1c: {  	p1 =	slt.u32 s9, $0xF7A;
	s5 =	simm.s32 @!p2 $0x0  }
0x1d: {  	s5 =	simm.s32 @p1 $0x1;
	p0 =	seq.s32 s7, s2  }
0x1e: {  	s7 =	smul.u32 @!p0 $0xF7A, s2;
	p2 =	seq.s32 @!p0 s5, $0x0  }
0x1f: {  	s9 =	smul.u32 $0xF7A, s1;
	s8 =	simm.s32 @!p0 $0x1BF5;
	p2 =	por !p2, p0  }
0x20: {  	[sflag:s8] =	ssyncset.s32 @!p0 $0xFFFFF086;
	s6 =	sadd.s32 @!p0 s3, s7;
	s7 =	simm.s32 @!p0 $0x108  }
0x21: {  	s3 =	sadd.s32 s3, s9;
	s6 =	sadd.s32 @!p0 $0x88, s6;
	s7 =	simm.s32 @p2 $0x1082  }
0x22: {  	[simem:s7], [sflag:s8] =	dma.local @!p0 [hbm:s6], $0xF7A  }
0x23: {  	s9 =	sor.u32 $0xD0000000, s2;
	s6 =	simm.s32 $0x108;
	_ =	swait.ge @!p0 [sflag:s8], $0x0  }
0x24: {  	s3 =	sadd.s32 $0x88, s3;
	s6 =	simm.s32 @!p1 $0x1082;
	[sflag:s4] =	ssyncset.s32 $0xFFFFF086  }
0x25: {  	[simem:s6], [sflag:s4] =	dma.local [hbm:s3], $0xF7A  }
0x26: {  	[smem:$0x3F9B] =	sst s1;
	(tag) =	ssettag s2;
	_ =	strace s9  }
0x27: {  	s1 =	sld [smem:$0x3FAB]  }
0x28: {  	s2 =	sld [smem:$0x3FAC]  }
0x29: {  	s4 =	sld [smem:$0x3FAE]  }
0x2a: {  	p0 =	seq.s32 s5, $0x0;
	s5 =	sld [smem:$0x3FAF]  }
0x2b: {  	s6 =	sld [smem:$0x3FB0]  }
0x2c: {  	s7 =	sld [smem:$0x3FB1]  }
0x2d: {  	s3 =	simm.s32 $0x108;
	s8 =	sld [smem:$0x3FB2]  }
0x2e: {  	s3 =	simm.s32 @!p0 $0x1082;
	s9 =	sld [smem:$0x3FB3]  }
0x2f: {  	lr =	sadd.s32 s0, s3;
	s0 =	sld [smem:$0x3FAA]  }
0x30: {  	s3 =	sld [smem:$0x3FAD]  }
0x31: {  	[smem:$0x3FB6] =	sst s10  }
0x32: {  	s10 =	sld [smem:$0x3FB4];
	_ =	sdelay $0x3  }
0x33: {  	p0 =	seq.s32 s10, $0x1;
	s10 =	sld [smem:$0x3FB6];
	_ =	sdelay $0x3  }
0x34: {  	[smem:$0x3FB6] =	sst s10  }
0x35: {  	s10 =	sld [smem:$0x3FB5];
	_ =	sdelay $0x3  }
0x36: {  	p1 =	seq.s32 s10, $0x1;
	s10 =	sld [smem:$0x3FB6];
	_ =	sdelay $0x3  }
0x37: {  	[smem:$0x3FB6] =	sst s10  }
0x38: {  	s10 =	sld [smem:$0x3FB7]  }
0x39: {  	_ = 	snop;
	(pc) =	sbr.ind lr, $3  }
0x3a: {  	_ = 	snop  }
0x3b: {  	_ = 	snop  }
0x3c: {  	p2 =	seq.s32 s10, $0x1;
	s10 =	sld [smem:$0x3FB6]  }
0x3d: {  	_ =	shalt  }
0x3e: {  	_ =	shalt  }
0x3f: {  	_ =	shalt  }
0x40: {  	_ =	shalt  }
0x41: {  	_ =	shalt  }
0x42: {  	_ =	shalt  }
0x43: {  	_ =	shalt  }
0x44: {  	_ =	shalt  }
0x45: {  	_ =	shalt  }
0x46: {  	_ =	shalt  }
0x47: {  	_ =	shalt  }
0x48: {  	_ =	shalt  }
0x49: {  	_ =	shalt  }
0x4a: {  	_ =	shalt  }
0x4b: {  	_ =	shalt  }
0x4c: {  	_ =	shalt  }
0x4d: {  	_ =	shalt  }
0x4e: {  	_ =	shalt  }
0x4f: {  	_ =	shalt  }
0x50: {  	_ =	shalt  }
0x51: {  	_ =	shalt  }
0x52: {  	_ =	shalt  }
0x53: {  	_ =	shalt  }
0x54: {  	_ =	shalt  }
0x55: {  	_ =	shalt  }
0x56: {  	_ =	shalt  }
0x57: {  	_ =	shalt  }
0x58: {  	_ =	shalt  }
0x59: {  	_ =	shalt  }
0x5a: {  	_ =	shalt  }
0x5b: {  	_ =	shalt  }
0x5c: {  	_ =	shalt  }
0x5d: {  	_ =	shalt  }
0x5e: {  	_ =	shalt  }
0x5f: {  	_ =	shalt  }
0x60: {  	_ =	shalt  }
0x61: {  	_ =	shalt  }
0x62: {  	_ =	shalt  }
0x63: {  	_ =	shalt  }
0x64: {  	_ =	shalt  }
0x65: {  	_ =	shalt  }
0x66: {  	_ =	shalt  }
0x67: {  	_ =	shalt  }
0x68: {  	_ =	shalt  }
0x69: {  	_ =	shalt  }
0x6a: {  	_ =	shalt  }
0x6b: {  	_ =	shalt  }
0x6c: {  	_ =	shalt  }
0x6d: {  	_ =	shalt  }
0x6e: {  	_ =	shalt  }
0x6f: {  	_ =	shalt  }
0x70: {  	_ =	shalt  }
0x71: {  	_ =	shalt  }
0x72: {  	_ =	shalt  }
0x73: {  	_ =	shalt  }
0x74: {  	_ =	shalt  }
0x75: {  	_ =	shalt  }
0x76: {  	_ =	shalt  }
0x77: {  	_ =	shalt  }
0x78: {  	_ =	shalt  }
0x79: {  	_ =	shalt  }
0x7a: {  	_ =	shalt  }
0x7b: {  	_ =	shalt  }
0x7c: {  	_ =	shalt  }
0x7d: {  	_ =	shalt  }
0x7e: {  	_ =	shalt  }
0x7f: {  	_ =	shalt  }
0x80: {  	_ =	shalt  }
0x81: {  	_ =	shalt  }
0x82: {  	_ =	shalt  }
0x83: {  	_ =	shalt  }
0x84: {  	_ =	shalt  }
0x85: {  	_ =	shalt  }
0x86: {  	_ =	shalt  }
0x87: {  	_ =	shalt  }
.Lfunc_end0:
.L_simem_size_0:
called_computation.2_lowered:
.L_overlay_start_0:
0x88: {  	s2 =	sld [smem:$0x3FD9]  }
0x89: {  	s3 =	sld [smem:$0x3FFE];
	_ =	sdelay $0x1  }
0x8a: {  	s1 =	srdreg.scid  }
0x8b: {  	s0 =	sand.u32 $0x1, s1  }
0x8c: {  	s17 =	sshll.u32 s0, $0xA;
	s2 =	sadd.s32 s3, s2  }
0x8d: {  	s2 =	sadd.s32 s2, s17  }
0x8e: {  	[smem:$0x3FC2] =	sst s2  }
0x8f: {  	_ = 	snop  }
0x90: {  	s2 =	sld [smem:$0x3FD0];
	(tm) =	ssettm $0x1  }
0x91: {  	s18 =	sld [smem:$0x3FFB];
	_ =	sdelay $0x3  }
0x92: {  	_ =	strace s18  }
0x93: {  	s3 =	sld [smem:$0x3FFC];
	_ =	sdelay $0x3  }
0x94: {  	_ =	strace s3  }
0x95: {  	s3 =	sld [smem:$0x3FFD];
	_ =	sdelay $0x3  }
0x96: {  	_ =	strace s3  }
0x97: {  	_ =	strace $0x8FFFFFFF  }
0x98: {  	s19 =	sld [smem:$0x3FDB];
	_ =	sdelay $0x1  }
0x99: {  	s4 =	simm.s32 $_scs_section_size  }
0x9a: {  	s5 =	simm.s32 $_size__tile_overlayer_lowered;
	s6 =	simm.s32 $_tile_overlayer_lowered  }
0x9b: {  	s22 =	simm.s32 $0x1BFF;
	s21 =	sshll.u32 s6, $0x1;
	s3 =	sadd.s32 s4, s19  }
0x9c: {  	s7 =	simm.s32 $0x0;
	s20 =	sshll.u32 s5, $0x1;
	s5 =	sadd.s32 s21, s3  }
0x9d: {  	[timem:s7], [sflag:s22] =	dma.local [hbm:s5], s20  }
0x9e: {  	_ =	swait.ge [sflag:s22], s20  }
0x9f: {  	s4 =	ssub.s32 $0x0, s20;
	[sflag:s22] =	ssyncset.done $0x0  }
0xa0: {  	[sflag:s22] =	ssyncadd.s32 s4;
	_ =	sdelay $0x1  }
0xa1: {  	s23 =	simm.s32 $0x1B8B  }
0xa2: {  	_ =	swait.ge [sflag:s23], $0x1  }
0xa3: {  	[sflag:s23] =	ssyncset.done $0x0  }
0xa4: {  	s25 =	simm.s32 $0x1B8E;
	s24 =	sld [smem:$0x3FFE];
	[sflag:s23] =	ssyncadd.s32 $0xFFFFFFFF  }
0xa5: {  	s26 =	simm.s32 $execute0_lowered;
	[smem:$0x3FD2] =	sst s25  }
0xa6: {  	s5 =	sshll.u32 s26, $0x1;
	_ =	strace $0x8000004C;
	[dreg:$0x1] =	wrdreg $0xFFFFFFFF  }
0xa7: {  	s28 =	simm.s32 $_size_execute0_lowered;
	s3 =	sadd.s32 s3, s5;
	[dreg:$0x0] =	wrdreg $0x0  }
0xa8: {  	s5 =	sshll.u32 s28, $0x1;
	[dreg:$0x2] =	wrdreg s3  }
0xa9: {  	[dreg:$0x3] =	wrdreg s5  }
0xaa: {  	[dreg:$0x4] =	wrdreg $0xC0  }
0xab: {  	_ =	task [dreg:s7], $0x5FFFF  }
0xac: {  	[dreg:$0x1] =	wrdreg $0xFFFFFFFF  }
0xad: {  	[dreg:$0x0] =	wrdreg $0x60  }
0xae: {  	[dreg:$0x2] =	wrdreg s24  }
0xaf: {  	[dreg:$0x3] =	wrdreg s2  }
0xb0: {  	[dreg:$0x4] =	wrdreg $0xAC000  }
0xb1: {  	[dreg:$0x5] =	wrdreg $0x14C000  }
0xb2: {  	[dreg:$0x6] =	wrdreg $0x9  }
0xb3: {  	_ =	task.clear_ibuf [dreg:s7], $0x7FFFF;
	_ =	strace $0x9000004C  }
0xb4: {  	s29 =	simm.s32 $0x9;
	_ =	strace $0x8000004E  }
0xb5: {  	_ =	swait.ge [sflag:s29], $0x1  }
0xb6: {  	[sflag:s29] =	ssyncadd.s32 $0xFFFFFFFF  }
0xb7: {  	_ =	strace $0x9000004E  }
0xb8: {  	_ =	sfence  }
0xb9: {  	s30 =	sld [smem:$0x0];
	_ =	sdelay $0x2  }
0xba: {  	s31 =	sshll.u32 s1, $0xD;
	s1 =	sshrl.u32 s1, $0x2  }
0xbb: {  	s3 =	sand.u32 $0x4000, s31;
	s1 =	sadd.s32 s1, s30  }
0xbc: {  	s0 =	sor.u32 s3, s0;
	s1 =	sshll.u32 s1, $0x11  }
0xbd: {  	s0 =	sor.u32 s1, s0  }
0xbe: {  	s0 =	sadd.s32 $0x8F2B, s0  }
0xbf: {  	[sflag:s0] =	ssyncadd.remote.s32 $0x1  }
0xc0: {  	_ =	sfence.sel $0xFFFF  }
0xc1: {  	[dreg:$0x0] =	wrdreg $0xFFFFFFFF;
	(pc) =	sbr.abs _section_cstart, $3  }
0xc2: {  	[dreg:$0x1] =	wrdreg $0xFFFFFFFF  }
0xc3: {  	_ =	task.clear_ibuf [dreg:s7], $0x2FFFF;
	_ =	strace $0x9FFFFFFF  }
0xc4: {  	(tm) =	ssettm $0x7FFFFFFF  }
0xc5: {  	_ =	shalt  }
tec
execute0_lowered:
.L_overlay_start_1:
0x0: {  	(tag) =	ssettag $0x1  }
0x1: {  	s0 =	rddreg [dreg:$0x0]  }
0x2: {  	s1 =	rddreg [dreg:$0x1]  }
0x3: {  	s2 =	rddreg [dreg:$0x2];
	s9 =	stileid.u32  }
0x4: {  	s4 =	srdreg.scid;
	s3 =	rddreg [dreg:$0x3];
	s7 =	simm.s32 $0x0  }
0x5: {  	s12 =	simm.s32 $0x9;
	s14 =	simm.s32 $0x80;
	s15 =	simm.s32 $0x2A00  }
0x6: {  	s16 =	simm.s32 $0x2C00;
	s17 =	simm.s32 $0x2A80;
	s18 =	simm.s32 $0x4C00  }
0x7: {  	s19 =	simm.s32 $0x1;
	s20 =	simm.s32 $0x2800;
	s28 =	simm.s32 $0x3  }
0x8: {  	s30 =	simm.s32 $0x4;
	s29 =	simm.s32 $0x8;
	s31 =	simm.s32 $0x0  }
0x9: {  	s5 =	smul.u32 $0xA000, s9;
	s4 =	sand.u32 $0x1, s4;
	[smem:$0x7FF] =	sst s7  }
0xa: {  	s23 =	sshll.u32 s9, $0x6;
	s6 =	smul.u32 $0xA0000, s4;
	_ =	strace $0x8000004D  }
0xb: {  	s8 =	ssub.s32 $0x2, s4;
	s4 =	sshll.u32 s4, $0x4;
	s21 =	sshrl.u32 s5, $0x3  }
0xc: {  	s22 =	sshrl.u32 s8, $0x1;
	s4 =	sor.u32 s9, s4;
	s24 =	sadd.s32 s5, s2  }
0xd: {  	s7 =	sadd.s32 s21, s0;
	s6 =	sadd.s32 s5, s6;
	s8 =	ssub.s32 s8, s22  }
0xe: {  	s4 =	smul.u32 $0x500, s4;
	s5 =	sadd.s32 s5, s3;
	s11 =	sshrl.u32 s24, $0x3  }
0xf: {  	s21 =	simm.s32 $0x2B00;
	s22 =	simm.s32 $0x6C00;
	s10 =	sadd.s32 $0x15E00, s7  }
0x10: {  	s24 =	simm.s32 $0x2880;
	s7 =	sadd.s32 $0x1E00, s7;
	[dreg:$0x5] =	wrdreg s10  }
0x11: {  	s6 =	sshrl.u32 s6, $0x3;
	s25 =	smax.u32 s8, $0x1;
	[dreg:$0x6] =	wrdreg s7  }
0x12: {  	s26 =	sshrl.u32 s5, $0x3;
	s0 =	sadd.s32 s6, s0;
	[dreg:$0x9] =	wrdreg s25  }
0x13: {  	s6 =	sor.u32 $0x1C09, s23;
	s1 =	sadd.s32 s1, s4;
	[dreg:$0xa] =	wrdreg s26  }
0x14: {  	s23 =	simm.s32 $0x2;
	s25 =	simm.s32 $0x2B80;
	s26 =	simm.s32 $0x8C00  }
0x15: {  	s4 =	simm.s32 $0x7;
	[dreg:$0x7] =	wrdreg s1;
	s0 =	sadd.s32 $0x29E00, s0  }
0x16: {  	s1 =	simm.s32 $0x5;
	[dreg:$0x8] =	wrdreg s0;
	s0 =	simm.s32 $0x6  }
.LBB2_1:
0x17: {  	s5 =	rddreg [dreg:$0x5]  }
0x18: {  	[spmem:s11], [sflag:s6] =	dma.local [hbm:s5], $0x1400  }
0x19: {  	_ =	swait.ge [sflag:s12], $0x1400  }
0x1a: {  	[sflag:s12] =	ssyncset.done $0x0;
	s9 =	rddreg [dreg:$0x6]  }
0x1b: {  	s7 =	rddreg [dreg:$0xa];
	[sflag:s12] =	ssyncadd.s32 $0xFFFFEC00  }
0x1c: {  	[spmem:s7], [sflag:s6] =	dma.local [hbm:s9], $0x1400  }
0x1d: {  	_ =	swait.ge [sflag:s12], $0x1400  }
0x1e: {  	[sflag:s12] =	ssyncset.done $0x0  }
0x1f: {  	s10 =	simm.s32 $0x0;
	s13 =	rddreg [dreg:$0x7];
	[sflag:s12] =	ssyncadd.s32 $0xFFFFEC00  }
0x20: {  	[tilespmem:s10], [sflag:$0x9] =	stream.linear.gather [hbm4b:s13+s10], $0x2800, $0x38;
	[tilespmem:$0x1EC00] =	vst v63  }
0x21: {  	_ =	swait.ge [sflag:s12], $0x2800  }
0x22: {  	[sflag:s12] =	ssyncset.done $0x0  }
0x23: {  	p0 =	por $0x1, $0x1;
	[sflag:s12] =	ssyncadd.s32 $0xFFFFD800  }
0x24: {  	s5 =	simm.s32 @!p0 $0x3;
	[bflag:$0x0] =	sbarrier.arrive $0xFFFF  }
0x25: {  	_ =	swait.ge @!p0 [sflag:s5], $0x2000  }
0x26: {  	s8 =	simm.s32 @!p0 $0x5;
	s7 =	simm.s32 @!p0 $0x6C00;
	[sflag:s5] =	ssyncset.done @!p0 $0x0  }
0x27: {  	s9 =	simm.s32 @!p0 $0x80;
	[sflag:s5] =	ssyncadd.s32 @!p0 $0xFFFFE000;
	s5 =	simm.s32 @!p0 $0x2900  }
0x28: {  	[spmem:s2] =	stream.indirect.scatter.add.f32 @!p0 [tilespmem:s7], [sflag:$0x7], $0x40, s5, s9, $0xb8;
	[tilespmem:$0x1EC00] =	vst v63  }
0x29: {  	_ =	swait.ge @!p0 [sflag:s8], $0x2000  }
0x2a: {  	[sflag:s8] =	ssyncset.done @!p0 $0x0  }
0x2b: {  	s5 =	simm.s32 $0x0;
	[sflag:s8] =	ssyncadd.s32 @!p0 $0xFFFFE000  }
0x2c: {  	v0 =	vld [tilespmem:s5+$0x0];
	_ =	sdelay $0x4  }
0x2d: {  	v1 =	vand.u32 $0xFFFF, v0  }
0x2e: {  	v0 =	vshra.s32 v0, $0x10;
	[tilespmem:$0x2A00] =	vst v1  }
0x2f: {  	[tilespmem:$0x2800] =	vst v0  }
0x30: {  	v0 =	vld [tilespmem:s5+$0x10];
	_ =	sdelay $0x4  }
0x31: {  	v1 =	vand.u32 $0xFFFF, v0  }
0x32: {  	v0 =	vshra.s32 v0, $0x10;
	[tilespmem:$0x2A10] =	vst v1  }
0x33: {  	[tilespmem:$0x2810] =	vst v0  }
0x34: {  	v0 =	vld [tilespmem:s5+$0x20];
	_ =	sdelay $0x4  }
0x35: {  	v1 =	vand.u32 $0xFFFF, v0  }
0x36: {  	v0 =	vshra.s32 v0, $0x10;
	[tilespmem:$0x2A20] =	vst v1  }
0x37: {  	[tilespmem:$0x2820] =	vst v0  }
0x38: {  	v0 =	vld [tilespmem:s5+$0x30];
	_ =	sdelay $0x4  }
0x39: {  	v1 =	vand.u32 $0xFFFF, v0  }
0x3a: {  	v0 =	vshra.s32 v0, $0x10;
	[tilespmem:$0x2A30] =	vst v1  }
0x3b: {  	[tilespmem:$0x2830] =	vst v0  }
0x3c: {  	v0 =	vld [tilespmem:s5+$0x40];
	_ =	sdelay $0x4  }
0x3d: {  	v1 =	vand.u32 $0xFFFF, v0  }
0x3e: {  	v0 =	vshra.s32 v0, $0x10;
	[tilespmem:$0x2A40] =	vst v1  }
0x3f: {  	[tilespmem:$0x2840] =	vst v0  }
0x40: {  	v0 =	vld [tilespmem:s5+$0x50];
	_ =	sdelay $0x4  }
0x41: {  	v1 =	vand.u32 $0xFFFF, v0  }
0x42: {  	v0 =	vshra.s32 v0, $0x10;
	[tilespmem:$0x2A50] =	vst v1  }
0x43: {  	[tilespmem:$0x2850] =	vst v0  }
0x44: {  	v0 =	vld [tilespmem:s5+$0x60];
	_ =	sdelay $0x4  }
0x45: {  	v1 =	vand.u32 $0xFFFF, v0  }
0x46: {  	v0 =	vshra.s32 v0, $0x10;
	[tilespmem:$0x2A60] =	vst v1  }
0x47: {  	[tilespmem:$0x2860] =	vst v0  }
0x48: {  	v0 =	vld [tilespmem:s5+$0x70];
	_ =	sdelay $0x4  }
0x49: {  	v1 =	vand.u32 $0xFFFF, v0  }
0x4a: {  	v0 =	vshra.s32 v0, $0x10;
	[tilespmem:$0x2A70] =	vst v1  }
0x4b: {  	s7 =	simm.s32 @!p0 $0x4;
	[tilespmem:$0x2870] =	vst v0  }
0x4c: {  	[tilespmem:s16], [sflag:$0x1] =	stream.indirect.gather [spmem:s3], $0x40, s15, s14, $0xb8;
	[tilespmem:$0x1EC00] =	vst v63  }
0x4d: {  	_ =	swait.ge @!p0 [sflag:s7], $0x2000  }
0x4e: {  	[sflag:s7] =	ssyncset.done @!p0 $0x0  }
0x4f: {  	s8 =	simm.s32 @!p0 $0x8C00;
	[sflag:s7] =	ssyncadd.s32 @!p0 $0xFFFFE000;
	s7 =	simm.s32 @!p0 $0x2980  }
0x50: {  	[spmem:s2] =	stream.indirect.scatter.add.f32 @!p0 [tilespmem:s8], [sflag:$0x8], $0x40, s7, s9, $0xb8;
	[tilespmem:$0x1EC00] =	vst v63  }
0x51: {  	s7 =	simm.s32 @!p0 $0x6  }
0x52: {  	_ =	swait.ge @!p0 [sflag:s7], $0x2000  }
0x53: {  	[sflag:s7] =	ssyncset.done @!p0 $0x0  }
0x54: {  	[sflag:s7] =	ssyncadd.s32 @!p0 $0xFFFFE000  }
0x55: {  	v0 =	vld [tilespmem:s5+$0x80];
	_ =	sdelay $0x4  }
0x56: {  	v1 =	vand.u32 $0xFFFF, v0  }
0x57: {  	v0 =	vshra.s32 v0, $0x10;
	[tilespmem:$0x2A80] =	vst v1  }
0x58: {  	[tilespmem:$0x2880] =	vst v0  }
0x59: {  	v0 =	vld [tilespmem:s5+$0x90];
	_ =	sdelay $0x4  }
0x5a: {  	v1 =	vand.u32 $0xFFFF, v0  }
0x5b: {  	v0 =	vshra.s32 v0, $0x10;
	[tilespmem:$0x2A90] =	vst v1  }
0x5c: {  	[tilespmem:$0x2890] =	vst v0  }
0x5d: {  	v0 =	vld [tilespmem:s5+$0xA0];
	_ =	sdelay $0x4  }
0x5e: {  	v1 =	vand.u32 $0xFFFF, v0  }
0x5f: {  	v0 =	vshra.s32 v0, $0x10;
	[tilespmem:$0x2AA0] =	vst v1  }
0x60: {  	[tilespmem:$0x28A0] =	vst v0  }
0x61: {  	v0 =	vld [tilespmem:s5+$0xB0];
	_ =	sdelay $0x4  }
0x62: {  	v1 =	vand.u32 $0xFFFF, v0  }
0x63: {  	v0 =	vshra.s32 v0, $0x10;
	[tilespmem:$0x2AB0] =	vst v1  }
0x64: {  	[tilespmem:$0x28B0] =	vst v0  }
0x65: {  	v0 =	vld [tilespmem:s5+$0xC0];
	_ =	sdelay $0x4  }
0x66: {  	v1 =	vand.u32 $0xFFFF, v0  }
0x67: {  	v0 =	vshra.s32 v0, $0x10;
	[tilespmem:$0x2AC0] =	vst v1  }
0x68: {  	[tilespmem:$0x28C0] =	vst v0  }
0x69: {  	v0 =	vld [tilespmem:s5+$0xD0];
	_ =	sdelay $0x4  }
0x6a: {  	v1 =	vand.u32 $0xFFFF, v0  }
0x6b: {  	v0 =	vshra.s32 v0, $0x10;
	[tilespmem:$0x2AD0] =	vst v1  }
0x6c: {  	[tilespmem:$0x28D0] =	vst v0  }
0x6d: {  	v0 =	vld [tilespmem:s5+$0xE0];
	_ =	sdelay $0x4  }
0x6e: {  	v1 =	vand.u32 $0xFFFF, v0  }
0x6f: {  	v0 =	vshra.s32 v0, $0x10;
	[tilespmem:$0x2AE0] =	vst v1  }
0x70: {  	[tilespmem:$0x28E0] =	vst v0  }
0x71: {  	v0 =	vld [tilespmem:s5+$0xF0];
	_ =	sdelay $0x4  }
0x72: {  	v1 =	vand.u32 $0xFFFF, v0  }
0x73: {  	v0 =	vshra.s32 v0, $0x10;
	[tilespmem:$0x2AF0] =	vst v1  }
0x74: {  	[tilespmem:$0x28F0] =	vst v0  }
0x75: {  	[tilespmem:s18], [sflag:$0x2] =	stream.indirect.gather [spmem:s3], $0x40, s17, s14, $0xb8;
	[tilespmem:$0x1EC00] =	vst v63  }
0x76: {  	_ =	swait.ge [sflag:s19], $0x2000  }
0x77: {  	[sflag:s19] =	ssyncset.done $0x0  }
0x78: {  	s7 =	simm.s32 @!p0 $0x7;
	[sflag:s19] =	ssyncadd.s32 $0xFFFFE000  }
0x79: {  	[spmem:s2] =	stream.indirect.scatter.add.f32 [tilespmem:s16], [sflag:$0x5], $0x40, s20, s14, $0xb8;
	[tilespmem:$0x1EC00] =	vst v63  }
0x7a: {  	_ =	swait.ge @!p0 [sflag:s7], $0x2000  }
0x7b: {  	[sflag:s7] =	ssyncset.done @!p0 $0x0  }
0x7c: {  	[sflag:s7] =	ssyncadd.s32 @!p0 $0xFFFFE000  }
0x7d: {  	v0 =	vld [tilespmem:s5+$0x100];
	_ =	sdelay $0x4  }
0x7e: {  	v1 =	vand.u32 $0xFFFF, v0  }
0x7f: {  	v0 =	vshra.s32 v0, $0x10;
	[tilespmem:$0x2B00] =	vst v1  }
0x80: {  	[tilespmem:$0x2900] =	vst v0  }
0x81: {  	v0 =	vld [tilespmem:s5+$0x110];
	_ =	sdelay $0x4  }
0x82: {  	v1 =	vand.u32 $0xFFFF, v0  }
0x83: {  	v0 =	vshra.s32 v0, $0x10;
	[tilespmem:$0x2B10] =	vst v1  }
0x84: {  	[tilespmem:$0x2910] =	vst v0  }
0x85: {  	v0 =	vld [tilespmem:s5+$0x120];
	_ =	sdelay $0x4  }
0x86: {  	v1 =	vand.u32 $0xFFFF, v0  }
0x87: {  	v0 =	vshra.s32 v0, $0x10;
	[tilespmem:$0x2B20] =	vst v1  }
0x88: {  	[tilespmem:$0x2920] =	vst v0  }
0x89: {  	v0 =	vld [tilespmem:s5+$0x130];
	_ =	sdelay $0x4  }
0x8a: {  	v1 =	vand.u32 $0xFFFF, v0  }
0x8b: {  	v0 =	vshra.s32 v0, $0x10;
	[tilespmem:$0x2B30] =	vst v1  }
0x8c: {  	[tilespmem:$0x2930] =	vst v0  }
0x8d: {  	v0 =	vld [tilespmem:s5+$0x140];
	_ =	sdelay $0x4  }
0x8e: {  	v1 =	vand.u32 $0xFFFF, v0  }
0x8f: {  	v0 =	vshra.s32 v0, $0x10;
	[tilespmem:$0x2B40] =	vst v1  }
0x90: {  	[tilespmem:$0x2940] =	vst v0  }
0x91: {  	v0 =	vld [tilespmem:s5+$0x150];
	_ =	sdelay $0x4  }
0x92: {  	v1 =	vand.u32 $0xFFFF, v0  }
0x93: {  	v0 =	vshra.s32 v0, $0x10;
	[tilespmem:$0x2B50] =	vst v1  }
0x94: {  	[tilespmem:$0x2950] =	vst v0  }
0x95: {  	v0 =	vld [tilespmem:s5+$0x160];
	_ =	sdelay $0x4  }
0x96: {  	v1 =	vand.u32 $0xFFFF, v0  }
0x97: {  	v0 =	vshra.s32 v0, $0x10;
	[tilespmem:$0x2B60] =	vst v1  }
0x98: {  	[tilespmem:$0x2960] =	vst v0  }
0x99: {  	v0 =	vld [tilespmem:s5+$0x170];
	_ =	sdelay $0x4  }
0x9a: {  	v1 =	vand.u32 $0xFFFF, v0  }
0x9b: {  	v0 =	vshra.s32 v0, $0x10;
	[tilespmem:$0x2B70] =	vst v1  }
0x9c: {  	[tilespmem:$0x2970] =	vst v0  }
0x9d: {  	[tilespmem:s22], [sflag:$0x3] =	stream.indirect.gather [spmem:s3], $0x40, s21, s14, $0xb8;
	[tilespmem:$0x1EC00] =	vst v63  }
0x9e: {  	_ =	swait.ge [sflag:s23], $0x2000  }
0x9f: {  	[sflag:s23] =	ssyncset.done $0x0  }
0xa0: {  	s7 =	simm.s32 @!p0 $0x8;
	[sflag:s23] =	ssyncadd.s32 $0xFFFFE000  }
0xa1: {  	[spmem:s2] =	stream.indirect.scatter.add.f32 [tilespmem:s18], [sflag:$0x6], $0x40, s24, s14, $0xb8;
	[tilespmem:$0x1EC00] =	vst v63  }
0xa2: {  	_ =	swait.ge @!p0 [sflag:s7], $0x2000  }
0xa3: {  	[sflag:s7] =	ssyncset.done @!p0 $0x0  }
0xa4: {  	[sflag:s7] =	ssyncadd.s32 @!p0 $0xFFFFE000  }
0xa5: {  	v0 =	vld [tilespmem:s5+$0x180];
	_ =	sdelay $0x4  }
0xa6: {  	v1 =	vand.u32 $0xFFFF, v0  }
0xa7: {  	v0 =	vshra.s32 v0, $0x10;
	[tilespmem:$0x2B80] =	vst v1  }
0xa8: {  	[tilespmem:$0x2980] =	vst v0  }
0xa9: {  	v0 =	vld [tilespmem:s5+$0x190];
	_ =	sdelay $0x4  }
0xaa: {  	v1 =	vand.u32 $0xFFFF, v0  }
0xab: {  	v0 =	vshra.s32 v0, $0x10;
	[tilespmem:$0x2B90] =	vst v1  }
0xac: {  	[tilespmem:$0x2990] =	vst v0  }
0xad: {  	v0 =	vld [tilespmem:s5+$0x1A0];
	_ =	sdelay $0x4  }
0xae: {  	v1 =	vand.u32 $0xFFFF, v0  }
0xaf: {  	v0 =	vshra.s32 v0, $0x10;
	[tilespmem:$0x2BA0] =	vst v1  }
0xb0: {  	[tilespmem:$0x29A0] =	vst v0  }
0xb1: {  	v0 =	vld [tilespmem:s5+$0x1B0];
	_ =	sdelay $0x4  }
0xb2: {  	v1 =	vand.u32 $0xFFFF, v0  }
0xb3: {  	s7 =	simm.s32 $0x800;
	v0 =	vshra.s32 v0, $0x10;
	[tilespmem:$0x2BB0] =	vst v1  }
.LBB2_2:
0xb4: {  	[tilespmem:$0x29B0] =	vst v0;
	s9 =	smov.u32 s7;
	s7 =	sadd.s32 $0x800, s7  }
0xb5: {  	p0 =	sne.s32 s7, $0xA000;
	v0 =	vld [tilespmem:s5+$0x1C0];
	_ =	sdelay $0x4  }
0xb6: {  	v1 =	vand.u32 $0xFFFF, v0;
	v0 =	vshra.s32 v0, $0x10  }
0xb7: {  	[tilespmem:$0x2BC0] =	vst v1  }
0xb8: {  	[tilespmem:$0x29C0] =	vst v0  }
0xb9: {  	v0 =	vld [tilespmem:s5+$0x1D0];
	_ =	sdelay $0x4  }
0xba: {  	v1 =	vand.u32 $0xFFFF, v0;
	v0 =	vshra.s32 v0, $0x10  }
0xbb: {  	[tilespmem:$0x2BD0] =	vst v1  }
0xbc: {  	[tilespmem:$0x29D0] =	vst v0  }
0xbd: {  	v0 =	vld [tilespmem:s5+$0x1E0];
	_ =	sdelay $0x4  }
0xbe: {  	v1 =	vand.u32 $0xFFFF, v0;
	v0 =	vshra.s32 v0, $0x10  }
0xbf: {  	[tilespmem:$0x2BE0] =	vst v1  }
0xc0: {  	[tilespmem:$0x29E0] =	vst v0  }
0xc1: {  	v0 =	vld [tilespmem:s5+$0x1F0];
	_ =	sdelay $0x4  }
0xc2: {  	v1 =	vand.u32 $0xFFFF, v0;
	v0 =	vshra.s32 v0, $0x10  }
0xc3: {  	p1 =	seq.s32 s9, $0x0;
	[tilespmem:$0x2BF0] =	vst v1  }
0xc4: {  	s5 =	simm.s32 @!p1 $0x3;
	[tilespmem:$0x29F0] =	vst v0  }
0xc5: {  	[tilespmem:s26], [sflag:$0x4] =	stream.indirect.gather [spmem:s3], $0x40, s25, s14, $0xb8;
	[tilespmem:$0x1EC00] =	vst v63  }
0xc6: {  	_ =	swait.ge @!p1 [sflag:s5], $0x2000  }
0xc7: {  	s10 =	simm.s32 @!p1 $0x6C00;
	s13 =	simm.s32 @!p1 $0x5;
	[sflag:s5] =	ssyncset.done @!p1 $0x0  }
0xc8: {  	s8 =	simm.s32 @!p1 $0x80;
	[sflag:s5] =	ssyncadd.s32 @!p1 $0xFFFFE000;
	s5 =	simm.s32 @!p1 $0x2900  }
0xc9: {  	[spmem:s2] =	stream.indirect.scatter.add.f32 @!p1 [tilespmem:s10], [sflag:$0x7], $0x40, s5, s8, $0xb8;
	[tilespmem:$0x1EC00] =	vst v63  }
0xca: {  	_ =	swait.ge @!p1 [sflag:s13], $0x2000  }
0xcb: {  	[sflag:s13] =	ssyncset.done @!p1 $0x0  }
0xcc: {  	s5 =	sshra.s32 s9, $0x2;
	[sflag:s13] =	ssyncadd.s32 @!p1 $0xFFFFE000  }
0xcd: {  	v0 =	vld [tilespmem:s5+$0x0];
	_ =	sdelay $0x4  }
0xce: {  	v1 =	vand.u32 $0xFFFF, v0;
	v0 =	vshra.s32 v0, $0x10  }
0xcf: {  	[tilespmem:$0x2A00] =	vst v1  }
0xd0: {  	[tilespmem:$0x2800] =	vst v0  }
0xd1: {  	v0 =	vld [tilespmem:s5+$0x10];
	_ =	sdelay $0x4  }
0xd2: {  	v1 =	vand.u32 $0xFFFF, v0;
	v0 =	vshra.s32 v0, $0x10  }
0xd3: {  	[tilespmem:$0x2A10] =	vst v1  }
0xd4: {  	[tilespmem:$0x2810] =	vst v0  }
0xd5: {  	v0 =	vld [tilespmem:s5+$0x20];
	_ =	sdelay $0x4  }
0xd6: {  	v1 =	vand.u32 $0xFFFF, v0;
	v0 =	vshra.s32 v0, $0x10  }
0xd7: {  	[tilespmem:$0x2A20] =	vst v1  }
0xd8: {  	[tilespmem:$0x2820] =	vst v0  }
0xd9: {  	v0 =	vld [tilespmem:s5+$0x30];
	_ =	sdelay $0x4  }
0xda: {  	v1 =	vand.u32 $0xFFFF, v0;
	v0 =	vshra.s32 v0, $0x10  }
0xdb: {  	[tilespmem:$0x2A30] =	vst v1  }
0xdc: {  	[tilespmem:$0x2830] =	vst v0  }
0xdd: {  	v0 =	vld [tilespmem:s5+$0x40];
	_ =	sdelay $0x4  }
0xde: {  	v1 =	vand.u32 $0xFFFF, v0;
	v0 =	vshra.s32 v0, $0x10  }
0xdf: {  	[tilespmem:$0x2A40] =	vst v1  }
0xe0: {  	[tilespmem:$0x2840] =	vst v0  }
0xe1: {  	v0 =	vld [tilespmem:s5+$0x50];
	_ =	sdelay $0x4  }
0xe2: {  	v1 =	vand.u32 $0xFFFF, v0;
	v0 =	vshra.s32 v0, $0x10  }
0xe3: {  	[tilespmem:$0x2A50] =	vst v1  }
0xe4: {  	[tilespmem:$0x2850] =	vst v0  }
0xe5: {  	v0 =	vld [tilespmem:s5+$0x60];
	_ =	sdelay $0x4  }
0xe6: {  	v1 =	vand.u32 $0xFFFF, v0;
	v0 =	vshra.s32 v0, $0x10  }
0xe7: {  	[tilespmem:$0x2A60] =	vst v1  }
0xe8: {  	[tilespmem:$0x2860] =	vst v0  }
0xe9: {  	v0 =	vld [tilespmem:s5+$0x70];
	_ =	sdelay $0x4  }
0xea: {  	v1 =	vand.u32 $0xFFFF, v0;
	v0 =	vshra.s32 v0, $0x10  }
0xeb: {  	[tilespmem:$0x2A70] =	vst v1  }
0xec: {  	s9 =	simm.s32 @!p1 $0x4;
	[tilespmem:$0x2870] =	vst v0  }
0xed: {  	[tilespmem:s16], [sflag:$0x1] =	stream.indirect.gather [spmem:s3], $0x40, s15, s14, $0xb8;
	[tilespmem:$0x1EC00] =	vst v63  }
0xee: {  	_ =	swait.ge @!p1 [sflag:s9], $0x2000  }
0xef: {  	s10 =	simm.s32 @!p1 $0x6;
	[sflag:s9] =	ssyncset.done @!p1 $0x0  }
0xf0: {  	s13 =	simm.s32 @!p1 $0x8C00;
	[sflag:s9] =	ssyncadd.s32 @!p1 $0xFFFFE000;
	s9 =	simm.s32 @!p1 $0x2980  }
0xf1: {  	[spmem:s2] =	stream.indirect.scatter.add.f32 @!p1 [tilespmem:s13], [sflag:$0x8], $0x40, s9, s8, $0xb8;
	[tilespmem:$0x1EC00] =	vst v63  }
0xf2: {  	_ =	swait.ge @!p1 [sflag:s10], $0x2000  }
0xf3: {  	[sflag:s10] =	ssyncset.done @!p1 $0x0  }
0xf4: {  	[sflag:s10] =	ssyncadd.s32 @!p1 $0xFFFFE000  }
0xf5: {  	v0 =	vld [tilespmem:s5+$0x80];
	_ =	sdelay $0x4  }
0xf6: {  	v1 =	vand.u32 $0xFFFF, v0;
	v0 =	vshra.s32 v0, $0x10  }
0xf7: {  	[tilespmem:$0x2A80] =	vst v1  }
0xf8: {  	[tilespmem:$0x2880] =	vst v0  }
0xf9: {  	v0 =	vld [tilespmem:s5+$0x90];
	_ =	sdelay $0x4  }
0xfa: {  	v1 =	vand.u32 $0xFFFF, v0;
	v0 =	vshra.s32 v0, $0x10  }
0xfb: {  	[tilespmem:$0x2A90] =	vst v1  }
0xfc: {  	[tilespmem:$0x2890] =	vst v0  }
0xfd: {  	v0 =	vld [tilespmem:s5+$0xA0];
	_ =	sdelay $0x4  }
0xfe: {  	v1 =	vand.u32 $0xFFFF, v0;
	v0 =	vshra.s32 v0, $0x10  }
0xff: {  	[tilespmem:$0x2AA0] =	vst v1  }
0x100: {  	[tilespmem:$0x28A0] =	vst v0  }
0x101: {  	v0 =	vld [tilespmem:s5+$0xB0];
	_ =	sdelay $0x4  }
0x102: {  	v1 =	vand.u32 $0xFFFF, v0;
	v0 =	vshra.s32 v0, $0x10  }
0x103: {  	[tilespmem:$0x2AB0] =	vst v1  }
0x104: {  	[tilespmem:$0x28B0] =	vst v0  }
0x105: {  	v0 =	vld [tilespmem:s5+$0xC0];
	_ =	sdelay $0x4  }
0x106: {  	v1 =	vand.u32 $0xFFFF, v0;
	v0 =	vshra.s32 v0, $0x10  }
0x107: {  	[tilespmem:$0x2AC0] =	vst v1  }
0x108: {  	[tilespmem:$0x28C0] =	vst v0  }
0x109: {  	v0 =	vld [tilespmem:s5+$0xD0];
	_ =	sdelay $0x4  }
0x10a: {  	v1 =	vand.u32 $0xFFFF, v0;
	v0 =	vshra.s32 v0, $0x10  }
0x10b: {  	[tilespmem:$0x2AD0] =	vst v1  }
0x10c: {  	[tilespmem:$0x28D0] =	vst v0  }
0x10d: {  	v0 =	vld [tilespmem:s5+$0xE0];
	_ =	sdelay $0x4  }
0x10e: {  	v1 =	vand.u32 $0xFFFF, v0;
	v0 =	vshra.s32 v0, $0x10  }
0x10f: {  	[tilespmem:$0x2AE0] =	vst v1  }
0x110: {  	[tilespmem:$0x28E0] =	vst v0  }
0x111: {  	v0 =	vld [tilespmem:s5+$0xF0];
	_ =	sdelay $0x4  }
0x112: {  	v1 =	vand.u32 $0xFFFF, v0;
	v0 =	vshra.s32 v0, $0x10  }
0x113: {  	[tilespmem:$0x2AF0] =	vst v1  }
0x114: {  	[tilespmem:$0x28F0] =	vst v0  }
0x115: {  	[tilespmem:s18], [sflag:$0x2] =	stream.indirect.gather [spmem:s3], $0x40, s17, s14, $0xb8;
	[tilespmem:$0x1EC00] =	vst v63  }
0x116: {  	_ =	swait.ge [sflag:s19], $0x2000  }
0x117: {  	[sflag:s19] =	ssyncset.done $0x0  }
0x118: {  	s8 =	simm.s32 @!p1 $0x7;
	[sflag:s19] =	ssyncadd.s32 $0xFFFFE000  }
0x119: {  	[spmem:s2] =	stream.indirect.scatter.add.f32 [tilespmem:s16], [sflag:$0x5], $0x40, s20, s14, $0xb8;
	[tilespmem:$0x1EC00] =	vst v63  }
0x11a: {  	_ =	swait.ge @!p1 [sflag:s8], $0x2000  }
0x11b: {  	[sflag:s8] =	ssyncset.done @!p1 $0x0  }
0x11c: {  	[sflag:s8] =	ssyncadd.s32 @!p1 $0xFFFFE000  }
0x11d: {  	v0 =	vld [tilespmem:s5+$0x100];
	_ =	sdelay $0x4  }
0x11e: {  	v1 =	vand.u32 $0xFFFF, v0;
	v0 =	vshra.s32 v0, $0x10  }
0x11f: {  	[tilespmem:$0x2B00] =	vst v1  }
0x120: {  	[tilespmem:$0x2900] =	vst v0  }
0x121: {  	v0 =	vld [tilespmem:s5+$0x110];
	_ =	sdelay $0x4  }
0x122: {  	v1 =	vand.u32 $0xFFFF, v0;
	v0 =	vshra.s32 v0, $0x10  }
0x123: {  	[tilespmem:$0x2B10] =	vst v1  }
0x124: {  	[tilespmem:$0x2910] =	vst v0  }
0x125: {  	v0 =	vld [tilespmem:s5+$0x120];
	_ =	sdelay $0x4  }
0x126: {  	v1 =	vand.u32 $0xFFFF, v0;
	v0 =	vshra.s32 v0, $0x10  }
0x127: {  	[tilespmem:$0x2B20] =	vst v1  }
0x128: {  	[tilespmem:$0x2920] =	vst v0  }
0x129: {  	v0 =	vld [tilespmem:s5+$0x130];
	_ =	sdelay $0x4  }
0x12a: {  	v1 =	vand.u32 $0xFFFF, v0;
	v0 =	vshra.s32 v0, $0x10  }
0x12b: {  	[tilespmem:$0x2B30] =	vst v1  }
0x12c: {  	[tilespmem:$0x2930] =	vst v0  }
0x12d: {  	v0 =	vld [tilespmem:s5+$0x140];
	_ =	sdelay $0x4  }
0x12e: {  	v1 =	vand.u32 $0xFFFF, v0;
	v0 =	vshra.s32 v0, $0x10  }
0x12f: {  	[tilespmem:$0x2B40] =	vst v1  }
0x130: {  	[tilespmem:$0x2940] =	vst v0  }
0x131: {  	v0 =	vld [tilespmem:s5+$0x150];
	_ =	sdelay $0x4  }
0x132: {  	v1 =	vand.u32 $0xFFFF, v0;
	v0 =	vshra.s32 v0, $0x10  }
0x133: {  	[tilespmem:$0x2B50] =	vst v1  }
0x134: {  	[tilespmem:$0x2950] =	vst v0  }
0x135: {  	v0 =	vld [tilespmem:s5+$0x160];
	_ =	sdelay $0x4  }
0x136: {  	v1 =	vand.u32 $0xFFFF, v0;
	v0 =	vshra.s32 v0, $0x10  }
0x137: {  	[tilespmem:$0x2B60] =	vst v1  }
0x138: {  	[tilespmem:$0x2960] =	vst v0  }
0x139: {  	v0 =	vld [tilespmem:s5+$0x170];
	_ =	sdelay $0x4  }
0x13a: {  	v1 =	vand.u32 $0xFFFF, v0;
	v0 =	vshra.s32 v0, $0x10  }
0x13b: {  	[tilespmem:$0x2B70] =	vst v1  }
0x13c: {  	[tilespmem:$0x2970] =	vst v0  }
0x13d: {  	[tilespmem:s22], [sflag:$0x3] =	stream.indirect.gather [spmem:s3], $0x40, s21, s14, $0xb8;
	[tilespmem:$0x1EC00] =	vst v63  }
0x13e: {  	_ =	swait.ge [sflag:s23], $0x2000  }
0x13f: {  	[sflag:s23] =	ssyncset.done $0x0  }
0x140: {  	s8 =	simm.s32 @!p1 $0x8;
	[sflag:s23] =	ssyncadd.s32 $0xFFFFE000  }
0x141: {  	[spmem:s2] =	stream.indirect.scatter.add.f32 [tilespmem:s18], [sflag:$0x6], $0x40, s24, s14, $0xb8;
	[tilespmem:$0x1EC00] =	vst v63  }
0x142: {  	_ =	swait.ge @!p1 [sflag:s8], $0x2000  }
0x143: {  	[sflag:s8] =	ssyncset.done @!p1 $0x0  }
0x144: {  	[sflag:s8] =	ssyncadd.s32 @!p1 $0xFFFFE000  }
0x145: {  	v0 =	vld [tilespmem:s5+$0x180];
	_ =	sdelay $0x4  }
0x146: {  	v1 =	vand.u32 $0xFFFF, v0;
	v0 =	vshra.s32 v0, $0x10  }
0x147: {  	[tilespmem:$0x2B80] =	vst v1  }
0x148: {  	[tilespmem:$0x2980] =	vst v0  }
0x149: {  	v0 =	vld [tilespmem:s5+$0x190];
	_ =	sdelay $0x4  }
0x14a: {  	v1 =	vand.u32 $0xFFFF, v0;
	v0 =	vshra.s32 v0, $0x10  }
0x14b: {  	[tilespmem:$0x2B90] =	vst v1  }
0x14c: {  	[tilespmem:$0x2990] =	vst v0  }
0x14d: {  	v0 =	vld [tilespmem:s5+$0x1A0];
	_ =	sdelay $0x4  }
0x14e: {  	v1 =	vand.u32 $0xFFFF, v0;
	v0 =	vshra.s32 v0, $0x10  }
0x14f: {  	[tilespmem:$0x2BA0] =	vst v1  }
0x150: {  	[tilespmem:$0x29A0] =	vst v0  }
0x151: {  	v0 =	vld [tilespmem:s5+$0x1B0];
	_ =	sdelay $0x1  }
.Ltmp0:
0x152: {  	(pc) =	sbr.rel @p0 .LBB2_2-.Ltmp0, $3  }
0x153: {  	_ =	sdelay $0x1  }
0x154: {  	v1 =	vand.u32 $0xFFFF, v0;
	v0 =	vshra.s32 v0, $0x10  }
0x155: {  	[tilespmem:$0x2BB0] =	vst v1  }
0x156: {  	[tilespmem:$0x29B0] =	vst v0  }
0x157: {  	v0 =	vld [tilespmem:s5+$0x1C0];
	_ =	sdelay $0x4  }
0x158: {  	v1 =	vand.u32 $0xFFFF, v0  }
0x159: {  	v0 =	vshra.s32 v0, $0x10;
	[tilespmem:$0x2BC0] =	vst v1  }
0x15a: {  	[tilespmem:$0x29C0] =	vst v0  }
0x15b: {  	v0 =	vld [tilespmem:s5+$0x1D0];
	_ =	sdelay $0x4  }
0x15c: {  	v61 =	vand.u32 $0xFFFF, v0  }
0x15d: {  	v0 =	vshra.s32 v0, $0x10;
	[tilespmem:$0x2BD0] =	vst v61  }
0x15e: {  	[tilespmem:$0x29D0] =	vst v0  }
0x15f: {  	v0 =	vld [tilespmem:s5+$0x1E0];
	_ =	sdelay $0x4  }
0x160: {  	v62 =	vand.u32 $0xFFFF, v0  }
0x161: {  	v0 =	vshra.s32 v0, $0x10;
	[tilespmem:$0x2BE0] =	vst v62  }
0x162: {  	[tilespmem:$0x29E0] =	vst v0  }
0x163: {  	v0 =	vld [tilespmem:s5+$0x1F0];
	_ =	sdelay $0x4  }
0x164: {  	v63 =	vand.u32 $0xFFFF, v0  }
0x165: {  	v0 =	vshra.s32 v0, $0x10;
	[tilespmem:$0x2BF0] =	vst v63  }
0x166: {  	[tilespmem:$0x29F0] =	vst v0  }
0x167: {  	[tilespmem:s26], [sflag:$0x4] =	stream.indirect.gather [spmem:s3], $0x40, s25, s14, $0xb8;
	[tilespmem:$0x1EC00] =	vst v63  }
0x168: {  	_ =	swait.ge [sflag:s28], $0x2000  }
0x169: {  	[sflag:s28] =	ssyncset.done $0x0  }
0x16a: {  	s8 =	simm.s32 $0x2900;
	[sflag:s28] =	ssyncadd.s32 $0xFFFFE000  }
0x16b: {  	[spmem:s2] =	stream.indirect.scatter.add.f32 [tilespmem:s22], [sflag:$0x7], $0x40, s8, s14, $0xb8;
	[tilespmem:$0x1EC00] =	vst v63  }
0x16c: {  	_ =	swait.ge [sflag:s30], $0x2000  }
0x16d: {  	[sflag:s30] =	ssyncset.done $0x0  }
0x16e: {  	s9 =	simm.s32 $0x2980;
	[sflag:s30] =	ssyncadd.s32 $0xFFFFE000  }
0x16f: {  	[spmem:s2] =	stream.indirect.scatter.add.f32 [tilespmem:s26], [sflag:$0x8], $0x40, s9, s14, $0xb8;
	[tilespmem:$0x1EC00] =	vst v63  }
0x170: {  	_ =	swait.ge [sflag:s1], $0x2000  }
0x171: {  	[sflag:s1] =	ssyncset.done $0x0  }
0x172: {  	[sflag:s1] =	ssyncadd.s32 $0xFFFFE000  }
0x173: {  	_ =	swait.ge [sflag:s0], $0x2000  }
0x174: {  	[sflag:s0] =	ssyncset.done $0x0  }
0x175: {  	[sflag:s0] =	ssyncadd.s32 $0xFFFFE000  }
0x176: {  	_ =	swait.ge [sflag:s4], $0x2000  }
0x177: {  	[sflag:s4] =	ssyncset.done $0x0  }
0x178: {  	[sflag:s4] =	ssyncadd.s32 $0xFFFFE000  }
0x179: {  	_ =	swait.ge [sflag:s29], $0x2000  }
0x17a: {  	[sflag:s29] =	ssyncset.done $0x0  }
0x17b: {  	[sflag:s29] =	ssyncadd.s32 $0xFFFFE000  }
0x17c: {  	[bflag:$0x0] =	sbarrier.arrive $0xFFFF  }
0x17d: {  	s10 =	rddreg [dreg:$0x8]  }
0x17e: {  	[hbm:s10], [sflag:s6] =	dma.local [spmem:s11], $0x1400  }
0x17f: {  	_ =	swait.ge [sflag:s12], $0x1400  }
0x180: {  	s31 =	sadd.s32 $0x1, s31;
	s13 =	rddreg [dreg:$0x9]  }
0x181: {  	p0 =	sne.s32 s31, s13  }
.Ltmp1:
0x182: {  	_ = 	snop;
	(pc) =	sbr.rel @p0 .LBB2_1-.Ltmp1, $3  }
0x183: {  	_ =	sdelay $0x1  }
0x184: {  	[sflag:s12] =	ssyncset.done $0x0  }
0x185: {  	[sflag:s12] =	ssyncadd.s32 $0xFFFFEC00  }
0x186: {  	_ =	sfence.sel $0x180000  }
0x187: {  	[bflag:$0x0] =	sbarrier.arrive $0xFFFF  }
0x188: {  	_ =	strace $0x9000004D  }
0x189: {  	s0 =	stileid.u32;
	[bflag:$0x2] =	sbarrier.arrive $0xFFFF  }
0x18a: {  	p0 =	sne.s32 s0, $0x0;
	s0 =	rddreg [dreg:$0x4]  }
0x18b: {  	s0 =	sadd.s32 @!p0 $0x100000, s0  }
0x18c: {  	[sflag:s0] =	ssyncadd.tile.s32 @!p0 $0x1;
	_ =	shalt  }
.Lfunc_end2:
_tile_overlayer_lowered:
.L_overlay_start_2:
0x18d: {  	(tag) =	ssettag $0x2  }
0x18e: {  	s0 =	rddreg [dreg:$0x0];
	s2 =	stileid.u32  }
0x18f: {  	s1 =	rddreg [dreg:$0x1];
	p0 =	sne.s32 s2, $0x0  }
0x190: {  	s3 =	rddreg [dreg:$0x2];
	[bflag:$0x3] =	sbarrier.arrive $0xFFFF;
	s2 =	simm.s32 @!p0 $0x1C09  }
0x191: {  	[timem:s3], [sflag:s2] =	dma.local @!p0 [hbm:s0], s1  }
0x192: {  	s0 =	simm.s32 @!p0 $0x9  }
0x193: {  	_ =	swait.ge @!p0 [sflag:s0], s1  }
0x194: {  	s1 =	ssub.s32 @!p0 $0x0, s1;
	[sflag:s0] =	ssyncset.done @!p0 $0x0  }
0x195: {  	[sflag:s0] =	ssyncadd.s32 @!p0 s1  }
0x196: {  	[bflag:$0x3] =	sbarrier.arrive $0xFFFF  }
0x197: {  	_ =	shalt  }

// kernel: kernel.9.cloned.1.call-start
scs
__scs_entry_jumppad:
0x0: {  	(pc) =	sbr.rel $0x88, $3  }
0x1: {  	(tag) =	ssettag $0x0;
	lr =	simm.s32 $0x1  }
0x2: {  	[smem:$0x3F9B] =	sst lr;
	_ =	strace $0xD0000000  }
0x3: {  	_ = 	snop  }
0x4: {  	_ = 	snop  }
0x5: {  	_ = 	snop  }
0x6: {  	_ = 	snop  }
0x7: {  	_ = 	snop  }
__scs_overlays_trampoline_lowered:
0x8: {  	[smem:$0x3FAA] =	sst s0  }
0x9: {  	[smem:$0x3FAB] =	sst s1  }
0xa: {  	[smem:$0x3FAC] =	sst s2  }
0xb: {  	[smem:$0x3FAD] =	sst s3  }
0xc: {  	[smem:$0x3FAE] =	sst s4  }
0xd: {  	[smem:$0x3FAF] =	sst s5  }
0xe: {  	[smem:$0x3FB0] =	sst s6  }
0xf: {  	[smem:$0x3FB1] =	sst s7  }
0x10: {  	[smem:$0x3FB2] =	sst s8  }
0x11: {  	[smem:$0x3FB3] =	sst s9;
	s0 =	simm.s32 @!p0 $0x0  }
0x12: {  	s1 =	sld [smem:$0x3F99];
	s0 =	simm.s32 @p0 $0x1  }
0x13: {  	[smem:$0x3FB4] =	sst s0;
	s0 =	simm.s32 @!p1 $0x0  }
0x14: {  	s2 =	sld [smem:$0x3F98];
	s0 =	simm.s32 @p1 $0x1  }
0x15: {  	[smem:$0x3FB5] =	sst s0;
	s0 =	simm.s32 @!p2 $0x0  }
0x16: {  	s3 =	sld [smem:$0x3FDB];
	s0 =	simm.s32 @p2 $0x1  }
0x17: {  	s4 =	simm.s32 $0x1BF5;
	[smem:$0x3FB7] =	sst s0  }
0x18: {  	s0 =	sld [smem:$0x3F9A];
	_ =	swait.ge [sflag:s4], $0x0  }
0x19: {  	s7 =	sld [smem:$0x3F9B]  }
0x1a: {  	s8 =	sadd.s32 $0xFFFFE003, lr  }
0x1b: {  	s9 =	sadd.s32 $0xFFFFFEF7, lr;
	s5 =	simm.s32 $0xFFFFFFFF;
	p2 =	slt.u32 s8, $0xFFFFF086  }
0x1c: {  	p1 =	slt.u32 s9, $0xF7A;
	s5 =	simm.s32 @!p2 $0x0  }
0x1d: {  	s5 =	simm.s32 @p1 $0x1;
	p0 =	seq.s32 s7, s2  }
0x1e: {  	s7 =	smul.u32 @!p0 $0xF7A, s2;
	p2 =	seq.s32 @!p0 s5, $0x0  }
0x1f: {  	s9 =	smul.u32 $0xF7A, s1;
	s8 =	simm.s32 @!p0 $0x1BF5;
	p2 =	por !p2, p0  }
0x20: {  	[sflag:s8] =	ssyncset.s32 @!p0 $0xFFFFF086;
	s6 =	sadd.s32 @!p0 s3, s7;
	s7 =	simm.s32 @!p0 $0x108  }
0x21: {  	s3 =	sadd.s32 s3, s9;
	s6 =	sadd.s32 @!p0 $0x88, s6;
	s7 =	simm.s32 @p2 $0x1082  }
0x22: {  	[simem:s7], [sflag:s8] =	dma.local @!p0 [hbm:s6], $0xF7A  }
0x23: {  	s9 =	sor.u32 $0xD0000000, s2;
	s6 =	simm.s32 $0x108;
	_ =	swait.ge @!p0 [sflag:s8], $0x0  }
0x24: {  	s3 =	sadd.s32 $0x88, s3;
	s6 =	simm.s32 @!p1 $0x1082;
	[sflag:s4] =	ssyncset.s32 $0xFFFFF086  }
0x25: {  	[simem:s6], [sflag:s4] =	dma.local [hbm:s3], $0xF7A  }
0x26: {  	[smem:$0x3F9B] =	sst s1;
	(tag) =	ssettag s2;
	_ =	strace s9  }
0x27: {  	s1 =	sld [smem:$0x3FAB]  }
0x28: {  	s2 =	sld [smem:$0x3FAC]  }
0x29: {  	s4 =	sld [smem:$0x3FAE]  }
0x2a: {  	p0 =	seq.s32 s5, $0x0;
	s5 =	sld [smem:$0x3FAF]  }
0x2b: {  	s6 =	sld [smem:$0x3FB0]  }
0x2c: {  	s7 =	sld [smem:$0x3FB1]  }
0x2d: {  	s3 =	simm.s32 $0x108;
	s8 =	sld [smem:$0x3FB2]  }
0x2e: {  	s3 =	simm.s32 @!p0 $0x1082;
	s9 =	sld [smem:$0x3FB3]  }
0x2f: {  	lr =	sadd.s32 s0, s3;
	s0 =	sld [smem:$0x3FAA]  }
0x30: {  	s3 =	sld [smem:$0x3FAD]  }
0x31: {  	[smem:$0x3FB6] =	sst s10  }
0x32: {  	s10 =	sld [smem:$0x3FB4];
	_ =	sdelay $0x3  }
0x33: {  	p0 =	seq.s32 s10, $0x1;
	s10 =	sld [smem:$0x3FB6];
	_ =	sdelay $0x3  }
0x34: {  	[smem:$0x3FB6] =	sst s10  }
0x35: {  	s10 =	sld [smem:$0x3FB5];
	_ =	sdelay $0x3  }
0x36: {  	p1 =	seq.s32 s10, $0x1;
	s10 =	sld [smem:$0x3FB6];
	_ =	sdelay $0x3  }
0x37: {  	[smem:$0x3FB6] =	sst s10  }
0x38: {  	s10 =	sld [smem:$0x3FB7]  }
0x39: {  	_ = 	snop;
	(pc) =	sbr.ind lr, $3  }
0x3a: {  	_ = 	snop  }
0x3b: {  	_ = 	snop  }
0x3c: {  	p2 =	seq.s32 s10, $0x1;
	s10 =	sld [smem:$0x3FB6]  }
0x3d: {  	_ =	shalt  }
0x3e: {  	_ =	shalt  }
0x3f: {  	_ =	shalt  }
0x40: {  	_ =	shalt  }
0x41: {  	_ =	shalt  }
0x42: {  	_ =	shalt  }
0x43: {  	_ =	shalt  }
0x44: {  	_ =	shalt  }
0x45: {  	_ =	shalt  }
0x46: {  	_ =	shalt  }
0x47: {  	_ =	shalt  }
0x48: {  	_ =	shalt  }
0x49: {  	_ =	shalt  }
0x4a: {  	_ =	shalt  }
0x4b: {  	_ =	shalt  }
0x4c: {  	_ =	shalt  }
0x4d: {  	_ =	shalt  }
0x4e: {  	_ =	shalt  }
0x4f: {  	_ =	shalt  }
0x50: {  	_ =	shalt  }
0x51: {  	_ =	shalt  }
0x52: {  	_ =	shalt  }
0x53: {  	_ =	shalt  }
0x54: {  	_ =	shalt  }
0x55: {  	_ =	shalt  }
0x56: {  	_ =	shalt  }
0x57: {  	_ =	shalt  }
0x58: {  	_ =	shalt  }
0x59: {  	_ =	shalt  }
0x5a: {  	_ =	shalt  }
0x5b: {  	_ =	shalt  }
0x5c: {  	_ =	shalt  }
0x5d: {  	_ =	shalt  }
0x5e: {  	_ =	shalt  }
0x5f: {  	_ =	shalt  }
0x60: {  	_ =	shalt  }
0x61: {  	_ =	shalt  }
0x62: {  	_ =	shalt  }
0x63: {  	_ =	shalt  }
0x64: {  	_ =	shalt  }
0x65: {  	_ =	shalt  }
0x66: {  	_ =	shalt  }
0x67: {  	_ =	shalt  }
0x68: {  	_ =	shalt  }
0x69: {  	_ =	shalt  }
0x6a: {  	_ =	shalt  }
0x6b: {  	_ =	shalt  }
0x6c: {  	_ =	shalt  }
0x6d: {  	_ =	shalt  }
0x6e: {  	_ =	shalt  }
0x6f: {  	_ =	shalt  }
0x70: {  	_ =	shalt  }
0x71: {  	_ =	shalt  }
0x72: {  	_ =	shalt  }
0x73: {  	_ =	shalt  }
0x74: {  	_ =	shalt  }
0x75: {  	_ =	shalt  }
0x76: {  	_ =	shalt  }
0x77: {  	_ =	shalt  }
0x78: {  	_ =	shalt  }
0x79: {  	_ =	shalt  }
0x7a: {  	_ =	shalt  }
0x7b: {  	_ =	shalt  }
0x7c: {  	_ =	shalt  }
0x7d: {  	_ =	shalt  }
0x7e: {  	_ =	shalt  }
0x7f: {  	_ =	shalt  }
0x80: {  	_ =	shalt  }
0x81: {  	_ =	shalt  }
0x82: {  	_ =	shalt  }
0x83: {  	_ =	shalt  }
0x84: {  	_ =	shalt  }
0x85: {  	_ =	shalt  }
0x86: {  	_ =	shalt  }
0x87: {  	_ =	shalt  }
.Lfunc_end0:
.L_simem_size_0:
called_computation_lowered:
.L_overlay_start_0:
0x88: {  	s2 =	sld [smem:$0x3FD9]  }
0x89: {  	s3 =	sld [smem:$0x3FFE];
	_ =	sdelay $0x1  }
0x8a: {  	s1 =	srdreg.scid  }
0x8b: {  	s0 =	sand.u32 $0x1, s1  }
0x8c: {  	s17 =	sshll.u32 s0, $0xA;
	s2 =	sadd.s32 s3, s2  }
0x8d: {  	s2 =	sadd.s32 s2, s17  }
0x8e: {  	[smem:$0x3FC2] =	sst s2  }
0x8f: {  	_ = 	snop  }
0x90: {  	s2 =	sld [smem:$0x3FD0];
	(tm) =	ssettm $0x1  }
0x91: {  	s18 =	sld [smem:$0x3FFB];
	_ =	sdelay $0x3  }
0x92: {  	_ =	strace s18  }
0x93: {  	s3 =	sld [smem:$0x3FFC];
	_ =	sdelay $0x3  }
0x94: {  	_ =	strace s3  }
0x95: {  	s3 =	sld [smem:$0x3FFD];
	_ =	sdelay $0x3  }
0x96: {  	_ =	strace s3  }
0x97: {  	_ =	strace $0x8FFFFFFF  }
0x98: {  	s19 =	sld [smem:$0x3FDB];
	_ =	sdelay $0x1  }
0x99: {  	s4 =	simm.s32 $_scs_section_size  }
0x9a: {  	s5 =	simm.s32 $_size__tile_overlayer_lowered;
	s6 =	simm.s32 $_tile_overlayer_lowered  }
0x9b: {  	s22 =	simm.s32 $0x1BFF;
	s21 =	sshll.u32 s6, $0x1;
	s3 =	sadd.s32 s4, s19  }
0x9c: {  	s7 =	simm.s32 $0x0;
	s20 =	sshll.u32 s5, $0x1;
	s5 =	sadd.s32 s21, s3  }
0x9d: {  	[timem:s7], [sflag:s22] =	dma.local [hbm:s5], s20  }
0x9e: {  	_ =	swait.ge [sflag:s22], s20  }
0x9f: {  	s4 =	ssub.s32 $0x0, s20;
	[sflag:s22] =	ssyncset.done $0x0  }
0xa0: {  	[sflag:s22] =	ssyncadd.s32 s4;
	_ =	sdelay $0x1  }
0xa1: {  	s23 =	simm.s32 $0x1B8B  }
0xa2: {  	_ =	swait.ge [sflag:s23], $0x1  }
0xa3: {  	[sflag:s23] =	ssyncset.done $0x0  }
0xa4: {  	s25 =	simm.s32 $0x1B8E;
	s24 =	sld [smem:$0x3FFE];
	[sflag:s23] =	ssyncadd.s32 $0xFFFFFFFF  }
0xa5: {  	s26 =	simm.s32 $execute0_lowered;
	[smem:$0x3FD2] =	sst s25  }
0xa6: {  	s5 =	sshll.u32 s26, $0x1;
	_ =	strace $0x80000046;
	[dreg:$0x1] =	wrdreg $0xFFFFFFFF  }
0xa7: {  	s28 =	simm.s32 $_size_execute0_lowered;
	s3 =	sadd.s32 s3, s5;
	[dreg:$0x0] =	wrdreg $0x0  }
0xa8: {  	s5 =	sshll.u32 s28, $0x1;
	[dreg:$0x2] =	wrdreg s3  }
0xa9: {  	[dreg:$0x3] =	wrdreg s5  }
0xaa: {  	[dreg:$0x4] =	wrdreg $0xC0  }
0xab: {  	_ =	task [dreg:s7], $0x5FFFF  }
0xac: {  	[dreg:$0x1] =	wrdreg $0xFFFFFFFF  }
0xad: {  	[dreg:$0x0] =	wrdreg $0x60  }
0xae: {  	[dreg:$0x2] =	wrdreg s2  }
0xaf: {  	[dreg:$0x3] =	wrdreg s24  }
0xb0: {  	[dreg:$0x4] =	wrdreg $0x34000  }
0xb1: {  	[dreg:$0x5] =	wrdreg $0x9  }
0xb2: {  	_ =	task.clear_ibuf [dreg:s7], $0x6FFFF;
	_ =	strace $0x90000046  }
0xb3: {  	s29 =	simm.s32 $0x9;
	_ =	strace $0x80000048  }
0xb4: {  	_ =	swait.ge [sflag:s29], $0x1  }
0xb5: {  	[sflag:s29] =	ssyncadd.s32 $0xFFFFFFFF  }
0xb6: {  	_ =	strace $0x90000048  }
0xb7: {  	_ =	sfence  }
0xb8: {  	s30 =	sld [smem:$0x0];
	_ =	sdelay $0x2  }
0xb9: {  	s31 =	sshll.u32 s1, $0xD;
	s1 =	sshrl.u32 s1, $0x2  }
0xba: {  	s3 =	sand.u32 $0x4000, s31;
	s1 =	sadd.s32 s1, s30  }
0xbb: {  	s0 =	sor.u32 s3, s0;
	s1 =	sshll.u32 s1, $0x11  }
0xbc: {  	s0 =	sor.u32 s1, s0  }
0xbd: {  	s0 =	sadd.s32 $0x8F2B, s0  }
0xbe: {  	[sflag:s0] =	ssyncadd.remote.s32 $0x1  }
0xbf: {  	_ =	sfence.sel $0xFFFF  }
0xc0: {  	[dreg:$0x0] =	wrdreg $0xFFFFFFFF;
	(pc) =	sbr.abs _section_cstart, $3  }
0xc1: {  	[dreg:$0x1] =	wrdreg $0xFFFFFFFF  }
0xc2: {  	_ =	task.clear_ibuf [dreg:s7], $0x2FFFF;
	_ =	strace $0x9FFFFFFF  }
0xc3: {  	(tm) =	ssettm $0x7FFFFFFF  }
tec
execute0_lowered:
.L_overlay_start_1:
0x0: {  	(tag) =	ssettag $0x1  }
0x1: {  	s7 =	rddreg [dreg:$0x0]  }
0x2: {  	s5 =	rddreg [dreg:$0x1]  }
0x3: {  	s2 =	rddreg [dreg:$0x2];
	s0 =	stileid.u32  }
0x4: {  	s4 =	srdreg.scid;
	s1 =	rddreg [dreg:$0x3]  }
0x5: {  	s3 =	simm.s32 $0x0;
	s13 =	simm.s32 $0x80;
	s14 =	simm.s32 $0x2800  }
0x6: {  	s15 =	simm.s32 $0x2880;
	s16 =	simm.s32 $0x2900;
	s17 =	simm.s32 $0x2980  }
0x7: {  	s18 =	simm.s32 $0x2A00;
	s19 =	simm.s32 $0x2A80;
	s20 =	simm.s32 $0x2B00  }
0x8: {  	s21 =	simm.s32 $0x2B80;
	s22 =	simm.s32 $0x1;
	s23 =	simm.s32 $0x0  }
0x9: {  	s6 =	smul.u32 $0x2800, s0;
	s8 =	sand.u32 $0x1, s4;
	[smem:$0x7FF] =	sst s3  }
0xa: {  	s4 =	sadd.s32 $0x6E00, s5;
	s31 =	sshll.u32 s0, $0x6;
	s10 =	smul.u32 $0x28000, s8  }
0xb: {  	_ =	strace $0x80000047;
	s11 =	ssub.s32 $0x2, s8;
	s8 =	sshll.u32 s8, $0x4  }
0xc: {  	s9 =	sshrl.u32 s6, $0x3;
	s12 =	sshrl.u32 s11, $0x1;
	s8 =	sor.u32 s0, s8  }
0xd: {  	s30 =	sadd.s32 s6, s2;
	s9 =	sadd.s32 s9, s5;
	s10 =	sadd.s32 s6, s10  }
0xe: {  	s11 =	ssub.s32 s11, s12;
	s8 =	smul.u32 $0x500, s8;
	s10 =	sshrl.u32 s10, $0x3  }
0xf: {  	s6 =	sor.u32 $0x1C02, s31;
	s12 =	simm.s32 $0x2C00;
	s10 =	sadd.s32 s10, s5  }
0x10: {  	s5 =	sadd.s32 $0x1E00, s9;
	s7 =	sadd.s32 s7, s8;
	s9 =	smax.u32 s11, $0x1  }
0x11: {  	s11 =	simm.s32 $0x2;
	s8 =	sadd.s32 $0x7000, s10;
	s10 =	sshrl.u32 s30, $0x3  }
.LBB2_1:
0x12: {  	[spmem:s10], [sflag:s6] =	dma.local [hbm:s5], $0x500  }
0x13: {  	_ =	swait.ge [sflag:s11], $0x500  }
0x14: {  	[sflag:s11] =	ssyncset.done $0x0  }
0x15: {  	[sflag:s11] =	ssyncadd.s32 $0xFFFFFB00  }
0x16: {  	[tilespmem:s12], [sflag:$0x2] =	stream.linear.gather [hbm4b:s4+s3], $0x800, $0x38;
	[tilespmem:$0x5C00] =	vst v63  }
0x17: {  	_ =	swait.ge [sflag:s11], $0x800  }
0x18: {  	[sflag:s11] =	ssyncset.done $0x0  }
0x19: {  	[sflag:s11] =	ssyncadd.s32 $0xFFFFF800  }
0x1a: {  	[tilespmem:s3], [sflag:$0x2] =	stream.linear.gather [hbm4b:s7+s3], $0x2800, $0x38;
	[tilespmem:$0x5C00] =	vst v63  }
0x1b: {  	_ =	swait.ge [sflag:s11], $0x2800  }
0x1c: {  	[sflag:s11] =	ssyncset.done $0x0  }
0x1d: {  	[sflag:s11] =	ssyncadd.s32 $0xFFFFD800  }
0x1e: {  	s24 =	simm.s32 $0x0;
	[bflag:$0x0] =	sbarrier.arrive $0xFFFF  }
.LBB2_2:
0x1f: {  	s25 =	sshra.s32 s24, $0x2  }
0x20: {  	v0 =	vld [tilespmem:s25+$0x0];
	_ =	sdelay $0x4  }
0x21: {  	v0 =	vshra.s32 v0, $0x10  }
0x22: {  	[tilespmem:$0x2800] =	vst v0  }
0x23: {  	v0 =	vld [tilespmem:s25+$0x10];
	_ =	sdelay $0x4  }
0x24: {  	v0 =	vshra.s32 v0, $0x10  }
0x25: {  	[tilespmem:$0x2810] =	vst v0  }
0x26: {  	v0 =	vld [tilespmem:s25+$0x20];
	_ =	sdelay $0x4  }
0x27: {  	v0 =	vshra.s32 v0, $0x10  }
0x28: {  	[tilespmem:$0x2820] =	vst v0  }
0x29: {  	v0 =	vld [tilespmem:s25+$0x30];
	_ =	sdelay $0x4  }
0x2a: {  	v0 =	vshra.s32 v0, $0x10  }
0x2b: {  	[tilespmem:$0x2830] =	vst v0  }
0x2c: {  	v0 =	vld [tilespmem:s25+$0x40];
	_ =	sdelay $0x4  }
0x2d: {  	v0 =	vshra.s32 v0, $0x10  }
0x2e: {  	[tilespmem:$0x2840] =	vst v0  }
0x2f: {  	v0 =	vld [tilespmem:s25+$0x50];
	_ =	sdelay $0x4  }
0x30: {  	v0 =	vshra.s32 v0, $0x10  }
0x31: {  	[tilespmem:$0x2850] =	vst v0  }
0x32: {  	v0 =	vld [tilespmem:s25+$0x60];
	_ =	sdelay $0x4  }
0x33: {  	v0 =	vshra.s32 v0, $0x10  }
0x34: {  	[tilespmem:$0x2860] =	vst v0  }
0x35: {  	v0 =	vld [tilespmem:s25+$0x70];
	_ =	sdelay $0x4  }
0x36: {  	v0 =	vshra.s32 v0, $0x10  }
0x37: {  	[tilespmem:$0x2870] =	vst v0  }
0x38: {  	v0 =	vld [tilespmem:s25+$0x80];
	_ =	sdelay $0x4  }
0x39: {  	v0 =	vshra.s32 v0, $0x10  }
0x3a: {  	[tilespmem:$0x2880] =	vst v0  }
0x3b: {  	v0 =	vld [tilespmem:s25+$0x90];
	_ =	sdelay $0x4  }
0x3c: {  	v0 =	vshra.s32 v0, $0x10  }
0x3d: {  	[tilespmem:$0x2890] =	vst v0  }
0x3e: {  	v0 =	vld [tilespmem:s25+$0xA0];
	_ =	sdelay $0x4  }
0x3f: {  	v0 =	vshra.s32 v0, $0x10  }
0x40: {  	[tilespmem:$0x28A0] =	vst v0  }
0x41: {  	v0 =	vld [tilespmem:s25+$0xB0];
	_ =	sdelay $0x4  }
0x42: {  	v0 =	vshra.s32 v0, $0x10  }
0x43: {  	[tilespmem:$0x28B0] =	vst v0  }
0x44: {  	v0 =	vld [tilespmem:s25+$0xC0];
	_ =	sdelay $0x4  }
0x45: {  	v0 =	vshra.s32 v0, $0x10  }
0x46: {  	[tilespmem:$0x28C0] =	vst v0  }
0x47: {  	v0 =	vld [tilespmem:s25+$0xD0];
	_ =	sdelay $0x4  }
0x48: {  	v0 =	vshra.s32 v0, $0x10  }
0x49: {  	[tilespmem:$0x28D0] =	vst v0  }
0x4a: {  	v0 =	vld [tilespmem:s25+$0xE0];
	_ =	sdelay $0x4  }
0x4b: {  	v0 =	vshra.s32 v0, $0x10  }
0x4c: {  	[tilespmem:$0x28E0] =	vst v0  }
0x4d: {  	v0 =	vld [tilespmem:s25+$0xF0];
	_ =	sdelay $0x4  }
0x4e: {  	v0 =	vshra.s32 v0, $0x10  }
0x4f: {  	[tilespmem:$0x28F0] =	vst v0  }
0x50: {  	v0 =	vld [tilespmem:s25+$0x100];
	_ =	sdelay $0x4  }
0x51: {  	v0 =	vshra.s32 v0, $0x10  }
0x52: {  	[tilespmem:$0x2900] =	vst v0  }
0x53: {  	v0 =	vld [tilespmem:s25+$0x110];
	_ =	sdelay $0x4  }
0x54: {  	v0 =	vshra.s32 v0, $0x10  }
0x55: {  	[tilespmem:$0x2910] =	vst v0  }
0x56: {  	v0 =	vld [tilespmem:s25+$0x120];
	_ =	sdelay $0x4  }
0x57: {  	v0 =	vshra.s32 v0, $0x10  }
0x58: {  	[tilespmem:$0x2920] =	vst v0  }
0x59: {  	v0 =	vld [tilespmem:s25+$0x130];
	_ =	sdelay $0x4  }
0x5a: {  	v0 =	vshra.s32 v0, $0x10  }
0x5b: {  	[tilespmem:$0x2930] =	vst v0  }
0x5c: {  	v0 =	vld [tilespmem:s25+$0x140];
	_ =	sdelay $0x4  }
0x5d: {  	v0 =	vshra.s32 v0, $0x10  }
0x5e: {  	[tilespmem:$0x2940] =	vst v0  }
0x5f: {  	v0 =	vld [tilespmem:s25+$0x150];
	_ =	sdelay $0x4  }
0x60: {  	v0 =	vshra.s32 v0, $0x10  }
0x61: {  	[tilespmem:$0x2950] =	vst v0  }
0x62: {  	v0 =	vld [tilespmem:s25+$0x160];
	_ =	sdelay $0x4  }
0x63: {  	v0 =	vshra.s32 v0, $0x10  }
0x64: {  	[tilespmem:$0x2960] =	vst v0  }
0x65: {  	v0 =	vld [tilespmem:s25+$0x170];
	_ =	sdelay $0x4  }
0x66: {  	v0 =	vshra.s32 v0, $0x10  }
0x67: {  	[tilespmem:$0x2970] =	vst v0  }
0x68: {  	v0 =	vld [tilespmem:s25+$0x180];
	_ =	sdelay $0x4  }
0x69: {  	v0 =	vshra.s32 v0, $0x10  }
0x6a: {  	[tilespmem:$0x2980] =	vst v0  }
0x6b: {  	v0 =	vld [tilespmem:s25+$0x190];
	_ =	sdelay $0x4  }
0x6c: {  	v0 =	vshra.s32 v0, $0x10  }
0x6d: {  	[tilespmem:$0x2990] =	vst v0  }
0x6e: {  	v0 =	vld [tilespmem:s25+$0x1A0];
	_ =	sdelay $0x4  }
0x6f: {  	v0 =	vshra.s32 v0, $0x10  }
0x70: {  	[tilespmem:$0x29A0] =	vst v0  }
0x71: {  	v0 =	vld [tilespmem:s25+$0x1B0];
	_ =	sdelay $0x4  }
0x72: {  	v0 =	vshra.s32 v0, $0x10  }
0x73: {  	[tilespmem:$0x29B0] =	vst v0  }
0x74: {  	v0 =	vld [tilespmem:s25+$0x1C0];
	_ =	sdelay $0x4  }
0x75: {  	v0 =	vshra.s32 v0, $0x10  }
0x76: {  	[tilespmem:$0x29C0] =	vst v0  }
0x77: {  	v0 =	vld [tilespmem:s25+$0x1D0];
	_ =	sdelay $0x4  }
0x78: {  	v0 =	vshra.s32 v0, $0x10  }
0x79: {  	[tilespmem:$0x29D0] =	vst v0  }
0x7a: {  	v0 =	vld [tilespmem:s25+$0x1E0];
	_ =	sdelay $0x4  }
0x7b: {  	v0 =	vshra.s32 v0, $0x10  }
0x7c: {  	[tilespmem:$0x29E0] =	vst v0  }
0x7d: {  	v0 =	vld [tilespmem:s25+$0x1F0];
	_ =	sdelay $0x4  }
0x7e: {  	v0 =	vshra.s32 v0, $0x10  }
0x7f: {  	[tilespmem:$0x29F0] =	vst v0  }
0x80: {  	v0 =	vld [tilespmem:s25+$0x200];
	_ =	sdelay $0x4  }
0x81: {  	v0 =	vshra.s32 v0, $0x10  }
0x82: {  	[tilespmem:$0x2A00] =	vst v0  }
0x83: {  	v0 =	vld [tilespmem:s25+$0x210];
	_ =	sdelay $0x4  }
0x84: {  	v0 =	vshra.s32 v0, $0x10  }
0x85: {  	[tilespmem:$0x2A10] =	vst v0  }
0x86: {  	v0 =	vld [tilespmem:s25+$0x220];
	_ =	sdelay $0x4  }
0x87: {  	v0 =	vshra.s32 v0, $0x10  }
0x88: {  	[tilespmem:$0x2A20] =	vst v0  }
0x89: {  	v0 =	vld [tilespmem:s25+$0x230];
	_ =	sdelay $0x4  }
0x8a: {  	v0 =	vshra.s32 v0, $0x10  }
0x8b: {  	[tilespmem:$0x2A30] =	vst v0  }
0x8c: {  	v0 =	vld [tilespmem:s25+$0x240];
	_ =	sdelay $0x4  }
0x8d: {  	v0 =	vshra.s32 v0, $0x10  }
0x8e: {  	[tilespmem:$0x2A40] =	vst v0  }
0x8f: {  	v0 =	vld [tilespmem:s25+$0x250];
	_ =	sdelay $0x4  }
0x90: {  	v0 =	vshra.s32 v0, $0x10  }
0x91: {  	[tilespmem:$0x2A50] =	vst v0  }
0x92: {  	v0 =	vld [tilespmem:s25+$0x260];
	_ =	sdelay $0x4  }
0x93: {  	v0 =	vshra.s32 v0, $0x10  }
0x94: {  	[tilespmem:$0x2A60] =	vst v0  }
0x95: {  	v0 =	vld [tilespmem:s25+$0x270];
	_ =	sdelay $0x4  }
0x96: {  	v0 =	vshra.s32 v0, $0x10  }
0x97: {  	[tilespmem:$0x2A70] =	vst v0  }
0x98: {  	v0 =	vld [tilespmem:s25+$0x280];
	_ =	sdelay $0x4  }
0x99: {  	v0 =	vshra.s32 v0, $0x10  }
0x9a: {  	[tilespmem:$0x2A80] =	vst v0  }
0x9b: {  	v0 =	vld [tilespmem:s25+$0x290];
	_ =	sdelay $0x4  }
0x9c: {  	v0 =	vshra.s32 v0, $0x10  }
0x9d: {  	[tilespmem:$0x2A90] =	vst v0  }
0x9e: {  	v0 =	vld [tilespmem:s25+$0x2A0];
	_ =	sdelay $0x4  }
0x9f: {  	v0 =	vshra.s32 v0, $0x10  }
0xa0: {  	[tilespmem:$0x2AA0] =	vst v0  }
0xa1: {  	v0 =	vld [tilespmem:s25+$0x2B0];
	_ =	sdelay $0x4  }
0xa2: {  	v0 =	vshra.s32 v0, $0x10  }
0xa3: {  	[tilespmem:$0x2AB0] =	vst v0  }
0xa4: {  	v0 =	vld [tilespmem:s25+$0x2C0];
	_ =	sdelay $0x4  }
0xa5: {  	v0 =	vshra.s32 v0, $0x10  }
0xa6: {  	[tilespmem:$0x2AC0] =	vst v0  }
0xa7: {  	v0 =	vld [tilespmem:s25+$0x2D0];
	_ =	sdelay $0x4  }
0xa8: {  	v0 =	vshra.s32 v0, $0x10  }
0xa9: {  	[tilespmem:$0x2AD0] =	vst v0  }
0xaa: {  	v0 =	vld [tilespmem:s25+$0x2E0];
	_ =	sdelay $0x4  }
0xab: {  	v0 =	vshra.s32 v0, $0x10  }
0xac: {  	[tilespmem:$0x2AE0] =	vst v0  }
0xad: {  	v0 =	vld [tilespmem:s25+$0x2F0];
	_ =	sdelay $0x4  }
0xae: {  	v0 =	vshra.s32 v0, $0x10  }
0xaf: {  	[tilespmem:$0x2AF0] =	vst v0  }
0xb0: {  	v0 =	vld [tilespmem:s25+$0x300];
	_ =	sdelay $0x4  }
0xb1: {  	v0 =	vshra.s32 v0, $0x10  }
0xb2: {  	[tilespmem:$0x2B00] =	vst v0  }
0xb3: {  	v0 =	vld [tilespmem:s25+$0x310];
	_ =	sdelay $0x4  }
0xb4: {  	v0 =	vshra.s32 v0, $0x10  }
0xb5: {  	[tilespmem:$0x2B10] =	vst v0  }
0xb6: {  	v0 =	vld [tilespmem:s25+$0x320];
	_ =	sdelay $0x4  }
0xb7: {  	v0 =	vshra.s32 v0, $0x10  }
0xb8: {  	[tilespmem:$0x2B20] =	vst v0  }
0xb9: {  	v0 =	vld [tilespmem:s25+$0x330];
	_ =	sdelay $0x4  }
0xba: {  	v0 =	vshra.s32 v0, $0x10  }
0xbb: {  	[tilespmem:$0x2B30] =	vst v0  }
0xbc: {  	v0 =	vld [tilespmem:s25+$0x340];
	_ =	sdelay $0x4  }
0xbd: {  	v0 =	vshra.s32 v0, $0x10  }
0xbe: {  	[tilespmem:$0x2B40] =	vst v0  }
0xbf: {  	v0 =	vld [tilespmem:s25+$0x350];
	_ =	sdelay $0x4  }
0xc0: {  	v0 =	vshra.s32 v0, $0x10  }
0xc1: {  	[tilespmem:$0x2B50] =	vst v0  }
0xc2: {  	v0 =	vld [tilespmem:s25+$0x360];
	_ =	sdelay $0x4  }
0xc3: {  	v0 =	vshra.s32 v0, $0x10  }
0xc4: {  	[tilespmem:$0x2B60] =	vst v0  }
0xc5: {  	v0 =	vld [tilespmem:s25+$0x370];
	_ =	sdelay $0x4  }
0xc6: {  	v0 =	vshra.s32 v0, $0x10  }
0xc7: {  	[tilespmem:$0x2B70] =	vst v0  }
0xc8: {  	v0 =	vld [tilespmem:s25+$0x380];
	_ =	sdelay $0x4  }
0xc9: {  	v0 =	vshra.s32 v0, $0x10  }
0xca: {  	[tilespmem:$0x2B80] =	vst v0  }
0xcb: {  	v0 =	vld [tilespmem:s25+$0x390];
	_ =	sdelay $0x4  }
0xcc: {  	v0 =	vshra.s32 v0, $0x10  }
0xcd: {  	[tilespmem:$0x2B90] =	vst v0  }
0xce: {  	v0 =	vld [tilespmem:s25+$0x3A0];
	_ =	sdelay $0x4  }
0xcf: {  	v0 =	vshra.s32 v0, $0x10  }
0xd0: {  	[tilespmem:$0x2BA0] =	vst v0  }
0xd1: {  	v0 =	vld [tilespmem:s25+$0x3B0];
	_ =	sdelay $0x4  }
0xd2: {  	v0 =	vshra.s32 v0, $0x10  }
0xd3: {  	[tilespmem:$0x2BB0] =	vst v0  }
0xd4: {  	v0 =	vld [tilespmem:s25+$0x3C0];
	_ =	sdelay $0x4  }
0xd5: {  	v0 =	vshra.s32 v0, $0x10  }
0xd6: {  	[tilespmem:$0x2BC0] =	vst v0  }
0xd7: {  	v0 =	vld [tilespmem:s25+$0x3D0];
	_ =	sdelay $0x4  }
0xd8: {  	v0 =	vshra.s32 v0, $0x10  }
0xd9: {  	[tilespmem:$0x2BD0] =	vst v0  }
0xda: {  	v0 =	vld [tilespmem:s25+$0x3E0];
	_ =	sdelay $0x4  }
0xdb: {  	v0 =	vshra.s32 v0, $0x10  }
0xdc: {  	[tilespmem:$0x2BE0] =	vst v0  }
0xdd: {  	v0 =	vld [tilespmem:s25+$0x3F0];
	_ =	sdelay $0x4  }
0xde: {  	v0 =	vshra.s32 v0, $0x10  }
0xdf: {  	[tilespmem:$0x2BF0] =	vst v0  }
0xe0: {  	[spmem:s2] =	stream.indirect.scatter.add.f32 [tilespmem:s12], [sflag:$0x1], $0x10, s14, s13, $0xb8;
	[tilespmem:$0x5C00] =	vst v63  }
0xe1: {  	_ = 	snop  }
0xe2: {  	[spmem:s2] =	stream.indirect.scatter.add.f32 [tilespmem:s12], [sflag:$0x1], $0x10, s15, s13, $0xb8;
	[tilespmem:$0x5C00] =	vst v63  }
0xe3: {  	_ = 	snop  }
0xe4: {  	[spmem:s2] =	stream.indirect.scatter.add.f32 [tilespmem:s12], [sflag:$0x1], $0x10, s16, s13, $0xb8;
	[tilespmem:$0x5C00] =	vst v63  }
0xe5: {  	_ = 	snop  }
0xe6: {  	[spmem:s2] =	stream.indirect.scatter.add.f32 [tilespmem:s12], [sflag:$0x1], $0x10, s17, s13, $0xb8;
	[tilespmem:$0x5C00] =	vst v63  }
0xe7: {  	_ = 	snop  }
0xe8: {  	[spmem:s2] =	stream.indirect.scatter.add.f32 [tilespmem:s12], [sflag:$0x1], $0x10, s18, s13, $0xb8;
	[tilespmem:$0x5C00] =	vst v63  }
0xe9: {  	_ = 	snop  }
0xea: {  	[spmem:s2] =	stream.indirect.scatter.add.f32 [tilespmem:s12], [sflag:$0x1], $0x10, s19, s13, $0xb8;
	[tilespmem:$0x5C00] =	vst v63  }
0xeb: {  	_ = 	snop  }
0xec: {  	[spmem:s2] =	stream.indirect.scatter.add.f32 [tilespmem:s12], [sflag:$0x1], $0x10, s20, s13, $0xb8;
	[tilespmem:$0x5C00] =	vst v63  }
0xed: {  	_ = 	snop  }
0xee: {  	[spmem:s2] =	stream.indirect.scatter.add.f32 [tilespmem:s12], [sflag:$0x1], $0x10, s21, s13, $0xb8;
	[tilespmem:$0x5C00] =	vst v63  }
0xef: {  	_ =	swait.ge [sflag:s22], $0x800  }
0xf0: {  	[sflag:s22] =	ssyncset.done $0x0  }
0xf1: {  	[sflag:s22] =	ssyncadd.s32 $0xFFFFF800  }
0xf2: {  	_ =	swait.ge [sflag:s22], $0x800  }
0xf3: {  	[sflag:s22] =	ssyncset.done $0x0  }
0xf4: {  	[sflag:s22] =	ssyncadd.s32 $0xFFFFF800  }
0xf5: {  	_ =	swait.ge [sflag:s22], $0x800  }
0xf6: {  	[sflag:s22] =	ssyncset.done $0x0  }
0xf7: {  	[sflag:s22] =	ssyncadd.s32 $0xFFFFF800  }
0xf8: {  	_ =	swait.ge [sflag:s22], $0x800  }
0xf9: {  	[sflag:s22] =	ssyncset.done $0x0  }
0xfa: {  	[sflag:s22] =	ssyncadd.s32 $0xFFFFF800  }
0xfb: {  	_ =	swait.ge [sflag:s22], $0x800  }
0xfc: {  	[sflag:s22] =	ssyncset.done $0x0  }
0xfd: {  	[sflag:s22] =	ssyncadd.s32 $0xFFFFF800  }
0xfe: {  	_ =	swait.ge [sflag:s22], $0x800  }
0xff: {  	[sflag:s22] =	ssyncset.done $0x0  }
0x100: {  	[sflag:s22] =	ssyncadd.s32 $0xFFFFF800  }
0x101: {  	p0 =	sne.s32 s24, $0x9000;
	_ =	swait.ge [sflag:s22], $0x800  }
.Ltmp0:
0x102: {  	[sflag:s22] =	ssyncset.done $0x0;
	(pc) =	sbr.rel @p0 .LBB2_2-.Ltmp0, $4  }
0x103: {  	[sflag:s22] =	ssyncadd.s32 $0xFFFFF800  }
0x104: {  	_ =	swait.ge [sflag:s22], $0x800  }
0x105: {  	[sflag:s22] =	ssyncset.done $0x0  }
0x106: {  	s24 =	sadd.s32 $0x1000, s24;
	[sflag:s22] =	ssyncadd.s32 $0xFFFFF800  }
0x107: {  	s23 =	sadd.s32 $0x1, s23  }
0x108: {  	p0 =	sne.s32 s23, s9  }
.Ltmp1:
0x109: {  	[bflag:$0x0] =	sbarrier.arrive $0xFFFF;
	(pc) =	sbr.rel @p0 .LBB2_1-.Ltmp1, $4  }
0x10a: {  	[hbm:s8], [sflag:s6] =	dma.local [spmem:s10], $0x500  }
0x10b: {  	_ =	swait.ge [sflag:s11], $0x500  }
0x10c: {  	[sflag:s11] =	ssyncset.done $0x0  }
0x10d: {  	[sflag:s11] =	ssyncadd.s32 $0xFFFFFB00  }
0x10e: {  	_ =	sfence.sel $0x180000  }
0x10f: {  	[bflag:$0x0] =	sbarrier.arrive $0xFFFF  }
0x110: {  	p0 =	sne.s32 s0, $0x0;
	_ =	strace $0x90000047  }
0x111: {  	s0 =	sadd.s32 @!p0 $0x100000, s1;
	[bflag:$0x2] =	sbarrier.arrive $0xFFFF  }
0x112: {  	[sflag:s0] =	ssyncadd.tile.s32 @!p0 $0x1;
	_ =	shalt  }
.Lfunc_end2:
_tile_overlayer_lowered:
.L_overlay_start_2:
0x113: {  	(tag) =	ssettag $0x2  }
0x114: {  	s0 =	rddreg [dreg:$0x0];
	s2 =	stileid.u32  }
0x115: {  	s1 =	rddreg [dreg:$0x1];
	p0 =	sne.s32 s2, $0x0  }
0x116: {  	s3 =	rddreg [dreg:$0x2];
	[bflag:$0x3] =	sbarrier.arrive $0xFFFF;
	s2 =	simm.s32 @!p0 $0x1C02  }
0x117: {  	[timem:s3], [sflag:s2] =	dma.local @!p0 [hbm:s0], s1  }
0x118: {  	s0 =	simm.s32 @!p0 $0x2  }
0x119: {  	_ =	swait.ge @!p0 [sflag:s0], s1  }
0x11a: {  	s1 =	ssub.s32 @!p0 $0x0, s1;
	[sflag:s0] =	ssyncset.done @!p0 $0x0  }
0x11b: {  	[sflag:s0] =	ssyncadd.s32 @!p0 s1  }
0x11c: {  	[bflag:$0x3] =	sbarrier.arrive $0xFFFF  }
0x11d: {  	_ =	shalt  }

</sc_bundles>
